<compile_context>
chip_gen: v7x
topology: tpu7x:2x2x1
jax: 0.10.2.dev20260603
libtpu: 0.0.44.dev20260713+nightly
codegen_flags: <defaults>
</compile_context>

<pallas_src>
import functools

import jax
import jax.numpy as jnp
from jax import lax
from jax.experimental import pallas as pl
from jax.experimental.pallas import tpu as pltpu
from jax.experimental.pallas import tpu_sc as plsc

NUM_USERS = 1000000
NUM_PRODUCTS = 1000000
EMBED = 64
BATCH = 16384

NC, NS, LANES = 2, 16, 16
NW = NC * NS
ROWS_PER_W = BATCH // NW
GCHUNK = 128
NCHUNK = ROWS_PER_W // GCHUNK

BLK = 16384
SC_CHUNK = 384
SC_CHUNKS_PER_W = 28
CSC = NW * SC_CHUNKS_PER_W * SC_CHUNK
TC_BLK0 = CSC // BLK


def _tc_matvec(ut_ref, pt_ref, wu_ref, wp_ref, vu_ref, vp_ref):
    vu_ref[...] = jnp.sum(ut_ref[...] * wu_ref[...], axis=0)
    vp_ref[...] = jnp.sum(pt_ref[...] * wp_ref[...], axis=0)


def _sc_matvec(ut, pt, wu_h, wp_h, vu_sc, vp_sc,
               vmA_u, vmA_p, vmB_u, vmB_p, o_u, o_p, wu_v, wp_v,
               semA, semB):
    wid = lax.axis_index("s") * NC + lax.axis_index("c")
    cbase = wid * (SC_CHUNKS_PER_W * SC_CHUNK)
    last = SC_CHUNKS_PER_W - 1

    pltpu.sync_copy(wu_h, wu_v)
    pltpu.sync_copy(wp_h, wp_v)
    wu_c = [wu_v[pl.ds(c * LANES, LANES)] for c in range(EMBED // LANES)]
    wp_c = [wp_v[pl.ds(c * LANES, LANES)] for c in range(EMBED // LANES)]
    ws_u = [wu_c[e // LANES][e % LANES] for e in range(EMBED)]
    ws_p = [wp_c[e // LANES][e % LANES] for e in range(EMBED)]

    def issue(c, bu, bp, sem):
        c0 = cbase + c * SC_CHUNK
        pltpu.async_copy(ut.at[:, pl.ds(c0, SC_CHUNK)], bu, sem)
        pltpu.async_copy(pt.at[:, pl.ds(c0, SC_CHUNK)], bp, sem)

    def drain(bu, bp, sem):
        pltpu.make_async_copy(ut.at[:, pl.ds(0, SC_CHUNK)], bu, sem).wait()
        pltpu.make_async_copy(pt.at[:, pl.ds(0, SC_CHUNK)], bp, sem).wait()

    def compute(c, bu, bp):
        def group_body(g, carry2):
            sl = pl.ds(g * LANES, LANES)
            au = bu[0, sl] * ws_u[0]
            ap = bp[0, sl] * ws_p[0]
            for e in range(1, EMBED):
                au = au + bu[e, sl] * ws_u[e]
                ap = ap + bp[e, sl] * ws_p[e]
            o_u[sl] = au
            o_p[sl] = ap
            return carry2

        lax.fori_loop(0, SC_CHUNK // LANES, group_body, 0)
        c0 = cbase + c * SC_CHUNK
        pltpu.sync_copy(o_u, vu_sc.at[pl.ds(c0, SC_CHUNK)])
        pltpu.sync_copy(o_p, vp_sc.at[pl.ds(c0, SC_CHUNK)])

    issue(0, vmA_u, vmA_p, semA)
    issue(1, vmB_u, vmB_p, semB)

    def pair_body(i, carry):
        cA = 2 * i
        drain(vmA_u, vmA_p, semA)
        compute(cA, vmA_u, vmA_p)
        issue(jnp.minimum(cA + 2, last), vmA_u, vmA_p, semA)
        cB = 2 * i + 1
        drain(vmB_u, vmB_p, semB)
        compute(cB, vmB_u, vmB_p)
        issue(jnp.minimum(cB + 2, last), vmB_u, vmB_p, semB)
        return carry

    lax.fori_loop(0, SC_CHUNKS_PER_W // 2, pair_body, 0)
    drain(vmA_u, vmA_p, semA)
    drain(vmB_u, vmB_p, semB)


def _sc_gather(uid2, pid2, vu_h, vp_h, bvec,
               out_hbm, idx_u, idx_p, gbuf, out_v, b_v, sem):
    wid = lax.axis_index("s") * NC + lax.axis_index("c")

    pltpu.sync_copy(uid2.at[pl.ds(wid * NCHUNK, NCHUNK)], idx_u)
    pltpu.sync_copy(pid2.at[pl.ds(wid * NCHUNK, NCHUNK)], idx_p)
    pltpu.sync_copy(bvec, b_v)

    copies = []
    for k in range(NCHUNK):
        copies.append(pltpu.async_copy(
            vu_h.at[idx_u.at[k]],
            gbuf.at[pl.ds(k * GCHUNK, GCHUNK)], sem))
        copies.append(pltpu.async_copy(
            vp_h.at[idx_p.at[k]],
            gbuf.at[pl.ds((NCHUNK + k) * GCHUNK, GCHUNK)], sem))
    for c in copies:
        c.wait()

    b_l = b_v[...]

    def block_body(g, carry):
        sl = pl.ds(g * LANES, LANES)
        slp = pl.ds(ROWS_PER_W + g * LANES, LANES)
        out_v[sl] = 1.0 / (1.0 + jnp.exp(-(gbuf[sl] + gbuf[slp] + b_l)))
        return carry

    lax.fori_loop(0, ROWS_PER_W // LANES, block_body, 0)
    pltpu.sync_copy(out_v, out_hbm.at[pl.ds(wid * ROWS_PER_W, ROWS_PER_W)])


def kernel(user_ids, product_ids, user_table, product_table, W, b):
    wu = W[:EMBED, :]
    wp = W[EMBED:, :]
    wu1 = W[:EMBED, 0]
    wp1 = W[EMBED:, 0]
    bvec = jnp.broadcast_to(b, (LANES,)).astype(jnp.float32)
    ut = user_table.T
    pt = product_table.T

    sc_mesh = plsc.VectorSubcoreMesh(core_axis_name="c", subcore_axis_name="s")
    sc_mv = functools.partial(
        pl.kernel, mesh=sc_mesh,
        compiler_params=pltpu.CompilerParams(
            needs_layout_passes=False, use_tc_tiling_on_sc=True),
        out_type=[
            jax.ShapeDtypeStruct((CSC,), jnp.float32),
            jax.ShapeDtypeStruct((CSC,), jnp.float32),
        ],
        scratch_types=[
            pltpu.VMEM((EMBED, SC_CHUNK), jnp.float32),
            pltpu.VMEM((EMBED, SC_CHUNK), jnp.float32),
            pltpu.VMEM((EMBED, SC_CHUNK), jnp.float32),
            pltpu.VMEM((EMBED, SC_CHUNK), jnp.float32),
            pltpu.VMEM((SC_CHUNK,), jnp.float32),
            pltpu.VMEM((SC_CHUNK,), jnp.float32),
            pltpu.VMEM((EMBED,), jnp.float32),
            pltpu.VMEM((EMBED,), jnp.float32),
            pltpu.SemaphoreType.DMA,
            pltpu.SemaphoreType.DMA,
        ],
    )(_sc_matvec)
    vu_sc, vp_sc = sc_mv(ut, pt, wu1, wp1)

    nblk_tc = (NUM_USERS - CSC + BLK - 1) // BLK
    vu_tc, vp_tc = pl.pallas_call(
        _tc_matvec,
        grid=(nblk_tc,),
        in_specs=[
            pl.BlockSpec((EMBED, BLK), lambda i: (0, i + TC_BLK0)),
            pl.BlockSpec((EMBED, BLK), lambda i: (0, i + TC_BLK0)),
            pl.BlockSpec((EMBED, 1), lambda i: (0, 0)),
            pl.BlockSpec((EMBED, 1), lambda i: (0, 0)),
        ],
        out_specs=[
            pl.BlockSpec((BLK,), lambda i: (i + TC_BLK0,)),
            pl.BlockSpec((BLK,), lambda i: (i + TC_BLK0,)),
        ],
        out_shape=[
            jax.ShapeDtypeStruct((NUM_USERS,), jnp.float32),
            jax.ShapeDtypeStruct((NUM_PRODUCTS,), jnp.float32),
        ],
    )(ut, pt, wu, wp)

    vu = lax.dynamic_update_slice(vu_tc, vu_sc, (0,))
    vp = lax.dynamic_update_slice(vp_tc, vp_sc, (0,))

    uid2 = user_ids.reshape(BATCH // GCHUNK, GCHUNK)
    pid2 = product_ids.reshape(BATCH // GCHUNK, GCHUNK)

    run = functools.partial(
        pl.kernel, mesh=sc_mesh,
        compiler_params=pltpu.CompilerParams(
            needs_layout_passes=False, use_tc_tiling_on_sc=False),
        out_type=jax.ShapeDtypeStruct((BATCH,), jnp.float32),
        scratch_types=[
            pltpu.VMEM((NCHUNK, GCHUNK), jnp.int32),
            pltpu.VMEM((NCHUNK, GCHUNK), jnp.int32),
            pltpu.VMEM((2 * ROWS_PER_W,), jnp.float32),
            pltpu.VMEM((ROWS_PER_W,), jnp.float32),
            pltpu.VMEM((LANES,), jnp.float32),
            pltpu.SemaphoreType.DMA,
        ],
    )(_sc_gather)
    out = run(uid2, pid2, vu, vp, bvec)
    return out.reshape(BATCH, 1)

# --- scband reference (transcript-rebuilt; emitter-appended) ---
"""Pipeline reference for scband-collaborative-filtering-model-28793460752858 (READ-ONLY COPY).

The authoritative reference and input builder live on the scoring server;
editing this copy changes nothing except your own understanding.
"""

import jax, jax.numpy as jnp
import numpy as np

NUM_USERS = 1000000
NUM_PRODUCTS = 1000000
EMBED = 64
BATCH = 16384

def setup_inputs(seed: int = 0) -> dict:
    key = jax.random.key(seed)
    k1, k2, k3, k4, k5, k6 = jax.random.split(key, 6)
    user_ids = jax.random.randint(k1, (BATCH,), 0, NUM_USERS, dtype=jnp.int64 if jax.config.jax_enable_x64 else jnp.int32).astype(jnp.int32)
    product_ids = jax.random.randint(k2, (BATCH,), 0, NUM_PRODUCTS, dtype=jnp.int32)
    user_table = jax.random.normal(k3, (NUM_USERS, EMBED), dtype=jnp.float32) * 0.02
    # padding_idx = NUM_USERS - 1: that row is zero-initialized in torch
    user_table = user_table.at[NUM_USERS - 1].set(0.0)
    product_table = jax.random.normal(k4, (NUM_PRODUCTS, EMBED), dtype=jnp.float32) * 0.02
    W = jax.random.normal(k5, (2 * EMBED, 1), dtype=jnp.float32) * (1.0 / np.sqrt(2 * EMBED))
    b = jax.random.normal(k6, (1,), dtype=jnp.float32) * 0.01
    return {"user_ids": user_ids, "product_ids": product_ids,
            "user_table": user_table, "product_table": product_table,
            "W": W, "b": b}

def reference(user_ids, product_ids, user_table, product_table, W, b):
    # nn.Embedding with padding_idx: padding row acts as zeros
    user_table_eff = user_table.at[NUM_USERS - 1].set(0.0)
    user_embedded = jnp.take(user_table_eff, user_ids, axis=0)      # [B, E]
    product_embedded = jnp.take(product_table, product_ids, axis=0)  # [B, E]
    concatenated = jnp.concatenate([user_embedded, product_embedded], axis=1)  # [B, 2E]
    output = concatenated @ W + b  # [B, 1]
    return jax.nn.sigmoid(output)

if __name__ == "__main__":
    import jax
    _d = setup_inputs()
    print(jax.jit(kernel)(*tuple(_d.values())))

</pallas_src>

<mosaic_0001>
#map = affine_map<(d0, d1) -> (0, 0)>
#map1 = affine_map<(d0, d1) -> (0)>
module attributes {stable_mosaic.version = 14 : i64} {
  func.func @_sc_matvec(%arg0: i32, %arg1: i32, %arg2: memref<64x1000000xf32, #tpu.memory_space<hbm>>, %arg3: memref<64x1000000xf32, #tpu.memory_space<hbm>>, %arg4: memref<64xf32, #tpu.memory_space<hbm>>, %arg5: memref<64xf32, #tpu.memory_space<hbm>>, %arg6: memref<344064xf32, #tpu.memory_space<hbm>>, %arg7: memref<344064xf32, #tpu.memory_space<hbm>>, %arg8: memref<64x384xf32, #tpu.memory_space<vmem>>, %arg9: memref<64x384xf32, #tpu.memory_space<vmem>>, %arg10: memref<64x384xf32, #tpu.memory_space<vmem>>, %arg11: memref<64x384xf32, #tpu.memory_space<vmem>>, %arg12: memref<384xf32, #tpu.memory_space<vmem>>, %arg13: memref<384xf32, #tpu.memory_space<vmem>>, %arg14: memref<64xf32, #tpu.memory_space<vmem>>, %arg15: memref<64xf32, #tpu.memory_space<vmem>>, %arg16: memref<!tpu.dma_semaphore, #tpu.memory_space<semaphore_mem>>, %arg17: memref<!tpu.dma_semaphore, #tpu.memory_space<semaphore_mem>>) attributes {dimension_semantics = [#tpu.dimension_semantics<core_parallel>, #tpu.dimension_semantics<subcore_parallel>], iteration_bounds = array<i64: 2, 16>, scalar_prefetch = 0 : i64, scratch_operands = 10 : i64, tpu.core_type = #tpu.core_type<sc_vector_subcore>, window_params = [{transform_indices = #map}, {transform_indices = #map}, {transform_indices = #map1}, {transform_indices = #map1}, {transform_indices = #map1}, {transform_indices = #map1}]} {
    %mul3A = arith.constant 2 : i32
    %mul3A_0 = arith.muli %arg1, %mul3A : i32
    %add3A = arith.addi %mul3A_0, %arg0 : i32
    %mul3A_1 = arith.constant 10752 : i32
    %mul3A_2 = arith.muli %add3A, %mul3A_1 : i32
    "tpu.region"() ({
      %run_scoped3A = tpu.sem_alloc : memref<!tpu.dma_semaphore, #tpu.memory_space<semaphore_mem>>
      tpu.enqueue_dma source(%arg4 : memref<64xf32, #tpu.memory_space<hbm>>) target(%arg14 : memref<64xf32, #tpu.memory_space<vmem>>) target_semaphore(%run_scoped3A : memref<!tpu.dma_semaphore, #tpu.memory_space<semaphore_mem>>)
      tpu.wait_dma2 semaphore(%run_scoped3A : memref<!tpu.dma_semaphore, #tpu.memory_space<semaphore_mem>>) src(%arg4 : memref<64xf32, #tpu.memory_space<hbm>>) dst(%arg14 : memref<64xf32, #tpu.memory_space<vmem>>)
      tpu.yield
    }) : () -> ()
    "tpu.region"() ({
      %run_scoped3A = tpu.sem_alloc : memref<!tpu.dma_semaphore, #tpu.memory_space<semaphore_mem>>
      tpu.enqueue_dma source(%arg5 : memref<64xf32, #tpu.memory_space<hbm>>) target(%arg15 : memref<64xf32, #tpu.memory_space<vmem>>) target_semaphore(%run_scoped3A : memref<!tpu.dma_semaphore, #tpu.memory_space<semaphore_mem>>)
      tpu.wait_dma2 semaphore(%run_scoped3A : memref<!tpu.dma_semaphore, #tpu.memory_space<semaphore_mem>>) src(%arg5 : memref<64xf32, #tpu.memory_space<hbm>>) dst(%arg15 : memref<64xf32, #tpu.memory_space<vmem>>)
      tpu.yield
    }) : () -> ()
    %get3A = arith.constant 0 : index
    %get3A_3 = tpu.vector_load %arg14[%get3A] {strides = array<i32>} : memref<64xf32, #tpu.memory_space<vmem>>, vector<16xf32>,
    %get3A_4 = arith.constant 16 : index
    %get3A_5 = tpu.vector_load %arg14[%get3A_4] {strides = array<i32>} : memref<64xf32, #tpu.memory_space<vmem>>, vector<16xf32>,
    %get3A_6 = arith.constant 32 : index
    %get3A_7 = tpu.vector_load %arg14[%get3A_6] {strides = array<i32>} : memref<64xf32, #tpu.memory_space<vmem>>, vector<16xf32>,
    %get3A_8 = arith.constant 48 : index
    %get3A_9 = tpu.vector_load %arg14[%get3A_8] {strides = array<i32>} : memref<64xf32, #tpu.memory_space<vmem>>, vector<16xf32>,
    %get3A_10 = arith.constant 0 : index
    %get3A_11 = tpu.vector_load %arg15[%get3A_10] {strides = array<i32>} : memref<64xf32, #tpu.memory_space<vmem>>, vector<16xf32>,
    %get3A_12 = arith.constant 16 : index
    %get3A_13 = tpu.vector_load %arg15[%get3A_12] {strides = array<i32>} : memref<64xf32, #tpu.memory_space<vmem>>, vector<16xf32>,
    %get3A_14 = arith.constant 32 : index
    %get3A_15 = tpu.vector_load %arg15[%get3A_14] {strides = array<i32>} : memref<64xf32, #tpu.memory_space<vmem>>, vector<16xf32>,
    %get3A_16 = arith.constant 48 : index
    %get3A_17 = tpu.vector_load %arg15[%get3A_16] {strides = array<i32>} : memref<64xf32, #tpu.memory_space<vmem>>, vector<16xf32>,
    %slice3A = vector.extract_strided_slice %get3A_3 {offsets = [0], sizes = [1], strides = [1]} : vector<16xf32> to vector<1xf32>
    %squeeze3A = vector.extract %slice3A[0] : f32 from vector<1xf32>
    %slice3A_18 = vector.extract_strided_slice %get3A_3 {offsets = [1], sizes = [1], strides = [1]} : vector<16xf32> to vector<1xf32>
    %squeeze3A_19 = vector.extract %slice3A_18[0] : f32 from vector<1xf32>
    %slice3A_20 = vector.extract_strided_slice %get3A_3 {offsets = [2], sizes = [1], strides = [1]} : vector<16xf32> to vector<1xf32>
    %squeeze3A_21 = vector.extract %slice3A_20[0] : f32 from vector<1xf32>
    %slice3A_22 = vector.extract_strided_slice %get3A_3 {offsets = [3], sizes = [1], strides = [1]} : vector<16xf32> to vector<1xf32>
    %squeeze3A_23 = vector.extract %slice3A_22[0] : f32 from vector<1xf32>
    %slice3A_24 = vector.extract_strided_slice %get3A_3 {offsets = [4], sizes = [1], strides = [1]} : vector<16xf32> to vector<1xf32>
    %squeeze3A_25 = vector.extract %slice3A_24[0] : f32 from vector<1xf32>
    %slice3A_26 = vector.extract_strided_slice %get3A_3 {offsets = [5], sizes = [1], strides = [1]} : vector<16xf32> to vector<1xf32>
    %squeeze3A_27 = vector.extract %slice3A_26[0] : f32 from vector<1xf32>
    %slice3A_28 = vector.extract_strided_slice %get3A_3 {offsets = [6], sizes = [1], strides = [1]} : vector<16xf32> to vector<1xf32>
    %squeeze3A_29 = vector.extract %slice3A_28[0] : f32 from vector<1xf32>
    %slice3A_30 = vector.extract_strided_slice %get3A_3 {offsets = [7], sizes = [1], strides = [1]} : vector<16xf32> to vector<1xf32>
    %squeeze3A_31 = vector.extract %slice3A_30[0] : f32 from vector<1xf32>
    %slice3A_32 = vector.extract_strided_slice %get3A_3 {offsets = [8], sizes = [1], strides = [1]} : vector<16xf32> to vector<1xf32>
    %squeeze3A_33 = vector.extract %slice3A_32[0] : f32 from vector<1xf32>
    %slice3A_34 = vector.extract_strided_slice %get3A_3 {offsets = [9], sizes = [1], strides = [1]} : vector<16xf32> to vector<1xf32>
    %squeeze3A_35 = vector.extract %slice3A_34[0] : f32 from vector<1xf32>
    %slice3A_36 = vector.extract_strided_slice %get3A_3 {offsets = [10], sizes = [1], strides = [1]} : vector<16xf32> to vector<1xf32>
    %squeeze3A_37 = vector.extract %slice3A_36[0] : f32 from vector<1xf32>
    %slice3A_38 = vector.extract_strided_slice %get3A_3 {offsets = [11], sizes = [1], strides = [1]} : vector<16xf32> to vector<1xf32>
    %squeeze3A_39 = vector.extract %slice3A_38[0] : f32 from vector<1xf32>
    %slice3A_40 = vector.extract_strided_slice %get3A_3 {offsets = [12], sizes = [1], strides = [1]} : vector<16xf32> to vector<1xf32>
    %squeeze3A_41 = vector.extract %slice3A_40[0] : f32 from vector<1xf32>
    %slice3A_42 = vector.extract_strided_slice %get3A_3 {offsets = [13], sizes = [1], strides = [1]} : vector<16xf32> to vector<1xf32>
    %squeeze3A_43 = vector.extract %slice3A_42[0] : f32 from vector<1xf32>
    %slice3A_44 = vector.extract_strided_slice %get3A_3 {offsets = [14], sizes = [1], strides = [1]} : vector<16xf32> to vector<1xf32>
    %squeeze3A_45 = vector.extract %slice3A_44[0] : f32 from vector<1xf32>
    %slice3A_46 = vector.extract_strided_slice %get3A_3 {offsets = [15], sizes = [1], strides = [1]} : vector<16xf32> to vector<1xf32>
    %squeeze3A_47 = vector.extract %slice3A_46[0] : f32 from vector<1xf32>
    %slice3A_48 = vector.extract_strided_slice %get3A_5 {offsets = [0], sizes = [1], strides = [1]} : vector<16xf32> to vector<1xf32>
    %squeeze3A_49 = vector.extract %slice3A_48[0] : f32 from vector<1xf32>
    %slice3A_50 = vector.extract_strided_slice %get3A_5 {offsets = [1], sizes = [1], strides = [1]} : vector<16xf32> to vector<1xf32>
    %squeeze3A_51 = vector.extract %slice3A_50[0] : f32 from vector<1xf32>
    %slice3A_52 = vector.extract_strided_slice %get3A_5 {offsets = [2], sizes = [1], strides = [1]} : vector<16xf32> to vector<1xf32>
    %squeeze3A_53 = vector.extract %slice3A_52[0] : f32 from vector<1xf32>
    %slice3A_54 = vector.extract_strided_slice %get3A_5 {offsets = [3], sizes = [1], strides = [1]} : vector<16xf32> to vector<1xf32>
    %squeeze3A_55 = vector.extract %slice3A_54[0] : f32 from vector<1xf32>
    %slice3A_56 = vector.extract_strided_slice %get3A_5 {offsets = [4], sizes = [1], strides = [1]} : vector<16xf32> to vector<1xf32>
    %squeeze3A_57 = vector.extract %slice3A_56[0] : f32 from vector<1xf32>
    %slice3A_58 = vector.extract_strided_slice %get3A_5 {offsets = [5], sizes = [1], strides = [1]} : vector<16xf32> to vector<1xf32>
    %squeeze3A_59 = vector.extract %slice3A_58[0] : f32 from vector<1xf32>
    %slice3A_60 = vector.extract_strided_slice %get3A_5 {offsets = [6], sizes = [1], strides = [1]} : vector<16xf32> to vector<1xf32>
    %squeeze3A_61 = vector.extract %slice3A_60[0] : f32 from vector<1xf32>
    %slice3A_62 = vector.extract_strided_slice %get3A_5 {offsets = [7], sizes = [1], strides = [1]} : vector<16xf32> to vector<1xf32>
    %squeeze3A_63 = vector.extract %slice3A_62[0] : f32 from vector<1xf32>
    %slice3A_64 = vector.extract_strided_slice %get3A_5 {offsets = [8], sizes = [1], strides = [1]} : vector<16xf32> to vector<1xf32>
    %squeeze3A_65 = vector.extract %slice3A_64[0] : f32 from vector<1xf32>
    %slice3A_66 = vector.extract_strided_slice %get3A_5 {offsets = [9], sizes = [1], strides = [1]} : vector<16xf32> to vector<1xf32>
    %squeeze3A_67 = vector.extract %slice3A_66[0] : f32 from vector<1xf32>
    %slice3A_68 = vector.extract_strided_slice %get3A_5 {offsets = [10], sizes = [1], strides = [1]} : vector<16xf32> to vector<1xf32>
    %squeeze3A_69 = vector.extract %slice3A_68[0] : f32 from vector<1xf32>
    %slice3A_70 = vector.extract_strided_slice %get3A_5 {offsets = [11], sizes = [1], strides = [1]} : vector<16xf32> to vector<1xf32>
    %squeeze3A_71 = vector.extract %slice3A_70[0] : f32 from vector<1xf32>
    %slice3A_72 = vector.extract_strided_slice %get3A_5 {offsets = [12], sizes = [1], strides = [1]} : vector<16xf32> to vector<1xf32>
    %squeeze3A_73 = vector.extract %slice3A_72[0] : f32 from vector<1xf32>
    %slice3A_74 = vector.extract_strided_slice %get3A_5 {offsets = [13], sizes = [1], strides = [1]} : vector<16xf32> to vector<1xf32>
    %squeeze3A_75 = vector.extract %slice3A_74[0] : f32 from vector<1xf32>
    %slice3A_76 = vector.extract_strided_slice %get3A_5 {offsets = [14], sizes = [1], strides = [1]} : vector<16xf32> to vector<1xf32>
    %squeeze3A_77 = vector.extract %slice3A_76[0] : f32 from vector<1xf32>
    %slice3A_78 = vector.extract_strided_slice %get3A_5 {offsets = [15], sizes = [1], strides = [1]} : vector<16xf32> to vector<1xf32>
    %squeeze3A_79 = vector.extract %slice3A_78[0] : f32 from vector<1xf32>
    %slice3A_80 = vector.extract_strided_slice %get3A_7 {offsets = [0], sizes = [1], strides = [1]} : vector<16xf32> to vector<1xf32>
    %squeeze3A_81 = vector.extract %slice3A_80[0] : f32 from vector<1xf32>
    %slice3A_82 = vector.extract_strided_slice %get3A_7 {offsets = [1], sizes = [1], strides = [1]} : vector<16xf32> to vector<1xf32>
    %squeeze3A_83 = vector.extract %slice3A_82[0] : f32 from vector<1xf32>
    %slice3A_84 = vector.extract_strided_slice %get3A_7 {offsets = [2], sizes = [1], strides = [1]} : vector<16xf32> to vector<1xf32>
    %squeeze3A_85 = vector.extract %slice3A_84[0] : f32 from vector<1xf32>
    %slice3A_86 = vector.extract_strided_slice %get3A_7 {offsets = [3], sizes = [1], strides = [1]} : vector<16xf32> to vector<1xf32>
    %squeeze3A_87 = vector.extract %slice3A_86[0] : f32 from vector<1xf32>
    %slice3A_88 = vector.extract_strided_slice %get3A_7 {offsets = [4], sizes = [1], strides = [1]} : vector<16xf32> to vector<1xf32>
    %squeeze3A_89 = vector.extract %slice3A_88[0] : f32 from vector<1xf32>
    %slice3A_90 = vector.extract_strided_slice %get3A_7 {offsets = [5], sizes = [1], strides = [1]} : vector<16xf32> to vector<1xf32>
    %squeeze3A_91 = vector.extract %slice3A_90[0] : f32 from vector<1xf32>
    %slice3A_92 = vector.extract_strided_slice %get3A_7 {offsets = [6], sizes = [1], strides = [1]} : vector<16xf32> to vector<1xf32>
    %squeeze3A_93 = vector.extract %slice3A_92[0] : f32 from vector<1xf32>
    %slice3A_94 = vector.extract_strided_slice %get3A_7 {offsets = [7], sizes = [1], strides = [1]} : vector<16xf32> to vector<1xf32>
    %squeeze3A_95 = vector.extract %slice3A_94[0] : f32 from vector<1xf32>
    %slice3A_96 = vector.extract_strided_slice %get3A_7 {offsets = [8], sizes = [1], strides = [1]} : vector<16xf32> to vector<1xf32>
    %squeeze3A_97 = vector.extract %slice3A_96[0] : f32 from vector<1xf32>
    %slice3A_98 = vector.extract_strided_slice %get3A_7 {offsets = [9], sizes = [1], strides = [1]} : vector<16xf32> to vector<1xf32>
    %squeeze3A_99 = vector.extract %slice3A_98[0] : f32 from vector<1xf32>
    %slice3A_100 = vector.extract_strided_slice %get3A_7 {offsets = [10], sizes = [1], strides = [1]} : vector<16xf32> to vector<1xf32>
    %squeeze3A_101 = vector.extract %slice3A_100[0] : f32 from vector<1xf32>
    %slice3A_102 = vector.extract_strided_slice %get3A_7 {offsets = [11], sizes = [1], strides = [1]} : vector<16xf32> to vector<1xf32>
    %squeeze3A_103 = vector.extract %slice3A_102[0] : f32 from vector<1xf32>
    %slice3A_104 = vector.extract_strided_slice %get3A_7 {offsets = [12], sizes = [1], strides = [1]} : vector<16xf32> to vector<1xf32>
    %squeeze3A_105 = vector.extract %slice3A_104[0] : f32 from vector<1xf32>
    %slice3A_106 = vector.extract_strided_slice %get3A_7 {offsets = [13], sizes = [1], strides = [1]} : vector<16xf32> to vector<1xf32>
    %squeeze3A_107 = vector.extract %slice3A_106[0] : f32 from vector<1xf32>
    %slice3A_108 = vector.extract_strided_slice %get3A_7 {offsets = [14], sizes = [1], strides = [1]} : vector<16xf32> to vector<1xf32>
    %squeeze3A_109 = vector.extract %slice3A_108[0] : f32 from vector<1xf32>
    %slice3A_110 = vector.extract_strided_slice %get3A_7 {offsets = [15], sizes = [1], strides = [1]} : vector<16xf32> to vector<1xf32>
    %squeeze3A_111 = vector.extract %slice3A_110[0] : f32 from vector<1xf32>
    %slice3A_112 = vector.extract_strided_slice %get3A_9 {offsets = [0], sizes = [1], strides = [1]} : vector<16xf32> to vector<1xf32>
    %squeeze3A_113 = vector.extract %slice3A_112[0] : f32 from vector<1xf32>
    %slice3A_114 = vector.extract_strided_slice %get3A_9 {offsets = [1], sizes = [1], strides = [1]} : vector<16xf32> to vector<1xf32>
    %squeeze3A_115 = vector.extract %slice3A_114[0] : f32 from vector<1xf32>
    %slice3A_116 = vector.extract_strided_slice %get3A_9 {offsets = [2], sizes = [1], strides = [1]} : vector<16xf32> to vector<1xf32>
    %squeeze3A_117 = vector.extract %slice3A_116[0] : f32 from vector<1xf32>
    %slice3A_118 = vector.extract_strided_slice %get3A_9 {offsets = [3], sizes = [1], strides = [1]} : vector<16xf32> to vector<1xf32>
    %squeeze3A_119 = vector.extract %slice3A_118[0] : f32 from vector<1xf32>
    %slice3A_120 = vector.extract_strided_slice %get3A_9 {offsets = [4], sizes = [1], strides = [1]} : vector<16xf32> to vector<1xf32>
    %squeeze3A_121 = vector.extract %slice3A_120[0] : f32 from vector<1xf32>
    %slice3A_122 = vector.extract_strided_slice %get3A_9 {offsets = [5], sizes = [1], strides = [1]} : vector<16xf32> to vector<1xf32>
    %squeeze3A_123 = vector.extract %slice3A_122[0] : f32 from vector<1xf32>
    %slice3A_124 = vector.extract_strided_slice %get3A_9 {offsets = [6], sizes = [1], strides = [1]} : vector<16xf32> to vector<1xf32>
    %squeeze3A_125 = vector.extract %slice3A_124[0] : f32 from vector<1xf32>
    %slice3A_126 = vector.extract_strided_slice %get3A_9 {offsets = [7], sizes = [1], strides = [1]} : vector<16xf32> to vector<1xf32>
    %squeeze3A_127 = vector.extract %slice3A_126[0] : f32 from vector<1xf32>
    %slice3A_128 = vector.extract_strided_slice %get3A_9 {offsets = [8], sizes = [1], strides = [1]} : vector<16xf32> to vector<1xf32>
    %squeeze3A_129 = vector.extract %slice3A_128[0] : f32 from vector<1xf32>
    %slice3A_130 = vector.extract_strided_slice %get3A_9 {offsets = [9], sizes = [1], strides = [1]} : vector<16xf32> to vector<1xf32>
    %squeeze3A_131 = vector.extract %slice3A_130[0] : f32 from vector<1xf32>
    %slice3A_132 = vector.extract_strided_slice %get3A_9 {offsets = [10], sizes = [1], strides = [1]} : vector<16xf32> to vector<1xf32>
    %squeeze3A_133 = vector.extract %slice3A_132[0] : f32 from vector<1xf32>
    %slice3A_134 = vector.extract_strided_slice %get3A_9 {offsets = [11], sizes = [1], strides = [1]} : vector<16xf32> to vector<1xf32>
    %squeeze3A_135 = vector.extract %slice3A_134[0] : f32 from vector<1xf32>
    %slice3A_136 = vector.extract_strided_slice %get3A_9 {offsets = [12], sizes = [1], strides = [1]} : vector<16xf32> to vector<1xf32>
    %squeeze3A_137 = vector.extract %slice3A_136[0] : f32 from vector<1xf32>
    %slice3A_138 = vector.extract_strided_slice %get3A_9 {offsets = [13], sizes = [1], strides = [1]} : vector<16xf32> to vector<1xf32>
    %squeeze3A_139 = vector.extract %slice3A_138[0] : f32 from vector<1xf32>
    %slice3A_140 = vector.extract_strided_slice %get3A_9 {offsets = [14], sizes = [1], strides = [1]} : vector<16xf32> to vector<1xf32>
    %squeeze3A_141 = vector.extract %slice3A_140[0] : f32 from vector<1xf32>
    %slice3A_142 = vector.extract_strided_slice %get3A_9 {offsets = [15], sizes = [1], strides = [1]} : vector<16xf32> to vector<1xf32>
    %squeeze3A_143 = vector.extract %slice3A_142[0] : f32 from vector<1xf32>
    %slice3A_144 = vector.extract_strided_slice %get3A_11 {offsets = [0], sizes = [1], strides = [1]} : vector<16xf32> to vector<1xf32>
    %squeeze3A_145 = vector.extract %slice3A_144[0] : f32 from vector<1xf32>
    %slice3A_146 = vector.extract_strided_slice %get3A_11 {offsets = [1], sizes = [1], strides = [1]} : vector<16xf32> to vector<1xf32>
    %squeeze3A_147 = vector.extract %slice3A_146[0] : f32 from vector<1xf32>
    %slice3A_148 = vector.extract_strided_slice %get3A_11 {offsets = [2], sizes = [1], strides = [1]} : vector<16xf32> to vector<1xf32>
    %squeeze3A_149 = vector.extract %slice3A_148[0] : f32 from vector<1xf32>
    %slice3A_150 = vector.extract_strided_slice %get3A_11 {offsets = [3], sizes = [1], strides = [1]} : vector<16xf32> to vector<1xf32>
    %squeeze3A_151 = vector.extract %slice3A_150[0] : f32 from vector<1xf32>
    %slice3A_152 = vector.extract_strided_slice %get3A_11 {offsets = [4], sizes = [1], strides = [1]} : vector<16xf32> to vector<1xf32>
    %squeeze3A_153 = vector.extract %slice3A_152[0] : f32 from vector<1xf32>
    %slice3A_154 = vector.extract_strided_slice %get3A_11 {offsets = [5], sizes = [1], strides = [1]} : vector<16xf32> to vector<1xf32>
    %squeeze3A_155 = vector.extract %slice3A_154[0] : f32 from vector<1xf32>
    %slice3A_156 = vector.extract_strided_slice %get3A_11 {offsets = [6], sizes = [1], strides = [1]} : vector<16xf32> to vector<1xf32>
    %squeeze3A_157 = vector.extract %slice3A_156[0] : f32 from vector<1xf32>
    %slice3A_158 = vector.extract_strided_slice %get3A_11 {offsets = [7], sizes = [1], strides = [1]} : vector<16xf32> to vector<1xf32>
    %squeeze3A_159 = vector.extract %slice3A_158[0] : f32 from vector<1xf32>
    %slice3A_160 = vector.extract_strided_slice %get3A_11 {offsets = [8], sizes = [1], strides = [1]} : vector<16xf32> to vector<1xf32>
    %squeeze3A_161 = vector.extract %slice3A_160[0] : f32 from vector<1xf32>
    %slice3A_162 = vector.extract_strided_slice %get3A_11 {offsets = [9], sizes = [1], strides = [1]} : vector<16xf32> to vector<1xf32>
    %squeeze3A_163 = vector.extract %slice3A_162[0] : f32 from vector<1xf32>
    %slice3A_164 = vector.extract_strided_slice %get3A_11 {offsets = [10], sizes = [1], strides = [1]} : vector<16xf32> to vector<1xf32>
    %squeeze3A_165 = vector.extract %slice3A_164[0] : f32 from vector<1xf32>
    %slice3A_166 = vector.extract_strided_slice %get3A_11 {offsets = [11], sizes = [1], strides = [1]} : vector<16xf32> to vector<1xf32>
    %squeeze3A_167 = vector.extract %slice3A_166[0] : f32 from vector<1xf32>
    %slice3A_168 = vector.extract_strided_slice %get3A_11 {offsets = [12], sizes = [1], strides = [1]} : vector<16xf32> to vector<1xf32>
    %squeeze3A_169 = vector.extract %slice3A_168[0] : f32 from vector<1xf32>
    %slice3A_170 = vector.extract_strided_slice %get3A_11 {offsets = [13], sizes = [1], strides = [1]} : vector<16xf32> to vector<1xf32>
    %squeeze3A_171 = vector.extract %slice3A_170[0] : f32 from vector<1xf32>
    %slice3A_172 = vector.extract_strided_slice %get3A_11 {offsets = [14], sizes = [1], strides = [1]} : vector<16xf32> to vector<1xf32>
    %squeeze3A_173 = vector.extract %slice3A_172[0] : f32 from vector<1xf32>
    %slice3A_174 = vector.extract_strided_slice %get3A_11 {offsets = [15], sizes = [1], strides = [1]} : vector<16xf32> to vector<1xf32>
    %squeeze3A_175 = vector.extract %slice3A_174[0] : f32 from vector<1xf32>
    %slice3A_176 = vector.extract_strided_slice %get3A_13 {offsets = [0], sizes = [1], strides = [1]} : vector<16xf32> to vector<1xf32>
    %squeeze3A_177 = vector.extract %slice3A_176[0] : f32 from vector<1xf32>
    %slice3A_178 = vector.extract_strided_slice %get3A_13 {offsets = [1], sizes = [1], strides = [1]} : vector<16xf32> to vector<1xf32>
    %squeeze3A_179 = vector.extract %slice3A_178[0] : f32 from vector<1xf32>
    %slice3A_180 = vector.extract_strided_slice %get3A_13 {offsets = [2], sizes = [1], strides = [1]} : vector<16xf32> to vector<1xf32>
    %squeeze3A_181 = vector.extract %slice3A_180[0] : f32 from vector<1xf32>
    %slice3A_182 = vector.extract_strided_slice %get3A_13 {offsets = [3], sizes = [1], strides = [1]} : vector<16xf32> to vector<1xf32>
    %squeeze3A_183 = vector.extract %slice3A_182[0] : f32 from vector<1xf32>
    %slice3A_184 = vector.extract_strided_slice %get3A_13 {offsets = [4], sizes = [1], strides = [1]} : vector<16xf32> to vector<1xf32>
    %squeeze3A_185 = vector.extract %slice3A_184[0] : f32 from vector<1xf32>
    %slice3A_186 = vector.extract_strided_slice %get3A_13 {offsets = [5], sizes = [1], strides = [1]} : vector<16xf32> to vector<1xf32>
    %squeeze3A_187 = vector.extract %slice3A_186[0] : f32 from vector<1xf32>
    %slice3A_188 = vector.extract_strided_slice %get3A_13 {offsets = [6], sizes = [1], strides = [1]} : vector<16xf32> to vector<1xf32>
    %squeeze3A_189 = vector.extract %slice3A_188[0] : f32 from vector<1xf32>
    %slice3A_190 = vector.extract_strided_slice %get3A_13 {offsets = [7], sizes = [1], strides = [1]} : vector<16xf32> to vector<1xf32>
    %squeeze3A_191 = vector.extract %slice3A_190[0] : f32 from vector<1xf32>
    %slice3A_192 = vector.extract_strided_slice %get3A_13 {offsets = [8], sizes = [1], strides = [1]} : vector<16xf32> to vector<1xf32>
    %squeeze3A_193 = vector.extract %slice3A_192[0] : f32 from vector<1xf32>
    %slice3A_194 = vector.extract_strided_slice %get3A_13 {offsets = [9], sizes = [1], strides = [1]} : vector<16xf32> to vector<1xf32>
    %squeeze3A_195 = vector.extract %slice3A_194[0] : f32 from vector<1xf32>
    %slice3A_196 = vector.extract_strided_slice %get3A_13 {offsets = [10], sizes = [1], strides = [1]} : vector<16xf32> to vector<1xf32>
    %squeeze3A_197 = vector.extract %slice3A_196[0] : f32 from vector<1xf32>
    %slice3A_198 = vector.extract_strided_slice %get3A_13 {offsets = [11], sizes = [1], strides = [1]} : vector<16xf32> to vector<1xf32>
    %squeeze3A_199 = vector.extract %slice3A_198[0] : f32 from vector<1xf32>
    %slice3A_200 = vector.extract_strided_slice %get3A_13 {offsets = [12], sizes = [1], strides = [1]} : vector<16xf32> to vector<1xf32>
    %squeeze3A_201 = vector.extract %slice3A_200[0] : f32 from vector<1xf32>
    %slice3A_202 = vector.extract_strided_slice %get3A_13 {offsets = [13], sizes = [1], strides = [1]} : vector<16xf32> to vector<1xf32>
    %squeeze3A_203 = vector.extract %slice3A_202[0] : f32 from vector<1xf32>
    %slice3A_204 = vector.extract_strided_slice %get3A_13 {offsets = [14], sizes = [1], strides = [1]} : vector<16xf32> to vector<1xf32>
    %squeeze3A_205 = vector.extract %slice3A_204[0] : f32 from vector<1xf32>
    %slice3A_206 = vector.extract_strided_slice %get3A_13 {offsets = [15], sizes = [1], strides = [1]} : vector<16xf32> to vector<1xf32>
    %squeeze3A_207 = vector.extract %slice3A_206[0] : f32 from vector<1xf32>
    %slice3A_208 = vector.extract_strided_slice %get3A_15 {offsets = [0], sizes = [1], strides = [1]} : vector<16xf32> to vector<1xf32>
    %squeeze3A_209 = vector.extract %slice3A_208[0] : f32 from vector<1xf32>
    %slice3A_210 = vector.extract_strided_slice %get3A_15 {offsets = [1], sizes = [1], strides = [1]} : vector<16xf32> to vector<1xf32>
    %squeeze3A_211 = vector.extract %slice3A_210[0] : f32 from vector<1xf32>
    %slice3A_212 = vector.extract_strided_slice %get3A_15 {offsets = [2], sizes = [1], strides = [1]} : vector<16xf32> to vector<1xf32>
    %squeeze3A_213 = vector.extract %slice3A_212[0] : f32 from vector<1xf32>
    %slice3A_214 = vector.extract_strided_slice %get3A_15 {offsets = [3], sizes = [1], strides = [1]} : vector<16xf32> to vector<1xf32>
    %squeeze3A_215 = vector.extract %slice3A_214[0] : f32 from vector<1xf32>
    %slice3A_216 = vector.extract_strided_slice %get3A_15 {offsets = [4], sizes = [1], strides = [1]} : vector<16xf32> to vector<1xf32>
    %squeeze3A_217 = vector.extract %slice3A_216[0] : f32 from vector<1xf32>
    %slice3A_218 = vector.extract_strided_slice %get3A_15 {offsets = [5], sizes = [1], strides = [1]} : vector<16xf32> to vector<1xf32>
    %squeeze3A_219 = vector.extract %slice3A_218[0] : f32 from vector<1xf32>
    %slice3A_220 = vector.extract_strided_slice %get3A_15 {offsets = [6], sizes = [1], strides = [1]} : vector<16xf32> to vector<1xf32>
    %squeeze3A_221 = vector.extract %slice3A_220[0] : f32 from vector<1xf32>
    %slice3A_222 = vector.extract_strided_slice %get3A_15 {offsets = [7], sizes = [1], strides = [1]} : vector<16xf32> to vector<1xf32>
    %squeeze3A_223 = vector.extract %slice3A_222[0] : f32 from vector<1xf32>
    %slice3A_224 = vector.extract_strided_slice %get3A_15 {offsets = [8], sizes = [1], strides = [1]} : vector<16xf32> to vector<1xf32>
    %squeeze3A_225 = vector.extract %slice3A_224[0] : f32 from vector<1xf32>
    %slice3A_226 = vector.extract_strided_slice %get3A_15 {offsets = [9], sizes = [1], strides = [1]} : vector<16xf32> to vector<1xf32>
    %squeeze3A_227 = vector.extract %slice3A_226[0] : f32 from vector<1xf32>
    %slice3A_228 = vector.extract_strided_slice %get3A_15 {offsets = [10], sizes = [1], strides = [1]} : vector<16xf32> to vector<1xf32>
    %squeeze3A_229 = vector.extract %slice3A_228[0] : f32 from vector<1xf32>
    %slice3A_230 = vector.extract_strided_slice %get3A_15 {offsets = [11], sizes = [1], strides = [1]} : vector<16xf32> to vector<1xf32>
    %squeeze3A_231 = vector.extract %slice3A_230[0] : f32 from vector<1xf32>
    %slice3A_232 = vector.extract_strided_slice %get3A_15 {offsets = [12], sizes = [1], strides = [1]} : vector<16xf32> to vector<1xf32>
    %squeeze3A_233 = vector.extract %slice3A_232[0] : f32 from vector<1xf32>
    %slice3A_234 = vector.extract_strided_slice %get3A_15 {offsets = [13], sizes = [1], strides = [1]} : vector<16xf32> to vector<1xf32>
    %squeeze3A_235 = vector.extract %slice3A_234[0] : f32 from vector<1xf32>
    %slice3A_236 = vector.extract_strided_slice %get3A_15 {offsets = [14], sizes = [1], strides = [1]} : vector<16xf32> to vector<1xf32>
    %squeeze3A_237 = vector.extract %slice3A_236[0] : f32 from vector<1xf32>
    %slice3A_238 = vector.extract_strided_slice %get3A_15 {offsets = [15], sizes = [1], strides = [1]} : vector<16xf32> to vector<1xf32>
    %squeeze3A_239 = vector.extract %slice3A_238[0] : f32 from vector<1xf32>
    %slice3A_240 = vector.extract_strided_slice %get3A_17 {offsets = [0], sizes = [1], strides = [1]} : vector<16xf32> to vector<1xf32>
    %squeeze3A_241 = vector.extract %slice3A_240[0] : f32 from vector<1xf32>
    %slice3A_242 = vector.extract_strided_slice %get3A_17 {offsets = [1], sizes = [1], strides = [1]} : vector<16xf32> to vector<1xf32>
    %squeeze3A_243 = vector.extract %slice3A_242[0] : f32 from vector<1xf32>
    %slice3A_244 = vector.extract_strided_slice %get3A_17 {offsets = [2], sizes = [1], strides = [1]} : vector<16xf32> to vector<1xf32>
    %squeeze3A_245 = vector.extract %slice3A_244[0] : f32 from vector<1xf32>
    %slice3A_246 = vector.extract_strided_slice %get3A_17 {offsets = [3], sizes = [1], strides = [1]} : vector<16xf32> to vector<1xf32>
    %squeeze3A_247 = vector.extract %slice3A_246[0] : f32 from vector<1xf32>
    %slice3A_248 = vector.extract_strided_slice %get3A_17 {offsets = [4], sizes = [1], strides = [1]} : vector<16xf32> to vector<1xf32>
    %squeeze3A_249 = vector.extract %slice3A_248[0] : f32 from vector<1xf32>
    %slice3A_250 = vector.extract_strided_slice %get3A_17 {offsets = [5], sizes = [1], strides = [1]} : vector<16xf32> to vector<1xf32>
    %squeeze3A_251 = vector.extract %slice3A_250[0] : f32 from vector<1xf32>
    %slice3A_252 = vector.extract_strided_slice %get3A_17 {offsets = [6], sizes = [1], strides = [1]} : vector<16xf32> to vector<1xf32>
    %squeeze3A_253 = vector.extract %slice3A_252[0] : f32 from vector<1xf32>
    %slice3A_254 = vector.extract_strided_slice %get3A_17 {offsets = [7], sizes = [1], strides = [1]} : vector<16xf32> to vector<1xf32>
    %squeeze3A_255 = vector.extract %slice3A_254[0] : f32 from vector<1xf32>
    %slice3A_256 = vector.extract_strided_slice %get3A_17 {offsets = [8], sizes = [1], strides = [1]} : vector<16xf32> to vector<1xf32>
    %squeeze3A_257 = vector.extract %slice3A_256[0] : f32 from vector<1xf32>
    %slice3A_258 = vector.extract_strided_slice %get3A_17 {offsets = [9], sizes = [1], strides = [1]} : vector<16xf32> to vector<1xf32>
    %squeeze3A_259 = vector.extract %slice3A_258[0] : f32 from vector<1xf32>
    %slice3A_260 = vector.extract_strided_slice %get3A_17 {offsets = [10], sizes = [1], strides = [1]} : vector<16xf32> to vector<1xf32>
    %squeeze3A_261 = vector.extract %slice3A_260[0] : f32 from vector<1xf32>
    %slice3A_262 = vector.extract_strided_slice %get3A_17 {offsets = [11], sizes = [1], strides = [1]} : vector<16xf32> to vector<1xf32>
    %squeeze3A_263 = vector.extract %slice3A_262[0] : f32 from vector<1xf32>
    %slice3A_264 = vector.extract_strided_slice %get3A_17 {offsets = [12], sizes = [1], strides = [1]} : vector<16xf32> to vector<1xf32>
    %squeeze3A_265 = vector.extract %slice3A_264[0] : f32 from vector<1xf32>
    %slice3A_266 = vector.extract_strided_slice %get3A_17 {offsets = [13], sizes = [1], strides = [1]} : vector<16xf32> to vector<1xf32>
    %squeeze3A_267 = vector.extract %slice3A_266[0] : f32 from vector<1xf32>
    %slice3A_268 = vector.extract_strided_slice %get3A_17 {offsets = [14], sizes = [1], strides = [1]} : vector<16xf32> to vector<1xf32>
    %squeeze3A_269 = vector.extract %slice3A_268[0] : f32 from vector<1xf32>
    %slice3A_270 = vector.extract_strided_slice %get3A_17 {offsets = [15], sizes = [1], strides = [1]} : vector<16xf32> to vector<1xf32>
    %squeeze3A_271 = vector.extract %slice3A_270[0] : f32 from vector<1xf32>
    %add3A_272 = arith.constant 0 : i32
    %add3A_273 = arith.addi %mul3A_2, %add3A_272 : i32
    %dma_start3A = arith.constant 0 : i32
    %dma_start3A_274 = tpu.memref_slice %arg2[%dma_start3A, %add3A_273] : memref<64x1000000xf32, #tpu.memory_space<hbm>> -> memref<64x384xf32, #tpu.memory_space<hbm>>
    %dma_start3A_275 = arith.constant 0 : i32
    %dma_start3A_276 = tpu.memref_slice %arg2[%dma_start3A_275, %add3A_273] : memref<64x1000000xf32, #tpu.memory_space<hbm>> -> memref<64x384xf32, #tpu.memory_space<hbm>>
    tpu.enqueue_dma source(%dma_start3A_276 : memref<64x384xf32, #tpu.memory_space<hbm>>) target(%arg8 : memref<64x384xf32, #tpu.memory_space<vmem>>) target_semaphore(%arg16 : memref<!tpu.dma_semaphore, #tpu.memory_space<semaphore_mem>>)
    %dma_start3A_277 = arith.constant 0 : i32
    %dma_start3A_278 = tpu.memref_slice %arg3[%dma_start3A_277, %add3A_273] : memref<64x1000000xf32, #tpu.memory_space<hbm>> -> memref<64x384xf32, #tpu.memory_space<hbm>>
    %dma_start3A_279 = arith.constant 0 : i32
    %dma_start3A_280 = tpu.memref_slice %arg3[%dma_start3A_279, %add3A_273] : memref<64x1000000xf32, #tpu.memory_space<hbm>> -> memref<64x384xf32, #tpu.memory_space<hbm>>
    tpu.enqueue_dma source(%dma_start3A_280 : memref<64x384xf32, #tpu.memory_space<hbm>>) target(%arg9 : memref<64x384xf32, #tpu.memory_space<vmem>>) target_semaphore(%arg16 : memref<!tpu.dma_semaphore, #tpu.memory_space<semaphore_mem>>)
    %add3A_281 = arith.constant 384 : i32
    %add3A_282 = arith.addi %mul3A_2, %add3A_281 : i32
    %dma_start3A_283 = arith.constant 0 : i32
    %dma_start3A_284 = tpu.memref_slice %arg2[%dma_start3A_283, %add3A_282] : memref<64x1000000xf32, #tpu.memory_space<hbm>> -> memref<64x384xf32, #tpu.memory_space<hbm>>
    %dma_start3A_285 = arith.constant 0 : i32
    %dma_start3A_286 = tpu.memref_slice %arg2[%dma_start3A_285, %add3A_282] : memref<64x1000000xf32, #tpu.memory_space<hbm>> -> memref<64x384xf32, #tpu.memory_space<hbm>>
    tpu.enqueue_dma source(%dma_start3A_286 : memref<64x384xf32, #tpu.memory_space<hbm>>) target(%arg10 : memref<64x384xf32, #tpu.memory_space<vmem>>) target_semaphore(%arg17 : memref<!tpu.dma_semaphore, #tpu.memory_space<semaphore_mem>>)
    %dma_start3A_287 = arith.constant 0 : i32
    %dma_start3A_288 = tpu.memref_slice %arg3[%dma_start3A_287, %add3A_282] : memref<64x1000000xf32, #tpu.memory_space<hbm>> -> memref<64x384xf32, #tpu.memory_space<hbm>>
    %dma_start3A_289 = arith.constant 0 : i32
    %dma_start3A_290 = tpu.memref_slice %arg3[%dma_start3A_289, %add3A_282] : memref<64x1000000xf32, #tpu.memory_space<hbm>> -> memref<64x384xf32, #tpu.memory_space<hbm>>
    tpu.enqueue_dma source(%dma_start3A_290 : memref<64x384xf32, #tpu.memory_space<hbm>>) target(%arg11 : memref<64x384xf32, #tpu.memory_space<vmem>>) target_semaphore(%arg17 : memref<!tpu.dma_semaphore, #tpu.memory_space<semaphore_mem>>)
    %scan3A = arith.constant 0 : i32
    %scan3A_291 = arith.constant 0 : i32
    %scan3A_292 = arith.constant 14 : i32
    %scan3A_293 = arith.addi %scan3A_291, %scan3A_292 : i32
    %scan3A_294 = arith.constant 1 : i32
    scf.for %scan3A_319 = %scan3A_291 to %scan3A_293 step %scan3A_294  : i32 {
      %mul3A_320 = arith.constant 2 : i32
      %mul3A_321 = arith.muli %mul3A_320, %scan3A_319 : i32
      %dma_wait3A_322 = arith.constant 0 : i32
      %dma_wait3A_323 = arith.constant 0 : i32
      %dma_wait3A_324 = tpu.memref_slice %arg2[%dma_wait3A_322, %dma_wait3A_323] : memref<64x1000000xf32, #tpu.memory_space<hbm>> -> memref<64x384xf32, #tpu.memory_space<hbm>>
      %dma_wait3A_325 = arith.constant 0 : i32
      %dma_wait3A_326 = arith.constant 0 : i32
      %dma_wait3A_327 = tpu.memref_slice %arg2[%dma_wait3A_325, %dma_wait3A_326] : memref<64x1000000xf32, #tpu.memory_space<hbm>> -> memref<64x384xf32, #tpu.memory_space<hbm>>
      tpu.wait_dma2 semaphore(%arg16 : memref<!tpu.dma_semaphore, #tpu.memory_space<semaphore_mem>>) src(%dma_wait3A_327 : memref<64x384xf32, #tpu.memory_space<hbm>>) dst(%arg8 : memref<64x384xf32, #tpu.memory_space<vmem>>)
      %dma_wait3A_328 = arith.constant 0 : i32
      %dma_wait3A_329 = arith.constant 0 : i32
      %dma_wait3A_330 = tpu.memref_slice %arg3[%dma_wait3A_328, %dma_wait3A_329] : memref<64x1000000xf32, #tpu.memory_space<hbm>> -> memref<64x384xf32, #tpu.memory_space<hbm>>
      %dma_wait3A_331 = arith.constant 0 : i32
      %dma_wait3A_332 = arith.constant 0 : i32
      %dma_wait3A_333 = tpu.memref_slice %arg3[%dma_wait3A_331, %dma_wait3A_332] : memref<64x1000000xf32, #tpu.memory_space<hbm>> -> memref<64x384xf32, #tpu.memory_space<hbm>>
      tpu.wait_dma2 semaphore(%arg16 : memref<!tpu.dma_semaphore, #tpu.memory_space<semaphore_mem>>) src(%dma_wait3A_333 : memref<64x384xf32, #tpu.memory_space<hbm>>) dst(%arg9 : memref<64x384xf32, #tpu.memory_space<vmem>>)
      %scan3A_334 = arith.constant 0 : i32
      %scan3A_335 = arith.constant 0 : i32
      %scan3A_336 = arith.constant 24 : i32
      %scan3A_337 = arith.addi %scan3A_335, %scan3A_336 : i32
      %scan3A_338 = arith.constant 1 : i32
      scf.for %scan3A_397 = %scan3A_335 to %scan3A_337 step %scan3A_338  : i32 {
        %mul3A_398 = arith.constant 16 : i32
        %mul3A_399 = arith.muli %scan3A_397, %mul3A_398 : i32
        %get3A_400 = arith.constant 0 : i32
        %get3A_401 = arith.index_cast %get3A_400 : i32 to index
        %get3A_402 = arith.index_cast %mul3A_399 : i32 to index
        %get3A_403 = tpu.vector_load %arg8[%get3A_401, %get3A_402] {strides = array<i32>} : memref<64x384xf32, #tpu.memory_space<vmem>>, vector<16xf32>,
        %mul3A_404 = vector.broadcast %squeeze3A : f32 to vector<16xf32>
        %mul3A_405 = arith.mulf %get3A_403, %mul3A_404 : vector<16xf32>
        %get3A_406 = arith.constant 0 : i32
        %get3A_407 = arith.index_cast %get3A_406 : i32 to index
        %get3A_408 = arith.index_cast %mul3A_399 : i32 to index
        %get3A_409 = tpu.vector_load %arg9[%get3A_407, %get3A_408] {strides = array<i32>} : memref<64x384xf32, #tpu.memory_space<vmem>>, vector<16xf32>,
        %mul3A_410 = vector.broadcast %squeeze3A_145 : f32 to vector<16xf32>
        %mul3A_411 = arith.mulf %get3A_409, %mul3A_410 : vector<16xf32>
        %get3A_412 = arith.constant 1 : i32
        %get3A_413 = arith.index_cast %get3A_412 : i32 to index
        %get3A_414 = arith.index_cast %mul3A_399 : i32 to index
        %get3A_415 = tpu.vector_load %arg8[%get3A_413, %get3A_414] {strides = array<i32>} : memref<64x384xf32, #tpu.memory_space<vmem>>, vector<16xf32>,
        %mul3A_416 = vector.broadcast %squeeze3A_19 : f32 to vector<16xf32>
        %mul3A_417 = arith.mulf %get3A_415, %mul3A_416 : vector<16xf32>
        %add3A_418 = arith.addf %mul3A_405, %mul3A_417 : vector<16xf32>
        %get3A_419 = arith.constant 1 : i32
        %get3A_420 = arith.index_cast %get3A_419 : i32 to index
        %get3A_421 = arith.index_cast %mul3A_399 : i32 to index
        %get3A_422 = tpu.vector_load %arg9[%get3A_420, %get3A_421] {strides = array<i32>} : memref<64x384xf32, #tpu.memory_space<vmem>>, vector<16xf32>,
        %mul3A_423 = vector.broadcast %squeeze3A_147 : f32 to vector<16xf32>
        %mul3A_424 = arith.mulf %get3A_422, %mul3A_423 : vector<16xf32>
        %add3A_425 = arith.addf %mul3A_411, %mul3A_424 : vector<16xf32>
        %get3A_426 = arith.constant 2 : i32
        %get3A_427 = arith.index_cast %get3A_426 : i32 to index
        %get3A_428 = arith.index_cast %mul3A_399 : i32 to index
        %get3A_429 = tpu.vector_load %arg8[%get3A_427, %get3A_428] {strides = array<i32>} : memref<64x384xf32, #tpu.memory_space<vmem>>, vector<16xf32>,
        %mul3A_430 = vector.broadcast %squeeze3A_21 : f32 to vector<16xf32>
        %mul3A_431 = arith.mulf %get3A_429, %mul3A_430 : vector<16xf32>
        %add3A_432 = arith.addf %add3A_418, %mul3A_431 : vector<16xf32>
        %get3A_433 = arith.constant 2 : i32
        %get3A_434 = arith.index_cast %get3A_433 : i32 to index
        %get3A_435 = arith.index_cast %mul3A_399 : i32 to index
        %get3A_436 = tpu.vector_load %arg9[%get3A_434, %get3A_435] {strides = array<i32>} : memref<64x384xf32, #tpu.memory_space<vmem>>, vector<16xf32>,
        %mul3A_437 = vector.broadcast %squeeze3A_149 : f32 to vector<16xf32>
        %mul3A_438 = arith.mulf %get3A_436, %mul3A_437 : vector<16xf32>
        %add3A_439 = arith.addf %add3A_425, %mul3A_438 : vector<16xf32>
        %get3A_440 = arith.constant 3 : i32
        %get3A_441 = arith.index_cast %get3A_440 : i32 to index
        %get3A_442 = arith.index_cast %mul3A_399 : i32 to index
        %get3A_443 = tpu.vector_load %arg8[%get3A_441, %get3A_442] {strides = array<i32>} : memref<64x384xf32, #tpu.memory_space<vmem>>, vector<16xf32>,
        %mul3A_444 = vector.broadcast %squeeze3A_23 : f32 to vector<16xf32>
        %mul3A_445 = arith.mulf %get3A_443, %mul3A_444 : vector<16xf32>
        %add3A_446 = arith.addf %add3A_432, %mul3A_445 : vector<16xf32>
        %get3A_447 = arith.constant 3 : i32
        %get3A_448 = arith.index_cast %get3A_447 : i32 to index
        %get3A_449 = arith.index_cast %mul3A_399 : i32 to index
        %get3A_450 = tpu.vector_load %arg9[%get3A_448, %get3A_449] {strides = array<i32>} : memref<64x384xf32, #tpu.memory_space<vmem>>, vector<16xf32>,
        %mul3A_451 = vector.broadcast %squeeze3A_151 : f32 to vector<16xf32>
        %mul3A_452 = arith.mulf %get3A_450, %mul3A_451 : vector<16xf32>
        %add3A_453 = arith.addf %add3A_439, %mul3A_452 : vector<16xf32>
        %get3A_454 = arith.constant 4 : i32
        %get3A_455 = arith.index_cast %get3A_454 : i32 to index
        %get3A_456 = arith.index_cast %mul3A_399 : i32 to index
        %get3A_457 = tpu.vector_load %arg8[%get3A_455, %get3A_456] {strides = array<i32>} : memref<64x384xf32, #tpu.memory_space<vmem>>, vector<16xf32>,
        %mul3A_458 = vector.broadcast %squeeze3A_25 : f32 to vector<16xf32>
        %mul3A_459 = arith.mulf %get3A_457, %mul3A_458 : vector<16xf32>
        %add3A_460 = arith.addf %add3A_446, %mul3A_459 : vector<16xf32>
        %get3A_461 = arith.constant 4 : i32
        %get3A_462 = arith.index_cast %get3A_461 : i32 to index
        %get3A_463 = arith.index_cast %mul3A_399 : i32 to index
        %get3A_464 = tpu.vector_load %arg9[%get3A_462, %get3A_463] {strides = array<i32>} : memref<64x384xf32, #tpu.memory_space<vmem>>, vector<16xf32>,
        %mul3A_465 = vector.broadcast %squeeze3A_153 : f32 to vector<16xf32>
        %mul3A_466 = arith.mulf %get3A_464, %mul3A_465 : vector<16xf32>
        %add3A_467 = arith.addf %add3A_453, %mul3A_466 : vector<16xf32>
        %get3A_468 = arith.constant 5 : i32
        %get3A_469 = arith.index_cast %get3A_468 : i32 to index
        %get3A_470 = arith.index_cast %mul3A_399 : i32 to index
        %get3A_471 = tpu.vector_load %arg8[%get3A_469, %get3A_470] {strides = array<i32>} : memref<64x384xf32, #tpu.memory_space<vmem>>, vector<16xf32>,
        %mul3A_472 = vector.broadcast %squeeze3A_27 : f32 to vector<16xf32>
        %mul3A_473 = arith.mulf %get3A_471, %mul3A_472 : vector<16xf32>
        %add3A_474 = arith.addf %add3A_460, %mul3A_473 : vector<16xf32>
        %get3A_475 = arith.constant 5 : i32
        %get3A_476 = arith.index_cast %get3A_475 : i32 to index
        %get3A_477 = arith.index_cast %mul3A_399 : i32 to index
        %get3A_478 = tpu.vector_load %arg9[%get3A_476, %get3A_477] {strides = array<i32>} : memref<64x384xf32, #tpu.memory_space<vmem>>, vector<16xf32>,
        %mul3A_479 = vector.broadcast %squeeze3A_155 : f32 to vector<16xf32>
        %mul3A_480 = arith.mulf %get3A_478, %mul3A_479 : vector<16xf32>
        %add3A_481 = arith.addf %add3A_467, %mul3A_480 : vector<16xf32>
        %get3A_482 = arith.constant 6 : i32
        %get3A_483 = arith.index_cast %get3A_482 : i32 to index
        %get3A_484 = arith.index_cast %mul3A_399 : i32 to index
        %get3A_485 = tpu.vector_load %arg8[%get3A_483, %get3A_484] {strides = array<i32>} : memref<64x384xf32, #tpu.memory_space<vmem>>, vector<16xf32>,
        %mul3A_486 = vector.broadcast %squeeze3A_29 : f32 to vector<16xf32>
        %mul3A_487 = arith.mulf %get3A_485, %mul3A_486 : vector<16xf32>
        %add3A_488 = arith.addf %add3A_474, %mul3A_487 : vector<16xf32>
        %get3A_489 = arith.constant 6 : i32
        %get3A_490 = arith.index_cast %get3A_489 : i32 to index
        %get3A_491 = arith.index_cast %mul3A_399 : i32 to index
        %get3A_492 = tpu.vector_load %arg9[%get3A_490, %get3A_491] {strides = array<i32>} : memref<64x384xf32, #tpu.memory_space<vmem>>, vector<16xf32>,
        %mul3A_493 = vector.broadcast %squeeze3A_157 : f32 to vector<16xf32>
        %mul3A_494 = arith.mulf %get3A_492, %mul3A_493 : vector<16xf32>
        %add3A_495 = arith.addf %add3A_481, %mul3A_494 : vector<16xf32>
        %get3A_496 = arith.constant 7 : i32
        %get3A_497 = arith.index_cast %get3A_496 : i32 to index
        %get3A_498 = arith.index_cast %mul3A_399 : i32 to index
        %get3A_499 = tpu.vector_load %arg8[%get3A_497, %get3A_498] {strides = array<i32>} : memref<64x384xf32, #tpu.memory_space<vmem>>, vector<16xf32>,
        %mul3A_500 = vector.broadcast %squeeze3A_31 : f32 to vector<16xf32>
        %mul3A_501 = arith.mulf %get3A_499, %mul3A_500 : vector<16xf32>
        %add3A_502 = arith.addf %add3A_488, %mul3A_501 : vector<16xf32>
        %get3A_503 = arith.constant 7 : i32
        %get3A_504 = arith.index_cast %get3A_503 : i32 to index
        %get3A_505 = arith.index_cast %mul3A_399 : i32 to index
        %get3A_506 = tpu.vector_load %arg9[%get3A_504, %get3A_505] {strides = array<i32>} : memref<64x384xf32, #tpu.memory_space<vmem>>, vector<16xf32>,
        %mul3A_507 = vector.broadcast %squeeze3A_159 : f32 to vector<16xf32>
        %mul3A_508 = arith.mulf %get3A_506, %mul3A_507 : vector<16xf32>
        %add3A_509 = arith.addf %add3A_495, %mul3A_508 : vector<16xf32>
        %get3A_510 = arith.constant 8 : i32
        %get3A_511 = arith.index_cast %get3A_510 : i32 to index
        %get3A_512 = arith.index_cast %mul3A_399 : i32 to index
        %get3A_513 = tpu.vector_load %arg8[%get3A_511, %get3A_512] {strides = array<i32>} : memref<64x384xf32, #tpu.memory_space<vmem>>, vector<16xf32>,
        %mul3A_514 = vector.broadcast %squeeze3A_33 : f32 to vector<16xf32>
        %mul3A_515 = arith.mulf %get3A_513, %mul3A_514 : vector<16xf32>
        %add3A_516 = arith.addf %add3A_502, %mul3A_515 : vector<16xf32>
        %get3A_517 = arith.constant 8 : i32
        %get3A_518 = arith.index_cast %get3A_517 : i32 to index
        %get3A_519 = arith.index_cast %mul3A_399 : i32 to index
        %get3A_520 = tpu.vector_load %arg9[%get3A_518, %get3A_519] {strides = array<i32>} : memref<64x384xf32, #tpu.memory_space<vmem>>, vector<16xf32>,
        %mul3A_521 = vector.broadcast %squeeze3A_161 : f32 to vector<16xf32>
        %mul3A_522 = arith.mulf %get3A_520, %mul3A_521 : vector<16xf32>
        %add3A_523 = arith.addf %add3A_509, %mul3A_522 : vector<16xf32>
        %get3A_524 = arith.constant 9 : i32
        %get3A_525 = arith.index_cast %get3A_524 : i32 to index
        %get3A_526 = arith.index_cast %mul3A_399 : i32 to index
        %get3A_527 = tpu.vector_load %arg8[%get3A_525, %get3A_526] {strides = array<i32>} : memref<64x384xf32, #tpu.memory_space<vmem>>, vector<16xf32>,
        %mul3A_528 = vector.broadcast %squeeze3A_35 : f32 to vector<16xf32>
        %mul3A_529 = arith.mulf %get3A_527, %mul3A_528 : vector<16xf32>
        %add3A_530 = arith.addf %add3A_516, %mul3A_529 : vector<16xf32>
        %get3A_531 = arith.constant 9 : i32
        %get3A_532 = arith.index_cast %get3A_531 : i32 to index
        %get3A_533 = arith.index_cast %mul3A_399 : i32 to index
        %get3A_534 = tpu.vector_load %arg9[%get3A_532, %get3A_533] {strides = array<i32>} : memref<64x384xf32, #tpu.memory_space<vmem>>, vector<16xf32>,
        %mul3A_535 = vector.broadcast %squeeze3A_163 : f32 to vector<16xf32>
        %mul3A_536 = arith.mulf %get3A_534, %mul3A_535 : vector<16xf32>
        %add3A_537 = arith.addf %add3A_523, %mul3A_536 : vector<16xf32>
        %get3A_538 = arith.constant 10 : i32
        %get3A_539 = arith.index_cast %get3A_538 : i32 to index
        %get3A_540 = arith.index_cast %mul3A_399 : i32 to index
        %get3A_541 = tpu.vector_load %arg8[%get3A_539, %get3A_540] {strides = array<i32>} : memref<64x384xf32, #tpu.memory_space<vmem>>, vector<16xf32>,
        %mul3A_542 = vector.broadcast %squeeze3A_37 : f32 to vector<16xf32>
        %mul3A_543 = arith.mulf %get3A_541, %mul3A_542 : vector<16xf32>
        %add3A_544 = arith.addf %add3A_530, %mul3A_543 : vector<16xf32>
        %get3A_545 = arith.constant 10 : i32
        %get3A_546 = arith.index_cast %get3A_545 : i32 to index
        %get3A_547 = arith.index_cast %mul3A_399 : i32 to index
        %get3A_548 = tpu.vector_load %arg9[%get3A_546, %get3A_547] {strides = array<i32>} : memref<64x384xf32, #tpu.memory_space<vmem>>, vector<16xf32>,
        %mul3A_549 = vector.broadcast %squeeze3A_165 : f32 to vector<16xf32>
        %mul3A_550 = arith.mulf %get3A_548, %mul3A_549 : vector<16xf32>
        %add3A_551 = arith.addf %add3A_537, %mul3A_550 : vector<16xf32>
        %get3A_552 = arith.constant 11 : i32
        %get3A_553 = arith.index_cast %get3A_552 : i32 to index
        %get3A_554 = arith.index_cast %mul3A_399 : i32 to index
        %get3A_555 = tpu.vector_load %arg8[%get3A_553, %get3A_554] {strides = array<i32>} : memref<64x384xf32, #tpu.memory_space<vmem>>, vector<16xf32>,
        %mul3A_556 = vector.broadcast %squeeze3A_39 : f32 to vector<16xf32>
        %mul3A_557 = arith.mulf %get3A_555, %mul3A_556 : vector<16xf32>
        %add3A_558 = arith.addf %add3A_544, %mul3A_557 : vector<16xf32>
        %get3A_559 = arith.constant 11 : i32
        %get3A_560 = arith.index_cast %get3A_559 : i32 to index
        %get3A_561 = arith.index_cast %mul3A_399 : i32 to index
        %get3A_562 = tpu.vector_load %arg9[%get3A_560, %get3A_561] {strides = array<i32>} : memref<64x384xf32, #tpu.memory_space<vmem>>, vector<16xf32>,
        %mul3A_563 = vector.broadcast %squeeze3A_167 : f32 to vector<16xf32>
        %mul3A_564 = arith.mulf %get3A_562, %mul3A_563 : vector<16xf32>
        %add3A_565 = arith.addf %add3A_551, %mul3A_564 : vector<16xf32>
        %get3A_566 = arith.constant 12 : i32
        %get3A_567 = arith.index_cast %get3A_566 : i32 to index
        %get3A_568 = arith.index_cast %mul3A_399 : i32 to index
        %get3A_569 = tpu.vector_load %arg8[%get3A_567, %get3A_568] {strides = array<i32>} : memref<64x384xf32, #tpu.memory_space<vmem>>, vector<16xf32>,
        %mul3A_570 = vector.broadcast %squeeze3A_41 : f32 to vector<16xf32>
        %mul3A_571 = arith.mulf %get3A_569, %mul3A_570 : vector<16xf32>
        %add3A_572 = arith.addf %add3A_558, %mul3A_571 : vector<16xf32>
        %get3A_573 = arith.constant 12 : i32
        %get3A_574 = arith.index_cast %get3A_573 : i32 to index
        %get3A_575 = arith.index_cast %mul3A_399 : i32 to index
        %get3A_576 = tpu.vector_load %arg9[%get3A_574, %get3A_575] {strides = array<i32>} : memref<64x384xf32, #tpu.memory_space<vmem>>, vector<16xf32>,
        %mul3A_577 = vector.broadcast %squeeze3A_169 : f32 to vector<16xf32>
        %mul3A_578 = arith.mulf %get3A_576, %mul3A_577 : vector<16xf32>
        %add3A_579 = arith.addf %add3A_565, %mul3A_578 : vector<16xf32>
        %get3A_580 = arith.constant 13 : i32
        %get3A_581 = arith.index_cast %get3A_580 : i32 to index
        %get3A_582 = arith.index_cast %mul3A_399 : i32 to index
        %get3A_583 = tpu.vector_load %arg8[%get3A_581, %get3A_582] {strides = array<i32>} : memref<64x384xf32, #tpu.memory_space<vmem>>, vector<16xf32>,
        %mul3A_584 = vector.broadcast %squeeze3A_43 : f32 to vector<16xf32>
        %mul3A_585 = arith.mulf %get3A_583, %mul3A_584 : vector<16xf32>
        %add3A_586 = arith.addf %add3A_572, %mul3A_585 : vector<16xf32>
        %get3A_587 = arith.constant 13 : i32
        %get3A_588 = arith.index_cast %get3A_587 : i32 to index
        %get3A_589 = arith.index_cast %mul3A_399 : i32 to index
        %get3A_590 = tpu.vector_load %arg9[%get3A_588, %get3A_589] {strides = array<i32>} : memref<64x384xf32, #tpu.memory_space<vmem>>, vector<16xf32>,
        %mul3A_591 = vector.broadcast %squeeze3A_171 : f32 to vector<16xf32>
        %mul3A_592 = arith.mulf %get3A_590, %mul3A_591 : vector<16xf32>
        %add3A_593 = arith.addf %add3A_579, %mul3A_592 : vector<16xf32>
        %get3A_594 = arith.constant 14 : i32
        %get3A_595 = arith.index_cast %get3A_594 : i32 to index
        %get3A_596 = arith.index_cast %mul3A_399 : i32 to index
        %get3A_597 = tpu.vector_load %arg8[%get3A_595, %get3A_596] {strides = array<i32>} : memref<64x384xf32, #tpu.memory_space<vmem>>, vector<16xf32>,
        %mul3A_598 = vector.broadcast %squeeze3A_45 : f32 to vector<16xf32>
        %mul3A_599 = arith.mulf %get3A_597, %mul3A_598 : vector<16xf32>
        %add3A_600 = arith.addf %add3A_586, %mul3A_599 : vector<16xf32>
        %get3A_601 = arith.constant 14 : i32
        %get3A_602 = arith.index_cast %get3A_601 : i32 to index
        %get3A_603 = arith.index_cast %mul3A_399 : i32 to index
        %get3A_604 = tpu.vector_load %arg9[%get3A_602, %get3A_603] {strides = array<i32>} : memref<64x384xf32, #tpu.memory_space<vmem>>, vector<16xf32>,
        %mul3A_605 = vector.broadcast %squeeze3A_173 : f32 to vector<16xf32>
        %mul3A_606 = arith.mulf %get3A_604, %mul3A_605 : vector<16xf32>
        %add3A_607 = arith.addf %add3A_593, %mul3A_606 : vector<16xf32>
        %get3A_608 = arith.constant 15 : i32
        %get3A_609 = arith.index_cast %get3A_608 : i32 to index
        %get3A_610 = arith.index_cast %mul3A_399 : i32 to index
        %get3A_611 = tpu.vector_load %arg8[%get3A_609, %get3A_610] {strides = array<i32>} : memref<64x384xf32, #tpu.memory_space<vmem>>, vector<16xf32>,
        %mul3A_612 = vector.broadcast %squeeze3A_47 : f32 to vector<16xf32>
        %mul3A_613 = arith.mulf %get3A_611, %mul3A_612 : vector<16xf32>
        %add3A_614 = arith.addf %add3A_600, %mul3A_613 : vector<16xf32>
        %get3A_615 = arith.constant 15 : i32
        %get3A_616 = arith.index_cast %get3A_615 : i32 to index
        %get3A_617 = arith.index_cast %mul3A_399 : i32 to index
        %get3A_618 = tpu.vector_load %arg9[%get3A_616, %get3A_617] {strides = array<i32>} : memref<64x384xf32, #tpu.memory_space<vmem>>, vector<16xf32>,
        %mul3A_619 = vector.broadcast %squeeze3A_175 : f32 to vector<16xf32>
        %mul3A_620 = arith.mulf %get3A_618, %mul3A_619 : vector<16xf32>
        %add3A_621 = arith.addf %add3A_607, %mul3A_620 : vector<16xf32>
        %get3A_622 = arith.constant 16 : i32
        %get3A_623 = arith.index_cast %get3A_622 : i32 to index
        %get3A_624 = arith.index_cast %mul3A_399 : i32 to index
        %get3A_625 = tpu.vector_load %arg8[%get3A_623, %get3A_624] {strides = array<i32>} : memref<64x384xf32, #tpu.memory_space<vmem>>, vector<16xf32>,
        %mul3A_626 = vector.broadcast %squeeze3A_49 : f32 to vector<16xf32>
        %mul3A_627 = arith.mulf %get3A_625, %mul3A_626 : vector<16xf32>
        %add3A_628 = arith.addf %add3A_614, %mul3A_627 : vector<16xf32>
        %get3A_629 = arith.constant 16 : i32
        %get3A_630 = arith.index_cast %get3A_629 : i32 to index
        %get3A_631 = arith.index_cast %mul3A_399 : i32 to index
        %get3A_632 = tpu.vector_load %arg9[%get3A_630, %get3A_631] {strides = array<i32>} : memref<64x384xf32, #tpu.memory_space<vmem>>, vector<16xf32>,
        %mul3A_633 = vector.broadcast %squeeze3A_177 : f32 to vector<16xf32>
        %mul3A_634 = arith.mulf %get3A_632, %mul3A_633 : vector<16xf32>
        %add3A_635 = arith.addf %add3A_621, %mul3A_634 : vector<16xf32>
        %get3A_636 = arith.constant 17 : i32
        %get3A_637 = arith.index_cast %get3A_636 : i32 to index
        %get3A_638 = arith.index_cast %mul3A_399 : i32 to index
        %get3A_639 = tpu.vector_load %arg8[%get3A_637, %get3A_638] {strides = array<i32>} : memref<64x384xf32, #tpu.memory_space<vmem>>, vector<16xf32>,
        %mul3A_640 = vector.broadcast %squeeze3A_51 : f32 to vector<16xf32>
        %mul3A_641 = arith.mulf %get3A_639, %mul3A_640 : vector<16xf32>
        %add3A_642 = arith.addf %add3A_628, %mul3A_641 : vector<16xf32>
        %get3A_643 = arith.constant 17 : i32
        %get3A_644 = arith.index_cast %get3A_643 : i32 to index
        %get3A_645 = arith.index_cast %mul3A_399 : i32 to index
        %get3A_646 = tpu.vector_load %arg9[%get3A_644, %get3A_645] {strides = array<i32>} : memref<64x384xf32, #tpu.memory_space<vmem>>, vector<16xf32>,
        %mul3A_647 = vector.broadcast %squeeze3A_179 : f32 to vector<16xf32>
        %mul3A_648 = arith.mulf %get3A_646, %mul3A_647 : vector<16xf32>
        %add3A_649 = arith.addf %add3A_635, %mul3A_648 : vector<16xf32>
        %get3A_650 = arith.constant 18 : i32
        %get3A_651 = arith.index_cast %get3A_650 : i32 to index
        %get3A_652 = arith.index_cast %mul3A_399 : i32 to index
        %get3A_653 = tpu.vector_load %arg8[%get3A_651, %get3A_652] {strides = array<i32>} : memref<64x384xf32, #tpu.memory_space<vmem>>, vector<16xf32>,
        %mul3A_654 = vector.broadcast %squeeze3A_53 : f32 to vector<16xf32>
        %mul3A_655 = arith.mulf %get3A_653, %mul3A_654 : vector<16xf32>
        %add3A_656 = arith.addf %add3A_642, %mul3A_655 : vector<16xf32>
        %get3A_657 = arith.constant 18 : i32
        %get3A_658 = arith.index_cast %get3A_657 : i32 to index
        %get3A_659 = arith.index_cast %mul3A_399 : i32 to index
        %get3A_660 = tpu.vector_load %arg9[%get3A_658, %get3A_659] {strides = array<i32>} : memref<64x384xf32, #tpu.memory_space<vmem>>, vector<16xf32>,
        %mul3A_661 = vector.broadcast %squeeze3A_181 : f32 to vector<16xf32>
        %mul3A_662 = arith.mulf %get3A_660, %mul3A_661 : vector<16xf32>
        %add3A_663 = arith.addf %add3A_649, %mul3A_662 : vector<16xf32>
        %get3A_664 = arith.constant 19 : i32
        %get3A_665 = arith.index_cast %get3A_664 : i32 to index
        %get3A_666 = arith.index_cast %mul3A_399 : i32 to index
        %get3A_667 = tpu.vector_load %arg8[%get3A_665, %get3A_666] {strides = array<i32>} : memref<64x384xf32, #tpu.memory_space<vmem>>, vector<16xf32>,
        %mul3A_668 = vector.broadcast %squeeze3A_55 : f32 to vector<16xf32>
        %mul3A_669 = arith.mulf %get3A_667, %mul3A_668 : vector<16xf32>
        %add3A_670 = arith.addf %add3A_656, %mul3A_669 : vector<16xf32>
        %get3A_671 = arith.constant 19 : i32
        %get3A_672 = arith.index_cast %get3A_671 : i32 to index
        %get3A_673 = arith.index_cast %mul3A_399 : i32 to index
        %get3A_674 = tpu.vector_load %arg9[%get3A_672, %get3A_673] {strides = array<i32>} : memref<64x384xf32, #tpu.memory_space<vmem>>, vector<16xf32>,
        %mul3A_675 = vector.broadcast %squeeze3A_183 : f32 to vector<16xf32>
        %mul3A_676 = arith.mulf %get3A_674, %mul3A_675 : vector<16xf32>
        %add3A_677 = arith.addf %add3A_663, %mul3A_676 : vector<16xf32>
        %get3A_678 = arith.constant 20 : i32
        %get3A_679 = arith.index_cast %get3A_678 : i32 to index
        %get3A_680 = arith.index_cast %mul3A_399 : i32 to index
        %get3A_681 = tpu.vector_load %arg8[%get3A_679, %get3A_680] {strides = array<i32>} : memref<64x384xf32, #tpu.memory_space<vmem>>, vector<16xf32>,
        %mul3A_682 = vector.broadcast %squeeze3A_57 : f32 to vector<16xf32>
        %mul3A_683 = arith.mulf %get3A_681, %mul3A_682 : vector<16xf32>
        %add3A_684 = arith.addf %add3A_670, %mul3A_683 : vector<16xf32>
        %get3A_685 = arith.constant 20 : i32
        %get3A_686 = arith.index_cast %get3A_685 : i32 to index
        %get3A_687 = arith.index_cast %mul3A_399 : i32 to index
        %get3A_688 = tpu.vector_load %arg9[%get3A_686, %get3A_687] {strides = array<i32>} : memref<64x384xf32, #tpu.memory_space<vmem>>, vector<16xf32>,
        %mul3A_689 = vector.broadcast %squeeze3A_185 : f32 to vector<16xf32>
        %mul3A_690 = arith.mulf %get3A_688, %mul3A_689 : vector<16xf32>
        %add3A_691 = arith.addf %add3A_677, %mul3A_690 : vector<16xf32>
        %get3A_692 = arith.constant 21 : i32
        %get3A_693 = arith.index_cast %get3A_692 : i32 to index
        %get3A_694 = arith.index_cast %mul3A_399 : i32 to index
        %get3A_695 = tpu.vector_load %arg8[%get3A_693, %get3A_694] {strides = array<i32>} : memref<64x384xf32, #tpu.memory_space<vmem>>, vector<16xf32>,
        %mul3A_696 = vector.broadcast %squeeze3A_59 : f32 to vector<16xf32>
        %mul3A_697 = arith.mulf %get3A_695, %mul3A_696 : vector<16xf32>
        %add3A_698 = arith.addf %add3A_684, %mul3A_697 : vector<16xf32>
        %get3A_699 = arith.constant 21 : i32
        %get3A_700 = arith.index_cast %get3A_699 : i32 to index
        %get3A_701 = arith.index_cast %mul3A_399 : i32 to index
        %get3A_702 = tpu.vector_load %arg9[%get3A_700, %get3A_701] {strides = array<i32>} : memref<64x384xf32, #tpu.memory_space<vmem>>, vector<16xf32>,
        %mul3A_703 = vector.broadcast %squeeze3A_187 : f32 to vector<16xf32>
        %mul3A_704 = arith.mulf %get3A_702, %mul3A_703 : vector<16xf32>
        %add3A_705 = arith.addf %add3A_691, %mul3A_704 : vector<16xf32>
        %get3A_706 = arith.constant 22 : i32
        %get3A_707 = arith.index_cast %get3A_706 : i32 to index
        %get3A_708 = arith.index_cast %mul3A_399 : i32 to index
        %get3A_709 = tpu.vector_load %arg8[%get3A_707, %get3A_708] {strides = array<i32>} : memref<64x384xf32, #tpu.memory_space<vmem>>, vector<16xf32>,
        %mul3A_710 = vector.broadcast %squeeze3A_61 : f32 to vector<16xf32>
        %mul3A_711 = arith.mulf %get3A_709, %mul3A_710 : vector<16xf32>
        %add3A_712 = arith.addf %add3A_698, %mul3A_711 : vector<16xf32>
        %get3A_713 = arith.constant 22 : i32
        %get3A_714 = arith.index_cast %get3A_713 : i32 to index
        %get3A_715 = arith.index_cast %mul3A_399 : i32 to index
        %get3A_716 = tpu.vector_load %arg9[%get3A_714, %get3A_715] {strides = array<i32>} : memref<64x384xf32, #tpu.memory_space<vmem>>, vector<16xf32>,
        %mul3A_717 = vector.broadcast %squeeze3A_189 : f32 to vector<16xf32>
        %mul3A_718 = arith.mulf %get3A_716, %mul3A_717 : vector<16xf32>
        %add3A_719 = arith.addf %add3A_705, %mul3A_718 : vector<16xf32>
        %get3A_720 = arith.constant 23 : i32
        %get3A_721 = arith.index_cast %get3A_720 : i32 to index
        %get3A_722 = arith.index_cast %mul3A_399 : i32 to index
        %get3A_723 = tpu.vector_load %arg8[%get3A_721, %get3A_722] {strides = array<i32>} : memref<64x384xf32, #tpu.memory_space<vmem>>, vector<16xf32>,
        %mul3A_724 = vector.broadcast %squeeze3A_63 : f32 to vector<16xf32>
        %mul3A_725 = arith.mulf %get3A_723, %mul3A_724 : vector<16xf32>
        %add3A_726 = arith.addf %add3A_712, %mul3A_725 : vector<16xf32>
        %get3A_727 = arith.constant 23 : i32
        %get3A_728 = arith.index_cast %get3A_727 : i32 to index
        %get3A_729 = arith.index_cast %mul3A_399 : i32 to index
        %get3A_730 = tpu.vector_load %arg9[%get3A_728, %get3A_729] {strides = array<i32>} : memref<64x384xf32, #tpu.memory_space<vmem>>, vector<16xf32>,
        %mul3A_731 = vector.broadcast %squeeze3A_191 : f32 to vector<16xf32>
        %mul3A_732 = arith.mulf %get3A_730, %mul3A_731 : vector<16xf32>
        %add3A_733 = arith.addf %add3A_719, %mul3A_732 : vector<16xf32>
        %get3A_734 = arith.constant 24 : i32
        %get3A_735 = arith.index_cast %get3A_734 : i32 to index
        %get3A_736 = arith.index_cast %mul3A_399 : i32 to index
        %get3A_737 = tpu.vector_load %arg8[%get3A_735, %get3A_736] {strides = array<i32>} : memref<64x384xf32, #tpu.memory_space<vmem>>, vector<16xf32>,
        %mul3A_738 = vector.broadcast %squeeze3A_65 : f32 to vector<16xf32>
        %mul3A_739 = arith.mulf %get3A_737, %mul3A_738 : vector<16xf32>
        %add3A_740 = arith.addf %add3A_726, %mul3A_739 : vector<16xf32>
        %get3A_741 = arith.constant 24 : i32
        %get3A_742 = arith.index_cast %get3A_741 : i32 to index
        %get3A_743 = arith.index_cast %mul3A_399 : i32 to index
        %get3A_744 = tpu.vector_load %arg9[%get3A_742, %get3A_743] {strides = array<i32>} : memref<64x384xf32, #tpu.memory_space<vmem>>, vector<16xf32>,
        %mul3A_745 = vector.broadcast %squeeze3A_193 : f32 to vector<16xf32>
        %mul3A_746 = arith.mulf %get3A_744, %mul3A_745 : vector<16xf32>
        %add3A_747 = arith.addf %add3A_733, %mul3A_746 : vector<16xf32>
        %get3A_748 = arith.constant 25 : i32
        %get3A_749 = arith.index_cast %get3A_748 : i32 to index
        %get3A_750 = arith.index_cast %mul3A_399 : i32 to index
        %get3A_751 = tpu.vector_load %arg8[%get3A_749, %get3A_750] {strides = array<i32>} : memref<64x384xf32, #tpu.memory_space<vmem>>, vector<16xf32>,
        %mul3A_752 = vector.broadcast %squeeze3A_67 : f32 to vector<16xf32>
        %mul3A_753 = arith.mulf %get3A_751, %mul3A_752 : vector<16xf32>
        %add3A_754 = arith.addf %add3A_740, %mul3A_753 : vector<16xf32>
        %get3A_755 = arith.constant 25 : i32
        %get3A_756 = arith.index_cast %get3A_755 : i32 to index
        %get3A_757 = arith.index_cast %mul3A_399 : i32 to index
        %get3A_758 = tpu.vector_load %arg9[%get3A_756, %get3A_757] {strides = array<i32>} : memref<64x384xf32, #tpu.memory_space<vmem>>, vector<16xf32>,
        %mul3A_759 = vector.broadcast %squeeze3A_195 : f32 to vector<16xf32>
        %mul3A_760 = arith.mulf %get3A_758, %mul3A_759 : vector<16xf32>
        %add3A_761 = arith.addf %add3A_747, %mul3A_760 : vector<16xf32>
        %get3A_762 = arith.constant 26 : i32
        %get3A_763 = arith.index_cast %get3A_762 : i32 to index
        %get3A_764 = arith.index_cast %mul3A_399 : i32 to index
        %get3A_765 = tpu.vector_load %arg8[%get3A_763, %get3A_764] {strides = array<i32>} : memref<64x384xf32, #tpu.memory_space<vmem>>, vector<16xf32>,
        %mul3A_766 = vector.broadcast %squeeze3A_69 : f32 to vector<16xf32>
        %mul3A_767 = arith.mulf %get3A_765, %mul3A_766 : vector<16xf32>
        %add3A_768 = arith.addf %add3A_754, %mul3A_767 : vector<16xf32>
        %get3A_769 = arith.constant 26 : i32
        %get3A_770 = arith.index_cast %get3A_769 : i32 to index
        %get3A_771 = arith.index_cast %mul3A_399 : i32 to index
        %get3A_772 = tpu.vector_load %arg9[%get3A_770, %get3A_771] {strides = array<i32>} : memref<64x384xf32, #tpu.memory_space<vmem>>, vector<16xf32>,
        %mul3A_773 = vector.broadcast %squeeze3A_197 : f32 to vector<16xf32>
        %mul3A_774 = arith.mulf %get3A_772, %mul3A_773 : vector<16xf32>
        %add3A_775 = arith.addf %add3A_761, %mul3A_774 : vector<16xf32>
        %get3A_776 = arith.constant 27 : i32
        %get3A_777 = arith.index_cast %get3A_776 : i32 to index
        %get3A_778 = arith.index_cast %mul3A_399 : i32 to index
        %get3A_779 = tpu.vector_load %arg8[%get3A_777, %get3A_778] {strides = array<i32>} : memref<64x384xf32, #tpu.memory_space<vmem>>, vector<16xf32>,
        %mul3A_780 = vector.broadcast %squeeze3A_71 : f32 to vector<16xf32>
        %mul3A_781 = arith.mulf %get3A_779, %mul3A_780 : vector<16xf32>
        %add3A_782 = arith.addf %add3A_768, %mul3A_781 : vector<16xf32>
        %get3A_783 = arith.constant 27 : i32
        %get3A_784 = arith.index_cast %get3A_783 : i32 to index
        %get3A_785 = arith.index_cast %mul3A_399 : i32 to index
        %get3A_786 = tpu.vector_load %arg9[%get3A_784, %get3A_785] {strides = array<i32>} : memref<64x384xf32, #tpu.memory_space<vmem>>, vector<16xf32>,
        %mul3A_787 = vector.broadcast %squeeze3A_199 : f32 to vector<16xf32>
        %mul3A_788 = arith.mulf %get3A_786, %mul3A_787 : vector<16xf32>
        %add3A_789 = arith.addf %add3A_775, %mul3A_788 : vector<16xf32>
        %get3A_790 = arith.constant 28 : i32
        %get3A_791 = arith.index_cast %get3A_790 : i32 to index
        %get3A_792 = arith.index_cast %mul3A_399 : i32 to index
        %get3A_793 = tpu.vector_load %arg8[%get3A_791, %get3A_792] {strides = array<i32>} : memref<64x384xf32, #tpu.memory_space<vmem>>, vector<16xf32>,
        %mul3A_794 = vector.broadcast %squeeze3A_73 : f32 to vector<16xf32>
        %mul3A_795 = arith.mulf %get3A_793, %mul3A_794 : vector<16xf32>
        %add3A_796 = arith.addf %add3A_782, %mul3A_795 : vector<16xf32>
        %get3A_797 = arith.constant 28 : i32
        %get3A_798 = arith.index_cast %get3A_797 : i32 to index
        %get3A_799 = arith.index_cast %mul3A_399 : i32 to index
        %get3A_800 = tpu.vector_load %arg9[%get3A_798, %get3A_799] {strides = array<i32>} : memref<64x384xf32, #tpu.memory_space<vmem>>, vector<16xf32>,
        %mul3A_801 = vector.broadcast %squeeze3A_201 : f32 to vector<16xf32>
        %mul3A_802 = arith.mulf %get3A_800, %mul3A_801 : vector<16xf32>
        %add3A_803 = arith.addf %add3A_789, %mul3A_802 : vector<16xf32>
        %get3A_804 = arith.constant 29 : i32
        %get3A_805 = arith.index_cast %get3A_804 : i32 to index
        %get3A_806 = arith.index_cast %mul3A_399 : i32 to index
        %get3A_807 = tpu.vector_load %arg8[%get3A_805, %get3A_806] {strides = array<i32>} : memref<64x384xf32, #tpu.memory_space<vmem>>, vector<16xf32>,
        %mul3A_808 = vector.broadcast %squeeze3A_75 : f32 to vector<16xf32>
        %mul3A_809 = arith.mulf %get3A_807, %mul3A_808 : vector<16xf32>
        %add3A_810 = arith.addf %add3A_796, %mul3A_809 : vector<16xf32>
        %get3A_811 = arith.constant 29 : i32
        %get3A_812 = arith.index_cast %get3A_811 : i32 to index
        %get3A_813 = arith.index_cast %mul3A_399 : i32 to index
        %get3A_814 = tpu.vector_load %arg9[%get3A_812, %get3A_813] {strides = array<i32>} : memref<64x384xf32, #tpu.memory_space<vmem>>, vector<16xf32>,
        %mul3A_815 = vector.broadcast %squeeze3A_203 : f32 to vector<16xf32>
        %mul3A_816 = arith.mulf %get3A_814, %mul3A_815 : vector<16xf32>
        %add3A_817 = arith.addf %add3A_803, %mul3A_816 : vector<16xf32>
        %get3A_818 = arith.constant 30 : i32
        %get3A_819 = arith.index_cast %get3A_818 : i32 to index
        %get3A_820 = arith.index_cast %mul3A_399 : i32 to index
        %get3A_821 = tpu.vector_load %arg8[%get3A_819, %get3A_820] {strides = array<i32>} : memref<64x384xf32, #tpu.memory_space<vmem>>, vector<16xf32>,
        %mul3A_822 = vector.broadcast %squeeze3A_77 : f32 to vector<16xf32>
        %mul3A_823 = arith.mulf %get3A_821, %mul3A_822 : vector<16xf32>
        %add3A_824 = arith.addf %add3A_810, %mul3A_823 : vector<16xf32>
        %get3A_825 = arith.constant 30 : i32
        %get3A_826 = arith.index_cast %get3A_825 : i32 to index
        %get3A_827 = arith.index_cast %mul3A_399 : i32 to index
        %get3A_828 = tpu.vector_load %arg9[%get3A_826, %get3A_827] {strides = array<i32>} : memref<64x384xf32, #tpu.memory_space<vmem>>, vector<16xf32>,
        %mul3A_829 = vector.broadcast %squeeze3A_205 : f32 to vector<16xf32>
        %mul3A_830 = arith.mulf %get3A_828, %mul3A_829 : vector<16xf32>
        %add3A_831 = arith.addf %add3A_817, %mul3A_830 : vector<16xf32>
        %get3A_832 = arith.constant 31 : i32
        %get3A_833 = arith.index_cast %get3A_832 : i32 to index
        %get3A_834 = arith.index_cast %mul3A_399 : i32 to index
        %get3A_835 = tpu.vector_load %arg8[%get3A_833, %get3A_834] {strides = array<i32>} : memref<64x384xf32, #tpu.memory_space<vmem>>, vector<16xf32>,
        %mul3A_836 = vector.broadcast %squeeze3A_79 : f32 to vector<16xf32>
        %mul3A_837 = arith.mulf %get3A_835, %mul3A_836 : vector<16xf32>
        %add3A_838 = arith.addf %add3A_824, %mul3A_837 : vector<16xf32>
        %get3A_839 = arith.constant 31 : i32
        %get3A_840 = arith.index_cast %get3A_839 : i32 to index
        %get3A_841 = arith.index_cast %mul3A_399 : i32 to index
        %get3A_842 = tpu.vector_load %arg9[%get3A_840, %get3A_841] {strides = array<i32>} : memref<64x384xf32, #tpu.memory_space<vmem>>, vector<16xf32>,
        %mul3A_843 = vector.broadcast %squeeze3A_207 : f32 to vector<16xf32>
        %mul3A_844 = arith.mulf %get3A_842, %mul3A_843 : vector<16xf32>
        %add3A_845 = arith.addf %add3A_831, %mul3A_844 : vector<16xf32>
        %get3A_846 = arith.constant 32 : i32
        %get3A_847 = arith.index_cast %get3A_846 : i32 to index
        %get3A_848 = arith.index_cast %mul3A_399 : i32 to index
        %get3A_849 = tpu.vector_load %arg8[%get3A_847, %get3A_848] {strides = array<i32>} : memref<64x384xf32, #tpu.memory_space<vmem>>, vector<16xf32>,
        %mul3A_850 = vector.broadcast %squeeze3A_81 : f32 to vector<16xf32>
        %mul3A_851 = arith.mulf %get3A_849, %mul3A_850 : vector<16xf32>
        %add3A_852 = arith.addf %add3A_838, %mul3A_851 : vector<16xf32>
        %get3A_853 = arith.constant 32 : i32
        %get3A_854 = arith.index_cast %get3A_853 : i32 to index
        %get3A_855 = arith.index_cast %mul3A_399 : i32 to index
        %get3A_856 = tpu.vector_load %arg9[%get3A_854, %get3A_855] {strides = array<i32>} : memref<64x384xf32, #tpu.memory_space<vmem>>, vector<16xf32>,
        %mul3A_857 = vector.broadcast %squeeze3A_209 : f32 to vector<16xf32>
        %mul3A_858 = arith.mulf %get3A_856, %mul3A_857 : vector<16xf32>
        %add3A_859 = arith.addf %add3A_845, %mul3A_858 : vector<16xf32>
        %get3A_860 = arith.constant 33 : i32
        %get3A_861 = arith.index_cast %get3A_860 : i32 to index
        %get3A_862 = arith.index_cast %mul3A_399 : i32 to index
        %get3A_863 = tpu.vector_load %arg8[%get3A_861, %get3A_862] {strides = array<i32>} : memref<64x384xf32, #tpu.memory_space<vmem>>, vector<16xf32>,
        %mul3A_864 = vector.broadcast %squeeze3A_83 : f32 to vector<16xf32>
        %mul3A_865 = arith.mulf %get3A_863, %mul3A_864 : vector<16xf32>
        %add3A_866 = arith.addf %add3A_852, %mul3A_865 : vector<16xf32>
        %get3A_867 = arith.constant 33 : i32
        %get3A_868 = arith.index_cast %get3A_867 : i32 to index
        %get3A_869 = arith.index_cast %mul3A_399 : i32 to index
        %get3A_870 = tpu.vector_load %arg9[%get3A_868, %get3A_869] {strides = array<i32>} : memref<64x384xf32, #tpu.memory_space<vmem>>, vector<16xf32>,
        %mul3A_871 = vector.broadcast %squeeze3A_211 : f32 to vector<16xf32>
        %mul3A_872 = arith.mulf %get3A_870, %mul3A_871 : vector<16xf32>
        %add3A_873 = arith.addf %add3A_859, %mul3A_872 : vector<16xf32>
        %get3A_874 = arith.constant 34 : i32
        %get3A_875 = arith.index_cast %get3A_874 : i32 to index
        %get3A_876 = arith.index_cast %mul3A_399 : i32 to index
        %get3A_877 = tpu.vector_load %arg8[%get3A_875, %get3A_876] {strides = array<i32>} : memref<64x384xf32, #tpu.memory_space<vmem>>, vector<16xf32>,
        %mul3A_878 = vector.broadcast %squeeze3A_85 : f32 to vector<16xf32>
        %mul3A_879 = arith.mulf %get3A_877, %mul3A_878 : vector<16xf32>
        %add3A_880 = arith.addf %add3A_866, %mul3A_879 : vector<16xf32>
        %get3A_881 = arith.constant 34 : i32
        %get3A_882 = arith.index_cast %get3A_881 : i32 to index
        %get3A_883 = arith.index_cast %mul3A_399 : i32 to index
        %get3A_884 = tpu.vector_load %arg9[%get3A_882, %get3A_883] {strides = array<i32>} : memref<64x384xf32, #tpu.memory_space<vmem>>, vector<16xf32>,
        %mul3A_885 = vector.broadcast %squeeze3A_213 : f32 to vector<16xf32>
        %mul3A_886 = arith.mulf %get3A_884, %mul3A_885 : vector<16xf32>
        %add3A_887 = arith.addf %add3A_873, %mul3A_886 : vector<16xf32>
        %get3A_888 = arith.constant 35 : i32
        %get3A_889 = arith.index_cast %get3A_888 : i32 to index
        %get3A_890 = arith.index_cast %mul3A_399 : i32 to index
        %get3A_891 = tpu.vector_load %arg8[%get3A_889, %get3A_890] {strides = array<i32>} : memref<64x384xf32, #tpu.memory_space<vmem>>, vector<16xf32>,
        %mul3A_892 = vector.broadcast %squeeze3A_87 : f32 to vector<16xf32>
        %mul3A_893 = arith.mulf %get3A_891, %mul3A_892 : vector<16xf32>
        %add3A_894 = arith.addf %add3A_880, %mul3A_893 : vector<16xf32>
        %get3A_895 = arith.constant 35 : i32
        %get3A_896 = arith.index_cast %get3A_895 : i32 to index
        %get3A_897 = arith.index_cast %mul3A_399 : i32 to index
        %get3A_898 = tpu.vector_load %arg9[%get3A_896, %get3A_897] {strides = array<i32>} : memref<64x384xf32, #tpu.memory_space<vmem>>, vector<16xf32>,
        %mul3A_899 = vector.broadcast %squeeze3A_215 : f32 to vector<16xf32>
        %mul3A_900 = arith.mulf %get3A_898, %mul3A_899 : vector<16xf32>
        %add3A_901 = arith.addf %add3A_887, %mul3A_900 : vector<16xf32>
        %get3A_902 = arith.constant 36 : i32
        %get3A_903 = arith.index_cast %get3A_902 : i32 to index
        %get3A_904 = arith.index_cast %mul3A_399 : i32 to index
        %get3A_905 = tpu.vector_load %arg8[%get3A_903, %get3A_904] {strides = array<i32>} : memref<64x384xf32, #tpu.memory_space<vmem>>, vector<16xf32>,
        %mul3A_906 = vector.broadcast %squeeze3A_89 : f32 to vector<16xf32>
        %mul3A_907 = arith.mulf %get3A_905, %mul3A_906 : vector<16xf32>
        %add3A_908 = arith.addf %add3A_894, %mul3A_907 : vector<16xf32>
        %get3A_909 = arith.constant 36 : i32
        %get3A_910 = arith.index_cast %get3A_909 : i32 to index
        %get3A_911 = arith.index_cast %mul3A_399 : i32 to index
        %get3A_912 = tpu.vector_load %arg9[%get3A_910, %get3A_911] {strides = array<i32>} : memref<64x384xf32, #tpu.memory_space<vmem>>, vector<16xf32>,
        %mul3A_913 = vector.broadcast %squeeze3A_217 : f32 to vector<16xf32>
        %mul3A_914 = arith.mulf %get3A_912, %mul3A_913 : vector<16xf32>
        %add3A_915 = arith.addf %add3A_901, %mul3A_914 : vector<16xf32>
        %get3A_916 = arith.constant 37 : i32
        %get3A_917 = arith.index_cast %get3A_916 : i32 to index
        %get3A_918 = arith.index_cast %mul3A_399 : i32 to index
        %get3A_919 = tpu.vector_load %arg8[%get3A_917, %get3A_918] {strides = array<i32>} : memref<64x384xf32, #tpu.memory_space<vmem>>, vector<16xf32>,
        %mul3A_920 = vector.broadcast %squeeze3A_91 : f32 to vector<16xf32>
        %mul3A_921 = arith.mulf %get3A_919, %mul3A_920 : vector<16xf32>
        %add3A_922 = arith.addf %add3A_908, %mul3A_921 : vector<16xf32>
        %get3A_923 = arith.constant 37 : i32
        %get3A_924 = arith.index_cast %get3A_923 : i32 to index
        %get3A_925 = arith.index_cast %mul3A_399 : i32 to index
        %get3A_926 = tpu.vector_load %arg9[%get3A_924, %get3A_925] {strides = array<i32>} : memref<64x384xf32, #tpu.memory_space<vmem>>, vector<16xf32>,
        %mul3A_927 = vector.broadcast %squeeze3A_219 : f32 to vector<16xf32>
        %mul3A_928 = arith.mulf %get3A_926, %mul3A_927 : vector<16xf32>
        %add3A_929 = arith.addf %add3A_915, %mul3A_928 : vector<16xf32>
        %get3A_930 = arith.constant 38 : i32
        %get3A_931 = arith.index_cast %get3A_930 : i32 to index
        %get3A_932 = arith.index_cast %mul3A_399 : i32 to index
        %get3A_933 = tpu.vector_load %arg8[%get3A_931, %get3A_932] {strides = array<i32>} : memref<64x384xf32, #tpu.memory_space<vmem>>, vector<16xf32>,
        %mul3A_934 = vector.broadcast %squeeze3A_93 : f32 to vector<16xf32>
        %mul3A_935 = arith.mulf %get3A_933, %mul3A_934 : vector<16xf32>
        %add3A_936 = arith.addf %add3A_922, %mul3A_935 : vector<16xf32>
        %get3A_937 = arith.constant 38 : i32
        %get3A_938 = arith.index_cast %get3A_937 : i32 to index
        %get3A_939 = arith.index_cast %mul3A_399 : i32 to index
        %get3A_940 = tpu.vector_load %arg9[%get3A_938, %get3A_939] {strides = array<i32>} : memref<64x384xf32, #tpu.memory_space<vmem>>, vector<16xf32>,
        %mul3A_941 = vector.broadcast %squeeze3A_221 : f32 to vector<16xf32>
        %mul3A_942 = arith.mulf %get3A_940, %mul3A_941 : vector<16xf32>
        %add3A_943 = arith.addf %add3A_929, %mul3A_942 : vector<16xf32>
        %get3A_944 = arith.constant 39 : i32
        %get3A_945 = arith.index_cast %get3A_944 : i32 to index
        %get3A_946 = arith.index_cast %mul3A_399 : i32 to index
        %get3A_947 = tpu.vector_load %arg8[%get3A_945, %get3A_946] {strides = array<i32>} : memref<64x384xf32, #tpu.memory_space<vmem>>, vector<16xf32>,
        %mul3A_948 = vector.broadcast %squeeze3A_95 : f32 to vector<16xf32>
        %mul3A_949 = arith.mulf %get3A_947, %mul3A_948 : vector<16xf32>
        %add3A_950 = arith.addf %add3A_936, %mul3A_949 : vector<16xf32>
        %get3A_951 = arith.constant 39 : i32
        %get3A_952 = arith.index_cast %get3A_951 : i32 to index
        %get3A_953 = arith.index_cast %mul3A_399 : i32 to index
        %get3A_954 = tpu.vector_load %arg9[%get3A_952, %get3A_953] {strides = array<i32>} : memref<64x384xf32, #tpu.memory_space<vmem>>, vector<16xf32>,
        %mul3A_955 = vector.broadcast %squeeze3A_223 : f32 to vector<16xf32>
        %mul3A_956 = arith.mulf %get3A_954, %mul3A_955 : vector<16xf32>
        %add3A_957 = arith.addf %add3A_943, %mul3A_956 : vector<16xf32>
        %get3A_958 = arith.constant 40 : i32
        %get3A_959 = arith.index_cast %get3A_958 : i32 to index
        %get3A_960 = arith.index_cast %mul3A_399 : i32 to index
        %get3A_961 = tpu.vector_load %arg8[%get3A_959, %get3A_960] {strides = array<i32>} : memref<64x384xf32, #tpu.memory_space<vmem>>, vector<16xf32>,
        %mul3A_962 = vector.broadcast %squeeze3A_97 : f32 to vector<16xf32>
        %mul3A_963 = arith.mulf %get3A_961, %mul3A_962 : vector<16xf32>
        %add3A_964 = arith.addf %add3A_950, %mul3A_963 : vector<16xf32>
        %get3A_965 = arith.constant 40 : i32
        %get3A_966 = arith.index_cast %get3A_965 : i32 to index
        %get3A_967 = arith.index_cast %mul3A_399 : i32 to index
        %get3A_968 = tpu.vector_load %arg9[%get3A_966, %get3A_967] {strides = array<i32>} : memref<64x384xf32, #tpu.memory_space<vmem>>, vector<16xf32>,
        %mul3A_969 = vector.broadcast %squeeze3A_225 : f32 to vector<16xf32>
        %mul3A_970 = arith.mulf %get3A_968, %mul3A_969 : vector<16xf32>
        %add3A_971 = arith.addf %add3A_957, %mul3A_970 : vector<16xf32>
        %get3A_972 = arith.constant 41 : i32
        %get3A_973 = arith.index_cast %get3A_972 : i32 to index
        %get3A_974 = arith.index_cast %mul3A_399 : i32 to index
        %get3A_975 = tpu.vector_load %arg8[%get3A_973, %get3A_974] {strides = array<i32>} : memref<64x384xf32, #tpu.memory_space<vmem>>, vector<16xf32>,
        %mul3A_976 = vector.broadcast %squeeze3A_99 : f32 to vector<16xf32>
        %mul3A_977 = arith.mulf %get3A_975, %mul3A_976 : vector<16xf32>
        %add3A_978 = arith.addf %add3A_964, %mul3A_977 : vector<16xf32>
        %get3A_979 = arith.constant 41 : i32
        %get3A_980 = arith.index_cast %get3A_979 : i32 to index
        %get3A_981 = arith.index_cast %mul3A_399 : i32 to index
        %get3A_982 = tpu.vector_load %arg9[%get3A_980, %get3A_981] {strides = array<i32>} : memref<64x384xf32, #tpu.memory_space<vmem>>, vector<16xf32>,
        %mul3A_983 = vector.broadcast %squeeze3A_227 : f32 to vector<16xf32>
        %mul3A_984 = arith.mulf %get3A_982, %mul3A_983 : vector<16xf32>
        %add3A_985 = arith.addf %add3A_971, %mul3A_984 : vector<16xf32>
        %get3A_986 = arith.constant 42 : i32
        %get3A_987 = arith.index_cast %get3A_986 : i32 to index
        %get3A_988 = arith.index_cast %mul3A_399 : i32 to index
        %get3A_989 = tpu.vector_load %arg8[%get3A_987, %get3A_988] {strides = array<i32>} : memref<64x384xf32, #tpu.memory_space<vmem>>, vector<16xf32>,
        %mul3A_990 = vector.broadcast %squeeze3A_101 : f32 to vector<16xf32>
        %mul3A_991 = arith.mulf %get3A_989, %mul3A_990 : vector<16xf32>
        %add3A_992 = arith.addf %add3A_978, %mul3A_991 : vector<16xf32>
        %get3A_993 = arith.constant 42 : i32
        %get3A_994 = arith.index_cast %get3A_993 : i32 to index
        %get3A_995 = arith.index_cast %mul3A_399 : i32 to index
        %get3A_996 = tpu.vector_load %arg9[%get3A_994, %get3A_995] {strides = array<i32>} : memref<64x384xf32, #tpu.memory_space<vmem>>, vector<16xf32>,
        %mul3A_997 = vector.broadcast %squeeze3A_229 : f32 to vector<16xf32>
        %mul3A_998 = arith.mulf %get3A_996, %mul3A_997 : vector<16xf32>
        %add3A_999 = arith.addf %add3A_985, %mul3A_998 : vector<16xf32>
        %get3A_1000 = arith.constant 43 : i32
        %get3A_1001 = arith.index_cast %get3A_1000 : i32 to index
        %get3A_1002 = arith.index_cast %mul3A_399 : i32 to index
        %get3A_1003 = tpu.vector_load %arg8[%get3A_1001, %get3A_1002] {strides = array<i32>} : memref<64x384xf32, #tpu.memory_space<vmem>>, vector<16xf32>,
        %mul3A_1004 = vector.broadcast %squeeze3A_103 : f32 to vector<16xf32>
        %mul3A_1005 = arith.mulf %get3A_1003, %mul3A_1004 : vector<16xf32>
        %add3A_1006 = arith.addf %add3A_992, %mul3A_1005 : vector<16xf32>
        %get3A_1007 = arith.constant 43 : i32
        %get3A_1008 = arith.index_cast %get3A_1007 : i32 to index
        %get3A_1009 = arith.index_cast %mul3A_399 : i32 to index
        %get3A_1010 = tpu.vector_load %arg9[%get3A_1008, %get3A_1009] {strides = array<i32>} : memref<64x384xf32, #tpu.memory_space<vmem>>, vector<16xf32>,
        %mul3A_1011 = vector.broadcast %squeeze3A_231 : f32 to vector<16xf32>
        %mul3A_1012 = arith.mulf %get3A_1010, %mul3A_1011 : vector<16xf32>
        %add3A_1013 = arith.addf %add3A_999, %mul3A_1012 : vector<16xf32>
        %get3A_1014 = arith.constant 44 : i32
        %get3A_1015 = arith.index_cast %get3A_1014 : i32 to index
        %get3A_1016 = arith.index_cast %mul3A_399 : i32 to index
        %get3A_1017 = tpu.vector_load %arg8[%get3A_1015, %get3A_1016] {strides = array<i32>} : memref<64x384xf32, #tpu.memory_space<vmem>>, vector<16xf32>,
        %mul3A_1018 = vector.broadcast %squeeze3A_105 : f32 to vector<16xf32>
        %mul3A_1019 = arith.mulf %get3A_1017, %mul3A_1018 : vector<16xf32>
        %add3A_1020 = arith.addf %add3A_1006, %mul3A_1019 : vector<16xf32>
        %get3A_1021 = arith.constant 44 : i32
        %get3A_1022 = arith.index_cast %get3A_1021 : i32 to index
        %get3A_1023 = arith.index_cast %mul3A_399 : i32 to index
        %get3A_1024 = tpu.vector_load %arg9[%get3A_1022, %get3A_1023] {strides = array<i32>} : memref<64x384xf32, #tpu.memory_space<vmem>>, vector<16xf32>,
        %mul3A_1025 = vector.broadcast %squeeze3A_233 : f32 to vector<16xf32>
        %mul3A_1026 = arith.mulf %get3A_1024, %mul3A_1025 : vector<16xf32>
        %add3A_1027 = arith.addf %add3A_1013, %mul3A_1026 : vector<16xf32>
        %get3A_1028 = arith.constant 45 : i32
        %get3A_1029 = arith.index_cast %get3A_1028 : i32 to index
        %get3A_1030 = arith.index_cast %mul3A_399 : i32 to index
        %get3A_1031 = tpu.vector_load %arg8[%get3A_1029, %get3A_1030] {strides = array<i32>} : memref<64x384xf32, #tpu.memory_space<vmem>>, vector<16xf32>,
        %mul3A_1032 = vector.broadcast %squeeze3A_107 : f32 to vector<16xf32>
        %mul3A_1033 = arith.mulf %get3A_1031, %mul3A_1032 : vector<16xf32>
        %add3A_1034 = arith.addf %add3A_1020, %mul3A_1033 : vector<16xf32>
        %get3A_1035 = arith.constant 45 : i32
        %get3A_1036 = arith.index_cast %get3A_1035 : i32 to index
        %get3A_1037 = arith.index_cast %mul3A_399 : i32 to index
        %get3A_1038 = tpu.vector_load %arg9[%get3A_1036, %get3A_1037] {strides = array<i32>} : memref<64x384xf32, #tpu.memory_space<vmem>>, vector<16xf32>,
        %mul3A_1039 = vector.broadcast %squeeze3A_235 : f32 to vector<16xf32>
        %mul3A_1040 = arith.mulf %get3A_1038, %mul3A_1039 : vector<16xf32>
        %add3A_1041 = arith.addf %add3A_1027, %mul3A_1040 : vector<16xf32>
        %get3A_1042 = arith.constant 46 : i32
        %get3A_1043 = arith.index_cast %get3A_1042 : i32 to index
        %get3A_1044 = arith.index_cast %mul3A_399 : i32 to index
        %get3A_1045 = tpu.vector_load %arg8[%get3A_1043, %get3A_1044] {strides = array<i32>} : memref<64x384xf32, #tpu.memory_space<vmem>>, vector<16xf32>,
        %mul3A_1046 = vector.broadcast %squeeze3A_109 : f32 to vector<16xf32>
        %mul3A_1047 = arith.mulf %get3A_1045, %mul3A_1046 : vector<16xf32>
        %add3A_1048 = arith.addf %add3A_1034, %mul3A_1047 : vector<16xf32>
        %get3A_1049 = arith.constant 46 : i32
        %get3A_1050 = arith.index_cast %get3A_1049 : i32 to index
        %get3A_1051 = arith.index_cast %mul3A_399 : i32 to index
        %get3A_1052 = tpu.vector_load %arg9[%get3A_1050, %get3A_1051] {strides = array<i32>} : memref<64x384xf32, #tpu.memory_space<vmem>>, vector<16xf32>,
        %mul3A_1053 = vector.broadcast %squeeze3A_237 : f32 to vector<16xf32>
        %mul3A_1054 = arith.mulf %get3A_1052, %mul3A_1053 : vector<16xf32>
        %add3A_1055 = arith.addf %add3A_1041, %mul3A_1054 : vector<16xf32>
        %get3A_1056 = arith.constant 47 : i32
        %get3A_1057 = arith.index_cast %get3A_1056 : i32 to index
        %get3A_1058 = arith.index_cast %mul3A_399 : i32 to index
        %get3A_1059 = tpu.vector_load %arg8[%get3A_1057, %get3A_1058] {strides = array<i32>} : memref<64x384xf32, #tpu.memory_space<vmem>>, vector<16xf32>,
        %mul3A_1060 = vector.broadcast %squeeze3A_111 : f32 to vector<16xf32>
        %mul3A_1061 = arith.mulf %get3A_1059, %mul3A_1060 : vector<16xf32>
        %add3A_1062 = arith.addf %add3A_1048, %mul3A_1061 : vector<16xf32>
        %get3A_1063 = arith.constant 47 : i32
        %get3A_1064 = arith.index_cast %get3A_1063 : i32 to index
        %get3A_1065 = arith.index_cast %mul3A_399 : i32 to index
        %get3A_1066 = tpu.vector_load %arg9[%get3A_1064, %get3A_1065] {strides = array<i32>} : memref<64x384xf32, #tpu.memory_space<vmem>>, vector<16xf32>,
        %mul3A_1067 = vector.broadcast %squeeze3A_239 : f32 to vector<16xf32>
        %mul3A_1068 = arith.mulf %get3A_1066, %mul3A_1067 : vector<16xf32>
        %add3A_1069 = arith.addf %add3A_1055, %mul3A_1068 : vector<16xf32>
        %get3A_1070 = arith.constant 48 : i32
        %get3A_1071 = arith.index_cast %get3A_1070 : i32 to index
        %get3A_1072 = arith.index_cast %mul3A_399 : i32 to index
        %get3A_1073 = tpu.vector_load %arg8[%get3A_1071, %get3A_1072] {strides = array<i32>} : memref<64x384xf32, #tpu.memory_space<vmem>>, vector<16xf32>,
        %mul3A_1074 = vector.broadcast %squeeze3A_113 : f32 to vector<16xf32>
        %mul3A_1075 = arith.mulf %get3A_1073, %mul3A_1074 : vector<16xf32>
        %add3A_1076 = arith.addf %add3A_1062, %mul3A_1075 : vector<16xf32>
        %get3A_1077 = arith.constant 48 : i32
        %get3A_1078 = arith.index_cast %get3A_1077 : i32 to index
        %get3A_1079 = arith.index_cast %mul3A_399 : i32 to index
        %get3A_1080 = tpu.vector_load %arg9[%get3A_1078, %get3A_1079] {strides = array<i32>} : memref<64x384xf32, #tpu.memory_space<vmem>>, vector<16xf32>,
        %mul3A_1081 = vector.broadcast %squeeze3A_241 : f32 to vector<16xf32>
        %mul3A_1082 = arith.mulf %get3A_1080, %mul3A_1081 : vector<16xf32>
        %add3A_1083 = arith.addf %add3A_1069, %mul3A_1082 : vector<16xf32>
        %get3A_1084 = arith.constant 49 : i32
        %get3A_1085 = arith.index_cast %get3A_1084 : i32 to index
        %get3A_1086 = arith.index_cast %mul3A_399 : i32 to index
        %get3A_1087 = tpu.vector_load %arg8[%get3A_1085, %get3A_1086] {strides = array<i32>} : memref<64x384xf32, #tpu.memory_space<vmem>>, vector<16xf32>,
        %mul3A_1088 = vector.broadcast %squeeze3A_115 : f32 to vector<16xf32>
        %mul3A_1089 = arith.mulf %get3A_1087, %mul3A_1088 : vector<16xf32>
        %add3A_1090 = arith.addf %add3A_1076, %mul3A_1089 : vector<16xf32>
        %get3A_1091 = arith.constant 49 : i32
        %get3A_1092 = arith.index_cast %get3A_1091 : i32 to index
        %get3A_1093 = arith.index_cast %mul3A_399 : i32 to index
        %get3A_1094 = tpu.vector_load %arg9[%get3A_1092, %get3A_1093] {strides = array<i32>} : memref<64x384xf32, #tpu.memory_space<vmem>>, vector<16xf32>,
        %mul3A_1095 = vector.broadcast %squeeze3A_243 : f32 to vector<16xf32>
        %mul3A_1096 = arith.mulf %get3A_1094, %mul3A_1095 : vector<16xf32>
        %add3A_1097 = arith.addf %add3A_1083, %mul3A_1096 : vector<16xf32>
        %get3A_1098 = arith.constant 50 : i32
        %get3A_1099 = arith.index_cast %get3A_1098 : i32 to index
        %get3A_1100 = arith.index_cast %mul3A_399 : i32 to index
        %get3A_1101 = tpu.vector_load %arg8[%get3A_1099, %get3A_1100] {strides = array<i32>} : memref<64x384xf32, #tpu.memory_space<vmem>>, vector<16xf32>,
        %mul3A_1102 = vector.broadcast %squeeze3A_117 : f32 to vector<16xf32>
        %mul3A_1103 = arith.mulf %get3A_1101, %mul3A_1102 : vector<16xf32>
        %add3A_1104 = arith.addf %add3A_1090, %mul3A_1103 : vector<16xf32>
        %get3A_1105 = arith.constant 50 : i32
        %get3A_1106 = arith.index_cast %get3A_1105 : i32 to index
        %get3A_1107 = arith.index_cast %mul3A_399 : i32 to index
        %get3A_1108 = tpu.vector_load %arg9[%get3A_1106, %get3A_1107] {strides = array<i32>} : memref<64x384xf32, #tpu.memory_space<vmem>>, vector<16xf32>,
        %mul3A_1109 = vector.broadcast %squeeze3A_245 : f32 to vector<16xf32>
        %mul3A_1110 = arith.mulf %get3A_1108, %mul3A_1109 : vector<16xf32>
        %add3A_1111 = arith.addf %add3A_1097, %mul3A_1110 : vector<16xf32>
        %get3A_1112 = arith.constant 51 : i32
        %get3A_1113 = arith.index_cast %get3A_1112 : i32 to index
        %get3A_1114 = arith.index_cast %mul3A_399 : i32 to index
        %get3A_1115 = tpu.vector_load %arg8[%get3A_1113, %get3A_1114] {strides = array<i32>} : memref<64x384xf32, #tpu.memory_space<vmem>>, vector<16xf32>,
        %mul3A_1116 = vector.broadcast %squeeze3A_119 : f32 to vector<16xf32>
        %mul3A_1117 = arith.mulf %get3A_1115, %mul3A_1116 : vector<16xf32>
        %add3A_1118 = arith.addf %add3A_1104, %mul3A_1117 : vector<16xf32>
        %get3A_1119 = arith.constant 51 : i32
        %get3A_1120 = arith.index_cast %get3A_1119 : i32 to index
        %get3A_1121 = arith.index_cast %mul3A_399 : i32 to index
        %get3A_1122 = tpu.vector_load %arg9[%get3A_1120, %get3A_1121] {strides = array<i32>} : memref<64x384xf32, #tpu.memory_space<vmem>>, vector<16xf32>,
        %mul3A_1123 = vector.broadcast %squeeze3A_247 : f32 to vector<16xf32>
        %mul3A_1124 = arith.mulf %get3A_1122, %mul3A_1123 : vector<16xf32>
        %add3A_1125 = arith.addf %add3A_1111, %mul3A_1124 : vector<16xf32>
        %get3A_1126 = arith.constant 52 : i32
        %get3A_1127 = arith.index_cast %get3A_1126 : i32 to index
        %get3A_1128 = arith.index_cast %mul3A_399 : i32 to index
        %get3A_1129 = tpu.vector_load %arg8[%get3A_1127, %get3A_1128] {strides = array<i32>} : memref<64x384xf32, #tpu.memory_space<vmem>>, vector<16xf32>,
        %mul3A_1130 = vector.broadcast %squeeze3A_121 : f32 to vector<16xf32>
        %mul3A_1131 = arith.mulf %get3A_1129, %mul3A_1130 : vector<16xf32>
        %add3A_1132 = arith.addf %add3A_1118, %mul3A_1131 : vector<16xf32>
        %get3A_1133 = arith.constant 52 : i32
        %get3A_1134 = arith.index_cast %get3A_1133 : i32 to index
        %get3A_1135 = arith.index_cast %mul3A_399 : i32 to index
        %get3A_1136 = tpu.vector_load %arg9[%get3A_1134, %get3A_1135] {strides = array<i32>} : memref<64x384xf32, #tpu.memory_space<vmem>>, vector<16xf32>,
        %mul3A_1137 = vector.broadcast %squeeze3A_249 : f32 to vector<16xf32>
        %mul3A_1138 = arith.mulf %get3A_1136, %mul3A_1137 : vector<16xf32>
        %add3A_1139 = arith.addf %add3A_1125, %mul3A_1138 : vector<16xf32>
        %get3A_1140 = arith.constant 53 : i32
        %get3A_1141 = arith.index_cast %get3A_1140 : i32 to index
        %get3A_1142 = arith.index_cast %mul3A_399 : i32 to index
        %get3A_1143 = tpu.vector_load %arg8[%get3A_1141, %get3A_1142] {strides = array<i32>} : memref<64x384xf32, #tpu.memory_space<vmem>>, vector<16xf32>,
        %mul3A_1144 = vector.broadcast %squeeze3A_123 : f32 to vector<16xf32>
        %mul3A_1145 = arith.mulf %get3A_1143, %mul3A_1144 : vector<16xf32>
        %add3A_1146 = arith.addf %add3A_1132, %mul3A_1145 : vector<16xf32>
        %get3A_1147 = arith.constant 53 : i32
        %get3A_1148 = arith.index_cast %get3A_1147 : i32 to index
        %get3A_1149 = arith.index_cast %mul3A_399 : i32 to index
        %get3A_1150 = tpu.vector_load %arg9[%get3A_1148, %get3A_1149] {strides = array<i32>} : memref<64x384xf32, #tpu.memory_space<vmem>>, vector<16xf32>,
        %mul3A_1151 = vector.broadcast %squeeze3A_251 : f32 to vector<16xf32>
        %mul3A_1152 = arith.mulf %get3A_1150, %mul3A_1151 : vector<16xf32>
        %add3A_1153 = arith.addf %add3A_1139, %mul3A_1152 : vector<16xf32>
        %get3A_1154 = arith.constant 54 : i32
        %get3A_1155 = arith.index_cast %get3A_1154 : i32 to index
        %get3A_1156 = arith.index_cast %mul3A_399 : i32 to index
        %get3A_1157 = tpu.vector_load %arg8[%get3A_1155, %get3A_1156] {strides = array<i32>} : memref<64x384xf32, #tpu.memory_space<vmem>>, vector<16xf32>,
        %mul3A_1158 = vector.broadcast %squeeze3A_125 : f32 to vector<16xf32>
        %mul3A_1159 = arith.mulf %get3A_1157, %mul3A_1158 : vector<16xf32>
        %add3A_1160 = arith.addf %add3A_1146, %mul3A_1159 : vector<16xf32>
        %get3A_1161 = arith.constant 54 : i32
        %get3A_1162 = arith.index_cast %get3A_1161 : i32 to index
        %get3A_1163 = arith.index_cast %mul3A_399 : i32 to index
        %get3A_1164 = tpu.vector_load %arg9[%get3A_1162, %get3A_1163] {strides = array<i32>} : memref<64x384xf32, #tpu.memory_space<vmem>>, vector<16xf32>,
        %mul3A_1165 = vector.broadcast %squeeze3A_253 : f32 to vector<16xf32>
        %mul3A_1166 = arith.mulf %get3A_1164, %mul3A_1165 : vector<16xf32>
        %add3A_1167 = arith.addf %add3A_1153, %mul3A_1166 : vector<16xf32>
        %get3A_1168 = arith.constant 55 : i32
        %get3A_1169 = arith.index_cast %get3A_1168 : i32 to index
        %get3A_1170 = arith.index_cast %mul3A_399 : i32 to index
        %get3A_1171 = tpu.vector_load %arg8[%get3A_1169, %get3A_1170] {strides = array<i32>} : memref<64x384xf32, #tpu.memory_space<vmem>>, vector<16xf32>,
        %mul3A_1172 = vector.broadcast %squeeze3A_127 : f32 to vector<16xf32>
        %mul3A_1173 = arith.mulf %get3A_1171, %mul3A_1172 : vector<16xf32>
        %add3A_1174 = arith.addf %add3A_1160, %mul3A_1173 : vector<16xf32>
        %get3A_1175 = arith.constant 55 : i32
        %get3A_1176 = arith.index_cast %get3A_1175 : i32 to index
        %get3A_1177 = arith.index_cast %mul3A_399 : i32 to index
        %get3A_1178 = tpu.vector_load %arg9[%get3A_1176, %get3A_1177] {strides = array<i32>} : memref<64x384xf32, #tpu.memory_space<vmem>>, vector<16xf32>,
        %mul3A_1179 = vector.broadcast %squeeze3A_255 : f32 to vector<16xf32>
        %mul3A_1180 = arith.mulf %get3A_1178, %mul3A_1179 : vector<16xf32>
        %add3A_1181 = arith.addf %add3A_1167, %mul3A_1180 : vector<16xf32>
        %get3A_1182 = arith.constant 56 : i32
        %get3A_1183 = arith.index_cast %get3A_1182 : i32 to index
        %get3A_1184 = arith.index_cast %mul3A_399 : i32 to index
        %get3A_1185 = tpu.vector_load %arg8[%get3A_1183, %get3A_1184] {strides = array<i32>} : memref<64x384xf32, #tpu.memory_space<vmem>>, vector<16xf32>,
        %mul3A_1186 = vector.broadcast %squeeze3A_129 : f32 to vector<16xf32>
        %mul3A_1187 = arith.mulf %get3A_1185, %mul3A_1186 : vector<16xf32>
        %add3A_1188 = arith.addf %add3A_1174, %mul3A_1187 : vector<16xf32>
        %get3A_1189 = arith.constant 56 : i32
        %get3A_1190 = arith.index_cast %get3A_1189 : i32 to index
        %get3A_1191 = arith.index_cast %mul3A_399 : i32 to index
        %get3A_1192 = tpu.vector_load %arg9[%get3A_1190, %get3A_1191] {strides = array<i32>} : memref<64x384xf32, #tpu.memory_space<vmem>>, vector<16xf32>,
        %mul3A_1193 = vector.broadcast %squeeze3A_257 : f32 to vector<16xf32>
        %mul3A_1194 = arith.mulf %get3A_1192, %mul3A_1193 : vector<16xf32>
        %add3A_1195 = arith.addf %add3A_1181, %mul3A_1194 : vector<16xf32>
        %get3A_1196 = arith.constant 57 : i32
        %get3A_1197 = arith.index_cast %get3A_1196 : i32 to index
        %get3A_1198 = arith.index_cast %mul3A_399 : i32 to index
        %get3A_1199 = tpu.vector_load %arg8[%get3A_1197, %get3A_1198] {strides = array<i32>} : memref<64x384xf32, #tpu.memory_space<vmem>>, vector<16xf32>,
        %mul3A_1200 = vector.broadcast %squeeze3A_131 : f32 to vector<16xf32>
        %mul3A_1201 = arith.mulf %get3A_1199, %mul3A_1200 : vector<16xf32>
        %add3A_1202 = arith.addf %add3A_1188, %mul3A_1201 : vector<16xf32>
        %get3A_1203 = arith.constant 57 : i32
        %get3A_1204 = arith.index_cast %get3A_1203 : i32 to index
        %get3A_1205 = arith.index_cast %mul3A_399 : i32 to index
        %get3A_1206 = tpu.vector_load %arg9[%get3A_1204, %get3A_1205] {strides = array<i32>} : memref<64x384xf32, #tpu.memory_space<vmem>>, vector<16xf32>,
        %mul3A_1207 = vector.broadcast %squeeze3A_259 : f32 to vector<16xf32>
        %mul3A_1208 = arith.mulf %get3A_1206, %mul3A_1207 : vector<16xf32>
        %add3A_1209 = arith.addf %add3A_1195, %mul3A_1208 : vector<16xf32>
        %get3A_1210 = arith.constant 58 : i32
        %get3A_1211 = arith.index_cast %get3A_1210 : i32 to index
        %get3A_1212 = arith.index_cast %mul3A_399 : i32 to index
        %get3A_1213 = tpu.vector_load %arg8[%get3A_1211, %get3A_1212] {strides = array<i32>} : memref<64x384xf32, #tpu.memory_space<vmem>>, vector<16xf32>,
        %mul3A_1214 = vector.broadcast %squeeze3A_133 : f32 to vector<16xf32>
        %mul3A_1215 = arith.mulf %get3A_1213, %mul3A_1214 : vector<16xf32>
        %add3A_1216 = arith.addf %add3A_1202, %mul3A_1215 : vector<16xf32>
        %get3A_1217 = arith.constant 58 : i32
        %get3A_1218 = arith.index_cast %get3A_1217 : i32 to index
        %get3A_1219 = arith.index_cast %mul3A_399 : i32 to index
        %get3A_1220 = tpu.vector_load %arg9[%get3A_1218, %get3A_1219] {strides = array<i32>} : memref<64x384xf32, #tpu.memory_space<vmem>>, vector<16xf32>,
        %mul3A_1221 = vector.broadcast %squeeze3A_261 : f32 to vector<16xf32>
        %mul3A_1222 = arith.mulf %get3A_1220, %mul3A_1221 : vector<16xf32>
        %add3A_1223 = arith.addf %add3A_1209, %mul3A_1222 : vector<16xf32>
        %get3A_1224 = arith.constant 59 : i32
        %get3A_1225 = arith.index_cast %get3A_1224 : i32 to index
        %get3A_1226 = arith.index_cast %mul3A_399 : i32 to index
        %get3A_1227 = tpu.vector_load %arg8[%get3A_1225, %get3A_1226] {strides = array<i32>} : memref<64x384xf32, #tpu.memory_space<vmem>>, vector<16xf32>,
        %mul3A_1228 = vector.broadcast %squeeze3A_135 : f32 to vector<16xf32>
        %mul3A_1229 = arith.mulf %get3A_1227, %mul3A_1228 : vector<16xf32>
        %add3A_1230 = arith.addf %add3A_1216, %mul3A_1229 : vector<16xf32>
        %get3A_1231 = arith.constant 59 : i32
        %get3A_1232 = arith.index_cast %get3A_1231 : i32 to index
        %get3A_1233 = arith.index_cast %mul3A_399 : i32 to index
        %get3A_1234 = tpu.vector_load %arg9[%get3A_1232, %get3A_1233] {strides = array<i32>} : memref<64x384xf32, #tpu.memory_space<vmem>>, vector<16xf32>,
        %mul3A_1235 = vector.broadcast %squeeze3A_263 : f32 to vector<16xf32>
        %mul3A_1236 = arith.mulf %get3A_1234, %mul3A_1235 : vector<16xf32>
        %add3A_1237 = arith.addf %add3A_1223, %mul3A_1236 : vector<16xf32>
        %get3A_1238 = arith.constant 60 : i32
        %get3A_1239 = arith.index_cast %get3A_1238 : i32 to index
        %get3A_1240 = arith.index_cast %mul3A_399 : i32 to index
        %get3A_1241 = tpu.vector_load %arg8[%get3A_1239, %get3A_1240] {strides = array<i32>} : memref<64x384xf32, #tpu.memory_space<vmem>>, vector<16xf32>,
        %mul3A_1242 = vector.broadcast %squeeze3A_137 : f32 to vector<16xf32>
        %mul3A_1243 = arith.mulf %get3A_1241, %mul3A_1242 : vector<16xf32>
        %add3A_1244 = arith.addf %add3A_1230, %mul3A_1243 : vector<16xf32>
        %get3A_1245 = arith.constant 60 : i32
        %get3A_1246 = arith.index_cast %get3A_1245 : i32 to index
        %get3A_1247 = arith.index_cast %mul3A_399 : i32 to index
        %get3A_1248 = tpu.vector_load %arg9[%get3A_1246, %get3A_1247] {strides = array<i32>} : memref<64x384xf32, #tpu.memory_space<vmem>>, vector<16xf32>,
        %mul3A_1249 = vector.broadcast %squeeze3A_265 : f32 to vector<16xf32>
        %mul3A_1250 = arith.mulf %get3A_1248, %mul3A_1249 : vector<16xf32>
        %add3A_1251 = arith.addf %add3A_1237, %mul3A_1250 : vector<16xf32>
        %get3A_1252 = arith.constant 61 : i32
        %get3A_1253 = arith.index_cast %get3A_1252 : i32 to index
        %get3A_1254 = arith.index_cast %mul3A_399 : i32 to index
        %get3A_1255 = tpu.vector_load %arg8[%get3A_1253, %get3A_1254] {strides = array<i32>} : memref<64x384xf32, #tpu.memory_space<vmem>>, vector<16xf32>,
        %mul3A_1256 = vector.broadcast %squeeze3A_139 : f32 to vector<16xf32>
        %mul3A_1257 = arith.mulf %get3A_1255, %mul3A_1256 : vector<16xf32>
        %add3A_1258 = arith.addf %add3A_1244, %mul3A_1257 : vector<16xf32>
        %get3A_1259 = arith.constant 61 : i32
        %get3A_1260 = arith.index_cast %get3A_1259 : i32 to index
        %get3A_1261 = arith.index_cast %mul3A_399 : i32 to index
        %get3A_1262 = tpu.vector_load %arg9[%get3A_1260, %get3A_1261] {strides = array<i32>} : memref<64x384xf32, #tpu.memory_space<vmem>>, vector<16xf32>,
        %mul3A_1263 = vector.broadcast %squeeze3A_267 : f32 to vector<16xf32>
        %mul3A_1264 = arith.mulf %get3A_1262, %mul3A_1263 : vector<16xf32>
        %add3A_1265 = arith.addf %add3A_1251, %mul3A_1264 : vector<16xf32>
        %get3A_1266 = arith.constant 62 : i32
        %get3A_1267 = arith.index_cast %get3A_1266 : i32 to index
        %get3A_1268 = arith.index_cast %mul3A_399 : i32 to index
        %get3A_1269 = tpu.vector_load %arg8[%get3A_1267, %get3A_1268] {strides = array<i32>} : memref<64x384xf32, #tpu.memory_space<vmem>>, vector<16xf32>,
        %mul3A_1270 = vector.broadcast %squeeze3A_141 : f32 to vector<16xf32>
        %mul3A_1271 = arith.mulf %get3A_1269, %mul3A_1270 : vector<16xf32>
        %add3A_1272 = arith.addf %add3A_1258, %mul3A_1271 : vector<16xf32>
        %get3A_1273 = arith.constant 62 : i32
        %get3A_1274 = arith.index_cast %get3A_1273 : i32 to index
        %get3A_1275 = arith.index_cast %mul3A_399 : i32 to index
        %get3A_1276 = tpu.vector_load %arg9[%get3A_1274, %get3A_1275] {strides = array<i32>} : memref<64x384xf32, #tpu.memory_space<vmem>>, vector<16xf32>,
        %mul3A_1277 = vector.broadcast %squeeze3A_269 : f32 to vector<16xf32>
        %mul3A_1278 = arith.mulf %get3A_1276, %mul3A_1277 : vector<16xf32>
        %add3A_1279 = arith.addf %add3A_1265, %mul3A_1278 : vector<16xf32>
        %get3A_1280 = arith.constant 63 : i32
        %get3A_1281 = arith.index_cast %get3A_1280 : i32 to index
        %get3A_1282 = arith.index_cast %mul3A_399 : i32 to index
        %get3A_1283 = tpu.vector_load %arg8[%get3A_1281, %get3A_1282] {strides = array<i32>} : memref<64x384xf32, #tpu.memory_space<vmem>>, vector<16xf32>,
        %mul3A_1284 = vector.broadcast %squeeze3A_143 : f32 to vector<16xf32>
        %mul3A_1285 = arith.mulf %get3A_1283, %mul3A_1284 : vector<16xf32>
        %add3A_1286 = arith.addf %add3A_1272, %mul3A_1285 : vector<16xf32>
        %get3A_1287 = arith.constant 63 : i32
        %get3A_1288 = arith.index_cast %get3A_1287 : i32 to index
        %get3A_1289 = arith.index_cast %mul3A_399 : i32 to index
        %get3A_1290 = tpu.vector_load %arg9[%get3A_1288, %get3A_1289] {strides = array<i32>} : memref<64x384xf32, #tpu.memory_space<vmem>>, vector<16xf32>,
        %mul3A_1291 = vector.broadcast %squeeze3A_271 : f32 to vector<16xf32>
        %mul3A_1292 = arith.mulf %get3A_1290, %mul3A_1291 : vector<16xf32>
        %add3A_1293 = arith.addf %add3A_1279, %mul3A_1292 : vector<16xf32>
        %swap3A = arith.index_cast %mul3A_399 : i32 to index
        %swap3A_1294 = tpu.vector_load %arg12[%swap3A] {strides = array<i32>} : memref<384xf32, #tpu.memory_space<vmem>>, vector<16xf32>,
        tpu.vector_store %arg12[%swap3A], %add3A_1286 {strides = array<i32>} : memref<384xf32, #tpu.memory_space<vmem>>, vector<16xf32>,
        %swap3A_1295 = arith.index_cast %mul3A_399 : i32 to index
        %swap3A_1296 = tpu.vector_load %arg13[%swap3A_1295] {strides = array<i32>} : memref<384xf32, #tpu.memory_space<vmem>>, vector<16xf32>,
        tpu.vector_store %arg13[%swap3A_1295], %add3A_1293 {strides = array<i32>} : memref<384xf32, #tpu.memory_space<vmem>>, vector<16xf32>,
      }
      %scan3A_339 = arith.constant 24 : i32
      %mul3A_340 = arith.constant 384 : i32
      %mul3A_341 = arith.muli %mul3A_321, %mul3A_340 : i32
      %add3A_342 = arith.addi %mul3A_2, %mul3A_341 : i32
      "tpu.region"() ({
        %run_scoped3A = tpu.sem_alloc : memref<!tpu.dma_semaphore, #tpu.memory_space<semaphore_mem>>
        %dma_start3A_397 = tpu.memref_slice %arg6[%add3A_342] : memref<344064xf32, #tpu.memory_space<hbm>> -> memref<384xf32, #tpu.memory_space<hbm>>
        %dma_start3A_398 = tpu.memref_slice %arg6[%add3A_342] : memref<344064xf32, #tpu.memory_space<hbm>> -> memref<384xf32, #tpu.memory_space<hbm>>
        tpu.enqueue_dma source(%arg12 : memref<384xf32, #tpu.memory_space<vmem>>) target(%dma_start3A_398 : memref<384xf32, #tpu.memory_space<hbm>>) target_semaphore(%run_scoped3A : memref<!tpu.dma_semaphore, #tpu.memory_space<semaphore_mem>>)
        %dma_wait3A_399 = tpu.memref_slice %arg6[%add3A_342] : memref<344064xf32, #tpu.memory_space<hbm>> -> memref<384xf32, #tpu.memory_space<hbm>>
        %dma_wait3A_400 = tpu.memref_slice %arg6[%add3A_342] : memref<344064xf32, #tpu.memory_space<hbm>> -> memref<384xf32, #tpu.memory_space<hbm>>
        tpu.wait_dma2 semaphore(%run_scoped3A : memref<!tpu.dma_semaphore, #tpu.memory_space<semaphore_mem>>) src(%arg12 : memref<384xf32, #tpu.memory_space<vmem>>) dst(%dma_wait3A_400 : memref<384xf32, #tpu.memory_space<hbm>>)
        tpu.yield
      }) : () -> ()
      "tpu.region"() ({
        %run_scoped3A = tpu.sem_alloc : memref<!tpu.dma_semaphore, #tpu.memory_space<semaphore_mem>>
        %dma_start3A_397 = tpu.memref_slice %arg7[%add3A_342] : memref<344064xf32, #tpu.memory_space<hbm>> -> memref<384xf32, #tpu.memory_space<hbm>>
        %dma_start3A_398 = tpu.memref_slice %arg7[%add3A_342] : memref<344064xf32, #tpu.memory_space<hbm>> -> memref<384xf32, #tpu.memory_space<hbm>>
        tpu.enqueue_dma source(%arg13 : memref<384xf32, #tpu.memory_space<vmem>>) target(%dma_start3A_398 : memref<384xf32, #tpu.memory_space<hbm>>) target_semaphore(%run_scoped3A : memref<!tpu.dma_semaphore, #tpu.memory_space<semaphore_mem>>)
        %dma_wait3A_399 = tpu.memref_slice %arg7[%add3A_342] : memref<344064xf32, #tpu.memory_space<hbm>> -> memref<384xf32, #tpu.memory_space<hbm>>
        %dma_wait3A_400 = tpu.memref_slice %arg7[%add3A_342] : memref<344064xf32, #tpu.memory_space<hbm>> -> memref<384xf32, #tpu.memory_space<hbm>>
        tpu.wait_dma2 semaphore(%run_scoped3A : memref<!tpu.dma_semaphore, #tpu.memory_space<semaphore_mem>>) src(%arg13 : memref<384xf32, #tpu.memory_space<vmem>>) dst(%dma_wait3A_400 : memref<384xf32, #tpu.memory_space<hbm>>)
        tpu.yield
      }) : () -> ()
      %add3A_343 = arith.constant 2 : i32
      %add3A_344 = arith.addi %mul3A_321, %add3A_343 : i32
      %min3A = arith.constant 27 : i32
      %min3A_345 = arith.minsi %add3A_344, %min3A : i32
      %mul3A_346 = arith.constant 384 : i32
      %mul3A_347 = arith.muli %min3A_345, %mul3A_346 : i32
      %add3A_348 = arith.addi %mul3A_2, %mul3A_347 : i32
      %dma_start3A_349 = arith.constant 0 : i32
      %dma_start3A_350 = tpu.memref_slice %arg2[%dma_start3A_349, %add3A_348] : memref<64x1000000xf32, #tpu.memory_space<hbm>> -> memref<64x384xf32, #tpu.memory_space<hbm>>
      %dma_start3A_351 = arith.constant 0 : i32
      %dma_start3A_352 = tpu.memref_slice %arg2[%dma_start3A_351, %add3A_348] : memref<64x1000000xf32, #tpu.memory_space<hbm>> -> memref<64x384xf32, #tpu.memory_space<hbm>>
      tpu.enqueue_dma source(%dma_start3A_352 : memref<64x384xf32, #tpu.memory_space<hbm>>) target(%arg8 : memref<64x384xf32, #tpu.memory_space<vmem>>) target_semaphore(%arg16 : memref<!tpu.dma_semaphore, #tpu.memory_space<semaphore_mem>>)
      %dma_start3A_353 = arith.constant 0 : i32
      %dma_start3A_354 = tpu.memref_slice %arg3[%dma_start3A_353, %add3A_348] : memref<64x1000000xf32, #tpu.memory_space<hbm>> -> memref<64x384xf32, #tpu.memory_space<hbm>>
      %dma_start3A_355 = arith.constant 0 : i32
      %dma_start3A_356 = tpu.memref_slice %arg3[%dma_start3A_355, %add3A_348] : memref<64x1000000xf32, #tpu.memory_space<hbm>> -> memref<64x384xf32, #tpu.memory_space<hbm>>
      tpu.enqueue_dma source(%dma_start3A_356 : memref<64x384xf32, #tpu.memory_space<hbm>>) target(%arg9 : memref<64x384xf32, #tpu.memory_space<vmem>>) target_semaphore(%arg16 : memref<!tpu.dma_semaphore, #tpu.memory_space<semaphore_mem>>)
      %mul3A_357 = arith.constant 2 : i32
      %mul3A_358 = arith.muli %mul3A_357, %scan3A_319 : i32
      %add3A_359 = arith.constant 1 : i32
      %add3A_360 = arith.addi %mul3A_358, %add3A_359 : i32
      %dma_wait3A_361 = arith.constant 0 : i32
      %dma_wait3A_362 = arith.constant 0 : i32
      %dma_wait3A_363 = tpu.memref_slice %arg2[%dma_wait3A_361, %dma_wait3A_362] : memref<64x1000000xf32, #tpu.memory_space<hbm>> -> memref<64x384xf32, #tpu.memory_space<hbm>>
      %dma_wait3A_364 = arith.constant 0 : i32
      %dma_wait3A_365 = arith.constant 0 : i32
      %dma_wait3A_366 = tpu.memref_slice %arg2[%dma_wait3A_364, %dma_wait3A_365] : memref<64x1000000xf32, #tpu.memory_space<hbm>> -> memref<64x384xf32, #tpu.memory_space<hbm>>
      tpu.wait_dma2 semaphore(%arg17 : memref<!tpu.dma_semaphore, #tpu.memory_space<semaphore_mem>>) src(%dma_wait3A_366 : memref<64x384xf32, #tpu.memory_space<hbm>>) dst(%arg10 : memref<64x384xf32, #tpu.memory_space<vmem>>)
      %dma_wait3A_367 = arith.constant 0 : i32
      %dma_wait3A_368 = arith.constant 0 : i32
      %dma_wait3A_369 = tpu.memref_slice %arg3[%dma_wait3A_367, %dma_wait3A_368] : memref<64x1000000xf32, #tpu.memory_space<hbm>> -> memref<64x384xf32, #tpu.memory_space<hbm>>
      %dma_wait3A_370 = arith.constant 0 : i32
      %dma_wait3A_371 = arith.constant 0 : i32
      %dma_wait3A_372 = tpu.memref_slice %arg3[%dma_wait3A_370, %dma_wait3A_371] : memref<64x1000000xf32, #tpu.memory_space<hbm>> -> memref<64x384xf32, #tpu.memory_space<hbm>>
      tpu.wait_dma2 semaphore(%arg17 : memref<!tpu.dma_semaphore, #tpu.memory_space<semaphore_mem>>) src(%dma_wait3A_372 : memref<64x384xf32, #tpu.memory_space<hbm>>) dst(%arg11 : memref<64x384xf32, #tpu.memory_space<vmem>>)
      %scan3A_373 = arith.constant 0 : i32
      %scan3A_374 = arith.constant 0 : i32
      %scan3A_375 = arith.constant 24 : i32
      %scan3A_376 = arith.addi %scan3A_374, %scan3A_375 : i32
      %scan3A_377 = arith.constant 1 : i32
      scf.for %scan3A_397 = %scan3A_374 to %scan3A_376 step %scan3A_377  : i32 {
        %mul3A_398 = arith.constant 16 : i32
        %mul3A_399 = arith.muli %scan3A_397, %mul3A_398 : i32
        %get3A_400 = arith.constant 0 : i32
        %get3A_401 = arith.index_cast %get3A_400 : i32 to index
        %get3A_402 = arith.index_cast %mul3A_399 : i32 to index
        %get3A_403 = tpu.vector_load %arg10[%get3A_401, %get3A_402] {strides = array<i32>} : memref<64x384xf32, #tpu.memory_space<vmem>>, vector<16xf32>,
        %mul3A_404 = vector.broadcast %squeeze3A : f32 to vector<16xf32>
        %mul3A_405 = arith.mulf %get3A_403, %mul3A_404 : vector<16xf32>
        %get3A_406 = arith.constant 0 : i32
        %get3A_407 = arith.index_cast %get3A_406 : i32 to index
        %get3A_408 = arith.index_cast %mul3A_399 : i32 to index
        %get3A_409 = tpu.vector_load %arg11[%get3A_407, %get3A_408] {strides = array<i32>} : memref<64x384xf32, #tpu.memory_space<vmem>>, vector<16xf32>,
        %mul3A_410 = vector.broadcast %squeeze3A_145 : f32 to vector<16xf32>
        %mul3A_411 = arith.mulf %get3A_409, %mul3A_410 : vector<16xf32>
        %get3A_412 = arith.constant 1 : i32
        %get3A_413 = arith.index_cast %get3A_412 : i32 to index
        %get3A_414 = arith.index_cast %mul3A_399 : i32 to index
        %get3A_415 = tpu.vector_load %arg10[%get3A_413, %get3A_414] {strides = array<i32>} : memref<64x384xf32, #tpu.memory_space<vmem>>, vector<16xf32>,
        %mul3A_416 = vector.broadcast %squeeze3A_19 : f32 to vector<16xf32>
        %mul3A_417 = arith.mulf %get3A_415, %mul3A_416 : vector<16xf32>
        %add3A_418 = arith.addf %mul3A_405, %mul3A_417 : vector<16xf32>
        %get3A_419 = arith.constant 1 : i32
        %get3A_420 = arith.index_cast %get3A_419 : i32 to index
        %get3A_421 = arith.index_cast %mul3A_399 : i32 to index
        %get3A_422 = tpu.vector_load %arg11[%get3A_420, %get3A_421] {strides = array<i32>} : memref<64x384xf32, #tpu.memory_space<vmem>>, vector<16xf32>,
        %mul3A_423 = vector.broadcast %squeeze3A_147 : f32 to vector<16xf32>
        %mul3A_424 = arith.mulf %get3A_422, %mul3A_423 : vector<16xf32>
        %add3A_425 = arith.addf %mul3A_411, %mul3A_424 : vector<16xf32>
        %get3A_426 = arith.constant 2 : i32
        %get3A_427 = arith.index_cast %get3A_426 : i32 to index
        %get3A_428 = arith.index_cast %mul3A_399 : i32 to index
        %get3A_429 = tpu.vector_load %arg10[%get3A_427, %get3A_428] {strides = array<i32>} : memref<64x384xf32, #tpu.memory_space<vmem>>, vector<16xf32>,
        %mul3A_430 = vector.broadcast %squeeze3A_21 : f32 to vector<16xf32>
        %mul3A_431 = arith.mulf %get3A_429, %mul3A_430 : vector<16xf32>
        %add3A_432 = arith.addf %add3A_418, %mul3A_431 : vector<16xf32>
        %get3A_433 = arith.constant 2 : i32
        %get3A_434 = arith.index_cast %get3A_433 : i32 to index
        %get3A_435 = arith.index_cast %mul3A_399 : i32 to index
        %get3A_436 = tpu.vector_load %arg11[%get3A_434, %get3A_435] {strides = array<i32>} : memref<64x384xf32, #tpu.memory_space<vmem>>, vector<16xf32>,
        %mul3A_437 = vector.broadcast %squeeze3A_149 : f32 to vector<16xf32>
        %mul3A_438 = arith.mulf %get3A_436, %mul3A_437 : vector<16xf32>
        %add3A_439 = arith.addf %add3A_425, %mul3A_438 : vector<16xf32>
        %get3A_440 = arith.constant 3 : i32
        %get3A_441 = arith.index_cast %get3A_440 : i32 to index
        %get3A_442 = arith.index_cast %mul3A_399 : i32 to index
        %get3A_443 = tpu.vector_load %arg10[%get3A_441, %get3A_442] {strides = array<i32>} : memref<64x384xf32, #tpu.memory_space<vmem>>, vector<16xf32>,
        %mul3A_444 = vector.broadcast %squeeze3A_23 : f32 to vector<16xf32>
        %mul3A_445 = arith.mulf %get3A_443, %mul3A_444 : vector<16xf32>
        %add3A_446 = arith.addf %add3A_432, %mul3A_445 : vector<16xf32>
        %get3A_447 = arith.constant 3 : i32
        %get3A_448 = arith.index_cast %get3A_447 : i32 to index
        %get3A_449 = arith.index_cast %mul3A_399 : i32 to index
        %get3A_450 = tpu.vector_load %arg11[%get3A_448, %get3A_449] {strides = array<i32>} : memref<64x384xf32, #tpu.memory_space<vmem>>, vector<16xf32>,
        %mul3A_451 = vector.broadcast %squeeze3A_151 : f32 to vector<16xf32>
        %mul3A_452 = arith.mulf %get3A_450, %mul3A_451 : vector<16xf32>
        %add3A_453 = arith.addf %add3A_439, %mul3A_452 : vector<16xf32>
        %get3A_454 = arith.constant 4 : i32
        %get3A_455 = arith.index_cast %get3A_454 : i32 to index
        %get3A_456 = arith.index_cast %mul3A_399 : i32 to index
        %get3A_457 = tpu.vector_load %arg10[%get3A_455, %get3A_456] {strides = array<i32>} : memref<64x384xf32, #tpu.memory_space<vmem>>, vector<16xf32>,
        %mul3A_458 = vector.broadcast %squeeze3A_25 : f32 to vector<16xf32>
        %mul3A_459 = arith.mulf %get3A_457, %mul3A_458 : vector<16xf32>
        %add3A_460 = arith.addf %add3A_446, %mul3A_459 : vector<16xf32>
        %get3A_461 = arith.constant 4 : i32
        %get3A_462 = arith.index_cast %get3A_461 : i32 to index
        %get3A_463 = arith.index_cast %mul3A_399 : i32 to index
        %get3A_464 = tpu.vector_load %arg11[%get3A_462, %get3A_463] {strides = array<i32>} : memref<64x384xf32, #tpu.memory_space<vmem>>, vector<16xf32>,
        %mul3A_465 = vector.broadcast %squeeze3A_153 : f32 to vector<16xf32>
        %mul3A_466 = arith.mulf %get3A_464, %mul3A_465 : vector<16xf32>
        %add3A_467 = arith.addf %add3A_453, %mul3A_466 : vector<16xf32>
        %get3A_468 = arith.constant 5 : i32
        %get3A_469 = arith.index_cast %get3A_468 : i32 to index
        %get3A_470 = arith.index_cast %mul3A_399 : i32 to index
        %get3A_471 = tpu.vector_load %arg10[%get3A_469, %get3A_470] {strides = array<i32>} : memref<64x384xf32, #tpu.memory_space<vmem>>, vector<16xf32>,
        %mul3A_472 = vector.broadcast %squeeze3A_27 : f32 to vector<16xf32>
        %mul3A_473 = arith.mulf %get3A_471, %mul3A_472 : vector<16xf32>
        %add3A_474 = arith.addf %add3A_460, %mul3A_473 : vector<16xf32>
        %get3A_475 = arith.constant 5 : i32
        %get3A_476 = arith.index_cast %get3A_475 : i32 to index
        %get3A_477 = arith.index_cast %mul3A_399 : i32 to index
        %get3A_478 = tpu.vector_load %arg11[%get3A_476, %get3A_477] {strides = array<i32>} : memref<64x384xf32, #tpu.memory_space<vmem>>, vector<16xf32>,
        %mul3A_479 = vector.broadcast %squeeze3A_155 : f32 to vector<16xf32>
        %mul3A_480 = arith.mulf %get3A_478, %mul3A_479 : vector<16xf32>
        %add3A_481 = arith.addf %add3A_467, %mul3A_480 : vector<16xf32>
        %get3A_482 = arith.constant 6 : i32
        %get3A_483 = arith.index_cast %get3A_482 : i32 to index
        %get3A_484 = arith.index_cast %mul3A_399 : i32 to index
        %get3A_485 = tpu.vector_load %arg10[%get3A_483, %get3A_484] {strides = array<i32>} : memref<64x384xf32, #tpu.memory_space<vmem>>, vector<16xf32>,
        %mul3A_486 = vector.broadcast %squeeze3A_29 : f32 to vector<16xf32>
        %mul3A_487 = arith.mulf %get3A_485, %mul3A_486 : vector<16xf32>
        %add3A_488 = arith.addf %add3A_474, %mul3A_487 : vector<16xf32>
        %get3A_489 = arith.constant 6 : i32
        %get3A_490 = arith.index_cast %get3A_489 : i32 to index
        %get3A_491 = arith.index_cast %mul3A_399 : i32 to index
        %get3A_492 = tpu.vector_load %arg11[%get3A_490, %get3A_491] {strides = array<i32>} : memref<64x384xf32, #tpu.memory_space<vmem>>, vector<16xf32>,
        %mul3A_493 = vector.broadcast %squeeze3A_157 : f32 to vector<16xf32>
        %mul3A_494 = arith.mulf %get3A_492, %mul3A_493 : vector<16xf32>
        %add3A_495 = arith.addf %add3A_481, %mul3A_494 : vector<16xf32>
        %get3A_496 = arith.constant 7 : i32
        %get3A_497 = arith.index_cast %get3A_496 : i32 to index
        %get3A_498 = arith.index_cast %mul3A_399 : i32 to index
        %get3A_499 = tpu.vector_load %arg10[%get3A_497, %get3A_498] {strides = array<i32>} : memref<64x384xf32, #tpu.memory_space<vmem>>, vector<16xf32>,
        %mul3A_500 = vector.broadcast %squeeze3A_31 : f32 to vector<16xf32>
        %mul3A_501 = arith.mulf %get3A_499, %mul3A_500 : vector<16xf32>
        %add3A_502 = arith.addf %add3A_488, %mul3A_501 : vector<16xf32>
        %get3A_503 = arith.constant 7 : i32
        %get3A_504 = arith.index_cast %get3A_503 : i32 to index
        %get3A_505 = arith.index_cast %mul3A_399 : i32 to index
        %get3A_506 = tpu.vector_load %arg11[%get3A_504, %get3A_505] {strides = array<i32>} : memref<64x384xf32, #tpu.memory_space<vmem>>, vector<16xf32>,
        %mul3A_507 = vector.broadcast %squeeze3A_159 : f32 to vector<16xf32>
        %mul3A_508 = arith.mulf %get3A_506, %mul3A_507 : vector<16xf32>
        %add3A_509 = arith.addf %add3A_495, %mul3A_508 : vector<16xf32>
        %get3A_510 = arith.constant 8 : i32
        %get3A_511 = arith.index_cast %get3A_510 : i32 to index
        %get3A_512 = arith.index_cast %mul3A_399 : i32 to index
        %get3A_513 = tpu.vector_load %arg10[%get3A_511, %get3A_512] {strides = array<i32>} : memref<64x384xf32, #tpu.memory_space<vmem>>, vector<16xf32>,
        %mul3A_514 = vector.broadcast %squeeze3A_33 : f32 to vector<16xf32>
        %mul3A_515 = arith.mulf %get3A_513, %mul3A_514 : vector<16xf32>
        %add3A_516 = arith.addf %add3A_502, %mul3A_515 : vector<16xf32>
        %get3A_517 = arith.constant 8 : i32
        %get3A_518 = arith.index_cast %get3A_517 : i32 to index
        %get3A_519 = arith.index_cast %mul3A_399 : i32 to index
        %get3A_520 = tpu.vector_load %arg11[%get3A_518, %get3A_519] {strides = array<i32>} : memref<64x384xf32, #tpu.memory_space<vmem>>, vector<16xf32>,
        %mul3A_521 = vector.broadcast %squeeze3A_161 : f32 to vector<16xf32>
        %mul3A_522 = arith.mulf %get3A_520, %mul3A_521 : vector<16xf32>
        %add3A_523 = arith.addf %add3A_509, %mul3A_522 : vector<16xf32>
        %get3A_524 = arith.constant 9 : i32
        %get3A_525 = arith.index_cast %get3A_524 : i32 to index
        %get3A_526 = arith.index_cast %mul3A_399 : i32 to index
        %get3A_527 = tpu.vector_load %arg10[%get3A_525, %get3A_526] {strides = array<i32>} : memref<64x384xf32, #tpu.memory_space<vmem>>, vector<16xf32>,
        %mul3A_528 = vector.broadcast %squeeze3A_35 : f32 to vector<16xf32>
        %mul3A_529 = arith.mulf %get3A_527, %mul3A_528 : vector<16xf32>
        %add3A_530 = arith.addf %add3A_516, %mul3A_529 : vector<16xf32>
        %get3A_531 = arith.constant 9 : i32
        %get3A_532 = arith.index_cast %get3A_531 : i32 to index
        %get3A_533 = arith.index_cast %mul3A_399 : i32 to index
        %get3A_534 = tpu.vector_load %arg11[%get3A_532, %get3A_533] {strides = array<i32>} : memref<64x384xf32, #tpu.memory_space<vmem>>, vector<16xf32>,
        %mul3A_535 = vector.broadcast %squeeze3A_163 : f32 to vector<16xf32>
        %mul3A_536 = arith.mulf %get3A_534, %mul3A_535 : vector<16xf32>
        %add3A_537 = arith.addf %add3A_523, %mul3A_536 : vector<16xf32>
        %get3A_538 = arith.constant 10 : i32
        %get3A_539 = arith.index_cast %get3A_538 : i32 to index
        %get3A_540 = arith.index_cast %mul3A_399 : i32 to index
        %get3A_541 = tpu.vector_load %arg10[%get3A_539, %get3A_540] {strides = array<i32>} : memref<64x384xf32, #tpu.memory_space<vmem>>, vector<16xf32>,
        %mul3A_542 = vector.broadcast %squeeze3A_37 : f32 to vector<16xf32>
        %mul3A_543 = arith.mulf %get3A_541, %mul3A_542 : vector<16xf32>
        %add3A_544 = arith.addf %add3A_530, %mul3A_543 : vector<16xf32>
        %get3A_545 = arith.constant 10 : i32
        %get3A_546 = arith.index_cast %get3A_545 : i32 to index
        %get3A_547 = arith.index_cast %mul3A_399 : i32 to index
        %get3A_548 = tpu.vector_load %arg11[%get3A_546, %get3A_547] {strides = array<i32>} : memref<64x384xf32, #tpu.memory_space<vmem>>, vector<16xf32>,
        %mul3A_549 = vector.broadcast %squeeze3A_165 : f32 to vector<16xf32>
        %mul3A_550 = arith.mulf %get3A_548, %mul3A_549 : vector<16xf32>
        %add3A_551 = arith.addf %add3A_537, %mul3A_550 : vector<16xf32>
        %get3A_552 = arith.constant 11 : i32
        %get3A_553 = arith.index_cast %get3A_552 : i32 to index
        %get3A_554 = arith.index_cast %mul3A_399 : i32 to index
        %get3A_555 = tpu.vector_load %arg10[%get3A_553, %get3A_554] {strides = array<i32>} : memref<64x384xf32, #tpu.memory_space<vmem>>, vector<16xf32>,
        %mul3A_556 = vector.broadcast %squeeze3A_39 : f32 to vector<16xf32>
        %mul3A_557 = arith.mulf %get3A_555, %mul3A_556 : vector<16xf32>
        %add3A_558 = arith.addf %add3A_544, %mul3A_557 : vector<16xf32>
        %get3A_559 = arith.constant 11 : i32
        %get3A_560 = arith.index_cast %get3A_559 : i32 to index
        %get3A_561 = arith.index_cast %mul3A_399 : i32 to index
        %get3A_562 = tpu.vector_load %arg11[%get3A_560, %get3A_561] {strides = array<i32>} : memref<64x384xf32, #tpu.memory_space<vmem>>, vector<16xf32>,
        %mul3A_563 = vector.broadcast %squeeze3A_167 : f32 to vector<16xf32>
        %mul3A_564 = arith.mulf %get3A_562, %mul3A_563 : vector<16xf32>
        %add3A_565 = arith.addf %add3A_551, %mul3A_564 : vector<16xf32>
        %get3A_566 = arith.constant 12 : i32
        %get3A_567 = arith.index_cast %get3A_566 : i32 to index
        %get3A_568 = arith.index_cast %mul3A_399 : i32 to index
        %get3A_569 = tpu.vector_load %arg10[%get3A_567, %get3A_568] {strides = array<i32>} : memref<64x384xf32, #tpu.memory_space<vmem>>, vector<16xf32>,
        %mul3A_570 = vector.broadcast %squeeze3A_41 : f32 to vector<16xf32>
        %mul3A_571 = arith.mulf %get3A_569, %mul3A_570 : vector<16xf32>
        %add3A_572 = arith.addf %add3A_558, %mul3A_571 : vector<16xf32>
        %get3A_573 = arith.constant 12 : i32
        %get3A_574 = arith.index_cast %get3A_573 : i32 to index
        %get3A_575 = arith.index_cast %mul3A_399 : i32 to index
        %get3A_576 = tpu.vector_load %arg11[%get3A_574, %get3A_575] {strides = array<i32>} : memref<64x384xf32, #tpu.memory_space<vmem>>, vector<16xf32>,
        %mul3A_577 = vector.broadcast %squeeze3A_169 : f32 to vector<16xf32>
        %mul3A_578 = arith.mulf %get3A_576, %mul3A_577 : vector<16xf32>
        %add3A_579 = arith.addf %add3A_565, %mul3A_578 : vector<16xf32>
        %get3A_580 = arith.constant 13 : i32
        %get3A_581 = arith.index_cast %get3A_580 : i32 to index
        %get3A_582 = arith.index_cast %mul3A_399 : i32 to index
        %get3A_583 = tpu.vector_load %arg10[%get3A_581, %get3A_582] {strides = array<i32>} : memref<64x384xf32, #tpu.memory_space<vmem>>, vector<16xf32>,
        %mul3A_584 = vector.broadcast %squeeze3A_43 : f32 to vector<16xf32>
        %mul3A_585 = arith.mulf %get3A_583, %mul3A_584 : vector<16xf32>
        %add3A_586 = arith.addf %add3A_572, %mul3A_585 : vector<16xf32>
        %get3A_587 = arith.constant 13 : i32
        %get3A_588 = arith.index_cast %get3A_587 : i32 to index
        %get3A_589 = arith.index_cast %mul3A_399 : i32 to index
        %get3A_590 = tpu.vector_load %arg11[%get3A_588, %get3A_589] {strides = array<i32>} : memref<64x384xf32, #tpu.memory_space<vmem>>, vector<16xf32>,
        %mul3A_591 = vector.broadcast %squeeze3A_171 : f32 to vector<16xf32>
        %mul3A_592 = arith.mulf %get3A_590, %mul3A_591 : vector<16xf32>
        %add3A_593 = arith.addf %add3A_579, %mul3A_592 : vector<16xf32>
        %get3A_594 = arith.constant 14 : i32
        %get3A_595 = arith.index_cast %get3A_594 : i32 to index
        %get3A_596 = arith.index_cast %mul3A_399 : i32 to index
        %get3A_597 = tpu.vector_load %arg10[%get3A_595, %get3A_596] {strides = array<i32>} : memref<64x384xf32, #tpu.memory_space<vmem>>, vector<16xf32>,
        %mul3A_598 = vector.broadcast %squeeze3A_45 : f32 to vector<16xf32>
        %mul3A_599 = arith.mulf %get3A_597, %mul3A_598 : vector<16xf32>
        %add3A_600 = arith.addf %add3A_586, %mul3A_599 : vector<16xf32>
        %get3A_601 = arith.constant 14 : i32
        %get3A_602 = arith.index_cast %get3A_601 : i32 to index
        %get3A_603 = arith.index_cast %mul3A_399 : i32 to index
        %get3A_604 = tpu.vector_load %arg11[%get3A_602, %get3A_603] {strides = array<i32>} : memref<64x384xf32, #tpu.memory_space<vmem>>, vector<16xf32>,
        %mul3A_605 = vector.broadcast %squeeze3A_173 : f32 to vector<16xf32>
        %mul3A_606 = arith.mulf %get3A_604, %mul3A_605 : vector<16xf32>
        %add3A_607 = arith.addf %add3A_593, %mul3A_606 : vector<16xf32>
        %get3A_608 = arith.constant 15 : i32
        %get3A_609 = arith.index_cast %get3A_608 : i32 to index
        %get3A_610 = arith.index_cast %mul3A_399 : i32 to index
        %get3A_611 = tpu.vector_load %arg10[%get3A_609, %get3A_610] {strides = array<i32>} : memref<64x384xf32, #tpu.memory_space<vmem>>, vector<16xf32>,
        %mul3A_612 = vector.broadcast %squeeze3A_47 : f32 to vector<16xf32>
        %mul3A_613 = arith.mulf %get3A_611, %mul3A_612 : vector<16xf32>
        %add3A_614 = arith.addf %add3A_600, %mul3A_613 : vector<16xf32>
        %get3A_615 = arith.constant 15 : i32
        %get3A_616 = arith.index_cast %get3A_615 : i32 to index
        %get3A_617 = arith.index_cast %mul3A_399 : i32 to index
        %get3A_618 = tpu.vector_load %arg11[%get3A_616, %get3A_617] {strides = array<i32>} : memref<64x384xf32, #tpu.memory_space<vmem>>, vector<16xf32>,
        %mul3A_619 = vector.broadcast %squeeze3A_175 : f32 to vector<16xf32>
        %mul3A_620 = arith.mulf %get3A_618, %mul3A_619 : vector<16xf32>
        %add3A_621 = arith.addf %add3A_607, %mul3A_620 : vector<16xf32>
        %get3A_622 = arith.constant 16 : i32
        %get3A_623 = arith.index_cast %get3A_622 : i32 to index
        %get3A_624 = arith.index_cast %mul3A_399 : i32 to index
        %get3A_625 = tpu.vector_load %arg10[%get3A_623, %get3A_624] {strides = array<i32>} : memref<64x384xf32, #tpu.memory_space<vmem>>, vector<16xf32>,
        %mul3A_626 = vector.broadcast %squeeze3A_49 : f32 to vector<16xf32>
        %mul3A_627 = arith.mulf %get3A_625, %mul3A_626 : vector<16xf32>
        %add3A_628 = arith.addf %add3A_614, %mul3A_627 : vector<16xf32>
        %get3A_629 = arith.constant 16 : i32
        %get3A_630 = arith.index_cast %get3A_629 : i32 to index
        %get3A_631 = arith.index_cast %mul3A_399 : i32 to index
        %get3A_632 = tpu.vector_load %arg11[%get3A_630, %get3A_631] {strides = array<i32>} : memref<64x384xf32, #tpu.memory_space<vmem>>, vector<16xf32>,
        %mul3A_633 = vector.broadcast %squeeze3A_177 : f32 to vector<16xf32>
        %mul3A_634 = arith.mulf %get3A_632, %mul3A_633 : vector<16xf32>
        %add3A_635 = arith.addf %add3A_621, %mul3A_634 : vector<16xf32>
        %get3A_636 = arith.constant 17 : i32
        %get3A_637 = arith.index_cast %get3A_636 : i32 to index
        %get3A_638 = arith.index_cast %mul3A_399 : i32 to index
        %get3A_639 = tpu.vector_load %arg10[%get3A_637, %get3A_638] {strides = array<i32>} : memref<64x384xf32, #tpu.memory_space<vmem>>, vector<16xf32>,
        %mul3A_640 = vector.broadcast %squeeze3A_51 : f32 to vector<16xf32>
        %mul3A_641 = arith.mulf %get3A_639, %mul3A_640 : vector<16xf32>
        %add3A_642 = arith.addf %add3A_628, %mul3A_641 : vector<16xf32>
        %get3A_643 = arith.constant 17 : i32
        %get3A_644 = arith.index_cast %get3A_643 : i32 to index
        %get3A_645 = arith.index_cast %mul3A_399 : i32 to index
        %get3A_646 = tpu.vector_load %arg11[%get3A_644, %get3A_645] {strides = array<i32>} : memref<64x384xf32, #tpu.memory_space<vmem>>, vector<16xf32>,
        %mul3A_647 = vector.broadcast %squeeze3A_179 : f32 to vector<16xf32>
        %mul3A_648 = arith.mulf %get3A_646, %mul3A_647 : vector<16xf32>
        %add3A_649 = arith.addf %add3A_635, %mul3A_648 : vector<16xf32>
        %get3A_650 = arith.constant 18 : i32
        %get3A_651 = arith.index_cast %get3A_650 : i32 to index
        %get3A_652 = arith.index_cast %mul3A_399 : i32 to index
        %get3A_653 = tpu.vector_load %arg10[%get3A_651, %get3A_652] {strides = array<i32>} : memref<64x384xf32, #tpu.memory_space<vmem>>, vector<16xf32>,
        %mul3A_654 = vector.broadcast %squeeze3A_53 : f32 to vector<16xf32>
        %mul3A_655 = arith.mulf %get3A_653, %mul3A_654 : vector<16xf32>
        %add3A_656 = arith.addf %add3A_642, %mul3A_655 : vector<16xf32>
        %get3A_657 = arith.constant 18 : i32
        %get3A_658 = arith.index_cast %get3A_657 : i32 to index
        %get3A_659 = arith.index_cast %mul3A_399 : i32 to index
        %get3A_660 = tpu.vector_load %arg11[%get3A_658, %get3A_659] {strides = array<i32>} : memref<64x384xf32, #tpu.memory_space<vmem>>, vector<16xf32>,
        %mul3A_661 = vector.broadcast %squeeze3A_181 : f32 to vector<16xf32>
        %mul3A_662 = arith.mulf %get3A_660, %mul3A_661 : vector<16xf32>
        %add3A_663 = arith.addf %add3A_649, %mul3A_662 : vector<16xf32>
        %get3A_664 = arith.constant 19 : i32
        %get3A_665 = arith.index_cast %get3A_664 : i32 to index
        %get3A_666 = arith.index_cast %mul3A_399 : i32 to index
        %get3A_667 = tpu.vector_load %arg10[%get3A_665, %get3A_666] {strides = array<i32>} : memref<64x384xf32, #tpu.memory_space<vmem>>, vector<16xf32>,
        %mul3A_668 = vector.broadcast %squeeze3A_55 : f32 to vector<16xf32>
        %mul3A_669 = arith.mulf %get3A_667, %mul3A_668 : vector<16xf32>
        %add3A_670 = arith.addf %add3A_656, %mul3A_669 : vector<16xf32>
        %get3A_671 = arith.constant 19 : i32
        %get3A_672 = arith.index_cast %get3A_671 : i32 to index
        %get3A_673 = arith.index_cast %mul3A_399 : i32 to index
        %get3A_674 = tpu.vector_load %arg11[%get3A_672, %get3A_673] {strides = array<i32>} : memref<64x384xf32, #tpu.memory_space<vmem>>, vector<16xf32>,
        %mul3A_675 = vector.broadcast %squeeze3A_183 : f32 to vector<16xf32>
        %mul3A_676 = arith.mulf %get3A_674, %mul3A_675 : vector<16xf32>
        %add3A_677 = arith.addf %add3A_663, %mul3A_676 : vector<16xf32>
        %get3A_678 = arith.constant 20 : i32
        %get3A_679 = arith.index_cast %get3A_678 : i32 to index
        %get3A_680 = arith.index_cast %mul3A_399 : i32 to index
        %get3A_681 = tpu.vector_load %arg10[%get3A_679, %get3A_680] {strides = array<i32>} : memref<64x384xf32, #tpu.memory_space<vmem>>, vector<16xf32>,
        %mul3A_682 = vector.broadcast %squeeze3A_57 : f32 to vector<16xf32>
        %mul3A_683 = arith.mulf %get3A_681, %mul3A_682 : vector<16xf32>
        %add3A_684 = arith.addf %add3A_670, %mul3A_683 : vector<16xf32>
        %get3A_685 = arith.constant 20 : i32
        %get3A_686 = arith.index_cast %get3A_685 : i32 to index
        %get3A_687 = arith.index_cast %mul3A_399 : i32 to index
        %get3A_688 = tpu.vector_load %arg11[%get3A_686, %get3A_687] {strides = array<i32>} : memref<64x384xf32, #tpu.memory_space<vmem>>, vector<16xf32>,
        %mul3A_689 = vector.broadcast %squeeze3A_185 : f32 to vector<16xf32>
        %mul3A_690 = arith.mulf %get3A_688, %mul3A_689 : vector<16xf32>
        %add3A_691 = arith.addf %add3A_677, %mul3A_690 : vector<16xf32>
        %get3A_692 = arith.constant 21 : i32
        %get3A_693 = arith.index_cast %get3A_692 : i32 to index
        %get3A_694 = arith.index_cast %mul3A_399 : i32 to index
        %get3A_695 = tpu.vector_load %arg10[%get3A_693, %get3A_694] {strides = array<i32>} : memref<64x384xf32, #tpu.memory_space<vmem>>, vector<16xf32>,
        %mul3A_696 = vector.broadcast %squeeze3A_59 : f32 to vector<16xf32>
        %mul3A_697 = arith.mulf %get3A_695, %mul3A_696 : vector<16xf32>
        %add3A_698 = arith.addf %add3A_684, %mul3A_697 : vector<16xf32>
        %get3A_699 = arith.constant 21 : i32
        %get3A_700 = arith.index_cast %get3A_699 : i32 to index
        %get3A_701 = arith.index_cast %mul3A_399 : i32 to index
        %get3A_702 = tpu.vector_load %arg11[%get3A_700, %get3A_701] {strides = array<i32>} : memref<64x384xf32, #tpu.memory_space<vmem>>, vector<16xf32>,
        %mul3A_703 = vector.broadcast %squeeze3A_187 : f32 to vector<16xf32>
        %mul3A_704 = arith.mulf %get3A_702, %mul3A_703 : vector<16xf32>
        %add3A_705 = arith.addf %add3A_691, %mul3A_704 : vector<16xf32>
        %get3A_706 = arith.constant 22 : i32
        %get3A_707 = arith.index_cast %get3A_706 : i32 to index
        %get3A_708 = arith.index_cast %mul3A_399 : i32 to index
        %get3A_709 = tpu.vector_load %arg10[%get3A_707, %get3A_708] {strides = array<i32>} : memref<64x384xf32, #tpu.memory_space<vmem>>, vector<16xf32>,
        %mul3A_710 = vector.broadcast %squeeze3A_61 : f32 to vector<16xf32>
        %mul3A_711 = arith.mulf %get3A_709, %mul3A_710 : vector<16xf32>
        %add3A_712 = arith.addf %add3A_698, %mul3A_711 : vector<16xf32>
        %get3A_713 = arith.constant 22 : i32
        %get3A_714 = arith.index_cast %get3A_713 : i32 to index
        %get3A_715 = arith.index_cast %mul3A_399 : i32 to index
        %get3A_716 = tpu.vector_load %arg11[%get3A_714, %get3A_715] {strides = array<i32>} : memref<64x384xf32, #tpu.memory_space<vmem>>, vector<16xf32>,
        %mul3A_717 = vector.broadcast %squeeze3A_189 : f32 to vector<16xf32>
        %mul3A_718 = arith.mulf %get3A_716, %mul3A_717 : vector<16xf32>
        %add3A_719 = arith.addf %add3A_705, %mul3A_718 : vector<16xf32>
        %get3A_720 = arith.constant 23 : i32
        %get3A_721 = arith.index_cast %get3A_720 : i32 to index
        %get3A_722 = arith.index_cast %mul3A_399 : i32 to index
        %get3A_723 = tpu.vector_load %arg10[%get3A_721, %get3A_722] {strides = array<i32>} : memref<64x384xf32, #tpu.memory_space<vmem>>, vector<16xf32>,
        %mul3A_724 = vector.broadcast %squeeze3A_63 : f32 to vector<16xf32>
        %mul3A_725 = arith.mulf %get3A_723, %mul3A_724 : vector<16xf32>
        %add3A_726 = arith.addf %add3A_712, %mul3A_725 : vector<16xf32>
        %get3A_727 = arith.constant 23 : i32
        %get3A_728 = arith.index_cast %get3A_727 : i32 to index
        %get3A_729 = arith.index_cast %mul3A_399 : i32 to index
        %get3A_730 = tpu.vector_load %arg11[%get3A_728, %get3A_729] {strides = array<i32>} : memref<64x384xf32, #tpu.memory_space<vmem>>, vector<16xf32>,
        %mul3A_731 = vector.broadcast %squeeze3A_191 : f32 to vector<16xf32>
        %mul3A_732 = arith.mulf %get3A_730, %mul3A_731 : vector<16xf32>
        %add3A_733 = arith.addf %add3A_719, %mul3A_732 : vector<16xf32>
        %get3A_734 = arith.constant 24 : i32
        %get3A_735 = arith.index_cast %get3A_734 : i32 to index
        %get3A_736 = arith.index_cast %mul3A_399 : i32 to index
        %get3A_737 = tpu.vector_load %arg10[%get3A_735, %get3A_736] {strides = array<i32>} : memref<64x384xf32, #tpu.memory_space<vmem>>, vector<16xf32>,
        %mul3A_738 = vector.broadcast %squeeze3A_65 : f32 to vector<16xf32>
        %mul3A_739 = arith.mulf %get3A_737, %mul3A_738 : vector<16xf32>
        %add3A_740 = arith.addf %add3A_726, %mul3A_739 : vector<16xf32>
        %get3A_741 = arith.constant 24 : i32
        %get3A_742 = arith.index_cast %get3A_741 : i32 to index
        %get3A_743 = arith.index_cast %mul3A_399 : i32 to index
        %get3A_744 = tpu.vector_load %arg11[%get3A_742, %get3A_743] {strides = array<i32>} : memref<64x384xf32, #tpu.memory_space<vmem>>, vector<16xf32>,
        %mul3A_745 = vector.broadcast %squeeze3A_193 : f32 to vector<16xf32>
        %mul3A_746 = arith.mulf %get3A_744, %mul3A_745 : vector<16xf32>
        %add3A_747 = arith.addf %add3A_733, %mul3A_746 : vector<16xf32>
        %get3A_748 = arith.constant 25 : i32
        %get3A_749 = arith.index_cast %get3A_748 : i32 to index
        %get3A_750 = arith.index_cast %mul3A_399 : i32 to index
        %get3A_751 = tpu.vector_load %arg10[%get3A_749, %get3A_750] {strides = array<i32>} : memref<64x384xf32, #tpu.memory_space<vmem>>, vector<16xf32>,
        %mul3A_752 = vector.broadcast %squeeze3A_67 : f32 to vector<16xf32>
        %mul3A_753 = arith.mulf %get3A_751, %mul3A_752 : vector<16xf32>
        %add3A_754 = arith.addf %add3A_740, %mul3A_753 : vector<16xf32>
        %get3A_755 = arith.constant 25 : i32
        %get3A_756 = arith.index_cast %get3A_755 : i32 to index
        %get3A_757 = arith.index_cast %mul3A_399 : i32 to index
        %get3A_758 = tpu.vector_load %arg11[%get3A_756, %get3A_757] {strides = array<i32>} : memref<64x384xf32, #tpu.memory_space<vmem>>, vector<16xf32>,
        %mul3A_759 = vector.broadcast %squeeze3A_195 : f32 to vector<16xf32>
        %mul3A_760 = arith.mulf %get3A_758, %mul3A_759 : vector<16xf32>
        %add3A_761 = arith.addf %add3A_747, %mul3A_760 : vector<16xf32>
        %get3A_762 = arith.constant 26 : i32
        %get3A_763 = arith.index_cast %get3A_762 : i32 to index
        %get3A_764 = arith.index_cast %mul3A_399 : i32 to index
        %get3A_765 = tpu.vector_load %arg10[%get3A_763, %get3A_764] {strides = array<i32>} : memref<64x384xf32, #tpu.memory_space<vmem>>, vector<16xf32>,
        %mul3A_766 = vector.broadcast %squeeze3A_69 : f32 to vector<16xf32>
        %mul3A_767 = arith.mulf %get3A_765, %mul3A_766 : vector<16xf32>
        %add3A_768 = arith.addf %add3A_754, %mul3A_767 : vector<16xf32>
        %get3A_769 = arith.constant 26 : i32
        %get3A_770 = arith.index_cast %get3A_769 : i32 to index
        %get3A_771 = arith.index_cast %mul3A_399 : i32 to index
        %get3A_772 = tpu.vector_load %arg11[%get3A_770, %get3A_771] {strides = array<i32>} : memref<64x384xf32, #tpu.memory_space<vmem>>, vector<16xf32>,
        %mul3A_773 = vector.broadcast %squeeze3A_197 : f32 to vector<16xf32>
        %mul3A_774 = arith.mulf %get3A_772, %mul3A_773 : vector<16xf32>
        %add3A_775 = arith.addf %add3A_761, %mul3A_774 : vector<16xf32>
        %get3A_776 = arith.constant 27 : i32
        %get3A_777 = arith.index_cast %get3A_776 : i32 to index
        %get3A_778 = arith.index_cast %mul3A_399 : i32 to index
        %get3A_779 = tpu.vector_load %arg10[%get3A_777, %get3A_778] {strides = array<i32>} : memref<64x384xf32, #tpu.memory_space<vmem>>, vector<16xf32>,
        %mul3A_780 = vector.broadcast %squeeze3A_71 : f32 to vector<16xf32>
        %mul3A_781 = arith.mulf %get3A_779, %mul3A_780 : vector<16xf32>
        %add3A_782 = arith.addf %add3A_768, %mul3A_781 : vector<16xf32>
        %get3A_783 = arith.constant 27 : i32
        %get3A_784 = arith.index_cast %get3A_783 : i32 to index
        %get3A_785 = arith.index_cast %mul3A_399 : i32 to index
        %get3A_786 = tpu.vector_load %arg11[%get3A_784, %get3A_785] {strides = array<i32>} : memref<64x384xf32, #tpu.memory_space<vmem>>, vector<16xf32>,
        %mul3A_787 = vector.broadcast %squeeze3A_199 : f32 to vector<16xf32>
        %mul3A_788 = arith.mulf %get3A_786, %mul3A_787 : vector<16xf32>
        %add3A_789 = arith.addf %add3A_775, %mul3A_788 : vector<16xf32>
        %get3A_790 = arith.constant 28 : i32
        %get3A_791 = arith.index_cast %get3A_790 : i32 to index
        %get3A_792 = arith.index_cast %mul3A_399 : i32 to index
        %get3A_793 = tpu.vector_load %arg10[%get3A_791, %get3A_792] {strides = array<i32>} : memref<64x384xf32, #tpu.memory_space<vmem>>, vector<16xf32>,
        %mul3A_794 = vector.broadcast %squeeze3A_73 : f32 to vector<16xf32>
        %mul3A_795 = arith.mulf %get3A_793, %mul3A_794 : vector<16xf32>
        %add3A_796 = arith.addf %add3A_782, %mul3A_795 : vector<16xf32>
        %get3A_797 = arith.constant 28 : i32
        %get3A_798 = arith.index_cast %get3A_797 : i32 to index
        %get3A_799 = arith.index_cast %mul3A_399 : i32 to index
        %get3A_800 = tpu.vector_load %arg11[%get3A_798, %get3A_799] {strides = array<i32>} : memref<64x384xf32, #tpu.memory_space<vmem>>, vector<16xf32>,
        %mul3A_801 = vector.broadcast %squeeze3A_201 : f32 to vector<16xf32>
        %mul3A_802 = arith.mulf %get3A_800, %mul3A_801 : vector<16xf32>
        %add3A_803 = arith.addf %add3A_789, %mul3A_802 : vector<16xf32>
        %get3A_804 = arith.constant 29 : i32
        %get3A_805 = arith.index_cast %get3A_804 : i32 to index
        %get3A_806 = arith.index_cast %mul3A_399 : i32 to index
        %get3A_807 = tpu.vector_load %arg10[%get3A_805, %get3A_806] {strides = array<i32>} : memref<64x384xf32, #tpu.memory_space<vmem>>, vector<16xf32>,
        %mul3A_808 = vector.broadcast %squeeze3A_75 : f32 to vector<16xf32>
        %mul3A_809 = arith.mulf %get3A_807, %mul3A_808 : vector<16xf32>
        %add3A_810 = arith.addf %add3A_796, %mul3A_809 : vector<16xf32>
        %get3A_811 = arith.constant 29 : i32
        %get3A_812 = arith.index_cast %get3A_811 : i32 to index
        %get3A_813 = arith.index_cast %mul3A_399 : i32 to index
        %get3A_814 = tpu.vector_load %arg11[%get3A_812, %get3A_813] {strides = array<i32>} : memref<64x384xf32, #tpu.memory_space<vmem>>, vector<16xf32>,
        %mul3A_815 = vector.broadcast %squeeze3A_203 : f32 to vector<16xf32>
        %mul3A_816 = arith.mulf %get3A_814, %mul3A_815 : vector<16xf32>
        %add3A_817 = arith.addf %add3A_803, %mul3A_816 : vector<16xf32>
        %get3A_818 = arith.constant 30 : i32
        %get3A_819 = arith.index_cast %get3A_818 : i32 to index
        %get3A_820 = arith.index_cast %mul3A_399 : i32 to index
        %get3A_821 = tpu.vector_load %arg10[%get3A_819, %get3A_820] {strides = array<i32>} : memref<64x384xf32, #tpu.memory_space<vmem>>, vector<16xf32>,
        %mul3A_822 = vector.broadcast %squeeze3A_77 : f32 to vector<16xf32>
        %mul3A_823 = arith.mulf %get3A_821, %mul3A_822 : vector<16xf32>
        %add3A_824 = arith.addf %add3A_810, %mul3A_823 : vector<16xf32>
        %get3A_825 = arith.constant 30 : i32
        %get3A_826 = arith.index_cast %get3A_825 : i32 to index
        %get3A_827 = arith.index_cast %mul3A_399 : i32 to index
        %get3A_828 = tpu.vector_load %arg11[%get3A_826, %get3A_827] {strides = array<i32>} : memref<64x384xf32, #tpu.memory_space<vmem>>, vector<16xf32>,
        %mul3A_829 = vector.broadcast %squeeze3A_205 : f32 to vector<16xf32>
        %mul3A_830 = arith.mulf %get3A_828, %mul3A_829 : vector<16xf32>
        %add3A_831 = arith.addf %add3A_817, %mul3A_830 : vector<16xf32>
        %get3A_832 = arith.constant 31 : i32
        %get3A_833 = arith.index_cast %get3A_832 : i32 to index
        %get3A_834 = arith.index_cast %mul3A_399 : i32 to index
        %get3A_835 = tpu.vector_load %arg10[%get3A_833, %get3A_834] {strides = array<i32>} : memref<64x384xf32, #tpu.memory_space<vmem>>, vector<16xf32>,
        %mul3A_836 = vector.broadcast %squeeze3A_79 : f32 to vector<16xf32>
        %mul3A_837 = arith.mulf %get3A_835, %mul3A_836 : vector<16xf32>
        %add3A_838 = arith.addf %add3A_824, %mul3A_837 : vector<16xf32>
        %get3A_839 = arith.constant 31 : i32
        %get3A_840 = arith.index_cast %get3A_839 : i32 to index
        %get3A_841 = arith.index_cast %mul3A_399 : i32 to index
        %get3A_842 = tpu.vector_load %arg11[%get3A_840, %get3A_841] {strides = array<i32>} : memref<64x384xf32, #tpu.memory_space<vmem>>, vector<16xf32>,
        %mul3A_843 = vector.broadcast %squeeze3A_207 : f32 to vector<16xf32>
        %mul3A_844 = arith.mulf %get3A_842, %mul3A_843 : vector<16xf32>
        %add3A_845 = arith.addf %add3A_831, %mul3A_844 : vector<16xf32>
        %get3A_846 = arith.constant 32 : i32
        %get3A_847 = arith.index_cast %get3A_846 : i32 to index
        %get3A_848 = arith.index_cast %mul3A_399 : i32 to index
        %get3A_849 = tpu.vector_load %arg10[%get3A_847, %get3A_848] {strides = array<i32>} : memref<64x384xf32, #tpu.memory_space<vmem>>, vector<16xf32>,
        %mul3A_850 = vector.broadcast %squeeze3A_81 : f32 to vector<16xf32>
        %mul3A_851 = arith.mulf %get3A_849, %mul3A_850 : vector<16xf32>
        %add3A_852 = arith.addf %add3A_838, %mul3A_851 : vector<16xf32>
        %get3A_853 = arith.constant 32 : i32
        %get3A_854 = arith.index_cast %get3A_853 : i32 to index
        %get3A_855 = arith.index_cast %mul3A_399 : i32 to index
        %get3A_856 = tpu.vector_load %arg11[%get3A_854, %get3A_855] {strides = array<i32>} : memref<64x384xf32, #tpu.memory_space<vmem>>, vector<16xf32>,
        %mul3A_857 = vector.broadcast %squeeze3A_209 : f32 to vector<16xf32>
        %mul3A_858 = arith.mulf %get3A_856, %mul3A_857 : vector<16xf32>
        %add3A_859 = arith.addf %add3A_845, %mul3A_858 : vector<16xf32>
        %get3A_860 = arith.constant 33 : i32
        %get3A_861 = arith.index_cast %get3A_860 : i32 to index
        %get3A_862 = arith.index_cast %mul3A_399 : i32 to index
        %get3A_863 = tpu.vector_load %arg10[%get3A_861, %get3A_862] {strides = array<i32>} : memref<64x384xf32, #tpu.memory_space<vmem>>, vector<16xf32>,
        %mul3A_864 = vector.broadcast %squeeze3A_83 : f32 to vector<16xf32>
        %mul3A_865 = arith.mulf %get3A_863, %mul3A_864 : vector<16xf32>
        %add3A_866 = arith.addf %add3A_852, %mul3A_865 : vector<16xf32>
        %get3A_867 = arith.constant 33 : i32
        %get3A_868 = arith.index_cast %get3A_867 : i32 to index
        %get3A_869 = arith.index_cast %mul3A_399 : i32 to index
        %get3A_870 = tpu.vector_load %arg11[%get3A_868, %get3A_869] {strides = array<i32>} : memref<64x384xf32, #tpu.memory_space<vmem>>, vector<16xf32>,
        %mul3A_871 = vector.broadcast %squeeze3A_211 : f32 to vector<16xf32>
        %mul3A_872 = arith.mulf %get3A_870, %mul3A_871 : vector<16xf32>
        %add3A_873 = arith.addf %add3A_859, %mul3A_872 : vector<16xf32>
        %get3A_874 = arith.constant 34 : i32
        %get3A_875 = arith.index_cast %get3A_874 : i32 to index
        %get3A_876 = arith.index_cast %mul3A_399 : i32 to index
        %get3A_877 = tpu.vector_load %arg10[%get3A_875, %get3A_876] {strides = array<i32>} : memref<64x384xf32, #tpu.memory_space<vmem>>, vector<16xf32>,
        %mul3A_878 = vector.broadcast %squeeze3A_85 : f32 to vector<16xf32>
        %mul3A_879 = arith.mulf %get3A_877, %mul3A_878 : vector<16xf32>
        %add3A_880 = arith.addf %add3A_866, %mul3A_879 : vector<16xf32>
        %get3A_881 = arith.constant 34 : i32
        %get3A_882 = arith.index_cast %get3A_881 : i32 to index
        %get3A_883 = arith.index_cast %mul3A_399 : i32 to index
        %get3A_884 = tpu.vector_load %arg11[%get3A_882, %get3A_883] {strides = array<i32>} : memref<64x384xf32, #tpu.memory_space<vmem>>, vector<16xf32>,
        %mul3A_885 = vector.broadcast %squeeze3A_213 : f32 to vector<16xf32>
        %mul3A_886 = arith.mulf %get3A_884, %mul3A_885 : vector<16xf32>
        %add3A_887 = arith.addf %add3A_873, %mul3A_886 : vector<16xf32>
        %get3A_888 = arith.constant 35 : i32
        %get3A_889 = arith.index_cast %get3A_888 : i32 to index
        %get3A_890 = arith.index_cast %mul3A_399 : i32 to index
        %get3A_891 = tpu.vector_load %arg10[%get3A_889, %get3A_890] {strides = array<i32>} : memref<64x384xf32, #tpu.memory_space<vmem>>, vector<16xf32>,
        %mul3A_892 = vector.broadcast %squeeze3A_87 : f32 to vector<16xf32>
        %mul3A_893 = arith.mulf %get3A_891, %mul3A_892 : vector<16xf32>
        %add3A_894 = arith.addf %add3A_880, %mul3A_893 : vector<16xf32>
        %get3A_895 = arith.constant 35 : i32
        %get3A_896 = arith.index_cast %get3A_895 : i32 to index
        %get3A_897 = arith.index_cast %mul3A_399 : i32 to index
        %get3A_898 = tpu.vector_load %arg11[%get3A_896, %get3A_897] {strides = array<i32>} : memref<64x384xf32, #tpu.memory_space<vmem>>, vector<16xf32>,
        %mul3A_899 = vector.broadcast %squeeze3A_215 : f32 to vector<16xf32>
        %mul3A_900 = arith.mulf %get3A_898, %mul3A_899 : vector<16xf32>
        %add3A_901 = arith.addf %add3A_887, %mul3A_900 : vector<16xf32>
        %get3A_902 = arith.constant 36 : i32
        %get3A_903 = arith.index_cast %get3A_902 : i32 to index
        %get3A_904 = arith.index_cast %mul3A_399 : i32 to index
        %get3A_905 = tpu.vector_load %arg10[%get3A_903, %get3A_904] {strides = array<i32>} : memref<64x384xf32, #tpu.memory_space<vmem>>, vector<16xf32>,
        %mul3A_906 = vector.broadcast %squeeze3A_89 : f32 to vector<16xf32>
        %mul3A_907 = arith.mulf %get3A_905, %mul3A_906 : vector<16xf32>
        %add3A_908 = arith.addf %add3A_894, %mul3A_907 : vector<16xf32>
        %get3A_909 = arith.constant 36 : i32
        %get3A_910 = arith.index_cast %get3A_909 : i32 to index
        %get3A_911 = arith.index_cast %mul3A_399 : i32 to index
        %get3A_912 = tpu.vector_load %arg11[%get3A_910, %get3A_911] {strides = array<i32>} : memref<64x384xf32, #tpu.memory_space<vmem>>, vector<16xf32>,
        %mul3A_913 = vector.broadcast %squeeze3A_217 : f32 to vector<16xf32>
        %mul3A_914 = arith.mulf %get3A_912, %mul3A_913 : vector<16xf32>
        %add3A_915 = arith.addf %add3A_901, %mul3A_914 : vector<16xf32>
        %get3A_916 = arith.constant 37 : i32
        %get3A_917 = arith.index_cast %get3A_916 : i32 to index
        %get3A_918 = arith.index_cast %mul3A_399 : i32 to index
        %get3A_919 = tpu.vector_load %arg10[%get3A_917, %get3A_918] {strides = array<i32>} : memref<64x384xf32, #tpu.memory_space<vmem>>, vector<16xf32>,
        %mul3A_920 = vector.broadcast %squeeze3A_91 : f32 to vector<16xf32>
        %mul3A_921 = arith.mulf %get3A_919, %mul3A_920 : vector<16xf32>
        %add3A_922 = arith.addf %add3A_908, %mul3A_921 : vector<16xf32>
        %get3A_923 = arith.constant 37 : i32
        %get3A_924 = arith.index_cast %get3A_923 : i32 to index
        %get3A_925 = arith.index_cast %mul3A_399 : i32 to index
        %get3A_926 = tpu.vector_load %arg11[%get3A_924, %get3A_925] {strides = array<i32>} : memref<64x384xf32, #tpu.memory_space<vmem>>, vector<16xf32>,
        %mul3A_927 = vector.broadcast %squeeze3A_219 : f32 to vector<16xf32>
        %mul3A_928 = arith.mulf %get3A_926, %mul3A_927 : vector<16xf32>
        %add3A_929 = arith.addf %add3A_915, %mul3A_928 : vector<16xf32>
        %get3A_930 = arith.constant 38 : i32
        %get3A_931 = arith.index_cast %get3A_930 : i32 to index
        %get3A_932 = arith.index_cast %mul3A_399 : i32 to index
        %get3A_933 = tpu.vector_load %arg10[%get3A_931, %get3A_932] {strides = array<i32>} : memref<64x384xf32, #tpu.memory_space<vmem>>, vector<16xf32>,
        %mul3A_934 = vector.broadcast %squeeze3A_93 : f32 to vector<16xf32>
        %mul3A_935 = arith.mulf %get3A_933, %mul3A_934 : vector<16xf32>
        %add3A_936 = arith.addf %add3A_922, %mul3A_935 : vector<16xf32>
        %get3A_937 = arith.constant 38 : i32
        %get3A_938 = arith.index_cast %get3A_937 : i32 to index
        %get3A_939 = arith.index_cast %mul3A_399 : i32 to index
        %get3A_940 = tpu.vector_load %arg11[%get3A_938, %get3A_939] {strides = array<i32>} : memref<64x384xf32, #tpu.memory_space<vmem>>, vector<16xf32>,
        %mul3A_941 = vector.broadcast %squeeze3A_221 : f32 to vector<16xf32>
        %mul3A_942 = arith.mulf %get3A_940, %mul3A_941 : vector<16xf32>
        %add3A_943 = arith.addf %add3A_929, %mul3A_942 : vector<16xf32>
        %get3A_944 = arith.constant 39 : i32
        %get3A_945 = arith.index_cast %get3A_944 : i32 to index
        %get3A_946 = arith.index_cast %mul3A_399 : i32 to index
        %get3A_947 = tpu.vector_load %arg10[%get3A_945, %get3A_946] {strides = array<i32>} : memref<64x384xf32, #tpu.memory_space<vmem>>, vector<16xf32>,
        %mul3A_948 = vector.broadcast %squeeze3A_95 : f32 to vector<16xf32>
        %mul3A_949 = arith.mulf %get3A_947, %mul3A_948 : vector<16xf32>
        %add3A_950 = arith.addf %add3A_936, %mul3A_949 : vector<16xf32>
        %get3A_951 = arith.constant 39 : i32
        %get3A_952 = arith.index_cast %get3A_951 : i32 to index
        %get3A_953 = arith.index_cast %mul3A_399 : i32 to index
        %get3A_954 = tpu.vector_load %arg11[%get3A_952, %get3A_953] {strides = array<i32>} : memref<64x384xf32, #tpu.memory_space<vmem>>, vector<16xf32>,
        %mul3A_955 = vector.broadcast %squeeze3A_223 : f32 to vector<16xf32>
        %mul3A_956 = arith.mulf %get3A_954, %mul3A_955 : vector<16xf32>
        %add3A_957 = arith.addf %add3A_943, %mul3A_956 : vector<16xf32>
        %get3A_958 = arith.constant 40 : i32
        %get3A_959 = arith.index_cast %get3A_958 : i32 to index
        %get3A_960 = arith.index_cast %mul3A_399 : i32 to index
        %get3A_961 = tpu.vector_load %arg10[%get3A_959, %get3A_960] {strides = array<i32>} : memref<64x384xf32, #tpu.memory_space<vmem>>, vector<16xf32>,
        %mul3A_962 = vector.broadcast %squeeze3A_97 : f32 to vector<16xf32>
        %mul3A_963 = arith.mulf %get3A_961, %mul3A_962 : vector<16xf32>
        %add3A_964 = arith.addf %add3A_950, %mul3A_963 : vector<16xf32>
        %get3A_965 = arith.constant 40 : i32
        %get3A_966 = arith.index_cast %get3A_965 : i32 to index
        %get3A_967 = arith.index_cast %mul3A_399 : i32 to index
        %get3A_968 = tpu.vector_load %arg11[%get3A_966, %get3A_967] {strides = array<i32>} : memref<64x384xf32, #tpu.memory_space<vmem>>, vector<16xf32>,
        %mul3A_969 = vector.broadcast %squeeze3A_225 : f32 to vector<16xf32>
        %mul3A_970 = arith.mulf %get3A_968, %mul3A_969 : vector<16xf32>
        %add3A_971 = arith.addf %add3A_957, %mul3A_970 : vector<16xf32>
        %get3A_972 = arith.constant 41 : i32
        %get3A_973 = arith.index_cast %get3A_972 : i32 to index
        %get3A_974 = arith.index_cast %mul3A_399 : i32 to index
        %get3A_975 = tpu.vector_load %arg10[%get3A_973, %get3A_974] {strides = array<i32>} : memref<64x384xf32, #tpu.memory_space<vmem>>, vector<16xf32>,
        %mul3A_976 = vector.broadcast %squeeze3A_99 : f32 to vector<16xf32>
        %mul3A_977 = arith.mulf %get3A_975, %mul3A_976 : vector<16xf32>
        %add3A_978 = arith.addf %add3A_964, %mul3A_977 : vector<16xf32>
        %get3A_979 = arith.constant 41 : i32
        %get3A_980 = arith.index_cast %get3A_979 : i32 to index
        %get3A_981 = arith.index_cast %mul3A_399 : i32 to index
        %get3A_982 = tpu.vector_load %arg11[%get3A_980, %get3A_981] {strides = array<i32>} : memref<64x384xf32, #tpu.memory_space<vmem>>, vector<16xf32>,
        %mul3A_983 = vector.broadcast %squeeze3A_227 : f32 to vector<16xf32>
        %mul3A_984 = arith.mulf %get3A_982, %mul3A_983 : vector<16xf32>
        %add3A_985 = arith.addf %add3A_971, %mul3A_984 : vector<16xf32>
        %get3A_986 = arith.constant 42 : i32
        %get3A_987 = arith.index_cast %get3A_986 : i32 to index
        %get3A_988 = arith.index_cast %mul3A_399 : i32 to index
        %get3A_989 = tpu.vector_load %arg10[%get3A_987, %get3A_988] {strides = array<i32>} : memref<64x384xf32, #tpu.memory_space<vmem>>, vector<16xf32>,
        %mul3A_990 = vector.broadcast %squeeze3A_101 : f32 to vector<16xf32>
        %mul3A_991 = arith.mulf %get3A_989, %mul3A_990 : vector<16xf32>
        %add3A_992 = arith.addf %add3A_978, %mul3A_991 : vector<16xf32>
        %get3A_993 = arith.constant 42 : i32
        %get3A_994 = arith.index_cast %get3A_993 : i32 to index
        %get3A_995 = arith.index_cast %mul3A_399 : i32 to index
        %get3A_996 = tpu.vector_load %arg11[%get3A_994, %get3A_995] {strides = array<i32>} : memref<64x384xf32, #tpu.memory_space<vmem>>, vector<16xf32>,
        %mul3A_997 = vector.broadcast %squeeze3A_229 : f32 to vector<16xf32>
        %mul3A_998 = arith.mulf %get3A_996, %mul3A_997 : vector<16xf32>
        %add3A_999 = arith.addf %add3A_985, %mul3A_998 : vector<16xf32>
        %get3A_1000 = arith.constant 43 : i32
        %get3A_1001 = arith.index_cast %get3A_1000 : i32 to index
        %get3A_1002 = arith.index_cast %mul3A_399 : i32 to index
        %get3A_1003 = tpu.vector_load %arg10[%get3A_1001, %get3A_1002] {strides = array<i32>} : memref<64x384xf32, #tpu.memory_space<vmem>>, vector<16xf32>,
        %mul3A_1004 = vector.broadcast %squeeze3A_103 : f32 to vector<16xf32>
        %mul3A_1005 = arith.mulf %get3A_1003, %mul3A_1004 : vector<16xf32>
        %add3A_1006 = arith.addf %add3A_992, %mul3A_1005 : vector<16xf32>
        %get3A_1007 = arith.constant 43 : i32
        %get3A_1008 = arith.index_cast %get3A_1007 : i32 to index
        %get3A_1009 = arith.index_cast %mul3A_399 : i32 to index
        %get3A_1010 = tpu.vector_load %arg11[%get3A_1008, %get3A_1009] {strides = array<i32>} : memref<64x384xf32, #tpu.memory_space<vmem>>, vector<16xf32>,
        %mul3A_1011 = vector.broadcast %squeeze3A_231 : f32 to vector<16xf32>
        %mul3A_1012 = arith.mulf %get3A_1010, %mul3A_1011 : vector<16xf32>
        %add3A_1013 = arith.addf %add3A_999, %mul3A_1012 : vector<16xf32>
        %get3A_1014 = arith.constant 44 : i32
        %get3A_1015 = arith.index_cast %get3A_1014 : i32 to index
        %get3A_1016 = arith.index_cast %mul3A_399 : i32 to index
        %get3A_1017 = tpu.vector_load %arg10[%get3A_1015, %get3A_1016] {strides = array<i32>} : memref<64x384xf32, #tpu.memory_space<vmem>>, vector<16xf32>,
        %mul3A_1018 = vector.broadcast %squeeze3A_105 : f32 to vector<16xf32>
        %mul3A_1019 = arith.mulf %get3A_1017, %mul3A_1018 : vector<16xf32>
        %add3A_1020 = arith.addf %add3A_1006, %mul3A_1019 : vector<16xf32>
        %get3A_1021 = arith.constant 44 : i32
        %get3A_1022 = arith.index_cast %get3A_1021 : i32 to index
        %get3A_1023 = arith.index_cast %mul3A_399 : i32 to index
        %get3A_1024 = tpu.vector_load %arg11[%get3A_1022, %get3A_1023] {strides = array<i32>} : memref<64x384xf32, #tpu.memory_space<vmem>>, vector<16xf32>,
        %mul3A_1025 = vector.broadcast %squeeze3A_233 : f32 to vector<16xf32>
        %mul3A_1026 = arith.mulf %get3A_1024, %mul3A_1025 : vector<16xf32>
        %add3A_1027 = arith.addf %add3A_1013, %mul3A_1026 : vector<16xf32>
        %get3A_1028 = arith.constant 45 : i32
        %get3A_1029 = arith.index_cast %get3A_1028 : i32 to index
        %get3A_1030 = arith.index_cast %mul3A_399 : i32 to index
        %get3A_1031 = tpu.vector_load %arg10[%get3A_1029, %get3A_1030] {strides = array<i32>} : memref<64x384xf32, #tpu.memory_space<vmem>>, vector<16xf32>,
        %mul3A_1032 = vector.broadcast %squeeze3A_107 : f32 to vector<16xf32>
        %mul3A_1033 = arith.mulf %get3A_1031, %mul3A_1032 : vector<16xf32>
        %add3A_1034 = arith.addf %add3A_1020, %mul3A_1033 : vector<16xf32>
        %get3A_1035 = arith.constant 45 : i32
        %get3A_1036 = arith.index_cast %get3A_1035 : i32 to index
        %get3A_1037 = arith.index_cast %mul3A_399 : i32 to index
        %get3A_1038 = tpu.vector_load %arg11[%get3A_1036, %get3A_1037] {strides = array<i32>} : memref<64x384xf32, #tpu.memory_space<vmem>>, vector<16xf32>,
        %mul3A_1039 = vector.broadcast %squeeze3A_235 : f32 to vector<16xf32>
        %mul3A_1040 = arith.mulf %get3A_1038, %mul3A_1039 : vector<16xf32>
        %add3A_1041 = arith.addf %add3A_1027, %mul3A_1040 : vector<16xf32>
        %get3A_1042 = arith.constant 46 : i32
        %get3A_1043 = arith.index_cast %get3A_1042 : i32 to index
        %get3A_1044 = arith.index_cast %mul3A_399 : i32 to index
        %get3A_1045 = tpu.vector_load %arg10[%get3A_1043, %get3A_1044] {strides = array<i32>} : memref<64x384xf32, #tpu.memory_space<vmem>>, vector<16xf32>,
        %mul3A_1046 = vector.broadcast %squeeze3A_109 : f32 to vector<16xf32>
        %mul3A_1047 = arith.mulf %get3A_1045, %mul3A_1046 : vector<16xf32>
        %add3A_1048 = arith.addf %add3A_1034, %mul3A_1047 : vector<16xf32>
        %get3A_1049 = arith.constant 46 : i32
        %get3A_1050 = arith.index_cast %get3A_1049 : i32 to index
        %get3A_1051 = arith.index_cast %mul3A_399 : i32 to index
        %get3A_1052 = tpu.vector_load %arg11[%get3A_1050, %get3A_1051] {strides = array<i32>} : memref<64x384xf32, #tpu.memory_space<vmem>>, vector<16xf32>,
        %mul3A_1053 = vector.broadcast %squeeze3A_237 : f32 to vector<16xf32>
        %mul3A_1054 = arith.mulf %get3A_1052, %mul3A_1053 : vector<16xf32>
        %add3A_1055 = arith.addf %add3A_1041, %mul3A_1054 : vector<16xf32>
        %get3A_1056 = arith.constant 47 : i32
        %get3A_1057 = arith.index_cast %get3A_1056 : i32 to index
        %get3A_1058 = arith.index_cast %mul3A_399 : i32 to index
        %get3A_1059 = tpu.vector_load %arg10[%get3A_1057, %get3A_1058] {strides = array<i32>} : memref<64x384xf32, #tpu.memory_space<vmem>>, vector<16xf32>,
        %mul3A_1060 = vector.broadcast %squeeze3A_111 : f32 to vector<16xf32>
        %mul3A_1061 = arith.mulf %get3A_1059, %mul3A_1060 : vector<16xf32>
        %add3A_1062 = arith.addf %add3A_1048, %mul3A_1061 : vector<16xf32>
        %get3A_1063 = arith.constant 47 : i32
        %get3A_1064 = arith.index_cast %get3A_1063 : i32 to index
        %get3A_1065 = arith.index_cast %mul3A_399 : i32 to index
        %get3A_1066 = tpu.vector_load %arg11[%get3A_1064, %get3A_1065] {strides = array<i32>} : memref<64x384xf32, #tpu.memory_space<vmem>>, vector<16xf32>,
        %mul3A_1067 = vector.broadcast %squeeze3A_239 : f32 to vector<16xf32>
        %mul3A_1068 = arith.mulf %get3A_1066, %mul3A_1067 : vector<16xf32>
        %add3A_1069 = arith.addf %add3A_1055, %mul3A_1068 : vector<16xf32>
        %get3A_1070 = arith.constant 48 : i32
        %get3A_1071 = arith.index_cast %get3A_1070 : i32 to index
        %get3A_1072 = arith.index_cast %mul3A_399 : i32 to index
        %get3A_1073 = tpu.vector_load %arg10[%get3A_1071, %get3A_1072] {strides = array<i32>} : memref<64x384xf32, #tpu.memory_space<vmem>>, vector<16xf32>,
        %mul3A_1074 = vector.broadcast %squeeze3A_113 : f32 to vector<16xf32>
        %mul3A_1075 = arith.mulf %get3A_1073, %mul3A_1074 : vector<16xf32>
        %add3A_1076 = arith.addf %add3A_1062, %mul3A_1075 : vector<16xf32>
        %get3A_1077 = arith.constant 48 : i32
        %get3A_1078 = arith.index_cast %get3A_1077 : i32 to index
        %get3A_1079 = arith.index_cast %mul3A_399 : i32 to index
        %get3A_1080 = tpu.vector_load %arg11[%get3A_1078, %get3A_1079] {strides = array<i32>} : memref<64x384xf32, #tpu.memory_space<vmem>>, vector<16xf32>,
        %mul3A_1081 = vector.broadcast %squeeze3A_241 : f32 to vector<16xf32>
        %mul3A_1082 = arith.mulf %get3A_1080, %mul3A_1081 : vector<16xf32>
        %add3A_1083 = arith.addf %add3A_1069, %mul3A_1082 : vector<16xf32>
        %get3A_1084 = arith.constant 49 : i32
        %get3A_1085 = arith.index_cast %get3A_1084 : i32 to index
        %get3A_1086 = arith.index_cast %mul3A_399 : i32 to index
        %get3A_1087 = tpu.vector_load %arg10[%get3A_1085, %get3A_1086] {strides = array<i32>} : memref<64x384xf32, #tpu.memory_space<vmem>>, vector<16xf32>,
        %mul3A_1088 = vector.broadcast %squeeze3A_115 : f32 to vector<16xf32>
        %mul3A_1089 = arith.mulf %get3A_1087, %mul3A_1088 : vector<16xf32>
        %add3A_1090 = arith.addf %add3A_1076, %mul3A_1089 : vector<16xf32>
        %get3A_1091 = arith.constant 49 : i32
        %get3A_1092 = arith.index_cast %get3A_1091 : i32 to index
        %get3A_1093 = arith.index_cast %mul3A_399 : i32 to index
        %get3A_1094 = tpu.vector_load %arg11[%get3A_1092, %get3A_1093] {strides = array<i32>} : memref<64x384xf32, #tpu.memory_space<vmem>>, vector<16xf32>,
        %mul3A_1095 = vector.broadcast %squeeze3A_243 : f32 to vector<16xf32>
        %mul3A_1096 = arith.mulf %get3A_1094, %mul3A_1095 : vector<16xf32>
        %add3A_1097 = arith.addf %add3A_1083, %mul3A_1096 : vector<16xf32>
        %get3A_1098 = arith.constant 50 : i32
        %get3A_1099 = arith.index_cast %get3A_1098 : i32 to index
        %get3A_1100 = arith.index_cast %mul3A_399 : i32 to index
        %get3A_1101 = tpu.vector_load %arg10[%get3A_1099, %get3A_1100] {strides = array<i32>} : memref<64x384xf32, #tpu.memory_space<vmem>>, vector<16xf32>,
        %mul3A_1102 = vector.broadcast %squeeze3A_117 : f32 to vector<16xf32>
        %mul3A_1103 = arith.mulf %get3A_1101, %mul3A_1102 : vector<16xf32>
        %add3A_1104 = arith.addf %add3A_1090, %mul3A_1103 : vector<16xf32>
        %get3A_1105 = arith.constant 50 : i32
        %get3A_1106 = arith.index_cast %get3A_1105 : i32 to index
        %get3A_1107 = arith.index_cast %mul3A_399 : i32 to index
        %get3A_1108 = tpu.vector_load %arg11[%get3A_1106, %get3A_1107] {strides = array<i32>} : memref<64x384xf32, #tpu.memory_space<vmem>>, vector<16xf32>,
        %mul3A_1109 = vector.broadcast %squeeze3A_245 : f32 to vector<16xf32>
        %mul3A_1110 = arith.mulf %get3A_1108, %mul3A_1109 : vector<16xf32>
        %add3A_1111 = arith.addf %add3A_1097, %mul3A_1110 : vector<16xf32>
        %get3A_1112 = arith.constant 51 : i32
        %get3A_1113 = arith.index_cast %get3A_1112 : i32 to index
        %get3A_1114 = arith.index_cast %mul3A_399 : i32 to index
        %get3A_1115 = tpu.vector_load %arg10[%get3A_1113, %get3A_1114] {strides = array<i32>} : memref<64x384xf32, #tpu.memory_space<vmem>>, vector<16xf32>,
        %mul3A_1116 = vector.broadcast %squeeze3A_119 : f32 to vector<16xf32>
        %mul3A_1117 = arith.mulf %get3A_1115, %mul3A_1116 : vector<16xf32>
        %add3A_1118 = arith.addf %add3A_1104, %mul3A_1117 : vector<16xf32>
        %get3A_1119 = arith.constant 51 : i32
        %get3A_1120 = arith.index_cast %get3A_1119 : i32 to index
        %get3A_1121 = arith.index_cast %mul3A_399 : i32 to index
        %get3A_1122 = tpu.vector_load %arg11[%get3A_1120, %get3A_1121] {strides = array<i32>} : memref<64x384xf32, #tpu.memory_space<vmem>>, vector<16xf32>,
        %mul3A_1123 = vector.broadcast %squeeze3A_247 : f32 to vector<16xf32>
        %mul3A_1124 = arith.mulf %get3A_1122, %mul3A_1123 : vector<16xf32>
        %add3A_1125 = arith.addf %add3A_1111, %mul3A_1124 : vector<16xf32>
        %get3A_1126 = arith.constant 52 : i32
        %get3A_1127 = arith.index_cast %get3A_1126 : i32 to index
        %get3A_1128 = arith.index_cast %mul3A_399 : i32 to index
        %get3A_1129 = tpu.vector_load %arg10[%get3A_1127, %get3A_1128] {strides = array<i32>} : memref<64x384xf32, #tpu.memory_space<vmem>>, vector<16xf32>,
        %mul3A_1130 = vector.broadcast %squeeze3A_121 : f32 to vector<16xf32>
        %mul3A_1131 = arith.mulf %get3A_1129, %mul3A_1130 : vector<16xf32>
        %add3A_1132 = arith.addf %add3A_1118, %mul3A_1131 : vector<16xf32>
        %get3A_1133 = arith.constant 52 : i32
        %get3A_1134 = arith.index_cast %get3A_1133 : i32 to index
        %get3A_1135 = arith.index_cast %mul3A_399 : i32 to index
        %get3A_1136 = tpu.vector_load %arg11[%get3A_1134, %get3A_1135] {strides = array<i32>} : memref<64x384xf32, #tpu.memory_space<vmem>>, vector<16xf32>,
        %mul3A_1137 = vector.broadcast %squeeze3A_249 : f32 to vector<16xf32>
        %mul3A_1138 = arith.mulf %get3A_1136, %mul3A_1137 : vector<16xf32>
        %add3A_1139 = arith.addf %add3A_1125, %mul3A_1138 : vector<16xf32>
        %get3A_1140 = arith.constant 53 : i32
        %get3A_1141 = arith.index_cast %get3A_1140 : i32 to index
        %get3A_1142 = arith.index_cast %mul3A_399 : i32 to index
        %get3A_1143 = tpu.vector_load %arg10[%get3A_1141, %get3A_1142] {strides = array<i32>} : memref<64x384xf32, #tpu.memory_space<vmem>>, vector<16xf32>,
        %mul3A_1144 = vector.broadcast %squeeze3A_123 : f32 to vector<16xf32>
        %mul3A_1145 = arith.mulf %get3A_1143, %mul3A_1144 : vector<16xf32>
        %add3A_1146 = arith.addf %add3A_1132, %mul3A_1145 : vector<16xf32>
        %get3A_1147 = arith.constant 53 : i32
        %get3A_1148 = arith.index_cast %get3A_1147 : i32 to index
        %get3A_1149 = arith.index_cast %mul3A_399 : i32 to index
        %get3A_1150 = tpu.vector_load %arg11[%get3A_1148, %get3A_1149] {strides = array<i32>} : memref<64x384xf32, #tpu.memory_space<vmem>>, vector<16xf32>,
        %mul3A_1151 = vector.broadcast %squeeze3A_251 : f32 to vector<16xf32>
        %mul3A_1152 = arith.mulf %get3A_1150, %mul3A_1151 : vector<16xf32>
        %add3A_1153 = arith.addf %add3A_1139, %mul3A_1152 : vector<16xf32>
        %get3A_1154 = arith.constant 54 : i32
        %get3A_1155 = arith.index_cast %get3A_1154 : i32 to index
        %get3A_1156 = arith.index_cast %mul3A_399 : i32 to index
        %get3A_1157 = tpu.vector_load %arg10[%get3A_1155, %get3A_1156] {strides = array<i32>} : memref<64x384xf32, #tpu.memory_space<vmem>>, vector<16xf32>,
        %mul3A_1158 = vector.broadcast %squeeze3A_125 : f32 to vector<16xf32>
        %mul3A_1159 = arith.mulf %get3A_1157, %mul3A_1158 : vector<16xf32>
        %add3A_1160 = arith.addf %add3A_1146, %mul3A_1159 : vector<16xf32>
        %get3A_1161 = arith.constant 54 : i32
        %get3A_1162 = arith.index_cast %get3A_1161 : i32 to index
        %get3A_1163 = arith.index_cast %mul3A_399 : i32 to index
        %get3A_1164 = tpu.vector_load %arg11[%get3A_1162, %get3A_1163] {strides = array<i32>} : memref<64x384xf32, #tpu.memory_space<vmem>>, vector<16xf32>,
        %mul3A_1165 = vector.broadcast %squeeze3A_253 : f32 to vector<16xf32>
        %mul3A_1166 = arith.mulf %get3A_1164, %mul3A_1165 : vector<16xf32>
        %add3A_1167 = arith.addf %add3A_1153, %mul3A_1166 : vector<16xf32>
        %get3A_1168 = arith.constant 55 : i32
        %get3A_1169 = arith.index_cast %get3A_1168 : i32 to index
        %get3A_1170 = arith.index_cast %mul3A_399 : i32 to index
        %get3A_1171 = tpu.vector_load %arg10[%get3A_1169, %get3A_1170] {strides = array<i32>} : memref<64x384xf32, #tpu.memory_space<vmem>>, vector<16xf32>,
        %mul3A_1172 = vector.broadcast %squeeze3A_127 : f32 to vector<16xf32>
        %mul3A_1173 = arith.mulf %get3A_1171, %mul3A_1172 : vector<16xf32>
        %add3A_1174 = arith.addf %add3A_1160, %mul3A_1173 : vector<16xf32>
        %get3A_1175 = arith.constant 55 : i32
        %get3A_1176 = arith.index_cast %get3A_1175 : i32 to index
        %get3A_1177 = arith.index_cast %mul3A_399 : i32 to index
        %get3A_1178 = tpu.vector_load %arg11[%get3A_1176, %get3A_1177] {strides = array<i32>} : memref<64x384xf32, #tpu.memory_space<vmem>>, vector<16xf32>,
        %mul3A_1179 = vector.broadcast %squeeze3A_255 : f32 to vector<16xf32>
        %mul3A_1180 = arith.mulf %get3A_1178, %mul3A_1179 : vector<16xf32>
        %add3A_1181 = arith.addf %add3A_1167, %mul3A_1180 : vector<16xf32>
        %get3A_1182 = arith.constant 56 : i32
        %get3A_1183 = arith.index_cast %get3A_1182 : i32 to index
        %get3A_1184 = arith.index_cast %mul3A_399 : i32 to index
        %get3A_1185 = tpu.vector_load %arg10[%get3A_1183, %get3A_1184] {strides = array<i32>} : memref<64x384xf32, #tpu.memory_space<vmem>>, vector<16xf32>,
        %mul3A_1186 = vector.broadcast %squeeze3A_129 : f32 to vector<16xf32>
        %mul3A_1187 = arith.mulf %get3A_1185, %mul3A_1186 : vector<16xf32>
        %add3A_1188 = arith.addf %add3A_1174, %mul3A_1187 : vector<16xf32>
        %get3A_1189 = arith.constant 56 : i32
        %get3A_1190 = arith.index_cast %get3A_1189 : i32 to index
        %get3A_1191 = arith.index_cast %mul3A_399 : i32 to index
        %get3A_1192 = tpu.vector_load %arg11[%get3A_1190, %get3A_1191] {strides = array<i32>} : memref<64x384xf32, #tpu.memory_space<vmem>>, vector<16xf32>,
        %mul3A_1193 = vector.broadcast %squeeze3A_257 : f32 to vector<16xf32>
        %mul3A_1194 = arith.mulf %get3A_1192, %mul3A_1193 : vector<16xf32>
        %add3A_1195 = arith.addf %add3A_1181, %mul3A_1194 : vector<16xf32>
        %get3A_1196 = arith.constant 57 : i32
        %get3A_1197 = arith.index_cast %get3A_1196 : i32 to index
        %get3A_1198 = arith.index_cast %mul3A_399 : i32 to index
        %get3A_1199 = tpu.vector_load %arg10[%get3A_1197, %get3A_1198] {strides = array<i32>} : memref<64x384xf32, #tpu.memory_space<vmem>>, vector<16xf32>,
        %mul3A_1200 = vector.broadcast %squeeze3A_131 : f32 to vector<16xf32>
        %mul3A_1201 = arith.mulf %get3A_1199, %mul3A_1200 : vector<16xf32>
        %add3A_1202 = arith.addf %add3A_1188, %mul3A_1201 : vector<16xf32>
        %get3A_1203 = arith.constant 57 : i32
        %get3A_1204 = arith.index_cast %get3A_1203 : i32 to index
        %get3A_1205 = arith.index_cast %mul3A_399 : i32 to index
        %get3A_1206 = tpu.vector_load %arg11[%get3A_1204, %get3A_1205] {strides = array<i32>} : memref<64x384xf32, #tpu.memory_space<vmem>>, vector<16xf32>,
        %mul3A_1207 = vector.broadcast %squeeze3A_259 : f32 to vector<16xf32>
        %mul3A_1208 = arith.mulf %get3A_1206, %mul3A_1207 : vector<16xf32>
        %add3A_1209 = arith.addf %add3A_1195, %mul3A_1208 : vector<16xf32>
        %get3A_1210 = arith.constant 58 : i32
        %get3A_1211 = arith.index_cast %get3A_1210 : i32 to index
        %get3A_1212 = arith.index_cast %mul3A_399 : i32 to index
        %get3A_1213 = tpu.vector_load %arg10[%get3A_1211, %get3A_1212] {strides = array<i32>} : memref<64x384xf32, #tpu.memory_space<vmem>>, vector<16xf32>,
        %mul3A_1214 = vector.broadcast %squeeze3A_133 : f32 to vector<16xf32>
        %mul3A_1215 = arith.mulf %get3A_1213, %mul3A_1214 : vector<16xf32>
        %add3A_1216 = arith.addf %add3A_1202, %mul3A_1215 : vector<16xf32>
        %get3A_1217 = arith.constant 58 : i32
        %get3A_1218 = arith.index_cast %get3A_1217 : i32 to index
        %get3A_1219 = arith.index_cast %mul3A_399 : i32 to index
        %get3A_1220 = tpu.vector_load %arg11[%get3A_1218, %get3A_1219] {strides = array<i32>} : memref<64x384xf32, #tpu.memory_space<vmem>>, vector<16xf32>,
        %mul3A_1221 = vector.broadcast %squeeze3A_261 : f32 to vector<16xf32>
        %mul3A_1222 = arith.mulf %get3A_1220, %mul3A_1221 : vector<16xf32>
        %add3A_1223 = arith.addf %add3A_1209, %mul3A_1222 : vector<16xf32>
        %get3A_1224 = arith.constant 59 : i32
        %get3A_1225 = arith.index_cast %get3A_1224 : i32 to index
        %get3A_1226 = arith.index_cast %mul3A_399 : i32 to index
        %get3A_1227 = tpu.vector_load %arg10[%get3A_1225, %get3A_1226] {strides = array<i32>} : memref<64x384xf32, #tpu.memory_space<vmem>>, vector<16xf32>,
        %mul3A_1228 = vector.broadcast %squeeze3A_135 : f32 to vector<16xf32>
        %mul3A_1229 = arith.mulf %get3A_1227, %mul3A_1228 : vector<16xf32>
        %add3A_1230 = arith.addf %add3A_1216, %mul3A_1229 : vector<16xf32>
        %get3A_1231 = arith.constant 59 : i32
        %get3A_1232 = arith.index_cast %get3A_1231 : i32 to index
        %get3A_1233 = arith.index_cast %mul3A_399 : i32 to index
        %get3A_1234 = tpu.vector_load %arg11[%get3A_1232, %get3A_1233] {strides = array<i32>} : memref<64x384xf32, #tpu.memory_space<vmem>>, vector<16xf32>,
        %mul3A_1235 = vector.broadcast %squeeze3A_263 : f32 to vector<16xf32>
        %mul3A_1236 = arith.mulf %get3A_1234, %mul3A_1235 : vector<16xf32>
        %add3A_1237 = arith.addf %add3A_1223, %mul3A_1236 : vector<16xf32>
        %get3A_1238 = arith.constant 60 : i32
        %get3A_1239 = arith.index_cast %get3A_1238 : i32 to index
        %get3A_1240 = arith.index_cast %mul3A_399 : i32 to index
        %get3A_1241 = tpu.vector_load %arg10[%get3A_1239, %get3A_1240] {strides = array<i32>} : memref<64x384xf32, #tpu.memory_space<vmem>>, vector<16xf32>,
        %mul3A_1242 = vector.broadcast %squeeze3A_137 : f32 to vector<16xf32>
        %mul3A_1243 = arith.mulf %get3A_1241, %mul3A_1242 : vector<16xf32>
        %add3A_1244 = arith.addf %add3A_1230, %mul3A_1243 : vector<16xf32>
        %get3A_1245 = arith.constant 60 : i32
        %get3A_1246 = arith.index_cast %get3A_1245 : i32 to index
        %get3A_1247 = arith.index_cast %mul3A_399 : i32 to index
        %get3A_1248 = tpu.vector_load %arg11[%get3A_1246, %get3A_1247] {strides = array<i32>} : memref<64x384xf32, #tpu.memory_space<vmem>>, vector<16xf32>,
        %mul3A_1249 = vector.broadcast %squeeze3A_265 : f32 to vector<16xf32>
        %mul3A_1250 = arith.mulf %get3A_1248, %mul3A_1249 : vector<16xf32>
        %add3A_1251 = arith.addf %add3A_1237, %mul3A_1250 : vector<16xf32>
        %get3A_1252 = arith.constant 61 : i32
        %get3A_1253 = arith.index_cast %get3A_1252 : i32 to index
        %get3A_1254 = arith.index_cast %mul3A_399 : i32 to index
        %get3A_1255 = tpu.vector_load %arg10[%get3A_1253, %get3A_1254] {strides = array<i32>} : memref<64x384xf32, #tpu.memory_space<vmem>>, vector<16xf32>,
        %mul3A_1256 = vector.broadcast %squeeze3A_139 : f32 to vector<16xf32>
        %mul3A_1257 = arith.mulf %get3A_1255, %mul3A_1256 : vector<16xf32>
        %add3A_1258 = arith.addf %add3A_1244, %mul3A_1257 : vector<16xf32>
        %get3A_1259 = arith.constant 61 : i32
        %get3A_1260 = arith.index_cast %get3A_1259 : i32 to index
        %get3A_1261 = arith.index_cast %mul3A_399 : i32 to index
        %get3A_1262 = tpu.vector_load %arg11[%get3A_1260, %get3A_1261] {strides = array<i32>} : memref<64x384xf32, #tpu.memory_space<vmem>>, vector<16xf32>,
        %mul3A_1263 = vector.broadcast %squeeze3A_267 : f32 to vector<16xf32>
        %mul3A_1264 = arith.mulf %get3A_1262, %mul3A_1263 : vector<16xf32>
        %add3A_1265 = arith.addf %add3A_1251, %mul3A_1264 : vector<16xf32>
        %get3A_1266 = arith.constant 62 : i32
        %get3A_1267 = arith.index_cast %get3A_1266 : i32 to index
        %get3A_1268 = arith.index_cast %mul3A_399 : i32 to index
        %get3A_1269 = tpu.vector_load %arg10[%get3A_1267, %get3A_1268] {strides = array<i32>} : memref<64x384xf32, #tpu.memory_space<vmem>>, vector<16xf32>,
        %mul3A_1270 = vector.broadcast %squeeze3A_141 : f32 to vector<16xf32>
        %mul3A_1271 = arith.mulf %get3A_1269, %mul3A_1270 : vector<16xf32>
        %add3A_1272 = arith.addf %add3A_1258, %mul3A_1271 : vector<16xf32>
        %get3A_1273 = arith.constant 62 : i32
        %get3A_1274 = arith.index_cast %get3A_1273 : i32 to index
        %get3A_1275 = arith.index_cast %mul3A_399 : i32 to index
        %get3A_1276 = tpu.vector_load %arg11[%get3A_1274, %get3A_1275] {strides = array<i32>} : memref<64x384xf32, #tpu.memory_space<vmem>>, vector<16xf32>,
        %mul3A_1277 = vector.broadcast %squeeze3A_269 : f32 to vector<16xf32>
        %mul3A_1278 = arith.mulf %get3A_1276, %mul3A_1277 : vector<16xf32>
        %add3A_1279 = arith.addf %add3A_1265, %mul3A_1278 : vector<16xf32>
        %get3A_1280 = arith.constant 63 : i32
        %get3A_1281 = arith.index_cast %get3A_1280 : i32 to index
        %get3A_1282 = arith.index_cast %mul3A_399 : i32 to index
        %get3A_1283 = tpu.vector_load %arg10[%get3A_1281, %get3A_1282] {strides = array<i32>} : memref<64x384xf32, #tpu.memory_space<vmem>>, vector<16xf32>,
        %mul3A_1284 = vector.broadcast %squeeze3A_143 : f32 to vector<16xf32>
        %mul3A_1285 = arith.mulf %get3A_1283, %mul3A_1284 : vector<16xf32>
        %add3A_1286 = arith.addf %add3A_1272, %mul3A_1285 : vector<16xf32>
        %get3A_1287 = arith.constant 63 : i32
        %get3A_1288 = arith.index_cast %get3A_1287 : i32 to index
        %get3A_1289 = arith.index_cast %mul3A_399 : i32 to index
        %get3A_1290 = tpu.vector_load %arg11[%get3A_1288, %get3A_1289] {strides = array<i32>} : memref<64x384xf32, #tpu.memory_space<vmem>>, vector<16xf32>,
        %mul3A_1291 = vector.broadcast %squeeze3A_271 : f32 to vector<16xf32>
        %mul3A_1292 = arith.mulf %get3A_1290, %mul3A_1291 : vector<16xf32>
        %add3A_1293 = arith.addf %add3A_1279, %mul3A_1292 : vector<16xf32>
        %swap3A = arith.index_cast %mul3A_399 : i32 to index
        %swap3A_1294 = tpu.vector_load %arg12[%swap3A] {strides = array<i32>} : memref<384xf32, #tpu.memory_space<vmem>>, vector<16xf32>,
        tpu.vector_store %arg12[%swap3A], %add3A_1286 {strides = array<i32>} : memref<384xf32, #tpu.memory_space<vmem>>, vector<16xf32>,
        %swap3A_1295 = arith.index_cast %mul3A_399 : i32 to index
        %swap3A_1296 = tpu.vector_load %arg13[%swap3A_1295] {strides = array<i32>} : memref<384xf32, #tpu.memory_space<vmem>>, vector<16xf32>,
        tpu.vector_store %arg13[%swap3A_1295], %add3A_1293 {strides = array<i32>} : memref<384xf32, #tpu.memory_space<vmem>>, vector<16xf32>,
      }
      %scan3A_378 = arith.constant 24 : i32
      %mul3A_379 = arith.constant 384 : i32
      %mul3A_380 = arith.muli %add3A_360, %mul3A_379 : i32
      %add3A_381 = arith.addi %mul3A_2, %mul3A_380 : i32
      "tpu.region"() ({
        %run_scoped3A = tpu.sem_alloc : memref<!tpu.dma_semaphore, #tpu.memory_space<semaphore_mem>>
        %dma_start3A_397 = tpu.memref_slice %arg6[%add3A_381] : memref<344064xf32, #tpu.memory_space<hbm>> -> memref<384xf32, #tpu.memory_space<hbm>>
        %dma_start3A_398 = tpu.memref_slice %arg6[%add3A_381] : memref<344064xf32, #tpu.memory_space<hbm>> -> memref<384xf32, #tpu.memory_space<hbm>>
        tpu.enqueue_dma source(%arg12 : memref<384xf32, #tpu.memory_space<vmem>>) target(%dma_start3A_398 : memref<384xf32, #tpu.memory_space<hbm>>) target_semaphore(%run_scoped3A : memref<!tpu.dma_semaphore, #tpu.memory_space<semaphore_mem>>)
        %dma_wait3A_399 = tpu.memref_slice %arg6[%add3A_381] : memref<344064xf32, #tpu.memory_space<hbm>> -> memref<384xf32, #tpu.memory_space<hbm>>
        %dma_wait3A_400 = tpu.memref_slice %arg6[%add3A_381] : memref<344064xf32, #tpu.memory_space<hbm>> -> memref<384xf32, #tpu.memory_space<hbm>>
        tpu.wait_dma2 semaphore(%run_scoped3A : memref<!tpu.dma_semaphore, #tpu.memory_space<semaphore_mem>>) src(%arg12 : memref<384xf32, #tpu.memory_space<vmem>>) dst(%dma_wait3A_400 : memref<384xf32, #tpu.memory_space<hbm>>)
        tpu.yield
      }) : () -> ()
      "tpu.region"() ({
        %run_scoped3A = tpu.sem_alloc : memref<!tpu.dma_semaphore, #tpu.memory_space<semaphore_mem>>
        %dma_start3A_397 = tpu.memref_slice %arg7[%add3A_381] : memref<344064xf32, #tpu.memory_space<hbm>> -> memref<384xf32, #tpu.memory_space<hbm>>
        %dma_start3A_398 = tpu.memref_slice %arg7[%add3A_381] : memref<344064xf32, #tpu.memory_space<hbm>> -> memref<384xf32, #tpu.memory_space<hbm>>
        tpu.enqueue_dma source(%arg13 : memref<384xf32, #tpu.memory_space<vmem>>) target(%dma_start3A_398 : memref<384xf32, #tpu.memory_space<hbm>>) target_semaphore(%run_scoped3A : memref<!tpu.dma_semaphore, #tpu.memory_space<semaphore_mem>>)
        %dma_wait3A_399 = tpu.memref_slice %arg7[%add3A_381] : memref<344064xf32, #tpu.memory_space<hbm>> -> memref<384xf32, #tpu.memory_space<hbm>>
        %dma_wait3A_400 = tpu.memref_slice %arg7[%add3A_381] : memref<344064xf32, #tpu.memory_space<hbm>> -> memref<384xf32, #tpu.memory_space<hbm>>
        tpu.wait_dma2 semaphore(%run_scoped3A : memref<!tpu.dma_semaphore, #tpu.memory_space<semaphore_mem>>) src(%arg13 : memref<384xf32, #tpu.memory_space<vmem>>) dst(%dma_wait3A_400 : memref<384xf32, #tpu.memory_space<hbm>>)
        tpu.yield
      }) : () -> ()
      %add3A_382 = arith.constant 2 : i32
      %add3A_383 = arith.addi %add3A_360, %add3A_382 : i32
      %min3A_384 = arith.constant 27 : i32
      %min3A_385 = arith.minsi %add3A_383, %min3A_384 : i32
      %mul3A_386 = arith.constant 384 : i32
      %mul3A_387 = arith.muli %min3A_385, %mul3A_386 : i32
      %add3A_388 = arith.addi %mul3A_2, %mul3A_387 : i32
      %dma_start3A_389 = arith.constant 0 : i32
      %dma_start3A_390 = tpu.memref_slice %arg2[%dma_start3A_389, %add3A_388] : memref<64x1000000xf32, #tpu.memory_space<hbm>> -> memref<64x384xf32, #tpu.memory_space<hbm>>
      %dma_start3A_391 = arith.constant 0 : i32
      %dma_start3A_392 = tpu.memref_slice %arg2[%dma_start3A_391, %add3A_388] : memref<64x1000000xf32, #tpu.memory_space<hbm>> -> memref<64x384xf32, #tpu.memory_space<hbm>>
      tpu.enqueue_dma source(%dma_start3A_392 : memref<64x384xf32, #tpu.memory_space<hbm>>) target(%arg10 : memref<64x384xf32, #tpu.memory_space<vmem>>) target_semaphore(%arg17 : memref<!tpu.dma_semaphore, #tpu.memory_space<semaphore_mem>>)
      %dma_start3A_393 = arith.constant 0 : i32
      %dma_start3A_394 = tpu.memref_slice %arg3[%dma_start3A_393, %add3A_388] : memref<64x1000000xf32, #tpu.memory_space<hbm>> -> memref<64x384xf32, #tpu.memory_space<hbm>>
      %dma_start3A_395 = arith.constant 0 : i32
      %dma_start3A_396 = tpu.memref_slice %arg3[%dma_start3A_395, %add3A_388] : memref<64x1000000xf32, #tpu.memory_space<hbm>> -> memref<64x384xf32, #tpu.memory_space<hbm>>
      tpu.enqueue_dma source(%dma_start3A_396 : memref<64x384xf32, #tpu.memory_space<hbm>>) target(%arg11 : memref<64x384xf32, #tpu.memory_space<vmem>>) target_semaphore(%arg17 : memref<!tpu.dma_semaphore, #tpu.memory_space<semaphore_mem>>)
    }
    %scan3A_295 = arith.constant 14 : i32
    %dma_wait3A = arith.constant 0 : i32
    %dma_wait3A_296 = arith.constant 0 : i32
    %dma_wait3A_297 = tpu.memref_slice %arg2[%dma_wait3A, %dma_wait3A_296] : memref<64x1000000xf32, #tpu.memory_space<hbm>> -> memref<64x384xf32, #tpu.memory_space<hbm>>
    %dma_wait3A_298 = arith.constant 0 : i32
    %dma_wait3A_299 = arith.constant 0 : i32
    %dma_wait3A_300 = tpu.memref_slice %arg2[%dma_wait3A_298, %dma_wait3A_299] : memref<64x1000000xf32, #tpu.memory_space<hbm>> -> memref<64x384xf32, #tpu.memory_space<hbm>>
    tpu.wait_dma2 semaphore(%arg16 : memref<!tpu.dma_semaphore, #tpu.memory_space<semaphore_mem>>) src(%dma_wait3A_300 : memref<64x384xf32, #tpu.memory_space<hbm>>) dst(%arg8 : memref<64x384xf32, #tpu.memory_space<vmem>>)
    %dma_wait3A_301 = arith.constant 0 : i32
    %dma_wait3A_302 = arith.constant 0 : i32
    %dma_wait3A_303 = tpu.memref_slice %arg3[%dma_wait3A_301, %dma_wait3A_302] : memref<64x1000000xf32, #tpu.memory_space<hbm>> -> memref<64x384xf32, #tpu.memory_space<hbm>>
    %dma_wait3A_304 = arith.constant 0 : i32
    %dma_wait3A_305 = arith.constant 0 : i32
    %dma_wait3A_306 = tpu.memref_slice %arg3[%dma_wait3A_304, %dma_wait3A_305] : memref<64x1000000xf32, #tpu.memory_space<hbm>> -> memref<64x384xf32, #tpu.memory_space<hbm>>
    tpu.wait_dma2 semaphore(%arg16 : memref<!tpu.dma_semaphore, #tpu.memory_space<semaphore_mem>>) src(%dma_wait3A_306 : memref<64x384xf32, #tpu.memory_space<hbm>>) dst(%arg9 : memref<64x384xf32, #tpu.memory_space<vmem>>)
    %dma_wait3A_307 = arith.constant 0 : i32
    %dma_wait3A_308 = arith.constant 0 : i32
    %dma_wait3A_309 = tpu.memref_slice %arg2[%dma_wait3A_307, %dma_wait3A_308] : memref<64x1000000xf32, #tpu.memory_space<hbm>> -> memref<64x384xf32, #tpu.memory_space<hbm>>
    %dma_wait3A_310 = arith.constant 0 : i32
    %dma_wait3A_311 = arith.constant 0 : i32
    %dma_wait3A_312 = tpu.memref_slice %arg2[%dma_wait3A_310, %dma_wait3A_311] : memref<64x1000000xf32, #tpu.memory_space<hbm>> -> memref<64x384xf32, #tpu.memory_space<hbm>>
    tpu.wait_dma2 semaphore(%arg17 : memref<!tpu.dma_semaphore, #tpu.memory_space<semaphore_mem>>) src(%dma_wait3A_312 : memref<64x384xf32, #tpu.memory_space<hbm>>) dst(%arg10 : memref<64x384xf32, #tpu.memory_space<vmem>>)
    %dma_wait3A_313 = arith.constant 0 : i32
    %dma_wait3A_314 = arith.constant 0 : i32
    %dma_wait3A_315 = tpu.memref_slice %arg3[%dma_wait3A_313, %dma_wait3A_314] : memref<64x1000000xf32, #tpu.memory_space<hbm>> -> memref<64x384xf32, #tpu.memory_space<hbm>>
    %dma_wait3A_316 = arith.constant 0 : i32
    %dma_wait3A_317 = arith.constant 0 : i32
    %dma_wait3A_318 = tpu.memref_slice %arg3[%dma_wait3A_316, %dma_wait3A_317] : memref<64x1000000xf32, #tpu.memory_space<hbm>> -> memref<64x384xf32, #tpu.memory_space<hbm>>
    tpu.wait_dma2 semaphore(%arg17 : memref<!tpu.dma_semaphore, #tpu.memory_space<semaphore_mem>>) src(%dma_wait3A_318 : memref<64x384xf32, #tpu.memory_space<hbm>>) dst(%arg11 : memref<64x384xf32, #tpu.memory_space<vmem>>)
    return
  }
}

#map = affine_map<(d0, d1) -> (0, 0)>
#map1 = affine_map<(d0, d1) -> (0)>
module attributes {stable_mosaic.version = 14 : i64} {
  func.func @_sc_gather(%arg0: i32, %arg1: i32, %arg2: memref<128x128xi32, #tpu.memory_space<hbm>>, %arg3: memref<128x128xi32, #tpu.memory_space<hbm>>, %arg4: memref<1000000xf32, #tpu.memory_space<hbm>>, %arg5: memref<1000000xf32, #tpu.memory_space<hbm>>, %arg6: memref<16xf32, #tpu.memory_space<hbm>>, %arg7: memref<16384xf32, #tpu.memory_space<hbm>>, %arg8: memref<4x128xi32, #tpu.memory_space<vmem>>, %arg9: memref<4x128xi32, #tpu.memory_space<vmem>>, %arg10: memref<1024xf32, #tpu.memory_space<vmem>>, %arg11: memref<512xf32, #tpu.memory_space<vmem>>, %arg12: memref<16xf32, #tpu.memory_space<vmem>>, %arg13: memref<!tpu.dma_semaphore, #tpu.memory_space<semaphore_mem>>) attributes {dimension_semantics = [#tpu.dimension_semantics<core_parallel>, #tpu.dimension_semantics<subcore_parallel>], iteration_bounds = array<i64: 2, 16>, scalar_prefetch = 0 : i64, scratch_operands = 6 : i64, tpu.core_type = #tpu.core_type<sc_vector_subcore>, window_params = [{transform_indices = #map}, {transform_indices = #map}, {transform_indices = #map1}, {transform_indices = #map1}, {transform_indices = #map1}, {transform_indices = #map1}]} {
    %mul3A = arith.constant 2 : i32
    %mul3A_0 = arith.muli %arg1, %mul3A : i32
    %add3A = arith.addi %mul3A_0, %arg0 : i32
    %mul3A_1 = arith.constant 4 : i32
    %mul3A_2 = arith.muli %add3A, %mul3A_1 : i32
    "tpu.region"() ({
      %run_scoped3A = tpu.sem_alloc : memref<!tpu.dma_semaphore, #tpu.memory_space<semaphore_mem>>
      %dma_start3A_139 = arith.constant 0 : i32
      %dma_start3A_140 = tpu.memref_slice %arg2[%mul3A_2, %dma_start3A_139] : memref<128x128xi32, #tpu.memory_space<hbm>> -> memref<4x128xi32, #tpu.memory_space<hbm>>
      %dma_start3A_141 = arith.constant 0 : i32
      %dma_start3A_142 = tpu.memref_slice %arg2[%mul3A_2, %dma_start3A_141] : memref<128x128xi32, #tpu.memory_space<hbm>> -> memref<4x128xi32, #tpu.memory_space<hbm>>
      tpu.enqueue_dma source(%dma_start3A_142 : memref<4x128xi32, #tpu.memory_space<hbm>>) target(%arg8 : memref<4x128xi32, #tpu.memory_space<vmem>>) target_semaphore(%run_scoped3A : memref<!tpu.dma_semaphore, #tpu.memory_space<semaphore_mem>>)
      %dma_wait3A_143 = arith.constant 0 : i32
      %dma_wait3A_144 = tpu.memref_slice %arg2[%mul3A_2, %dma_wait3A_143] : memref<128x128xi32, #tpu.memory_space<hbm>> -> memref<4x128xi32, #tpu.memory_space<hbm>>
      %dma_wait3A_145 = arith.constant 0 : i32
      %dma_wait3A_146 = tpu.memref_slice %arg2[%mul3A_2, %dma_wait3A_145] : memref<128x128xi32, #tpu.memory_space<hbm>> -> memref<4x128xi32, #tpu.memory_space<hbm>>
      tpu.wait_dma2 semaphore(%run_scoped3A : memref<!tpu.dma_semaphore, #tpu.memory_space<semaphore_mem>>) src(%dma_wait3A_146 : memref<4x128xi32, #tpu.memory_space<hbm>>) dst(%arg8 : memref<4x128xi32, #tpu.memory_space<vmem>>)
      tpu.yield
    }) : () -> ()
    %mul3A_3 = arith.constant 4 : i32
    %mul3A_4 = arith.muli %add3A, %mul3A_3 : i32
    "tpu.region"() ({
      %run_scoped3A = tpu.sem_alloc : memref<!tpu.dma_semaphore, #tpu.memory_space<semaphore_mem>>
      %dma_start3A_139 = arith.constant 0 : i32
      %dma_start3A_140 = tpu.memref_slice %arg3[%mul3A_4, %dma_start3A_139] : memref<128x128xi32, #tpu.memory_space<hbm>> -> memref<4x128xi32, #tpu.memory_space<hbm>>
      %dma_start3A_141 = arith.constant 0 : i32
      %dma_start3A_142 = tpu.memref_slice %arg3[%mul3A_4, %dma_start3A_141] : memref<128x128xi32, #tpu.memory_space<hbm>> -> memref<4x128xi32, #tpu.memory_space<hbm>>
      tpu.enqueue_dma source(%dma_start3A_142 : memref<4x128xi32, #tpu.memory_space<hbm>>) target(%arg9 : memref<4x128xi32, #tpu.memory_space<vmem>>) target_semaphore(%run_scoped3A : memref<!tpu.dma_semaphore, #tpu.memory_space<semaphore_mem>>)
      %dma_wait3A_143 = arith.constant 0 : i32
      %dma_wait3A_144 = tpu.memref_slice %arg3[%mul3A_4, %dma_wait3A_143] : memref<128x128xi32, #tpu.memory_space<hbm>> -> memref<4x128xi32, #tpu.memory_space<hbm>>
      %dma_wait3A_145 = arith.constant 0 : i32
      %dma_wait3A_146 = tpu.memref_slice %arg3[%mul3A_4, %dma_wait3A_145] : memref<128x128xi32, #tpu.memory_space<hbm>> -> memref<4x128xi32, #tpu.memory_space<hbm>>
      tpu.wait_dma2 semaphore(%run_scoped3A : memref<!tpu.dma_semaphore, #tpu.memory_space<semaphore_mem>>) src(%dma_wait3A_146 : memref<4x128xi32, #tpu.memory_space<hbm>>) dst(%arg9 : memref<4x128xi32, #tpu.memory_space<vmem>>)
      tpu.yield
    }) : () -> ()
    "tpu.region"() ({
      %run_scoped3A = tpu.sem_alloc : memref<!tpu.dma_semaphore, #tpu.memory_space<semaphore_mem>>
      tpu.enqueue_dma source(%arg6 : memref<16xf32, #tpu.memory_space<hbm>>) target(%arg12 : memref<16xf32, #tpu.memory_space<vmem>>) target_semaphore(%run_scoped3A : memref<!tpu.dma_semaphore, #tpu.memory_space<semaphore_mem>>)
      tpu.wait_dma2 semaphore(%run_scoped3A : memref<!tpu.dma_semaphore, #tpu.memory_space<semaphore_mem>>) src(%arg6 : memref<16xf32, #tpu.memory_space<hbm>>) dst(%arg12 : memref<16xf32, #tpu.memory_space<vmem>>)
      tpu.yield
    }) : () -> ()
    %dma_start3A = arith.constant 0 : i32
    %dma_start3A_5 = arith.constant 0 : i32
    %dma_start3A_6 = tpu.memref_slice %arg10[%dma_start3A_5] : memref<1024xf32, #tpu.memory_space<vmem>> -> memref<128xf32, #tpu.memory_space<vmem>>
    %dma_start3A_7 = arith.constant 0 : i32
    %dma_start3A_8 = tpu.memref_slice %arg8[%dma_start3A, %dma_start3A_7] : memref<4x128xi32, #tpu.memory_space<vmem>> -> memref<1x128xi32, #tpu.memory_space<vmem>>
    %dma_start3A_9 = tpu.memref_squeeze %dma_start3A_8 : memref<1x128xi32, #tpu.memory_space<vmem>> -> memref<128xi32, #tpu.memory_space<vmem>>
    %dma_start3A_10 = arith.constant 0 : i32
    %dma_start3A_11 = tpu.memref_slice %arg4[%dma_start3A_10] : memref<1000000xf32, #tpu.memory_space<hbm>> -> memref<1000000xf32, #tpu.memory_space<hbm>>
    tpu.enqueue_indirect_dma source(%dma_start3A_11 : memref<1000000xf32, #tpu.memory_space<hbm>>) target(%dma_start3A_6 : memref<128xf32, #tpu.memory_space<vmem>>) offsets(%dma_start3A_9 : memref<128xi32, #tpu.memory_space<vmem>>) semaphore(%arg13 : memref<!tpu.dma_semaphore, #tpu.memory_space<semaphore_mem>>)
    %dma_start3A_12 = arith.constant 0 : i32
    %dma_start3A_13 = arith.constant 512 : i32
    %dma_start3A_14 = tpu.memref_slice %arg10[%dma_start3A_13] : memref<1024xf32, #tpu.memory_space<vmem>> -> memref<128xf32, #tpu.memory_space<vmem>>
    %dma_start3A_15 = arith.constant 0 : i32
    %dma_start3A_16 = tpu.memref_slice %arg9[%dma_start3A_12, %dma_start3A_15] : memref<4x128xi32, #tpu.memory_space<vmem>> -> memref<1x128xi32, #tpu.memory_space<vmem>>
    %dma_start3A_17 = tpu.memref_squeeze %dma_start3A_16 : memref<1x128xi32, #tpu.memory_space<vmem>> -> memref<128xi32, #tpu.memory_space<vmem>>
    %dma_start3A_18 = arith.constant 0 : i32
    %dma_start3A_19 = tpu.memref_slice %arg5[%dma_start3A_18] : memref<1000000xf32, #tpu.memory_space<hbm>> -> memref<1000000xf32, #tpu.memory_space<hbm>>
    tpu.enqueue_indirect_dma source(%dma_start3A_19 : memref<1000000xf32, #tpu.memory_space<hbm>>) target(%dma_start3A_14 : memref<128xf32, #tpu.memory_space<vmem>>) offsets(%dma_start3A_17 : memref<128xi32, #tpu.memory_space<vmem>>) semaphore(%arg13 : memref<!tpu.dma_semaphore, #tpu.memory_space<semaphore_mem>>)
    %dma_start3A_20 = arith.constant 1 : i32
    %dma_start3A_21 = arith.constant 128 : i32
    %dma_start3A_22 = tpu.memref_slice %arg10[%dma_start3A_21] : memref<1024xf32, #tpu.memory_space<vmem>> -> memref<128xf32, #tpu.memory_space<vmem>>
    %dma_start3A_23 = arith.constant 0 : i32
    %dma_start3A_24 = tpu.memref_slice %arg8[%dma_start3A_20, %dma_start3A_23] : memref<4x128xi32, #tpu.memory_space<vmem>> -> memref<1x128xi32, #tpu.memory_space<vmem>>
    %dma_start3A_25 = tpu.memref_squeeze %dma_start3A_24 : memref<1x128xi32, #tpu.memory_space<vmem>> -> memref<128xi32, #tpu.memory_space<vmem>>
    %dma_start3A_26 = arith.constant 0 : i32
    %dma_start3A_27 = tpu.memref_slice %arg4[%dma_start3A_26] : memref<1000000xf32, #tpu.memory_space<hbm>> -> memref<1000000xf32, #tpu.memory_space<hbm>>
    tpu.enqueue_indirect_dma source(%dma_start3A_27 : memref<1000000xf32, #tpu.memory_space<hbm>>) target(%dma_start3A_22 : memref<128xf32, #tpu.memory_space<vmem>>) offsets(%dma_start3A_25 : memref<128xi32, #tpu.memory_space<vmem>>) semaphore(%arg13 : memref<!tpu.dma_semaphore, #tpu.memory_space<semaphore_mem>>)
    %dma_start3A_28 = arith.constant 1 : i32
    %dma_start3A_29 = arith.constant 640 : i32
    %dma_start3A_30 = tpu.memref_slice %arg10[%dma_start3A_29] : memref<1024xf32, #tpu.memory_space<vmem>> -> memref<128xf32, #tpu.memory_space<vmem>>
    %dma_start3A_31 = arith.constant 0 : i32
    %dma_start3A_32 = tpu.memref_slice %arg9[%dma_start3A_28, %dma_start3A_31] : memref<4x128xi32, #tpu.memory_space<vmem>> -> memref<1x128xi32, #tpu.memory_space<vmem>>
    %dma_start3A_33 = tpu.memref_squeeze %dma_start3A_32 : memref<1x128xi32, #tpu.memory_space<vmem>> -> memref<128xi32, #tpu.memory_space<vmem>>
    %dma_start3A_34 = arith.constant 0 : i32
    %dma_start3A_35 = tpu.memref_slice %arg5[%dma_start3A_34] : memref<1000000xf32, #tpu.memory_space<hbm>> -> memref<1000000xf32, #tpu.memory_space<hbm>>
    tpu.enqueue_indirect_dma source(%dma_start3A_35 : memref<1000000xf32, #tpu.memory_space<hbm>>) target(%dma_start3A_30 : memref<128xf32, #tpu.memory_space<vmem>>) offsets(%dma_start3A_33 : memref<128xi32, #tpu.memory_space<vmem>>) semaphore(%arg13 : memref<!tpu.dma_semaphore, #tpu.memory_space<semaphore_mem>>)
    %dma_start3A_36 = arith.constant 2 : i32
    %dma_start3A_37 = arith.constant 256 : i32
    %dma_start3A_38 = tpu.memref_slice %arg10[%dma_start3A_37] : memref<1024xf32, #tpu.memory_space<vmem>> -> memref<128xf32, #tpu.memory_space<vmem>>
    %dma_start3A_39 = arith.constant 0 : i32
    %dma_start3A_40 = tpu.memref_slice %arg8[%dma_start3A_36, %dma_start3A_39] : memref<4x128xi32, #tpu.memory_space<vmem>> -> memref<1x128xi32, #tpu.memory_space<vmem>>
    %dma_start3A_41 = tpu.memref_squeeze %dma_start3A_40 : memref<1x128xi32, #tpu.memory_space<vmem>> -> memref<128xi32, #tpu.memory_space<vmem>>
    %dma_start3A_42 = arith.constant 0 : i32
    %dma_start3A_43 = tpu.memref_slice %arg4[%dma_start3A_42] : memref<1000000xf32, #tpu.memory_space<hbm>> -> memref<1000000xf32, #tpu.memory_space<hbm>>
    tpu.enqueue_indirect_dma source(%dma_start3A_43 : memref<1000000xf32, #tpu.memory_space<hbm>>) target(%dma_start3A_38 : memref<128xf32, #tpu.memory_space<vmem>>) offsets(%dma_start3A_41 : memref<128xi32, #tpu.memory_space<vmem>>) semaphore(%arg13 : memref<!tpu.dma_semaphore, #tpu.memory_space<semaphore_mem>>)
    %dma_start3A_44 = arith.constant 2 : i32
    %dma_start3A_45 = arith.constant 768 : i32
    %dma_start3A_46 = tpu.memref_slice %arg10[%dma_start3A_45] : memref<1024xf32, #tpu.memory_space<vmem>> -> memref<128xf32, #tpu.memory_space<vmem>>
    %dma_start3A_47 = arith.constant 0 : i32
    %dma_start3A_48 = tpu.memref_slice %arg9[%dma_start3A_44, %dma_start3A_47] : memref<4x128xi32, #tpu.memory_space<vmem>> -> memref<1x128xi32, #tpu.memory_space<vmem>>
    %dma_start3A_49 = tpu.memref_squeeze %dma_start3A_48 : memref<1x128xi32, #tpu.memory_space<vmem>> -> memref<128xi32, #tpu.memory_space<vmem>>
    %dma_start3A_50 = arith.constant 0 : i32
    %dma_start3A_51 = tpu.memref_slice %arg5[%dma_start3A_50] : memref<1000000xf32, #tpu.memory_space<hbm>> -> memref<1000000xf32, #tpu.memory_space<hbm>>
    tpu.enqueue_indirect_dma source(%dma_start3A_51 : memref<1000000xf32, #tpu.memory_space<hbm>>) target(%dma_start3A_46 : memref<128xf32, #tpu.memory_space<vmem>>) offsets(%dma_start3A_49 : memref<128xi32, #tpu.memory_space<vmem>>) semaphore(%arg13 : memref<!tpu.dma_semaphore, #tpu.memory_space<semaphore_mem>>)
    %dma_start3A_52 = arith.constant 3 : i32
    %dma_start3A_53 = arith.constant 384 : i32
    %dma_start3A_54 = tpu.memref_slice %arg10[%dma_start3A_53] : memref<1024xf32, #tpu.memory_space<vmem>> -> memref<128xf32, #tpu.memory_space<vmem>>
    %dma_start3A_55 = arith.constant 0 : i32
    %dma_start3A_56 = tpu.memref_slice %arg8[%dma_start3A_52, %dma_start3A_55] : memref<4x128xi32, #tpu.memory_space<vmem>> -> memref<1x128xi32, #tpu.memory_space<vmem>>
    %dma_start3A_57 = tpu.memref_squeeze %dma_start3A_56 : memref<1x128xi32, #tpu.memory_space<vmem>> -> memref<128xi32, #tpu.memory_space<vmem>>
    %dma_start3A_58 = arith.constant 0 : i32
    %dma_start3A_59 = tpu.memref_slice %arg4[%dma_start3A_58] : memref<1000000xf32, #tpu.memory_space<hbm>> -> memref<1000000xf32, #tpu.memory_space<hbm>>
    tpu.enqueue_indirect_dma source(%dma_start3A_59 : memref<1000000xf32, #tpu.memory_space<hbm>>) target(%dma_start3A_54 : memref<128xf32, #tpu.memory_space<vmem>>) offsets(%dma_start3A_57 : memref<128xi32, #tpu.memory_space<vmem>>) semaphore(%arg13 : memref<!tpu.dma_semaphore, #tpu.memory_space<semaphore_mem>>)
    %dma_start3A_60 = arith.constant 3 : i32
    %dma_start3A_61 = arith.constant 896 : i32
    %dma_start3A_62 = tpu.memref_slice %arg10[%dma_start3A_61] : memref<1024xf32, #tpu.memory_space<vmem>> -> memref<128xf32, #tpu.memory_space<vmem>>
    %dma_start3A_63 = arith.constant 0 : i32
    %dma_start3A_64 = tpu.memref_slice %arg9[%dma_start3A_60, %dma_start3A_63] : memref<4x128xi32, #tpu.memory_space<vmem>> -> memref<1x128xi32, #tpu.memory_space<vmem>>
    %dma_start3A_65 = tpu.memref_squeeze %dma_start3A_64 : memref<1x128xi32, #tpu.memory_space<vmem>> -> memref<128xi32, #tpu.memory_space<vmem>>
    %dma_start3A_66 = arith.constant 0 : i32
    %dma_start3A_67 = tpu.memref_slice %arg5[%dma_start3A_66] : memref<1000000xf32, #tpu.memory_space<hbm>> -> memref<1000000xf32, #tpu.memory_space<hbm>>
    tpu.enqueue_indirect_dma source(%dma_start3A_67 : memref<1000000xf32, #tpu.memory_space<hbm>>) target(%dma_start3A_62 : memref<128xf32, #tpu.memory_space<vmem>>) offsets(%dma_start3A_65 : memref<128xi32, #tpu.memory_space<vmem>>) semaphore(%arg13 : memref<!tpu.dma_semaphore, #tpu.memory_space<semaphore_mem>>)
    %dma_wait3A = arith.constant 0 : i32
    %dma_wait3A_68 = arith.constant 0 : i32
    %dma_wait3A_69 = tpu.memref_slice %arg10[%dma_wait3A_68] : memref<1024xf32, #tpu.memory_space<vmem>> -> memref<128xf32, #tpu.memory_space<vmem>>
    %dma_wait3A_70 = arith.constant 0 : i32
    %dma_wait3A_71 = tpu.memref_slice %arg8[%dma_wait3A, %dma_wait3A_70] : memref<4x128xi32, #tpu.memory_space<vmem>> -> memref<1x128xi32, #tpu.memory_space<vmem>>
    %dma_wait3A_72 = tpu.memref_squeeze %dma_wait3A_71 : memref<1x128xi32, #tpu.memory_space<vmem>> -> memref<128xi32, #tpu.memory_space<vmem>>
    %dma_wait3A_73 = arith.constant 0 : i32
    %dma_wait3A_74 = tpu.memref_slice %arg4[%dma_wait3A_73] : memref<1000000xf32, #tpu.memory_space<hbm>> -> memref<1000000xf32, #tpu.memory_space<hbm>>
    tpu.wait_indirect_dma semaphore(%arg13 : memref<!tpu.dma_semaphore, #tpu.memory_space<semaphore_mem>>) src(%dma_wait3A_74 : memref<1000000xf32, #tpu.memory_space<hbm>>) dst(%dma_wait3A_69 : memref<128xf32, #tpu.memory_space<vmem>>)
    %dma_wait3A_75 = arith.constant 0 : i32
    %dma_wait3A_76 = arith.constant 512 : i32
    %dma_wait3A_77 = tpu.memref_slice %arg10[%dma_wait3A_76] : memref<1024xf32, #tpu.memory_space<vmem>> -> memref<128xf32, #tpu.memory_space<vmem>>
    %dma_wait3A_78 = arith.constant 0 : i32
    %dma_wait3A_79 = tpu.memref_slice %arg9[%dma_wait3A_75, %dma_wait3A_78] : memref<4x128xi32, #tpu.memory_space<vmem>> -> memref<1x128xi32, #tpu.memory_space<vmem>>
    %dma_wait3A_80 = tpu.memref_squeeze %dma_wait3A_79 : memref<1x128xi32, #tpu.memory_space<vmem>> -> memref<128xi32, #tpu.memory_space<vmem>>
    %dma_wait3A_81 = arith.constant 0 : i32
    %dma_wait3A_82 = tpu.memref_slice %arg5[%dma_wait3A_81] : memref<1000000xf32, #tpu.memory_space<hbm>> -> memref<1000000xf32, #tpu.memory_space<hbm>>
    tpu.wait_indirect_dma semaphore(%arg13 : memref<!tpu.dma_semaphore, #tpu.memory_space<semaphore_mem>>) src(%dma_wait3A_82 : memref<1000000xf32, #tpu.memory_space<hbm>>) dst(%dma_wait3A_77 : memref<128xf32, #tpu.memory_space<vmem>>)
    %dma_wait3A_83 = arith.constant 1 : i32
    %dma_wait3A_84 = arith.constant 128 : i32
    %dma_wait3A_85 = tpu.memref_slice %arg10[%dma_wait3A_84] : memref<1024xf32, #tpu.memory_space<vmem>> -> memref<128xf32, #tpu.memory_space<vmem>>
    %dma_wait3A_86 = arith.constant 0 : i32
    %dma_wait3A_87 = tpu.memref_slice %arg8[%dma_wait3A_83, %dma_wait3A_86] : memref<4x128xi32, #tpu.memory_space<vmem>> -> memref<1x128xi32, #tpu.memory_space<vmem>>
    %dma_wait3A_88 = tpu.memref_squeeze %dma_wait3A_87 : memref<1x128xi32, #tpu.memory_space<vmem>> -> memref<128xi32, #tpu.memory_space<vmem>>
    %dma_wait3A_89 = arith.constant 0 : i32
    %dma_wait3A_90 = tpu.memref_slice %arg4[%dma_wait3A_89] : memref<1000000xf32, #tpu.memory_space<hbm>> -> memref<1000000xf32, #tpu.memory_space<hbm>>
    tpu.wait_indirect_dma semaphore(%arg13 : memref<!tpu.dma_semaphore, #tpu.memory_space<semaphore_mem>>) src(%dma_wait3A_90 : memref<1000000xf32, #tpu.memory_space<hbm>>) dst(%dma_wait3A_85 : memref<128xf32, #tpu.memory_space<vmem>>)
    %dma_wait3A_91 = arith.constant 1 : i32
    %dma_wait3A_92 = arith.constant 640 : i32
    %dma_wait3A_93 = tpu.memref_slice %arg10[%dma_wait3A_92] : memref<1024xf32, #tpu.memory_space<vmem>> -> memref<128xf32, #tpu.memory_space<vmem>>
    %dma_wait3A_94 = arith.constant 0 : i32
    %dma_wait3A_95 = tpu.memref_slice %arg9[%dma_wait3A_91, %dma_wait3A_94] : memref<4x128xi32, #tpu.memory_space<vmem>> -> memref<1x128xi32, #tpu.memory_space<vmem>>
    %dma_wait3A_96 = tpu.memref_squeeze %dma_wait3A_95 : memref<1x128xi32, #tpu.memory_space<vmem>> -> memref<128xi32, #tpu.memory_space<vmem>>
    %dma_wait3A_97 = arith.constant 0 : i32
    %dma_wait3A_98 = tpu.memref_slice %arg5[%dma_wait3A_97] : memref<1000000xf32, #tpu.memory_space<hbm>> -> memref<1000000xf32, #tpu.memory_space<hbm>>
    tpu.wait_indirect_dma semaphore(%arg13 : memref<!tpu.dma_semaphore, #tpu.memory_space<semaphore_mem>>) src(%dma_wait3A_98 : memref<1000000xf32, #tpu.memory_space<hbm>>) dst(%dma_wait3A_93 : memref<128xf32, #tpu.memory_space<vmem>>)
    %dma_wait3A_99 = arith.constant 2 : i32
    %dma_wait3A_100 = arith.constant 256 : i32
    %dma_wait3A_101 = tpu.memref_slice %arg10[%dma_wait3A_100] : memref<1024xf32, #tpu.memory_space<vmem>> -> memref<128xf32, #tpu.memory_space<vmem>>
    %dma_wait3A_102 = arith.constant 0 : i32
    %dma_wait3A_103 = tpu.memref_slice %arg8[%dma_wait3A_99, %dma_wait3A_102] : memref<4x128xi32, #tpu.memory_space<vmem>> -> memref<1x128xi32, #tpu.memory_space<vmem>>
    %dma_wait3A_104 = tpu.memref_squeeze %dma_wait3A_103 : memref<1x128xi32, #tpu.memory_space<vmem>> -> memref<128xi32, #tpu.memory_space<vmem>>
    %dma_wait3A_105 = arith.constant 0 : i32
    %dma_wait3A_106 = tpu.memref_slice %arg4[%dma_wait3A_105] : memref<1000000xf32, #tpu.memory_space<hbm>> -> memref<1000000xf32, #tpu.memory_space<hbm>>
    tpu.wait_indirect_dma semaphore(%arg13 : memref<!tpu.dma_semaphore, #tpu.memory_space<semaphore_mem>>) src(%dma_wait3A_106 : memref<1000000xf32, #tpu.memory_space<hbm>>) dst(%dma_wait3A_101 : memref<128xf32, #tpu.memory_space<vmem>>)
    %dma_wait3A_107 = arith.constant 2 : i32
    %dma_wait3A_108 = arith.constant 768 : i32
    %dma_wait3A_109 = tpu.memref_slice %arg10[%dma_wait3A_108] : memref<1024xf32, #tpu.memory_space<vmem>> -> memref<128xf32, #tpu.memory_space<vmem>>
    %dma_wait3A_110 = arith.constant 0 : i32
    %dma_wait3A_111 = tpu.memref_slice %arg9[%dma_wait3A_107, %dma_wait3A_110] : memref<4x128xi32, #tpu.memory_space<vmem>> -> memref<1x128xi32, #tpu.memory_space<vmem>>
    %dma_wait3A_112 = tpu.memref_squeeze %dma_wait3A_111 : memref<1x128xi32, #tpu.memory_space<vmem>> -> memref<128xi32, #tpu.memory_space<vmem>>
    %dma_wait3A_113 = arith.constant 0 : i32
    %dma_wait3A_114 = tpu.memref_slice %arg5[%dma_wait3A_113] : memref<1000000xf32, #tpu.memory_space<hbm>> -> memref<1000000xf32, #tpu.memory_space<hbm>>
    tpu.wait_indirect_dma semaphore(%arg13 : memref<!tpu.dma_semaphore, #tpu.memory_space<semaphore_mem>>) src(%dma_wait3A_114 : memref<1000000xf32, #tpu.memory_space<hbm>>) dst(%dma_wait3A_109 : memref<128xf32, #tpu.memory_space<vmem>>)
    %dma_wait3A_115 = arith.constant 3 : i32
    %dma_wait3A_116 = arith.constant 384 : i32
    %dma_wait3A_117 = tpu.memref_slice %arg10[%dma_wait3A_116] : memref<1024xf32, #tpu.memory_space<vmem>> -> memref<128xf32, #tpu.memory_space<vmem>>
    %dma_wait3A_118 = arith.constant 0 : i32
    %dma_wait3A_119 = tpu.memref_slice %arg8[%dma_wait3A_115, %dma_wait3A_118] : memref<4x128xi32, #tpu.memory_space<vmem>> -> memref<1x128xi32, #tpu.memory_space<vmem>>
    %dma_wait3A_120 = tpu.memref_squeeze %dma_wait3A_119 : memref<1x128xi32, #tpu.memory_space<vmem>> -> memref<128xi32, #tpu.memory_space<vmem>>
    %dma_wait3A_121 = arith.constant 0 : i32
    %dma_wait3A_122 = tpu.memref_slice %arg4[%dma_wait3A_121] : memref<1000000xf32, #tpu.memory_space<hbm>> -> memref<1000000xf32, #tpu.memory_space<hbm>>
    tpu.wait_indirect_dma semaphore(%arg13 : memref<!tpu.dma_semaphore, #tpu.memory_space<semaphore_mem>>) src(%dma_wait3A_122 : memref<1000000xf32, #tpu.memory_space<hbm>>) dst(%dma_wait3A_117 : memref<128xf32, #tpu.memory_space<vmem>>)
    %dma_wait3A_123 = arith.constant 3 : i32
    %dma_wait3A_124 = arith.constant 896 : i32
    %dma_wait3A_125 = tpu.memref_slice %arg10[%dma_wait3A_124] : memref<1024xf32, #tpu.memory_space<vmem>> -> memref<128xf32, #tpu.memory_space<vmem>>
    %dma_wait3A_126 = arith.constant 0 : i32
    %dma_wait3A_127 = tpu.memref_slice %arg9[%dma_wait3A_123, %dma_wait3A_126] : memref<4x128xi32, #tpu.memory_space<vmem>> -> memref<1x128xi32, #tpu.memory_space<vmem>>
    %dma_wait3A_128 = tpu.memref_squeeze %dma_wait3A_127 : memref<1x128xi32, #tpu.memory_space<vmem>> -> memref<128xi32, #tpu.memory_space<vmem>>
    %dma_wait3A_129 = arith.constant 0 : i32
    %dma_wait3A_130 = tpu.memref_slice %arg5[%dma_wait3A_129] : memref<1000000xf32, #tpu.memory_space<hbm>> -> memref<1000000xf32, #tpu.memory_space<hbm>>
    tpu.wait_indirect_dma semaphore(%arg13 : memref<!tpu.dma_semaphore, #tpu.memory_space<semaphore_mem>>) src(%dma_wait3A_130 : memref<1000000xf32, #tpu.memory_space<hbm>>) dst(%dma_wait3A_125 : memref<128xf32, #tpu.memory_space<vmem>>)
    %get3A = arith.constant 0 : index
    %get3A_131 = tpu.vector_load %arg12[%get3A] {strides = array<i32>} : memref<16xf32, #tpu.memory_space<vmem>>, vector<16xf32>,
    %scan3A = arith.constant 0 : i32
    %scan3A_132 = arith.constant 0 : i32
    %scan3A_133 = arith.constant 32 : i32
    %scan3A_134 = arith.addi %scan3A_132, %scan3A_133 : i32
    %scan3A_135 = arith.constant 1 : i32
    scf.for %scan3A_139 = %scan3A_132 to %scan3A_134 step %scan3A_135  : i32 {
      %mul3A_140 = arith.constant 16 : i32
      %mul3A_141 = arith.muli %scan3A_139, %mul3A_140 : i32
      %mul3A_142 = arith.constant 16 : i32
      %mul3A_143 = arith.muli %scan3A_139, %mul3A_142 : i32
      %add3A_144 = arith.constant 512 : i32
      %add3A_145 = arith.addi %add3A_144, %mul3A_143 : i32
      %get3A_146 = arith.index_cast %mul3A_141 : i32 to index
      %get3A_147 = tpu.vector_load %arg10[%get3A_146] {strides = array<i32>} : memref<1024xf32, #tpu.memory_space<vmem>>, vector<16xf32>,
      %get3A_148 = arith.index_cast %add3A_145 : i32 to index
      %get3A_149 = tpu.vector_load %arg10[%get3A_148] {strides = array<i32>} : memref<1024xf32, #tpu.memory_space<vmem>>, vector<16xf32>,
      %add3A_150 = arith.addf %get3A_147, %get3A_149 : vector<16xf32>
      %add3A_151 = arith.addf %add3A_150, %get3A_131 : vector<16xf32>
      %neg3A = arith.constant 0.000000e+00 : f32
      %neg3A_152 = vector.broadcast %neg3A : f32 to vector<16xf32>
      %neg3A_153 = arith.subf %neg3A_152, %add3A_151 : vector<16xf32>
      %exp3A = math.exp %neg3A_153 : vector<16xf32>
      %add3A_154 = arith.constant 1.000000e+00 : f32
      %add3A_155 = vector.broadcast %add3A_154 : f32 to vector<16xf32>
      %add3A_156 = arith.addf %add3A_155, %exp3A : vector<16xf32>
      %div3A = arith.constant 1.000000e+00 : f32
      %div3A_157 = vector.broadcast %div3A : f32 to vector<16xf32>
      %div3A_158 = arith.divf %div3A_157, %add3A_156 : vector<16xf32>
      %swap3A = arith.index_cast %mul3A_141 : i32 to index
      %swap3A_159 = tpu.vector_load %arg11[%swap3A] {strides = array<i32>} : memref<512xf32, #tpu.memory_space<vmem>>, vector<16xf32>,
      tpu.vector_store %arg11[%swap3A], %div3A_158 {strides = array<i32>} : memref<512xf32, #tpu.memory_space<vmem>>, vector<16xf32>,
    }
    %scan3A_136 = arith.constant 32 : i32
    %mul3A_137 = arith.constant 512 : i32
    %mul3A_138 = arith.muli %add3A, %mul3A_137 : i32
    "tpu.region"() ({
      %run_scoped3A = tpu.sem_alloc : memref<!tpu.dma_semaphore, #tpu.memory_space<semaphore_mem>>
      %dma_start3A_139 = tpu.memref_slice %arg7[%mul3A_138] : memref<16384xf32, #tpu.memory_space<hbm>> -> memref<512xf32, #tpu.memory_space<hbm>>
      %dma_start3A_140 = tpu.memref_slice %arg7[%mul3A_138] : memref<16384xf32, #tpu.memory_space<hbm>> -> memref<512xf32, #tpu.memory_space<hbm>>
      tpu.enqueue_dma source(%arg11 : memref<512xf32, #tpu.memory_space<vmem>>) target(%dma_start3A_140 : memref<512xf32, #tpu.memory_space<hbm>>) target_semaphore(%run_scoped3A : memref<!tpu.dma_semaphore, #tpu.memory_space<semaphore_mem>>)
      %dma_wait3A_141 = tpu.memref_slice %arg7[%mul3A_138] : memref<16384xf32, #tpu.memory_space<hbm>> -> memref<512xf32, #tpu.memory_space<hbm>>
      %dma_wait3A_142 = tpu.memref_slice %arg7[%mul3A_138] : memref<16384xf32, #tpu.memory_space<hbm>> -> memref<512xf32, #tpu.memory_space<hbm>>
      tpu.wait_dma2 semaphore(%run_scoped3A : memref<!tpu.dma_semaphore, #tpu.memory_space<semaphore_mem>>) src(%arg11 : memref<512xf32, #tpu.memory_space<vmem>>) dst(%dma_wait3A_142 : memref<512xf32, #tpu.memory_space<hbm>>)
      tpu.yield
    }) : () -> ()
    return
  }
}

module attributes {stable_mosaic.version = 14 : i64} {
  func.func @_tc_matvec(%arg0: i32, %arg1: memref<64x16384xf32, #tpu.memory_space<vmem>>, %arg2: memref<64x16384xf32, #tpu.memory_space<vmem>>, %arg3: memref<64x1xf32, #tpu.memory_space<vmem>>, %arg4: memref<64x1xf32, #tpu.memory_space<vmem>>, %arg5: memref<16384xf32, #tpu.memory_space<vmem>>, %arg6: memref<16384xf32, #tpu.memory_space<vmem>>) attributes {dimension_semantics = [#tpu.dimension_semantics<arbitrary>], iteration_bounds = array<i64: 41>, scalar_prefetch = 0 : i64, scratch_operands = 0 : i64, tpu.core_type = #tpu.core_type<tc>, window_params = [{transform_indices = @transform_0, window_bounds = array<i64: 64, 16384>}, {transform_indices = @transform_1, window_bounds = array<i64: 64, 16384>}, {pipeline_mode = #tpu.pipeline_mode<synchronous>, transform_indices = @transform_2, window_bounds = array<i64: 64, 1>}, {pipeline_mode = #tpu.pipeline_mode<synchronous>, transform_indices = @transform_3, window_bounds = array<i64: 64, 1>}, {transform_indices = @transform_4, window_bounds = array<i64: 16384>}, {transform_indices = @transform_5, window_bounds = array<i64: 16384>}]} {
    %get3A = arith.constant 0 : index
    %get3A_0 = arith.constant 0 : index
    %get3A_1 = vector.load %arg1[%get3A, %get3A_0] : memref<64x16384xf32, #tpu.memory_space<vmem>>, vector<64x16384xf32>
    %get3A_2 = arith.constant 0 : index
    %get3A_3 = arith.constant 0 : index
    %get3A_4 = vector.load %arg3[%get3A_2, %get3A_3] : memref<64x1xf32, #tpu.memory_space<vmem>>, vector<64x1xf32>
    %mul3A = vector.broadcast %get3A_4 : vector<64x1xf32> to vector<64x16384xf32>
    %mul3A_5 = arith.mulf %get3A_1, %mul3A : vector<64x16384xf32>
    %reduce_sum3A = arith.constant dense<0.000000e+00> : vector<16384xf32>
    %reduce_sum3A_6 = vector.multi_reduction <add>, %mul3A_5, %reduce_sum3A [0] : vector<64x16384xf32> to vector<16384xf32>
    %swap3A = arith.constant 0 : index
    %swap3A_7 = vector.load %arg5[%swap3A] : memref<16384xf32, #tpu.memory_space<vmem>>, vector<16384xf32>
    tpu.vector_store %arg5[%swap3A], %reduce_sum3A_6 {strides = array<i32>} : memref<16384xf32, #tpu.memory_space<vmem>>, vector<16384xf32>,
    %get3A_8 = arith.constant 0 : index
    %get3A_9 = arith.constant 0 : index
    %get3A_10 = vector.load %arg2[%get3A_8, %get3A_9] : memref<64x16384xf32, #tpu.memory_space<vmem>>, vector<64x16384xf32>
    %get3A_11 = arith.constant 0 : index
    %get3A_12 = arith.constant 0 : index
    %get3A_13 = vector.load %arg4[%get3A_11, %get3A_12] : memref<64x1xf32, #tpu.memory_space<vmem>>, vector<64x1xf32>
    %mul3A_14 = vector.broadcast %get3A_13 : vector<64x1xf32> to vector<64x16384xf32>
    %mul3A_15 = arith.mulf %get3A_10, %mul3A_14 : vector<64x16384xf32>
    %reduce_sum3A_16 = arith.constant dense<0.000000e+00> : vector<16384xf32>
    %reduce_sum3A_17 = vector.multi_reduction <add>, %mul3A_15, %reduce_sum3A_16 [0] : vector<64x16384xf32> to vector<16384xf32>
    %swap3A_18 = arith.constant 0 : index
    %swap3A_19 = vector.load %arg6[%swap3A_18] : memref<16384xf32, #tpu.memory_space<vmem>>, vector<16384xf32>
    tpu.vector_store %arg6[%swap3A_18], %reduce_sum3A_17 {strides = array<i32>} : memref<16384xf32, #tpu.memory_space<vmem>>, vector<16384xf32>,
    return
  }
  func.func @transform_0(%arg0: i32) -> (i32, i32) {
    %add3A = arith.constant 21 : i32
    %add3A_0 = arith.addi %arg0, %add3A : i32
    %c0_i32 = arith.constant 0 : i32
    %c0_i32_1 = arith.constant 0 : i32
    return %c0_i32, %add3A_0 : i32, i32
  }
  func.func @transform_1(%arg0: i32) -> (i32, i32) {
    %add3A = arith.constant 21 : i32
    %add3A_0 = arith.addi %arg0, %add3A : i32
    %c0_i32 = arith.constant 0 : i32
    %c0_i32_1 = arith.constant 0 : i32
    return %c0_i32, %add3A_0 : i32, i32
  }
  func.func @transform_2(%arg0: i32) -> (i32, i32) {
    %c0_i32 = arith.constant 0 : i32
    %c0_i32_0 = arith.constant 0 : i32
    %c0_i32_1 = arith.constant 0 : i32
    return %c0_i32, %c0_i32_0 : i32, i32
  }
  func.func @transform_3(%arg0: i32) -> (i32, i32) {
    %c0_i32 = arith.constant 0 : i32
    %c0_i32_0 = arith.constant 0 : i32
    %c0_i32_1 = arith.constant 0 : i32
    return %c0_i32, %c0_i32_0 : i32, i32
  }
  func.func @transform_4(%arg0: i32) -> i32 {
    %add3A = arith.constant 21 : i32
    %add3A_0 = arith.addi %arg0, %add3A : i32
    %c0_i32 = arith.constant 0 : i32
    return %add3A_0 : i32
  }
  func.func @transform_5(%arg0: i32) -> i32 {
    %add3A = arith.constant 21 : i32
    %add3A_0 = arith.addi %arg0, %add3A : i32
    %c0_i32 = arith.constant 0 : i32
    return %add3A_0 : i32
  }
}

</mosaic_0001>

<sc_bundles>
// kernel: kernel.5.cloned.1.call-start
scs
__scs_entry_jumppad:
0x0: {  	(pc) =	sbr.rel $0x88, $3  }
0x1: {  	(tag) =	ssettag $0x0;
	lr =	simm.s32 $0x1  }
0x2: {  	[smem:$0x3F9B] =	sst lr;
	_ =	strace $0xD0000000  }
0x3: {  	_ = 	snop  }
0x4: {  	_ = 	snop  }
0x5: {  	_ = 	snop  }
0x6: {  	_ = 	snop  }
0x7: {  	_ = 	snop  }
__scs_overlays_trampoline_lowered:
0x8: {  	[smem:$0x3FAA] =	sst s0  }
0x9: {  	[smem:$0x3FAB] =	sst s1  }
0xa: {  	[smem:$0x3FAC] =	sst s2  }
0xb: {  	[smem:$0x3FAD] =	sst s3  }
0xc: {  	[smem:$0x3FAE] =	sst s4  }
0xd: {  	[smem:$0x3FAF] =	sst s5  }
0xe: {  	[smem:$0x3FB0] =	sst s6  }
0xf: {  	[smem:$0x3FB1] =	sst s7  }
0x10: {  	[smem:$0x3FB2] =	sst s8  }
0x11: {  	[smem:$0x3FB3] =	sst s9;
	s0 =	simm.s32 @!p0 $0x0  }
0x12: {  	s1 =	sld [smem:$0x3F99];
	s0 =	simm.s32 @p0 $0x1  }
0x13: {  	[smem:$0x3FB4] =	sst s0;
	s0 =	simm.s32 @!p1 $0x0  }
0x14: {  	s2 =	sld [smem:$0x3F98];
	s0 =	simm.s32 @p1 $0x1  }
0x15: {  	[smem:$0x3FB5] =	sst s0;
	s0 =	simm.s32 @!p2 $0x0  }
0x16: {  	s3 =	sld [smem:$0x3FDB];
	s0 =	simm.s32 @p2 $0x1  }
0x17: {  	s4 =	simm.s32 $0x1BF5;
	[smem:$0x3FB7] =	sst s0  }
0x18: {  	s0 =	sld [smem:$0x3F9A];
	_ =	swait.ge [sflag:s4], $0x0  }
0x19: {  	s7 =	sld [smem:$0x3F9B]  }
0x1a: {  	s8 =	sadd.s32 $0xFFFFE003, lr  }
0x1b: {  	s9 =	sadd.s32 $0xFFFFFEF7, lr;
	s5 =	simm.s32 $0xFFFFFFFF;
	p2 =	slt.u32 s8, $0xFFFFF086  }
0x1c: {  	p1 =	slt.u32 s9, $0xF7A;
	s5 =	simm.s32 @!p2 $0x0  }
0x1d: {  	s5 =	simm.s32 @p1 $0x1;
	p0 =	seq.s32 s7, s2  }
0x1e: {  	s7 =	smul.u32 @!p0 $0xF7A, s2;
	p2 =	seq.s32 @!p0 s5, $0x0  }
0x1f: {  	s9 =	smul.u32 $0xF7A, s1;
	s8 =	simm.s32 @!p0 $0x1BF5;
	p2 =	por !p2, p0  }
0x20: {  	[sflag:s8] =	ssyncset.s32 @!p0 $0xFFFFF086;
	s6 =	sadd.s32 @!p0 s3, s7;
	s7 =	simm.s32 @!p0 $0x108  }
0x21: {  	s3 =	sadd.s32 s3, s9;
	s6 =	sadd.s32 @!p0 $0x88, s6;
	s7 =	simm.s32 @p2 $0x1082  }
0x22: {  	[simem:s7], [sflag:s8] =	dma.local @!p0 [hbm:s6], $0xF7A  }
0x23: {  	s9 =	sor.u32 $0xD0000000, s2;
	s6 =	simm.s32 $0x108;
	_ =	swait.ge @!p0 [sflag:s8], $0x0  }
0x24: {  	s3 =	sadd.s32 $0x88, s3;
	s6 =	simm.s32 @!p1 $0x1082;
	[sflag:s4] =	ssyncset.s32 $0xFFFFF086  }
0x25: {  	[simem:s6], [sflag:s4] =	dma.local [hbm:s3], $0xF7A  }
0x26: {  	[smem:$0x3F9B] =	sst s1;
	(tag) =	ssettag s2;
	_ =	strace s9  }
0x27: {  	s1 =	sld [smem:$0x3FAB]  }
0x28: {  	s2 =	sld [smem:$0x3FAC]  }
0x29: {  	s4 =	sld [smem:$0x3FAE]  }
0x2a: {  	p0 =	seq.s32 s5, $0x0;
	s5 =	sld [smem:$0x3FAF]  }
0x2b: {  	s6 =	sld [smem:$0x3FB0]  }
0x2c: {  	s7 =	sld [smem:$0x3FB1]  }
0x2d: {  	s3 =	simm.s32 $0x108;
	s8 =	sld [smem:$0x3FB2]  }
0x2e: {  	s3 =	simm.s32 @!p0 $0x1082;
	s9 =	sld [smem:$0x3FB3]  }
0x2f: {  	lr =	sadd.s32 s0, s3;
	s0 =	sld [smem:$0x3FAA]  }
0x30: {  	s3 =	sld [smem:$0x3FAD]  }
0x31: {  	[smem:$0x3FB6] =	sst s10  }
0x32: {  	s10 =	sld [smem:$0x3FB4];
	_ =	sdelay $0x3  }
0x33: {  	p0 =	seq.s32 s10, $0x1;
	s10 =	sld [smem:$0x3FB6];
	_ =	sdelay $0x3  }
0x34: {  	[smem:$0x3FB6] =	sst s10  }
0x35: {  	s10 =	sld [smem:$0x3FB5];
	_ =	sdelay $0x3  }
0x36: {  	p1 =	seq.s32 s10, $0x1;
	s10 =	sld [smem:$0x3FB6];
	_ =	sdelay $0x3  }
0x37: {  	[smem:$0x3FB6] =	sst s10  }
0x38: {  	s10 =	sld [smem:$0x3FB7]  }
0x39: {  	_ = 	snop;
	(pc) =	sbr.ind lr, $3  }
0x3a: {  	_ = 	snop  }
0x3b: {  	_ = 	snop  }
0x3c: {  	p2 =	seq.s32 s10, $0x1;
	s10 =	sld [smem:$0x3FB6]  }
0x3d: {  	_ =	shalt  }
0x3e: {  	_ =	shalt  }
0x3f: {  	_ =	shalt  }
0x40: {  	_ =	shalt  }
0x41: {  	_ =	shalt  }
0x42: {  	_ =	shalt  }
0x43: {  	_ =	shalt  }
0x44: {  	_ =	shalt  }
0x45: {  	_ =	shalt  }
0x46: {  	_ =	shalt  }
0x47: {  	_ =	shalt  }
0x48: {  	_ =	shalt  }
0x49: {  	_ =	shalt  }
0x4a: {  	_ =	shalt  }
0x4b: {  	_ =	shalt  }
0x4c: {  	_ =	shalt  }
0x4d: {  	_ =	shalt  }
0x4e: {  	_ =	shalt  }
0x4f: {  	_ =	shalt  }
0x50: {  	_ =	shalt  }
0x51: {  	_ =	shalt  }
0x52: {  	_ =	shalt  }
0x53: {  	_ =	shalt  }
0x54: {  	_ =	shalt  }
0x55: {  	_ =	shalt  }
0x56: {  	_ =	shalt  }
0x57: {  	_ =	shalt  }
0x58: {  	_ =	shalt  }
0x59: {  	_ =	shalt  }
0x5a: {  	_ =	shalt  }
0x5b: {  	_ =	shalt  }
0x5c: {  	_ =	shalt  }
0x5d: {  	_ =	shalt  }
0x5e: {  	_ =	shalt  }
0x5f: {  	_ =	shalt  }
0x60: {  	_ =	shalt  }
0x61: {  	_ =	shalt  }
0x62: {  	_ =	shalt  }
0x63: {  	_ =	shalt  }
0x64: {  	_ =	shalt  }
0x65: {  	_ =	shalt  }
0x66: {  	_ =	shalt  }
0x67: {  	_ =	shalt  }
0x68: {  	_ =	shalt  }
0x69: {  	_ =	shalt  }
0x6a: {  	_ =	shalt  }
0x6b: {  	_ =	shalt  }
0x6c: {  	_ =	shalt  }
0x6d: {  	_ =	shalt  }
0x6e: {  	_ =	shalt  }
0x6f: {  	_ =	shalt  }
0x70: {  	_ =	shalt  }
0x71: {  	_ =	shalt  }
0x72: {  	_ =	shalt  }
0x73: {  	_ =	shalt  }
0x74: {  	_ =	shalt  }
0x75: {  	_ =	shalt  }
0x76: {  	_ =	shalt  }
0x77: {  	_ =	shalt  }
0x78: {  	_ =	shalt  }
0x79: {  	_ =	shalt  }
0x7a: {  	_ =	shalt  }
0x7b: {  	_ =	shalt  }
0x7c: {  	_ =	shalt  }
0x7d: {  	_ =	shalt  }
0x7e: {  	_ =	shalt  }
0x7f: {  	_ =	shalt  }
0x80: {  	_ =	shalt  }
0x81: {  	_ =	shalt  }
0x82: {  	_ =	shalt  }
0x83: {  	_ =	shalt  }
0x84: {  	_ =	shalt  }
0x85: {  	_ =	shalt  }
0x86: {  	_ =	shalt  }
0x87: {  	_ =	shalt  }
.Lfunc_end0:
.L_simem_size_0:
called_computation_lowered:
.L_overlay_start_0:
0x88: {  	s2 =	sld [smem:$0x3FD9]  }
0x89: {  	s3 =	sld [smem:$0x3FFE];
	_ =	sdelay $0x1  }
0x8a: {  	s1 =	srdreg.scid  }
0x8b: {  	s0 =	sand.u32 $0x1, s1  }
0x8c: {  	s17 =	sshll.u32 s0, $0xA;
	s2 =	sadd.s32 s3, s2  }
0x8d: {  	s2 =	sadd.s32 s2, s17  }
0x8e: {  	[smem:$0x3FC2] =	sst s2  }
0x8f: {  	_ = 	snop  }
0x90: {  	s2 =	sld [smem:$0x3FC7]  }
0x91: {  	s18 =	sld [smem:$0x3FC6]  }
0x92: {  	s4 =	sld [smem:$0x3FD0];
	(tm) =	ssettm $0x1  }
0x93: {  	s5 =	sld [smem:$0x3FFB];
	_ =	sdelay $0x3  }
0x94: {  	_ =	strace s5  }
0x95: {  	s5 =	sld [smem:$0x3FFC];
	_ =	sdelay $0x3  }
0x96: {  	_ =	strace s5  }
0x97: {  	s5 =	sld [smem:$0x3FFD];
	_ =	sdelay $0x3  }
0x98: {  	_ =	strace s5  }
0x99: {  	_ =	strace $0x8FFFFFFF  }
0x9a: {  	s19 =	sld [smem:$0x3FDB];
	_ =	sdelay $0x1  }
0x9b: {  	s6 =	simm.s32 $_scs_section_size  }
0x9c: {  	s7 =	simm.s32 $_size__tile_overlayer_lowered;
	s8 =	simm.s32 $_tile_overlayer_lowered  }
0x9d: {  	s22 =	simm.s32 $0x1BFF;
	s21 =	sshll.u32 s8, $0x1;
	s5 =	sadd.s32 s6, s19  }
0x9e: {  	s9 =	simm.s32 $0x0;
	s20 =	sshll.u32 s7, $0x1;
	s7 =	sadd.s32 s21, s5  }
0x9f: {  	[timem:s9], [sflag:s22] =	dma.local [hbm:s7], s20  }
0xa0: {  	_ =	swait.ge [sflag:s22], s20  }
0xa1: {  	s6 =	ssub.s32 $0x0, s20;
	[sflag:s22] =	ssyncset.done $0x0  }
0xa2: {  	[sflag:s22] =	ssyncadd.s32 s6;
	_ =	sdelay $0x1  }
0xa3: {  	s23 =	simm.s32 $0x1B8B  }
0xa4: {  	_ =	swait.ge [sflag:s23], $0x1  }
0xa5: {  	[sflag:s23] =	ssyncset.done $0x0  }
0xa6: {  	s25 =	simm.s32 $0x1B8E;
	s24 =	sld [smem:$0x3FFE];
	[sflag:s23] =	ssyncadd.s32 $0xFFFFFFFF  }
0xa7: {  	s26 =	simm.s32 $execute0_lowered;
	[smem:$0x3FD2] =	sst s25  }
0xa8: {  	s7 =	sshll.u32 s26, $0x1;
	_ =	strace $0x80000046;
	[dreg:$0x1] =	wrdreg $0xFFFFFFFF  }
0xa9: {  	s28 =	simm.s32 $_size_execute0_lowered;
	s5 =	sadd.s32 s5, s7;
	[dreg:$0x0] =	wrdreg $0x0  }
0xaa: {  	s7 =	sshll.u32 s28, $0x1;
	[dreg:$0x2] =	wrdreg s5  }
0xab: {  	[dreg:$0x3] =	wrdreg s7  }
0xac: {  	[dreg:$0x4] =	wrdreg $0xC0  }
0xad: {  	_ =	task [dreg:s9], $0x5FFFF  }
0xae: {  	[dreg:$0x1] =	wrdreg $0xFFFFFFFF  }
0xaf: {  	[dreg:$0x0] =	wrdreg $0x60  }
0xb0: {  	[dreg:$0x2] =	wrdreg s2  }
0xb1: {  	[dreg:$0x3] =	wrdreg s18  }
0xb2: {  	[dreg:$0x4] =	wrdreg s24  }
0xb3: {  	[dreg:$0x5] =	wrdreg s4  }
0xb4: {  	[dreg:$0x6] =	wrdreg $0x9  }
0xb5: {  	_ =	task.clear_ibuf [dreg:s9], $0x7FFFF;
	_ =	strace $0x90000046  }
0xb6: {  	s29 =	simm.s32 $0x9;
	_ =	strace $0x80000048  }
0xb7: {  	_ =	swait.ge [sflag:s29], $0x1  }
0xb8: {  	[sflag:s29] =	ssyncadd.s32 $0xFFFFFFFF  }
0xb9: {  	_ =	strace $0x90000048  }
0xba: {  	_ =	sfence  }
0xbb: {  	s30 =	sld [smem:$0x0];
	_ =	sdelay $0x2  }
0xbc: {  	s31 =	sshll.u32 s1, $0xD;
	s1 =	sshrl.u32 s1, $0x2  }
0xbd: {  	s3 =	sand.u32 $0x4000, s31;
	s1 =	sadd.s32 s1, s30  }
0xbe: {  	s0 =	sor.u32 s3, s0;
	s1 =	sshll.u32 s1, $0x11  }
0xbf: {  	s0 =	sor.u32 s1, s0  }
0xc0: {  	s0 =	sadd.s32 $0x8F2B, s0  }
0xc1: {  	[sflag:s0] =	ssyncadd.remote.s32 $0x1  }
0xc2: {  	_ =	sfence.sel $0xFFFF  }
0xc3: {  	[dreg:$0x0] =	wrdreg $0xFFFFFFFF;
	(pc) =	sbr.abs _section_cstart, $3  }
0xc4: {  	[dreg:$0x1] =	wrdreg $0xFFFFFFFF  }
0xc5: {  	_ =	task.clear_ibuf [dreg:s9], $0x2FFFF;
	_ =	strace $0x9FFFFFFF  }
0xc6: {  	(tm) =	ssettm $0x7FFFFFFF  }
0xc7: {  	_ =	shalt  }
tec
execute0_lowered:
.L_overlay_start_1:
0x0: {  	(tag) =	ssettag $0x1  }
0x1: {  	s1 =	rddreg [dreg:$0x0]  }
0x2: {  	s2 =	rddreg [dreg:$0x1]  }
0x3: {  	s0 =	rddreg [dreg:$0x2];
	s5 =	simm.s32 $0x0  }
0x4: {  	s3 =	srdreg.scid;
	s4 =	stileid.u32;
	s19 =	simm.s32 $0x3  }
0x5: {  	s21 =	simm.s32 $0xC00;
	s28 =	simm.s32 $0x2;
	s29 =	simm.s32 $0x18000  }
0x6: {  	s30 =	simm.s32 $0x18180;
	[smem:$0x7FF] =	sst s5;
	s3 =	sand.u32 $0x1, s3  }
0x7: {  	s4 =	sshll.u32 s4, $0x1;
	s22 =	sadd.s32 $0x1E00, s0;
	s8 =	sadd.s32 $0x2000, s0  }
0x8: {  	s9 =	sadd.s32 $0xC800, s0;
	s6 =	ssub.s32 $0x2, s3;
	s3 =	sor.u32 s3, s4  }
0x9: {  	_ =	strace $0x80000047;
	s23 =	sshrl.u32 s6, $0x1;
	s7 =	smul.u32 $0x2A00, s3  }
0xa: {  	[dreg:$0x5] =	wrdreg s22;
	s22 =	simm.s32 $0x7A1400;
	s24 =	ssub.s32 s6, s23  }
0xb: {  	s23 =	simm.s32 $0x6000;
	s3 =	sadd.s32 s1, s7;
	s25 =	sadd.s32 s2, s7  }
0xc: {  	s12 =	sor.u32 $0x180, s7;
	s15 =	sadd.s32 $0x300, s7;
	[dreg:$0x6] =	wrdreg s3  }
0xd: {  	s16 =	sadd.s32 $0x480, s7;
	s0 =	smax.u32 s24, $0x1;
	[dreg:$0x7] =	wrdreg s25  }
0xe: {  	s24 =	simm.s32 $0xC000;
	s26 =	sadd.s32 s1, s12;
	[dreg:$0xa] =	wrdreg s0  }
0xf: {  	s31 =	sadd.s32 s2, s12;
	s25 =	simm.s32 $0x12000;
	[dreg:$0x8] =	wrdreg s26  }
0x10: {  	s3 =	simm.s32 $0x0;
	[dreg:$0x9] =	wrdreg s31;
	s26 =	simm.s32 $0x1  }
.LBB2_1:
0x11: {  	[dreg:$0xb] =	wrdreg s3  }
0x12: {  	s0 =	rddreg [dreg:$0x5];
	s11 =	simm.s32 $0x18300  }
0x13: {  	[tilespmem:s11], [sflag:$0x3] =	stream.linear.gather [hbm4b:s0+s5], $0x80, $0x38;
	[tilespmem:$0x18400] =	vst v63  }
0x14: {  	_ =	swait.ge [sflag:s19], $0x80  }
0x15: {  	[sflag:s19] =	ssyncset.done $0x0  }
0x16: {  	[sflag:s19] =	ssyncadd.s32 $0xFFFFFF80  }
0x17: {  	s14 =	simm.s32 $0x18380;
	s13 =	rddreg [dreg:$0x3]  }
0x18: {  	[tilespmem:s14], [sflag:$0x3] =	stream.linear.gather [hbm4b:s13+s5], $0x80, $0x38;
	[tilespmem:$0x18400] =	vst v63  }
0x19: {  	_ =	swait.ge [sflag:s19], $0x80  }
0x1a: {  	[sflag:s19] =	ssyncset.done $0x0  }
0x1b: {  	[sflag:s19] =	ssyncadd.s32 $0xFFFFFF80  }
0x1c: {  	v0 =	vld [tilespmem:$0x18300]  }
0x1d: {  	v1 =	vld [tilespmem:$0x18380];
	_ =	sdelay $0x3  }
0x1e: {  	v2 =	vbroadcast v0, $0x0  }
0x1f: {  	v7 =	vbroadcast v1, $0x0  }
0x20: {  	v32 =	vbroadcast v0, $0x1;
	[tilespmem:$0x1F9E0] =	vst v2  }
0x21: {  	v33 =	vbroadcast v1, $0x1;
	[tilespmem:$0x1F9F0] =	vst v7  }
0x22: {  	v34 =	vbroadcast v0, $0x2;
	[tilespmem:$0x1FA00] =	vst v32  }
0x23: {  	v35 =	vbroadcast v1, $0x2;
	[tilespmem:$0x1FA10] =	vst v33  }
0x24: {  	v36 =	vbroadcast v0, $0x3;
	[tilespmem:$0x1FA20] =	vst v34  }
0x25: {  	v37 =	vbroadcast v1, $0x3;
	[tilespmem:$0x1FA30] =	vst v35  }
0x26: {  	v38 =	vbroadcast v0, $0x4;
	[tilespmem:$0x1FA40] =	vst v36  }
0x27: {  	v39 =	vbroadcast v1, $0x4;
	[tilespmem:$0x1FA50] =	vst v37  }
0x28: {  	v40 =	vbroadcast v0, $0x5;
	[tilespmem:$0x1FA60] =	vst v38  }
0x29: {  	v41 =	vbroadcast v1, $0x5;
	[tilespmem:$0x1FA70] =	vst v39  }
0x2a: {  	v42 =	vbroadcast v0, $0x6;
	[tilespmem:$0x1FA80] =	vst v40  }
0x2b: {  	v43 =	vbroadcast v1, $0x6;
	[tilespmem:$0x1FA90] =	vst v41  }
0x2c: {  	v44 =	vbroadcast v0, $0x7;
	[tilespmem:$0x1FAA0] =	vst v42  }
0x2d: {  	v45 =	vbroadcast v1, $0x7;
	[tilespmem:$0x1FAB0] =	vst v43  }
0x2e: {  	v46 =	vbroadcast v0, $0x8;
	[tilespmem:$0x1FAC0] =	vst v44  }
0x2f: {  	v47 =	vbroadcast v1, $0x8;
	[tilespmem:$0x1FAD0] =	vst v45  }
0x30: {  	v48 =	vbroadcast v0, $0x9;
	[tilespmem:$0x1FAE0] =	vst v46  }
0x31: {  	v49 =	vbroadcast v1, $0x9;
	[tilespmem:$0x1FAF0] =	vst v47  }
0x32: {  	v3 =	vbroadcast v0, $0xA;
	[tilespmem:$0x1FB00] =	vst v48  }
0x33: {  	v50 =	vbroadcast v1, $0xA;
	[tilespmem:$0x1FB10] =	vst v49  }
0x34: {  	v4 =	vbroadcast v0, $0xB;
	[tilespmem:$0x1FB20] =	vst v3  }
0x35: {  	v51 =	vbroadcast v1, $0xB;
	[tilespmem:$0x1FB30] =	vst v50  }
0x36: {  	v52 =	vbroadcast v0, $0xC;
	[tilespmem:$0x1FB40] =	vst v4  }
0x37: {  	v53 =	vbroadcast v1, $0xC;
	[tilespmem:$0x1FB50] =	vst v51  }
0x38: {  	v54 =	vbroadcast v0, $0xD;
	[tilespmem:$0x1FB60] =	vst v52  }
0x39: {  	v55 =	vbroadcast v1, $0xD;
	v2 =	vld [tilespmem:$0x18310];
	[tilespmem:$0x1FB70] =	vst v53  }
0x3a: {  	v56 =	vbroadcast v0, $0xE;
	v3 =	vld [tilespmem:$0x18390];
	[tilespmem:$0x1FB80] =	vst v54  }
0x3b: {  	v57 =	vbroadcast v1, $0xE;
	[tilespmem:$0x1FB90] =	vst v55  }
0x3c: {  	v0 =	vbroadcast v0, $0xF;
	[tilespmem:$0x1FBA0] =	vst v56  }
0x3d: {  	v58 =	vbroadcast v1, $0xF;
	[tilespmem:$0x1FBB0] =	vst v57  }
0x3e: {  	[tilespmem:$0x1FBC0] =	vst v0;
	v59 =	vbroadcast v2, $0x0  }
0x3f: {  	[tilespmem:$0x1FBD0] =	vst v58;
	v60 =	vbroadcast v3, $0x0  }
0x40: {  	v61 =	vbroadcast v2, $0x1;
	[tilespmem:$0x1FBE0] =	vst v59  }
0x41: {  	v62 =	vbroadcast v3, $0x1;
	[tilespmem:$0x1FBF0] =	vst v60  }
0x42: {  	v63 =	vbroadcast v2, $0x2;
	[tilespmem:$0x1FC00] =	vst v61  }
0x43: {  	v4 =	vbroadcast v3, $0x2;
	[tilespmem:$0x1FC10] =	vst v62  }
0x44: {  	v5 =	vbroadcast v2, $0x3;
	[tilespmem:$0x1FC20] =	vst v63  }
0x45: {  	v6 =	vbroadcast v3, $0x3;
	[tilespmem:$0x1FC30] =	vst v4  }
0x46: {  	v7 =	vbroadcast v2, $0x4;
	[tilespmem:$0x1FC40] =	vst v5  }
0x47: {  	v32 =	vbroadcast v3, $0x4;
	[tilespmem:$0x1FC50] =	vst v6  }
0x48: {  	v33 =	vbroadcast v2, $0x5;
	[tilespmem:$0x1FC60] =	vst v7  }
0x49: {  	v34 =	vbroadcast v3, $0x5;
	[tilespmem:$0x1FC70] =	vst v32  }
0x4a: {  	v35 =	vbroadcast v2, $0x6;
	[tilespmem:$0x1FC80] =	vst v33  }
0x4b: {  	v36 =	vbroadcast v3, $0x6;
	[tilespmem:$0x1FC90] =	vst v34  }
0x4c: {  	v37 =	vbroadcast v2, $0x7;
	[tilespmem:$0x1FCA0] =	vst v35  }
0x4d: {  	v38 =	vbroadcast v3, $0x7;
	[tilespmem:$0x1FCB0] =	vst v36  }
0x4e: {  	v39 =	vbroadcast v2, $0x8;
	[tilespmem:$0x1FCC0] =	vst v37  }
0x4f: {  	v40 =	vbroadcast v3, $0x8;
	[tilespmem:$0x1FCD0] =	vst v38  }
0x50: {  	v41 =	vbroadcast v2, $0x9;
	[tilespmem:$0x1FCE0] =	vst v39  }
0x51: {  	v42 =	vbroadcast v3, $0x9;
	[tilespmem:$0x1FCF0] =	vst v40  }
0x52: {  	v43 =	vbroadcast v2, $0xA;
	[tilespmem:$0x1FD00] =	vst v41  }
0x53: {  	v44 =	vbroadcast v3, $0xA;
	[tilespmem:$0x1FD10] =	vst v42  }
0x54: {  	v46 =	vbroadcast v2, $0xB;
	[tilespmem:$0x1FD20] =	vst v43  }
0x55: {  	v47 =	vbroadcast v3, $0xB;
	[tilespmem:$0x1FD30] =	vst v44  }
0x56: {  	v48 =	vbroadcast v2, $0xC;
	[tilespmem:$0x1FD40] =	vst v46  }
0x57: {  	v49 =	vbroadcast v3, $0xC;
	[tilespmem:$0x1FD50] =	vst v47  }
0x58: {  	v50 =	vbroadcast v2, $0xD;
	[tilespmem:$0x1FD60] =	vst v48  }
0x59: {  	v45 =	vld [tilespmem:$0x18320];
	v51 =	vbroadcast v3, $0xD;
	[tilespmem:$0x1FD70] =	vst v49  }
0x5a: {  	v52 =	vbroadcast v2, $0xE;
	[tilespmem:$0x1FD80] =	vst v50  }
0x5b: {  	v53 =	vbroadcast v2, $0xF;
	[tilespmem:$0x1FD90] =	vst v51  }
0x5c: {  	v54 =	vbroadcast v3, $0xE;
	[tilespmem:$0x1FDA0] =	vst v52  }
0x5d: {  	v55 =	vbroadcast v3, $0xF;
	[tilespmem:$0x1FDB0] =	vst v53  }
0x5e: {  	v56 =	vbroadcast v45, $0x0;
	[tilespmem:$0x1FDC0] =	vst v54  }
0x5f: {  	v57 =	vbroadcast v45, $0x1;
	[tilespmem:$0x1FDD0] =	vst v55  }
0x60: {  	v58 =	vbroadcast v45, $0x2;
	[tilespmem:$0x1FDE0] =	vst v56;
	v62 =	vld [tilespmem:$0x183A0]  }
0x61: {  	s17 =	rddreg [dreg:$0x6];
	v15 =	vbroadcast v45, $0x9;
	[tilespmem:$0x1FDF0] =	vst v57;
	v6 =	vld [tilespmem:$0x18330]  }
0x62: {  	v10 =	vbroadcast v45, $0xA;
	[tilespmem:$0x1FE00] =	vst v58;
	v7 =	vld [tilespmem:$0x183B0];
	[tilespmem:s5], [sflag:$0x1] =	stream.strided.gather [hbm4b:s17+s21], $0x6000, s22, s21, $0x38  }
0x63: {  	v22 =	vbroadcast v45, $0xB;
	[tilespmem:$0x1FE70] =	vst v15  }
0x64: {  	v16 =	vbroadcast v45, $0xC;
	[tilespmem:$0x1FE80] =	vst v10  }
0x65: {  	v23 =	vbroadcast v45, $0xD;
	[tilespmem:$0x1FE90] =	vst v22  }
0x66: {  	v12 =	vbroadcast v45, $0xE;
	[tilespmem:$0x1FEA0] =	vst v16  }
0x67: {  	v24 =	vbroadcast v45, $0xF;
	[tilespmem:$0x1FEB0] =	vst v23  }
0x68: {  	v59 =	vbroadcast v45, $0x3;
	[tilespmem:$0x1FEC0] =	vst v12  }
0x69: {  	v60 =	vbroadcast v45, $0x4;
	[tilespmem:$0x1FED0] =	vst v24  }
0x6a: {  	v61 =	vbroadcast v45, $0x5;
	[tilespmem:$0x1FE10] =	vst v59  }
0x6b: {  	v63 =	vbroadcast v45, $0x6;
	[tilespmem:$0x1FE20] =	vst v60  }
0x6c: {  	v4 =	vbroadcast v45, $0x7;
	v5 =	vbroadcast v45, $0x8;
	[tilespmem:$0x1FE30] =	vst v61  }
0x6d: {  	s18 =	rddreg [dreg:$0x7];
	[tilespmem:$0x1FE40] =	vst v63;
	v17 =	vbroadcast v62, $0x0;
	v25 =	vbroadcast v62, $0x1  }
0x6e: {  	[tilespmem:s23], [sflag:$0x1] =	stream.strided.gather [hbm4b:s18+s21], $0x6000, s22, s21, $0x38;
	v9 =	vbroadcast v62, $0x2;
	v26 =	vbroadcast v62, $0x3;
	[tilespmem:$0x18400] =	vst v63  }
0x6f: {  	s20 =	rddreg [dreg:$0x8];
	[tilespmem:$0x1FE50] =	vst v4;
	v18 =	vbroadcast v62, $0x4;
	v27 =	vbroadcast v62, $0x5  }
0x70: {  	[tilespmem:s24], [sflag:$0x2] =	stream.strided.gather [hbm4b:s20+s21], $0x6000, s22, s21, $0x38;
	v13 =	vbroadcast v62, $0x6;
	v28 =	vbroadcast v62, $0x7;
	[tilespmem:$0x18400] =	vst v63  }
0x71: {  	s31 =	rddreg [dreg:$0x9];
	[tilespmem:$0x1FE60] =	vst v5;
	v19 =	vbroadcast v62, $0x8;
	v29 =	vbroadcast v62, $0x9  }
0x72: {  	v11 =	vbroadcast v62, $0xA;
	v30 =	vbroadcast v62, $0xB;
	[tilespmem:s25], [sflag:$0x2] =	stream.strided.gather [hbm4b:s31+s21], $0x6000, s22, s21, $0x38;
	[tilespmem:$0x18400] =	vst v63  }
0x73: {  	v31 =	vbroadcast v62, $0xC;
	v20 =	vbroadcast v62, $0xD;
	[tilespmem:$0x1FEE0] =	vst v17  }
0x74: {  	v32 =	vbroadcast v62, $0xE;
	v14 =	vbroadcast v62, $0xF;
	[tilespmem:$0x1FEF0] =	vst v25  }
0x75: {  	v33 =	vbroadcast v6, $0x0;
	v21 =	vbroadcast v6, $0x1;
	[tilespmem:$0x1FF00] =	vst v9  }
0x76: {  	v34 =	vbroadcast v6, $0x2;
	v35 =	vbroadcast v6, $0x3;
	[tilespmem:$0x1FF10] =	vst v26  }
0x77: {  	v36 =	vbroadcast v6, $0x4;
	v37 =	vbroadcast v6, $0x5;
	[tilespmem:$0x1FF20] =	vst v18  }
0x78: {  	v38 =	vbroadcast v6, $0x6;
	v39 =	vbroadcast v6, $0x7;
	[tilespmem:$0x1FF30] =	vst v27  }
0x79: {  	v40 =	vbroadcast v6, $0x8;
	v41 =	vbroadcast v6, $0x9;
	[tilespmem:$0x1FF40] =	vst v13  }
0x7a: {  	v42 =	vbroadcast v6, $0xA;
	v43 =	vbroadcast v6, $0xB;
	[tilespmem:$0x1FF50] =	vst v28  }
0x7b: {  	v44 =	vbroadcast v6, $0xC;
	v45 =	vbroadcast v6, $0xD;
	[tilespmem:$0x1FF60] =	vst v19  }
0x7c: {  	v46 =	vbroadcast v6, $0xE;
	v47 =	vbroadcast v6, $0xF;
	[tilespmem:$0x1FF70] =	vst v29  }
0x7d: {  	v48 =	vbroadcast v7, $0x0;
	v49 =	vbroadcast v7, $0x1;
	[tilespmem:$0x1FF80] =	vst v11  }
0x7e: {  	v50 =	vbroadcast v7, $0x2;
	v51 =	vbroadcast v7, $0x3;
	[tilespmem:$0x1FF90] =	vst v30  }
0x7f: {  	v52 =	vbroadcast v7, $0x4;
	v53 =	vbroadcast v7, $0x5;
	[tilespmem:$0x1FFA0] =	vst v31  }
0x80: {  	v54 =	vbroadcast v7, $0x6;
	v55 =	vbroadcast v7, $0x7;
	[tilespmem:$0x1FFB0] =	vst v20  }
0x81: {  	v56 =	vbroadcast v7, $0x8;
	v57 =	vbroadcast v7, $0x9;
	[tilespmem:$0x1FFC0] =	vst v32  }
0x82: {  	v58 =	vbroadcast v7, $0xA;
	v59 =	vbroadcast v7, $0xB;
	[tilespmem:$0x1FFD0] =	vst v14  }
0x83: {  	v60 =	vbroadcast v7, $0xC;
	v61 =	vbroadcast v7, $0xD;
	[tilespmem:$0x1FFE0] =	vst v33  }
0x84: {  	s0 =	simm.s32 $0x0;
	v62 =	vbroadcast v7, $0xE;
	v63 =	vbroadcast v7, $0xF;
	[tilespmem:$0x1FFF0] =	vst v21  }
.LBB2_2:
0x85: {  	_ =	swait.ge [sflag:s26], $0x6000  }
0x86: {  	[sflag:s26] =	ssyncset.done $0x0  }
0x87: {  	[sflag:s26] =	ssyncadd.s32 $0xFFFFA000  }
0x88: {  	s4 =	simm.s32 $0x0;
	_ =	swait.ge [sflag:s26], $0x6000  }
0x89: {  	s3 =	sand.u32 $0x70, s4;
	s6 =	sand.u32 $0xC00, s4;
	[sflag:s26] =	ssyncset.done $0x0  }
0x8a: {  	s3 =	sor.u32 s3, s6;
	v2 =	vld [tilespmem:$0x1F9E0];
	[sflag:s26] =	ssyncadd.s32 $0xFFFFA000  }
0x8b: {  	v1 =	vld [tilespmem:s3+$0x0];
	_ =	sdelay $0x3  }
0x8c: {  	v0 =	vld [tilespmem:s3+$0x80]  }
0x8d: {  	v2 =	vmul.f32 v1, v2;
	v1 =	vld [tilespmem:$0x1FA00];
	_ =	sdelay $0x3  }
0x8e: {  	v3 =	vld [tilespmem:s3+$0x6000]  }
0x8f: {  	v0 =	vmul.f32 v0, v1;
	v1 =	vld [tilespmem:$0x1F9F0];
	_ =	sdelay $0x3  }
0x90: {  	v6 =	vld [tilespmem:s3+$0x6080]  }
0x91: {  	v3 =	vmul.f32 v3, v1;
	v1 =	vld [tilespmem:$0x1FA10];
	_ =	sdelay $0x4  }
0x92: {  	v1 =	vmul.f32 v6, v1;
	_ =	sdelay $0x1  }
0x93: {  	v1 =	vadd.f32 v1, v3  }
0x94: {  	v7 =	vld [tilespmem:s3+$0x6100]  }
0x95: {  	[tilespmem:$0x1F950] =	vst v1;
	v1 =	vld [tilespmem:$0x1FA30]  }
0x96: {  	v0 =	vadd.f32 v0, v2  }
0x97: {  	v8 =	vld [tilespmem:s3+$0x100]  }
0x98: {  	[tilespmem:$0x1F940] =	vst v0;
	v0 =	vld [tilespmem:$0x1FA20];
	_ =	sdelay $0x1  }
0x99: {  	v1 =	vmul.f32 v7, v1;
	v7 =	vld [tilespmem:$0x1F940]  }
0x9a: {  	s13 =	sand.u32 $0xFFFFFC00, s4  }
0x9b: {  	s6 =	sadd.s32 $0x0, s13  }
0x9c: {  	s10 =	sor.u32 $0x180, s6;
	v0 =	vmul.f32 v8, v0  }
0x9d: {  	v4 =	vld [tilespmem:s10+$0x0]  }
0x9e: {  	v8 =	vadd.f32 v0, v7;
	v0 =	vld [tilespmem:$0x1FA40];
	_ =	sdelay $0x2  }
0x9f: {  	v7 =	vld [tilespmem:$0x1F950];
	_ =	sdelay $0x1  }
0xa0: {  	v5 =	vld [tilespmem:s10+$0x6000];
	v0 =	vmul.f32 v4, v0  }
0xa1: {  	v6 =	vld [tilespmem:s3+$0x200]  }
0xa2: {  	v8 =	vadd.f32 v0, v8;
	v0 =	vld [tilespmem:$0x1FA60]  }
0xa3: {  	v7 =	vadd.f32 v1, v7;
	v1 =	vld [tilespmem:$0x1FA50];
	_ =	sdelay $0x3  }
0xa4: {  	v0 =	vmul.f32 v6, v0  }
0xa5: {  	v1 =	vmul.f32 v5, v1  }
0xa6: {  	[tilespmem:$0x1F960] =	vst v0  }
0xa7: {  	v7 =	vadd.f32 v1, v7;
	v1 =	vld [tilespmem:$0x1F960];
	_ =	sdelay $0x2  }
0xa8: {  	v2 =	vld [tilespmem:s3+$0x6200]  }
0xa9: {  	v3 =	vld [tilespmem:s3+$0x280]  }
0xaa: {  	v8 =	vadd.f32 v1, v8;
	v1 =	vld [tilespmem:$0x1FA80]  }
0xab: {  	v0 =	vld [tilespmem:$0x1FA70];
	_ =	sdelay $0x3  }
0xac: {  	v4 =	vld [tilespmem:s3+$0x6280];
	v1 =	vmul.f32 v3, v1  }
0xad: {  	v5 =	vld [tilespmem:s3+$0x300];
	v0 =	vmul.f32 v2, v0  }
0xae: {  	v8 =	vadd.f32 v1, v8;
	v1 =	vld [tilespmem:$0x1FAA0]  }
0xaf: {  	v7 =	vadd.f32 v0, v7;
	v0 =	vld [tilespmem:$0x1FA90];
	_ =	sdelay $0x2  }
0xb0: {  	s4 =	sor.u32 s4, s4  }
0xb1: {  	s14 =	sor.u32 $0x380, s4;
	v6 =	vld [tilespmem:s3+$0x6300];
	v1 =	vmul.f32 v5, v1  }
0xb2: {  	v2 =	vld [tilespmem:s14+$0x0];
	v0 =	vmul.f32 v4, v0  }
0xb3: {  	v8 =	vadd.f32 v1, v8;
	v1 =	vld [tilespmem:$0x1FAC0]  }
0xb4: {  	v7 =	vadd.f32 v0, v7;
	v0 =	vld [tilespmem:$0x1FAB0];
	_ =	sdelay $0x3  }
0xb5: {  	v3 =	vld [tilespmem:s14+$0x6000];
	v1 =	vmul.f32 v2, v1  }
0xb6: {  	v4 =	vld [tilespmem:s3+$0xC00];
	v0 =	vmul.f32 v6, v0  }
0xb7: {  	v8 =	vadd.f32 v1, v8;
	v1 =	vld [tilespmem:$0x1FAE0]  }
0xb8: {  	v7 =	vadd.f32 v0, v7;
	v0 =	vld [tilespmem:$0x1FAD0];
	_ =	sdelay $0x3  }
0xb9: {  	v5 =	vld [tilespmem:s3+$0x6C00];
	v1 =	vmul.f32 v4, v1  }
0xba: {  	v6 =	vld [tilespmem:s3+$0xC80];
	v0 =	vmul.f32 v3, v0  }
0xbb: {  	v8 =	vadd.f32 v1, v8;
	v1 =	vld [tilespmem:$0x1FB00]  }
0xbc: {  	v7 =	vadd.f32 v0, v7;
	v0 =	vld [tilespmem:$0x1FAF0];
	_ =	sdelay $0x3  }
0xbd: {  	v2 =	vld [tilespmem:s3+$0x6C80];
	v1 =	vmul.f32 v6, v1  }
0xbe: {  	v3 =	vld [tilespmem:s3+$0xD00];
	v0 =	vmul.f32 v5, v0  }
0xbf: {  	v8 =	vadd.f32 v1, v8;
	v1 =	vld [tilespmem:$0x1FB20]  }
0xc0: {  	v7 =	vadd.f32 v0, v7;
	v0 =	vld [tilespmem:$0x1FB10];
	_ =	sdelay $0x3  }
0xc1: {  	v4 =	vld [tilespmem:s3+$0x6D00];
	v1 =	vmul.f32 v3, v1  }
0xc2: {  	v5 =	vld [tilespmem:s3+$0xD80];
	v0 =	vmul.f32 v2, v0  }
0xc3: {  	v8 =	vadd.f32 v1, v8;
	v1 =	vld [tilespmem:$0x1FB40]  }
0xc4: {  	v7 =	vadd.f32 v0, v7;
	v0 =	vld [tilespmem:$0x1FB30];
	_ =	sdelay $0x3  }
0xc5: {  	v6 =	vld [tilespmem:s3+$0x6D80];
	v1 =	vmul.f32 v5, v1  }
0xc6: {  	v2 =	vld [tilespmem:s3+$0xE00];
	v0 =	vmul.f32 v4, v0  }
0xc7: {  	v8 =	vadd.f32 v1, v8;
	v1 =	vld [tilespmem:$0x1FB60]  }
0xc8: {  	v7 =	vadd.f32 v0, v7;
	v0 =	vld [tilespmem:$0x1FB50];
	_ =	sdelay $0x3  }
0xc9: {  	v3 =	vld [tilespmem:s3+$0x6E00];
	v1 =	vmul.f32 v2, v1  }
0xca: {  	v4 =	vld [tilespmem:s3+$0xE80];
	v0 =	vmul.f32 v6, v0  }
0xcb: {  	v8 =	vadd.f32 v1, v8;
	v1 =	vld [tilespmem:$0x1FB80]  }
0xcc: {  	v7 =	vadd.f32 v0, v7;
	v0 =	vld [tilespmem:$0x1FB70];
	_ =	sdelay $0x3  }
0xcd: {  	v5 =	vld [tilespmem:s3+$0x6E80];
	v1 =	vmul.f32 v4, v1  }
0xce: {  	v6 =	vld [tilespmem:s3+$0xF00];
	v0 =	vmul.f32 v3, v0  }
0xcf: {  	v8 =	vadd.f32 v1, v8;
	v1 =	vld [tilespmem:$0x1FBA0]  }
0xd0: {  	v7 =	vadd.f32 v0, v7;
	v0 =	vld [tilespmem:$0x1FB90];
	_ =	sdelay $0x3  }
0xd1: {  	v2 =	vld [tilespmem:s3+$0x6F00];
	v1 =	vmul.f32 v6, v1  }
0xd2: {  	v3 =	vld [tilespmem:s3+$0xF80];
	v0 =	vmul.f32 v5, v0  }
0xd3: {  	v8 =	vadd.f32 v1, v8;
	v1 =	vld [tilespmem:$0x1FBC0]  }
0xd4: {  	v7 =	vadd.f32 v0, v7;
	v0 =	vld [tilespmem:$0x1FBB0];
	_ =	sdelay $0x3  }
0xd5: {  	v4 =	vld [tilespmem:s3+$0x6F80];
	v1 =	vmul.f32 v3, v1  }
0xd6: {  	v5 =	vld [tilespmem:s3+$0x1800];
	v0 =	vmul.f32 v2, v0  }
0xd7: {  	v8 =	vadd.f32 v1, v8;
	v1 =	vld [tilespmem:$0x1FBE0]  }
0xd8: {  	v7 =	vadd.f32 v0, v7;
	v0 =	vld [tilespmem:$0x1FBD0];
	_ =	sdelay $0x3  }
0xd9: {  	v6 =	vld [tilespmem:s3+$0x7800];
	v1 =	vmul.f32 v5, v1  }
0xda: {  	v2 =	vld [tilespmem:s3+$0x1880];
	v0 =	vmul.f32 v4, v0  }
0xdb: {  	v8 =	vadd.f32 v1, v8;
	v1 =	vld [tilespmem:$0x1FC00]  }
0xdc: {  	v7 =	vadd.f32 v0, v7;
	v0 =	vld [tilespmem:$0x1FBF0];
	_ =	sdelay $0x3  }
0xdd: {  	v3 =	vld [tilespmem:s3+$0x7880];
	v1 =	vmul.f32 v2, v1  }
0xde: {  	v4 =	vld [tilespmem:s3+$0x1900];
	v0 =	vmul.f32 v6, v0  }
0xdf: {  	v8 =	vadd.f32 v1, v8;
	v1 =	vld [tilespmem:$0x1FC20]  }
0xe0: {  	v7 =	vadd.f32 v0, v7;
	v0 =	vld [tilespmem:$0x1FC10];
	_ =	sdelay $0x3  }
0xe1: {  	v5 =	vld [tilespmem:s3+$0x7900];
	v1 =	vmul.f32 v4, v1  }
0xe2: {  	v6 =	vld [tilespmem:s3+$0x1980];
	v0 =	vmul.f32 v3, v0  }
0xe3: {  	v8 =	vadd.f32 v1, v8;
	v1 =	vld [tilespmem:$0x1FC40]  }
0xe4: {  	v7 =	vadd.f32 v0, v7;
	v0 =	vld [tilespmem:$0x1FC30];
	_ =	sdelay $0x3  }
0xe5: {  	v2 =	vld [tilespmem:s3+$0x7980];
	v1 =	vmul.f32 v6, v1  }
0xe6: {  	v3 =	vld [tilespmem:s3+$0x1A00];
	v0 =	vmul.f32 v5, v0  }
0xe7: {  	v8 =	vadd.f32 v1, v8;
	v1 =	vld [tilespmem:$0x1FC60]  }
0xe8: {  	v7 =	vadd.f32 v0, v7;
	v0 =	vld [tilespmem:$0x1FC50];
	_ =	sdelay $0x3  }
0xe9: {  	v4 =	vld [tilespmem:s3+$0x7A00];
	v1 =	vmul.f32 v3, v1  }
0xea: {  	v5 =	vld [tilespmem:s3+$0x1A80];
	v0 =	vmul.f32 v2, v0  }
0xeb: {  	v8 =	vadd.f32 v1, v8;
	v1 =	vld [tilespmem:$0x1FC80]  }
0xec: {  	v7 =	vadd.f32 v0, v7;
	v0 =	vld [tilespmem:$0x1FC70];
	_ =	sdelay $0x3  }
0xed: {  	v6 =	vld [tilespmem:s3+$0x7A80];
	v1 =	vmul.f32 v5, v1  }
0xee: {  	v2 =	vld [tilespmem:s3+$0x1B00];
	v0 =	vmul.f32 v4, v0  }
0xef: {  	v8 =	vadd.f32 v1, v8;
	v1 =	vld [tilespmem:$0x1FCA0]  }
0xf0: {  	v7 =	vadd.f32 v0, v7;
	v0 =	vld [tilespmem:$0x1FC90];
	_ =	sdelay $0x3  }
0xf1: {  	v3 =	vld [tilespmem:s3+$0x7B00];
	v1 =	vmul.f32 v2, v1  }
0xf2: {  	v4 =	vld [tilespmem:s3+$0x1B80];
	v0 =	vmul.f32 v6, v0  }
0xf3: {  	v8 =	vadd.f32 v1, v8;
	v1 =	vld [tilespmem:$0x1FCC0]  }
0xf4: {  	v7 =	vadd.f32 v0, v7;
	v0 =	vld [tilespmem:$0x1FCB0];
	_ =	sdelay $0x3  }
0xf5: {  	v5 =	vld [tilespmem:s3+$0x7B80];
	v1 =	vmul.f32 v4, v1  }
0xf6: {  	v6 =	vld [tilespmem:s3+$0x2400];
	v0 =	vmul.f32 v3, v0  }
0xf7: {  	v8 =	vadd.f32 v1, v8;
	v1 =	vld [tilespmem:$0x1FCE0]  }
0xf8: {  	v7 =	vadd.f32 v0, v7;
	v0 =	vld [tilespmem:$0x1FCD0];
	_ =	sdelay $0x3  }
0xf9: {  	v2 =	vld [tilespmem:s3+$0x8400];
	v1 =	vmul.f32 v6, v1  }
0xfa: {  	v3 =	vld [tilespmem:s3+$0x2480];
	v0 =	vmul.f32 v5, v0  }
0xfb: {  	v8 =	vadd.f32 v1, v8;
	v1 =	vld [tilespmem:$0x1FD00]  }
0xfc: {  	v7 =	vadd.f32 v0, v7;
	v0 =	vld [tilespmem:$0x1FCF0];
	_ =	sdelay $0x3  }
0xfd: {  	v4 =	vld [tilespmem:s3+$0x8480];
	v1 =	vmul.f32 v3, v1  }
0xfe: {  	v5 =	vld [tilespmem:s3+$0x2500];
	v0 =	vmul.f32 v2, v0  }
0xff: {  	v8 =	vadd.f32 v1, v8;
	v1 =	vld [tilespmem:$0x1FD20]  }
0x100: {  	v7 =	vadd.f32 v0, v7;
	v0 =	vld [tilespmem:$0x1FD10];
	_ =	sdelay $0x3  }
0x101: {  	v6 =	vld [tilespmem:s3+$0x8500];
	v1 =	vmul.f32 v5, v1  }
0x102: {  	v2 =	vld [tilespmem:s3+$0x2580];
	v0 =	vmul.f32 v4, v0  }
0x103: {  	v8 =	vadd.f32 v1, v8;
	v1 =	vld [tilespmem:$0x1FD40]  }
0x104: {  	v7 =	vadd.f32 v0, v7;
	v0 =	vld [tilespmem:$0x1FD30];
	_ =	sdelay $0x3  }
0x105: {  	v3 =	vld [tilespmem:s3+$0x8580];
	v1 =	vmul.f32 v2, v1  }
0x106: {  	v4 =	vld [tilespmem:s3+$0x2600];
	v0 =	vmul.f32 v6, v0  }
0x107: {  	v8 =	vadd.f32 v1, v8;
	v1 =	vld [tilespmem:$0x1FD60]  }
0x108: {  	v7 =	vadd.f32 v0, v7;
	v0 =	vld [tilespmem:$0x1FD50];
	_ =	sdelay $0x3  }
0x109: {  	v5 =	vld [tilespmem:s3+$0x8600];
	v1 =	vmul.f32 v4, v1  }
0x10a: {  	v6 =	vld [tilespmem:s3+$0x2680];
	v0 =	vmul.f32 v3, v0  }
0x10b: {  	v8 =	vadd.f32 v1, v8;
	v1 =	vld [tilespmem:$0x1FD80]  }
0x10c: {  	v7 =	vadd.f32 v0, v7;
	v0 =	vld [tilespmem:$0x1FD70];
	_ =	sdelay $0x3  }
0x10d: {  	v1 =	vmul.f32 v6, v1  }
0x10e: {  	v3 =	vld [tilespmem:s3+$0x2700];
	v0 =	vmul.f32 v5, v0  }
0x10f: {  	v8 =	vadd.f32 v1, v8;
	v1 =	vld [tilespmem:$0x1FDA0]  }
0x110: {  	v0 =	vadd.f32 v0, v7  }
0x111: {  	v2 =	vld [tilespmem:s3+$0x8680]  }
0x112: {  	[tilespmem:$0x1F970] =	vst v0;
	v0 =	vld [tilespmem:$0x1FD90];
	_ =	sdelay $0x1  }
0x113: {  	v1 =	vmul.f32 v3, v1;
	v3 =	vld [tilespmem:$0x1F970];
	_ =	sdelay $0x1  }
0x114: {  	v1 =	vadd.f32 v1, v8  }
0x115: {  	v5 =	vld [tilespmem:s3+$0x2780];
	v0 =	vmul.f32 v2, v0  }
0x116: {  	[tilespmem:$0x1F990] =	vst v1;
	v1 =	vld [tilespmem:$0x1FDB0]  }
0x117: {  	v0 =	vadd.f32 v0, v3  }
0x118: {  	v4 =	vld [tilespmem:s3+$0x8700]  }
0x119: {  	[tilespmem:$0x1F980] =	vst v0;
	v0 =	vld [tilespmem:$0x1FDC0];
	_ =	sdelay $0x1  }
0x11a: {  	v1 =	vmul.f32 v5, v1;
	v5 =	vld [tilespmem:$0x1F980];
	_ =	sdelay $0x2  }
0x11b: {  	v0 =	vmul.f32 v4, v0  }
0x11c: {  	v6 =	vld [tilespmem:s3+$0x8780]  }
0x11d: {  	v8 =	vadd.f32 v0, v5;
	v0 =	vld [tilespmem:$0x1FDD0];
	_ =	sdelay $0x4  }
0x11e: {  	v0 =	vmul.f32 v6, v0;
	v6 =	vld [tilespmem:$0x1F990];
	_ =	sdelay $0x3  }
0x11f: {  	v2 =	vld [tilespmem:s3+$0x9000]  }
0x120: {  	v1 =	vadd.f32 v1, v6  }
0x121: {  	v7 =	vld [tilespmem:s3+$0x3000]  }
0x122: {  	v0 =	vadd.f32 v0, v8;
	[tilespmem:$0x1F9A0] =	vst v1;
	v1 =	vld [tilespmem:$0x1FDE0];
	_ =	sdelay $0x1  }
0x123: {  	[tilespmem:$0x1F9B0] =	vst v0;
	v0 =	vmul.f32 v2, v17;
	v2 =	vld [tilespmem:$0x1F9A0];
	_ =	sdelay $0x2  }
0x124: {  	v1 =	vmul.f32 v7, v1;
	_ =	sdelay $0x1  }
0x125: {  	v3 =	vld [tilespmem:s3+$0x3080];
	v1 =	vadd.f32 v1, v2  }
0x126: {  	v2 =	vld [tilespmem:$0x1F9B0]  }
0x127: {  	[tilespmem:$0x1F9C0] =	vst v1;
	v1 =	vld [tilespmem:$0x1FDF0];
	_ =	sdelay $0x4  }
0x128: {  	v1 =	vmul.f32 v3, v1;
	v3 =	vadd.f32 v0, v2;
	v2 =	vld [tilespmem:s3+$0x3200];
	_ =	sdelay $0x3  }
0x129: {  	v4 =	vld [tilespmem:s3+$0x9080]  }
0x12a: {  	[tilespmem:$0x1F9D0] =	vst v2;
	v2 =	vld [tilespmem:$0x1F9C0];
	_ =	sdelay $0x3  }
0x12b: {  	v5 =	vld [tilespmem:s3+$0x3100]  }
0x12c: {  	v0 =	vmul.f32 v4, v25;
	v4 =	vadd.f32 v1, v2;
	v1 =	vld [tilespmem:$0x1FE00];
	_ =	sdelay $0x1  }
0x12d: {  	v6 =	vld [tilespmem:s3+$0x9100];
	_ =	sdelay $0x2  }
0x12e: {  	s6 =	sor.u32 $0x3180, s6;
	v1 =	vmul.f32 v5, v1  }
0x12f: {  	v7 =	vld [tilespmem:s6+$0x0]  }
0x130: {  	v5 =	vadd.f32 v0, v3;
	v0 =	vmul.f32 v6, v9;
	v6 =	vadd.f32 v1, v4;
	v1 =	vld [tilespmem:$0x1FE10];
	_ =	sdelay $0x1  }
0x131: {  	v8 =	vld [tilespmem:s6+$0x6000];
	_ =	sdelay $0x2  }
0x132: {  	v1 =	vmul.f32 v7, v1;
	_ =	sdelay $0x1  }
0x133: {  	v7 =	vadd.f32 v0, v5;
	v0 =	vmul.f32 v8, v26;
	v8 =	vadd.f32 v1, v6;
	v1 =	vld [tilespmem:$0x1FE20]  }
0x134: {  	v6 =	vld [tilespmem:$0x1F9D0];
	_ =	sdelay $0x4  }
0x135: {  	v1 =	vmul.f32 v6, v1  }
0x136: {  	v3 =	vld [tilespmem:s3+$0x3280]  }
0x137: {  	v8 =	vadd.f32 v1, v8;
	v1 =	vld [tilespmem:$0x1FE30];
	_ =	sdelay $0x4  }
0x138: {  	v1 =	vmul.f32 v3, v1  }
0x139: {  	v5 =	vld [tilespmem:s3+$0x3300]  }
0x13a: {  	v8 =	vadd.f32 v1, v8;
	v1 =	vld [tilespmem:$0x1FE40]  }
0x13b: {  	v2 =	vld [tilespmem:s3+$0x9200];
	_ =	sdelay $0x3  }
0x13c: {  	s4 =	sor.u32 $0x3380, s4;
	v4 =	vld [tilespmem:s3+$0x9280];
	v1 =	vmul.f32 v5, v1  }
0x13d: {  	v7 =	vadd.f32 v0, v7;
	v0 =	vmul.f32 v2, v18;
	v2 =	vld [tilespmem:s4+$0x0]  }
0x13e: {  	v8 =	vadd.f32 v1, v8;
	v1 =	vld [tilespmem:$0x1FE50];
	_ =	sdelay $0x3  }
0x13f: {  	v6 =	vld [tilespmem:s3+$0x9300]  }
0x140: {  	v7 =	vadd.f32 v0, v7;
	v0 =	vmul.f32 v4, v27;
	v4 =	vld [tilespmem:s3+$0x3C00];
	v1 =	vmul.f32 v2, v1  }
0x141: {  	v3 =	vld [tilespmem:s4+$0x6000]  }
0x142: {  	v8 =	vadd.f32 v1, v8;
	v1 =	vld [tilespmem:$0x1FE60]  }
0x143: {  	v5 =	vld [tilespmem:s3+$0x9C00]  }
0x144: {  	v7 =	vadd.f32 v0, v7;
	v0 =	vmul.f32 v6, v13;
	v6 =	vld [tilespmem:s3+$0x3C80]  }
0x145: {  	v2 =	vld [tilespmem:s3+$0x9C80]  }
0x146: {  	v7 =	vadd.f32 v0, v7;
	v0 =	vmul.f32 v3, v28;
	v3 =	vld [tilespmem:s3+$0x3D00]  }
0x147: {  	v1 =	vmul.f32 v4, v1;
	v4 =	vld [tilespmem:s3+$0x9D00]  }
0x148: {  	v7 =	vadd.f32 v0, v7;
	v0 =	vmul.f32 v5, v19;
	v5 =	vld [tilespmem:s3+$0x3D80]  }
0x149: {  	v8 =	vadd.f32 v1, v8;
	v1 =	vmul.f32 v6, v15;
	v6 =	vld [tilespmem:s3+$0x9D80]  }
0x14a: {  	v7 =	vadd.f32 v0, v7;
	v0 =	vmul.f32 v2, v29;
	v2 =	vld [tilespmem:s3+$0x3E00]  }
0x14b: {  	v8 =	vadd.f32 v1, v8;
	v1 =	vmul.f32 v3, v10;
	v3 =	vld [tilespmem:s3+$0x9E00]  }
0x14c: {  	v7 =	vadd.f32 v0, v7;
	v0 =	vmul.f32 v4, v11;
	v4 =	vld [tilespmem:s3+$0x3E80]  }
0x14d: {  	v8 =	vadd.f32 v1, v8;
	v1 =	vmul.f32 v5, v22;
	v5 =	vld [tilespmem:s3+$0x9E80]  }
0x14e: {  	v7 =	vadd.f32 v0, v7;
	v0 =	vmul.f32 v6, v30;
	v6 =	vld [tilespmem:s3+$0x3F00]  }
0x14f: {  	v8 =	vadd.f32 v1, v8;
	v1 =	vmul.f32 v2, v16;
	v2 =	vld [tilespmem:s3+$0x9F00]  }
0x150: {  	v7 =	vadd.f32 v0, v7;
	v0 =	vmul.f32 v3, v31;
	v3 =	vld [tilespmem:s3+$0x3F80]  }
0x151: {  	v8 =	vadd.f32 v1, v8;
	v1 =	vmul.f32 v4, v23;
	v4 =	vld [tilespmem:s3+$0x9F80]  }
0x152: {  	v7 =	vadd.f32 v0, v7;
	v0 =	vmul.f32 v5, v20;
	v5 =	vld [tilespmem:s3+$0x4800]  }
0x153: {  	v8 =	vadd.f32 v1, v8;
	v1 =	vmul.f32 v6, v12;
	v6 =	vld [tilespmem:s3+$0xA800]  }
0x154: {  	v7 =	vadd.f32 v0, v7;
	v0 =	vmul.f32 v2, v32;
	v2 =	vld [tilespmem:s3+$0x4880]  }
0x155: {  	v8 =	vadd.f32 v1, v8;
	v1 =	vmul.f32 v3, v24;
	v3 =	vld [tilespmem:s3+$0xA880]  }
0x156: {  	v7 =	vadd.f32 v0, v7;
	v0 =	vmul.f32 v4, v14;
	v4 =	vld [tilespmem:s3+$0x4900]  }
0x157: {  	v8 =	vadd.f32 v1, v8;
	v1 =	vmul.f32 v5, v33;
	v5 =	vld [tilespmem:s3+$0xA900]  }
0x158: {  	v7 =	vadd.f32 v0, v7;
	v0 =	vmul.f32 v6, v48;
	v6 =	vld [tilespmem:s3+$0x4980]  }
0x159: {  	v8 =	vadd.f32 v1, v8;
	v1 =	vmul.f32 v2, v21;
	v2 =	vld [tilespmem:s3+$0xA980]  }
0x15a: {  	v7 =	vadd.f32 v0, v7;
	v0 =	vmul.f32 v3, v49;
	v3 =	vld [tilespmem:s3+$0x4A00]  }
0x15b: {  	v8 =	vadd.f32 v1, v8;
	v1 =	vmul.f32 v4, v34;
	v4 =	vld [tilespmem:s3+$0xAA00]  }
0x15c: {  	v7 =	vadd.f32 v0, v7;
	v0 =	vmul.f32 v5, v50;
	v5 =	vld [tilespmem:s3+$0x4A80]  }
0x15d: {  	v8 =	vadd.f32 v1, v8;
	v1 =	vmul.f32 v6, v35;
	v6 =	vld [tilespmem:s3+$0xAA80]  }
0x15e: {  	v7 =	vadd.f32 v0, v7;
	v0 =	vmul.f32 v2, v51;
	v2 =	vld [tilespmem:s3+$0x4B00]  }
0x15f: {  	v8 =	vadd.f32 v1, v8;
	v1 =	vmul.f32 v3, v36;
	v3 =	vld [tilespmem:s3+$0xAB00]  }
0x160: {  	v7 =	vadd.f32 v0, v7;
	v0 =	vmul.f32 v4, v52;
	v4 =	vld [tilespmem:s3+$0x4B80]  }
0x161: {  	v8 =	vadd.f32 v1, v8;
	v1 =	vmul.f32 v5, v37;
	v5 =	vld [tilespmem:s3+$0xAB80]  }
0x162: {  	v7 =	vadd.f32 v0, v7;
	v0 =	vmul.f32 v6, v53;
	v6 =	vld [tilespmem:s3+$0x5400]  }
0x163: {  	v8 =	vadd.f32 v1, v8;
	v1 =	vmul.f32 v2, v38;
	v2 =	vld [tilespmem:s3+$0xB400]  }
0x164: {  	v7 =	vadd.f32 v0, v7;
	v0 =	vmul.f32 v3, v54;
	v3 =	vld [tilespmem:s3+$0x5480]  }
0x165: {  	v8 =	vadd.f32 v1, v8;
	v1 =	vmul.f32 v4, v39;
	v4 =	vld [tilespmem:s3+$0xB480]  }
0x166: {  	v7 =	vadd.f32 v0, v7;
	v0 =	vmul.f32 v5, v55;
	v5 =	vld [tilespmem:s3+$0x5500]  }
0x167: {  	v8 =	vadd.f32 v1, v8;
	v1 =	vmul.f32 v6, v40;
	v6 =	vld [tilespmem:s3+$0xB500]  }
0x168: {  	v7 =	vadd.f32 v0, v7;
	v0 =	vmul.f32 v2, v56;
	v2 =	vld [tilespmem:s3+$0x5580]  }
0x169: {  	v8 =	vadd.f32 v1, v8;
	v1 =	vmul.f32 v3, v41;
	v3 =	vld [tilespmem:s3+$0xB580]  }
0x16a: {  	v7 =	vadd.f32 v0, v7;
	v0 =	vmul.f32 v4, v57;
	v4 =	vld [tilespmem:s3+$0x5600]  }
0x16b: {  	v8 =	vadd.f32 v1, v8;
	v1 =	vmul.f32 v5, v42;
	v5 =	vld [tilespmem:s3+$0xB600]  }
0x16c: {  	v7 =	vadd.f32 v0, v7;
	v0 =	vmul.f32 v6, v58;
	v6 =	vld [tilespmem:s3+$0x5680]  }
0x16d: {  	v8 =	vadd.f32 v1, v8;
	v1 =	vmul.f32 v2, v43;
	v2 =	vld [tilespmem:s3+$0xB680]  }
0x16e: {  	v7 =	vadd.f32 v0, v7;
	v0 =	vmul.f32 v3, v59;
	v3 =	vld [tilespmem:s3+$0x5700]  }
0x16f: {  	v8 =	vadd.f32 v1, v8;
	v1 =	vmul.f32 v4, v44;
	v4 =	vld [tilespmem:s3+$0xB700]  }
0x170: {  	v0 =	vadd.f32 v0, v7;
	v7 =	vmul.f32 v5, v60;
	v5 =	vld [tilespmem:s3+$0x5780]  }
0x171: {  	v1 =	vadd.f32 v1, v8;
	v8 =	vmul.f32 v6, v45;
	v6 =	vld [tilespmem:s3+$0xB780]  }
0x172: {  	v7 =	vadd.f32 v7, v0;
	v0 =	vmul.f32 v2, v61  }
0x173: {  	v2 =	vadd.f32 v8, v1;
	v1 =	vmul.f32 v3, v46  }
0x174: {  	v3 =	vadd.f32 v0, v7;
	v0 =	vmul.f32 v4, v62  }
0x175: {  	v2 =	vadd.f32 v1, v2;
	v1 =	vmul.f32 v5, v47  }
0x176: {  	v3 =	vadd.f32 v0, v3;
	v0 =	vmul.f32 v6, v63  }
0x177: {  	v1 =	vadd.f32 v1, v2  }
0x178: {  	s20 =	simm.s32 $0x80;
	s6 =	simm.s32 $0x10;
	s4 =	simm.s32 $0x18000;
	v0 =	vadd.f32 v0, v3  }
0x179: {  	s18 =	simm.s32 $0x18180;
	s31 =	sand.u32 $0xC00, s20;
	s17 =	sand.u32 $0x70, s6;
	[tilespmem:s4+$0x0] =	vst v1  }
0x17a: {  	s3 =	sor.u32 s17, s31;
	[tilespmem:s18+$0x0] =	vst v0  }
0x17b: {  	v0 =	vld [tilespmem:s3+$0x6000]  }
0x17c: {  	s10 =	simm.s32 $0x20;
	v1 =	vld [tilespmem:s3+$0x0]  }
.LBB2_3:
0x17d: {  	v7 =	vld [tilespmem:$0x1F9E0];
	_ =	sdelay $0x3  }
0x17e: {  	v2 =	vld [tilespmem:s3+$0x80]  }
0x17f: {  	v1 =	vmul.f32 v1, v7;
	v7 =	vld [tilespmem:$0x1FA00];
	_ =	sdelay $0x4  }
0x180: {  	v2 =	vmul.f32 v2, v7  }
0x181: {  	v4 =	vld [tilespmem:s3+$0x100]  }
0x182: {  	v1 =	vadd.f32 v2, v1;
	v2 =	vld [tilespmem:$0x1FA20];
	_ =	sdelay $0x2  }
0x183: {  	s11 =	sand.u32 $0xFFFFFC00, s20;
	v8 =	vld [tilespmem:$0x1F9F0]  }
0x184: {  	s13 =	sadd.s32 s11, s6  }
0x185: {  	v3 =	vld [tilespmem:s3+$0x6080];
	s11 =	sor.u32 $0x180, s13;
	v2 =	vmul.f32 v4, v2  }
0x186: {  	v6 =	vld [tilespmem:s11+$0x0]  }
0x187: {  	v1 =	vadd.f32 v2, v1;
	v2 =	vld [tilespmem:$0x1FA40]  }
0x188: {  	v0 =	vmul.f32 v0, v8;
	v8 =	vld [tilespmem:$0x1FA10];
	_ =	sdelay $0x3  }
0x189: {  	v5 =	vld [tilespmem:s3+$0x6100];
	v2 =	vmul.f32 v6, v2  }
0x18a: {  	v3 =	vmul.f32 v3, v8;
	v8 =	vld [tilespmem:s3+$0x200]  }
0x18b: {  	v1 =	vadd.f32 v2, v1;
	v2 =	vld [tilespmem:$0x1FA60]  }
0x18c: {  	v0 =	vadd.f32 v3, v0;
	v3 =	vld [tilespmem:$0x1FA30];
	_ =	sdelay $0x3  }
0x18d: {  	v7 =	vld [tilespmem:s11+$0x6000];
	v2 =	vmul.f32 v8, v2  }
0x18e: {  	v3 =	vmul.f32 v5, v3;
	v5 =	vld [tilespmem:s3+$0x280]  }
0x18f: {  	v1 =	vadd.f32 v2, v1;
	v2 =	vld [tilespmem:$0x1FA80]  }
0x190: {  	v0 =	vadd.f32 v3, v0;
	v3 =	vld [tilespmem:$0x1FA50];
	_ =	sdelay $0x3  }
0x191: {  	v4 =	vld [tilespmem:s3+$0x6200];
	v2 =	vmul.f32 v5, v2  }
0x192: {  	v3 =	vmul.f32 v7, v3;
	v7 =	vld [tilespmem:s3+$0x300]  }
0x193: {  	v1 =	vadd.f32 v2, v1;
	v2 =	vld [tilespmem:$0x1FAA0]  }
0x194: {  	v0 =	vadd.f32 v3, v0;
	v3 =	vld [tilespmem:$0x1FA70];
	_ =	sdelay $0x2  }
0x195: {  	s31 =	sor.u32 s6, s20  }
0x196: {  	s14 =	sor.u32 $0x380, s31;
	v6 =	vld [tilespmem:s3+$0x6280];
	v2 =	vmul.f32 v7, v2  }
0x197: {  	v3 =	vmul.f32 v4, v3;
	v4 =	vld [tilespmem:s14+$0x0]  }
0x198: {  	v1 =	vadd.f32 v2, v1;
	v2 =	vld [tilespmem:$0x1FAC0]  }
0x199: {  	v0 =	vadd.f32 v3, v0;
	v3 =	vld [tilespmem:$0x1FA90];
	_ =	sdelay $0x3  }
0x19a: {  	v8 =	vld [tilespmem:s3+$0x6300];
	v2 =	vmul.f32 v4, v2  }
0x19b: {  	v3 =	vmul.f32 v6, v3;
	v6 =	vld [tilespmem:s3+$0xC00]  }
0x19c: {  	v1 =	vadd.f32 v2, v1;
	v2 =	vld [tilespmem:$0x1FAE0]  }
0x19d: {  	v0 =	vadd.f32 v3, v0;
	v3 =	vld [tilespmem:$0x1FAB0];
	_ =	sdelay $0x3  }
0x19e: {  	v5 =	vld [tilespmem:s14+$0x6000];
	v2 =	vmul.f32 v6, v2  }
0x19f: {  	v3 =	vmul.f32 v8, v3;
	v8 =	vld [tilespmem:s3+$0xC80]  }
0x1a0: {  	v1 =	vadd.f32 v2, v1;
	v2 =	vld [tilespmem:$0x1FB00]  }
0x1a1: {  	v0 =	vadd.f32 v3, v0;
	v3 =	vld [tilespmem:$0x1FAD0];
	_ =	sdelay $0x3  }
0x1a2: {  	v7 =	vld [tilespmem:s3+$0x6C00];
	v2 =	vmul.f32 v8, v2  }
0x1a3: {  	v3 =	vmul.f32 v5, v3;
	v5 =	vld [tilespmem:s3+$0xD00]  }
0x1a4: {  	v1 =	vadd.f32 v2, v1;
	v2 =	vld [tilespmem:$0x1FB20]  }
0x1a5: {  	v0 =	vadd.f32 v3, v0;
	v3 =	vld [tilespmem:$0x1FAF0];
	_ =	sdelay $0x3  }
0x1a6: {  	v4 =	vld [tilespmem:s3+$0x6C80];
	v2 =	vmul.f32 v5, v2  }
0x1a7: {  	v3 =	vmul.f32 v7, v3;
	v7 =	vld [tilespmem:s3+$0xD80]  }
0x1a8: {  	v1 =	vadd.f32 v2, v1;
	v2 =	vld [tilespmem:$0x1FB40]  }
0x1a9: {  	v0 =	vadd.f32 v3, v0;
	v3 =	vld [tilespmem:$0x1FB10];
	_ =	sdelay $0x3  }
0x1aa: {  	v6 =	vld [tilespmem:s3+$0x6D00];
	v2 =	vmul.f32 v7, v2  }
0x1ab: {  	v3 =	vmul.f32 v4, v3;
	v4 =	vld [tilespmem:s3+$0xE00]  }
0x1ac: {  	v1 =	vadd.f32 v2, v1;
	v2 =	vld [tilespmem:$0x1FB60]  }
0x1ad: {  	v0 =	vadd.f32 v3, v0;
	v3 =	vld [tilespmem:$0x1FB30];
	_ =	sdelay $0x3  }
0x1ae: {  	v8 =	vld [tilespmem:s3+$0x6D80];
	v2 =	vmul.f32 v4, v2  }
0x1af: {  	v3 =	vmul.f32 v6, v3;
	v6 =	vld [tilespmem:s3+$0xE80]  }
0x1b0: {  	v1 =	vadd.f32 v2, v1;
	v2 =	vld [tilespmem:$0x1FB80]  }
0x1b1: {  	v0 =	vadd.f32 v3, v0;
	v3 =	vld [tilespmem:$0x1FB50];
	_ =	sdelay $0x3  }
0x1b2: {  	v5 =	vld [tilespmem:s3+$0x6E00];
	v2 =	vmul.f32 v6, v2  }
0x1b3: {  	v3 =	vmul.f32 v8, v3;
	v8 =	vld [tilespmem:s3+$0xF00]  }
0x1b4: {  	v1 =	vadd.f32 v2, v1;
	v2 =	vld [tilespmem:$0x1FBA0]  }
0x1b5: {  	v0 =	vadd.f32 v3, v0;
	v3 =	vld [tilespmem:$0x1FB70];
	_ =	sdelay $0x3  }
0x1b6: {  	v7 =	vld [tilespmem:s3+$0x6E80];
	v2 =	vmul.f32 v8, v2  }
0x1b7: {  	v3 =	vmul.f32 v5, v3;
	v5 =	vld [tilespmem:s3+$0xF80]  }
0x1b8: {  	v1 =	vadd.f32 v2, v1;
	v2 =	vld [tilespmem:$0x1FBC0]  }
0x1b9: {  	v0 =	vadd.f32 v3, v0;
	v3 =	vld [tilespmem:$0x1FB90];
	_ =	sdelay $0x3  }
0x1ba: {  	v4 =	vld [tilespmem:s3+$0x6F00];
	v2 =	vmul.f32 v5, v2  }
0x1bb: {  	v3 =	vmul.f32 v7, v3;
	v7 =	vld [tilespmem:s3+$0x1800]  }
0x1bc: {  	v1 =	vadd.f32 v2, v1;
	v2 =	vld [tilespmem:$0x1FBE0]  }
0x1bd: {  	v0 =	vadd.f32 v3, v0;
	v3 =	vld [tilespmem:$0x1FBB0];
	_ =	sdelay $0x3  }
0x1be: {  	v6 =	vld [tilespmem:s3+$0x6F80];
	v2 =	vmul.f32 v7, v2  }
0x1bf: {  	v3 =	vmul.f32 v4, v3;
	v4 =	vld [tilespmem:s3+$0x1880]  }
0x1c0: {  	v1 =	vadd.f32 v2, v1;
	v2 =	vld [tilespmem:$0x1FC00]  }
0x1c1: {  	v0 =	vadd.f32 v3, v0;
	v3 =	vld [tilespmem:$0x1FBD0];
	_ =	sdelay $0x3  }
0x1c2: {  	v8 =	vld [tilespmem:s3+$0x7800];
	v2 =	vmul.f32 v4, v2  }
0x1c3: {  	v3 =	vmul.f32 v6, v3;
	v6 =	vld [tilespmem:s3+$0x1900]  }
0x1c4: {  	v1 =	vadd.f32 v2, v1;
	v2 =	vld [tilespmem:$0x1FC20]  }
0x1c5: {  	v0 =	vadd.f32 v3, v0;
	v3 =	vld [tilespmem:$0x1FBF0];
	_ =	sdelay $0x3  }
0x1c6: {  	v5 =	vld [tilespmem:s3+$0x7880];
	v2 =	vmul.f32 v6, v2  }
0x1c7: {  	v3 =	vmul.f32 v8, v3;
	v8 =	vld [tilespmem:s3+$0x1980]  }
0x1c8: {  	v1 =	vadd.f32 v2, v1;
	v2 =	vld [tilespmem:$0x1FC40]  }
0x1c9: {  	v0 =	vadd.f32 v3, v0;
	v3 =	vld [tilespmem:$0x1FC10];
	_ =	sdelay $0x3  }
0x1ca: {  	v7 =	vld [tilespmem:s3+$0x7900];
	v2 =	vmul.f32 v8, v2  }
0x1cb: {  	v3 =	vmul.f32 v5, v3;
	v5 =	vld [tilespmem:s3+$0x1A00]  }
0x1cc: {  	v1 =	vadd.f32 v2, v1;
	v2 =	vld [tilespmem:$0x1FC60]  }
0x1cd: {  	v0 =	vadd.f32 v3, v0;
	v3 =	vld [tilespmem:$0x1FC30];
	_ =	sdelay $0x3  }
0x1ce: {  	v4 =	vld [tilespmem:s3+$0x7980];
	v2 =	vmul.f32 v5, v2  }
0x1cf: {  	v3 =	vmul.f32 v7, v3;
	v7 =	vld [tilespmem:s3+$0x1A80]  }
0x1d0: {  	v1 =	vadd.f32 v2, v1;
	v2 =	vld [tilespmem:$0x1FC80]  }
0x1d1: {  	v0 =	vadd.f32 v3, v0;
	v3 =	vld [tilespmem:$0x1FC50];
	_ =	sdelay $0x3  }
0x1d2: {  	v6 =	vld [tilespmem:s3+$0x7A00];
	v2 =	vmul.f32 v7, v2  }
0x1d3: {  	v3 =	vmul.f32 v4, v3;
	v4 =	vld [tilespmem:s3+$0x1B00]  }
0x1d4: {  	v1 =	vadd.f32 v2, v1;
	v2 =	vld [tilespmem:$0x1FCA0]  }
0x1d5: {  	v0 =	vadd.f32 v3, v0;
	v3 =	vld [tilespmem:$0x1FC70];
	_ =	sdelay $0x3  }
0x1d6: {  	v8 =	vld [tilespmem:s3+$0x7A80];
	v2 =	vmul.f32 v4, v2  }
0x1d7: {  	v3 =	vmul.f32 v6, v3;
	v6 =	vld [tilespmem:s3+$0x1B80]  }
0x1d8: {  	v1 =	vadd.f32 v2, v1;
	v2 =	vld [tilespmem:$0x1FCC0]  }
0x1d9: {  	v0 =	vadd.f32 v3, v0;
	v3 =	vld [tilespmem:$0x1FC90];
	_ =	sdelay $0x3  }
0x1da: {  	v5 =	vld [tilespmem:s3+$0x7B00];
	v2 =	vmul.f32 v6, v2  }
0x1db: {  	v3 =	vmul.f32 v8, v3;
	v8 =	vld [tilespmem:s3+$0x2400]  }
0x1dc: {  	v1 =	vadd.f32 v2, v1;
	v2 =	vld [tilespmem:$0x1FCE0]  }
0x1dd: {  	v0 =	vadd.f32 v3, v0;
	v3 =	vld [tilespmem:$0x1FCB0];
	_ =	sdelay $0x3  }
0x1de: {  	v7 =	vld [tilespmem:s3+$0x7B80];
	v2 =	vmul.f32 v8, v2  }
0x1df: {  	v3 =	vmul.f32 v5, v3;
	v5 =	vld [tilespmem:s3+$0x2480]  }
0x1e0: {  	v1 =	vadd.f32 v2, v1;
	v2 =	vld [tilespmem:$0x1FD00]  }
0x1e1: {  	v0 =	vadd.f32 v3, v0;
	v3 =	vld [tilespmem:$0x1FCD0];
	_ =	sdelay $0x3  }
0x1e2: {  	v4 =	vld [tilespmem:s3+$0x8400];
	v2 =	vmul.f32 v5, v2  }
0x1e3: {  	v3 =	vmul.f32 v7, v3;
	v7 =	vld [tilespmem:s3+$0x2500]  }
0x1e4: {  	v1 =	vadd.f32 v2, v1;
	v2 =	vld [tilespmem:$0x1FD20]  }
0x1e5: {  	v0 =	vadd.f32 v3, v0;
	v3 =	vld [tilespmem:$0x1FCF0];
	_ =	sdelay $0x3  }
0x1e6: {  	v6 =	vld [tilespmem:s3+$0x8480];
	v2 =	vmul.f32 v7, v2  }
0x1e7: {  	v3 =	vmul.f32 v4, v3;
	v4 =	vld [tilespmem:s3+$0x2580]  }
0x1e8: {  	v1 =	vadd.f32 v2, v1;
	v2 =	vld [tilespmem:$0x1FD40]  }
0x1e9: {  	v0 =	vadd.f32 v3, v0;
	v3 =	vld [tilespmem:$0x1FD10];
	_ =	sdelay $0x3  }
0x1ea: {  	v8 =	vld [tilespmem:s3+$0x8500];
	v2 =	vmul.f32 v4, v2  }
0x1eb: {  	v3 =	vmul.f32 v6, v3;
	v6 =	vld [tilespmem:s3+$0x2600]  }
0x1ec: {  	v1 =	vadd.f32 v2, v1;
	v2 =	vld [tilespmem:$0x1FD60]  }
0x1ed: {  	v0 =	vadd.f32 v3, v0;
	v3 =	vld [tilespmem:$0x1FD30];
	_ =	sdelay $0x3  }
0x1ee: {  	v5 =	vld [tilespmem:s3+$0x8580];
	v2 =	vmul.f32 v6, v2  }
0x1ef: {  	v3 =	vmul.f32 v8, v3;
	v8 =	vld [tilespmem:s3+$0x2680]  }
0x1f0: {  	v1 =	vadd.f32 v2, v1;
	v2 =	vld [tilespmem:$0x1FD80]  }
0x1f1: {  	v0 =	vadd.f32 v3, v0;
	v3 =	vld [tilespmem:$0x1FD50];
	_ =	sdelay $0x3  }
0x1f2: {  	v7 =	vld [tilespmem:s3+$0x8600];
	v2 =	vmul.f32 v8, v2  }
0x1f3: {  	v3 =	vmul.f32 v5, v3;
	v5 =	vld [tilespmem:s3+$0x2700]  }
0x1f4: {  	v1 =	vadd.f32 v2, v1;
	v2 =	vld [tilespmem:$0x1FDA0]  }
0x1f5: {  	v0 =	vadd.f32 v3, v0;
	v3 =	vld [tilespmem:$0x1FD70];
	_ =	sdelay $0x3  }
0x1f6: {  	v4 =	vld [tilespmem:s3+$0x8680];
	v2 =	vmul.f32 v5, v2  }
0x1f7: {  	v3 =	vmul.f32 v7, v3;
	v7 =	vld [tilespmem:s3+$0x2780]  }
0x1f8: {  	v1 =	vadd.f32 v2, v1;
	v2 =	vld [tilespmem:$0x1FDB0]  }
0x1f9: {  	v0 =	vadd.f32 v3, v0;
	v3 =	vld [tilespmem:$0x1FD90];
	_ =	sdelay $0x3  }
0x1fa: {  	v6 =	vld [tilespmem:s3+$0x8700];
	v2 =	vmul.f32 v7, v2  }
0x1fb: {  	v3 =	vmul.f32 v4, v3;
	v4 =	vld [tilespmem:s3+$0x3000]  }
0x1fc: {  	v1 =	vadd.f32 v2, v1;
	v2 =	vld [tilespmem:$0x1FDE0]  }
0x1fd: {  	v0 =	vadd.f32 v3, v0;
	v3 =	vld [tilespmem:$0x1FDC0];
	_ =	sdelay $0x3  }
0x1fe: {  	v8 =	vld [tilespmem:s3+$0x8780];
	v2 =	vmul.f32 v4, v2  }
0x1ff: {  	v3 =	vmul.f32 v6, v3;
	v6 =	vld [tilespmem:s3+$0x3080]  }
0x200: {  	v1 =	vadd.f32 v2, v1;
	v2 =	vld [tilespmem:$0x1FDF0]  }
0x201: {  	v0 =	vadd.f32 v3, v0;
	v3 =	vld [tilespmem:$0x1FDD0];
	_ =	sdelay $0x3  }
0x202: {  	v2 =	vmul.f32 v6, v2  }
0x203: {  	v3 =	vmul.f32 v8, v3;
	v8 =	vld [tilespmem:s3+$0x3100]  }
0x204: {  	v1 =	vadd.f32 v2, v1;
	v2 =	vld [tilespmem:$0x1FE00]  }
0x205: {  	v5 =	vld [tilespmem:s3+$0x9000];
	_ =	sdelay $0x3  }
0x206: {  	s13 =	sor.u32 $0x3180, s13;
	v7 =	vld [tilespmem:s3+$0x9080];
	v2 =	vmul.f32 v8, v2  }
0x207: {  	v0 =	vadd.f32 v3, v0;
	v3 =	vmul.f32 v5, v17;
	v5 =	vld [tilespmem:s13+$0x0]  }
0x208: {  	v1 =	vadd.f32 v2, v1;
	v2 =	vld [tilespmem:$0x1FE10];
	_ =	sdelay $0x4  }
0x209: {  	v0 =	vadd.f32 v3, v0;
	v3 =	vmul.f32 v7, v25;
	v7 =	vld [tilespmem:s3+$0x3200];
	v2 =	vmul.f32 v5, v2  }
0x20a: {  	v4 =	vld [tilespmem:s3+$0x9100]  }
0x20b: {  	v1 =	vadd.f32 v2, v1;
	v2 =	vld [tilespmem:$0x1FE20];
	_ =	sdelay $0x4  }
0x20c: {  	v0 =	vadd.f32 v3, v0;
	v3 =	vmul.f32 v4, v9;
	v4 =	vld [tilespmem:s3+$0x3280];
	v2 =	vmul.f32 v7, v2  }
0x20d: {  	v6 =	vld [tilespmem:s13+$0x6000]  }
0x20e: {  	v1 =	vadd.f32 v2, v1;
	v2 =	vld [tilespmem:$0x1FE30];
	_ =	sdelay $0x4  }
0x20f: {  	v0 =	vadd.f32 v3, v0;
	v3 =	vmul.f32 v6, v26;
	v6 =	vld [tilespmem:s3+$0x3300];
	v2 =	vmul.f32 v4, v2  }
0x210: {  	v8 =	vld [tilespmem:s3+$0x9200]  }
0x211: {  	v1 =	vadd.f32 v2, v1;
	v2 =	vld [tilespmem:$0x1FE40];
	_ =	sdelay $0x3  }
0x212: {  	s11 =	sor.u32 $0x3380, s31  }
0x213: {  	v0 =	vadd.f32 v3, v0;
	v3 =	vmul.f32 v8, v18;
	v8 =	vld [tilespmem:s11+$0x0];
	v2 =	vmul.f32 v6, v2  }
0x214: {  	v5 =	vld [tilespmem:s3+$0x9280]  }
0x215: {  	v1 =	vadd.f32 v2, v1;
	v2 =	vld [tilespmem:$0x1FE50];
	_ =	sdelay $0x3  }
0x216: {  	v7 =	vld [tilespmem:s3+$0x9300]  }
0x217: {  	v0 =	vadd.f32 v3, v0;
	v3 =	vmul.f32 v5, v27;
	v5 =	vld [tilespmem:s3+$0x3C00];
	v2 =	vmul.f32 v8, v2  }
0x218: {  	v4 =	vld [tilespmem:s11+$0x6000]  }
0x219: {  	v1 =	vadd.f32 v2, v1;
	v2 =	vld [tilespmem:$0x1FE60]  }
0x21a: {  	v6 =	vld [tilespmem:s3+$0x9C00]  }
0x21b: {  	v0 =	vadd.f32 v3, v0;
	v3 =	vmul.f32 v7, v13;
	v7 =	vld [tilespmem:s3+$0x3C80]  }
0x21c: {  	v8 =	vld [tilespmem:s3+$0x9C80]  }
0x21d: {  	v0 =	vadd.f32 v3, v0;
	v3 =	vmul.f32 v4, v28;
	v4 =	vld [tilespmem:s3+$0x3D00]  }
0x21e: {  	v2 =	vmul.f32 v5, v2;
	v5 =	vld [tilespmem:s3+$0x9D00]  }
0x21f: {  	v0 =	vadd.f32 v3, v0;
	v3 =	vmul.f32 v6, v19;
	v6 =	vld [tilespmem:s3+$0x3D80]  }
0x220: {  	v1 =	vadd.f32 v2, v1;
	v2 =	vmul.f32 v7, v15;
	v7 =	vld [tilespmem:s3+$0x9D80]  }
0x221: {  	v0 =	vadd.f32 v3, v0;
	v3 =	vmul.f32 v8, v29;
	v8 =	vld [tilespmem:s3+$0x3E00]  }
0x222: {  	v1 =	vadd.f32 v2, v1;
	v2 =	vmul.f32 v4, v10;
	v4 =	vld [tilespmem:s3+$0x9E00]  }
0x223: {  	v0 =	vadd.f32 v3, v0;
	v3 =	vmul.f32 v5, v11;
	v5 =	vld [tilespmem:s3+$0x3E80]  }
0x224: {  	v1 =	vadd.f32 v2, v1;
	v2 =	vmul.f32 v6, v22;
	v6 =	vld [tilespmem:s3+$0x9E80]  }
0x225: {  	v0 =	vadd.f32 v3, v0;
	v3 =	vmul.f32 v7, v30;
	v7 =	vld [tilespmem:s3+$0x3F00]  }
0x226: {  	v1 =	vadd.f32 v2, v1;
	v2 =	vmul.f32 v8, v16;
	v8 =	vld [tilespmem:s3+$0x9F00]  }
0x227: {  	v0 =	vadd.f32 v3, v0;
	v3 =	vmul.f32 v4, v31;
	v4 =	vld [tilespmem:s3+$0x3F80]  }
0x228: {  	v1 =	vadd.f32 v2, v1;
	v2 =	vmul.f32 v5, v23;
	v5 =	vld [tilespmem:s3+$0x9F80]  }
0x229: {  	v0 =	vadd.f32 v3, v0;
	v3 =	vmul.f32 v6, v20;
	v6 =	vld [tilespmem:s3+$0x4800]  }
0x22a: {  	v1 =	vadd.f32 v2, v1;
	v2 =	vmul.f32 v7, v12;
	v7 =	vld [tilespmem:s3+$0xA800]  }
0x22b: {  	v0 =	vadd.f32 v3, v0;
	v3 =	vmul.f32 v8, v32;
	v8 =	vld [tilespmem:s3+$0x4880]  }
0x22c: {  	v1 =	vadd.f32 v2, v1;
	v2 =	vmul.f32 v4, v24;
	v4 =	vld [tilespmem:s3+$0xA880]  }
0x22d: {  	v0 =	vadd.f32 v3, v0;
	v3 =	vmul.f32 v5, v14;
	v5 =	vld [tilespmem:s3+$0x4900]  }
0x22e: {  	v1 =	vadd.f32 v2, v1;
	v2 =	vmul.f32 v6, v33;
	v6 =	vld [tilespmem:s3+$0xA900]  }
0x22f: {  	v0 =	vadd.f32 v3, v0;
	v3 =	vmul.f32 v7, v48;
	v7 =	vld [tilespmem:s3+$0x4980]  }
0x230: {  	v1 =	vadd.f32 v2, v1;
	v2 =	vmul.f32 v8, v21;
	v8 =	vld [tilespmem:s3+$0xA980]  }
0x231: {  	v0 =	vadd.f32 v3, v0;
	v3 =	vmul.f32 v4, v49;
	v4 =	vld [tilespmem:s3+$0x4A00]  }
0x232: {  	v1 =	vadd.f32 v2, v1;
	v2 =	vmul.f32 v5, v34;
	v5 =	vld [tilespmem:s3+$0xAA00]  }
0x233: {  	v0 =	vadd.f32 v3, v0;
	v3 =	vmul.f32 v6, v50;
	v6 =	vld [tilespmem:s3+$0x4A80]  }
0x234: {  	v1 =	vadd.f32 v2, v1;
	v2 =	vmul.f32 v7, v35;
	v7 =	vld [tilespmem:s3+$0xAA80]  }
0x235: {  	v0 =	vadd.f32 v3, v0;
	v3 =	vmul.f32 v8, v51;
	v8 =	vld [tilespmem:s3+$0x4B00]  }
0x236: {  	v1 =	vadd.f32 v2, v1;
	v2 =	vmul.f32 v4, v36;
	v4 =	vld [tilespmem:s3+$0xAB00]  }
0x237: {  	v0 =	vadd.f32 v3, v0;
	v3 =	vmul.f32 v5, v52;
	v5 =	vld [tilespmem:s3+$0x4B80]  }
0x238: {  	v1 =	vadd.f32 v2, v1;
	v2 =	vmul.f32 v6, v37;
	v6 =	vld [tilespmem:s3+$0xAB80]  }
0x239: {  	v0 =	vadd.f32 v3, v0;
	v3 =	vmul.f32 v7, v53;
	v7 =	vld [tilespmem:s3+$0x5400]  }
0x23a: {  	v1 =	vadd.f32 v2, v1;
	v2 =	vmul.f32 v8, v38;
	v8 =	vld [tilespmem:s3+$0xB400]  }
0x23b: {  	v0 =	vadd.f32 v3, v0;
	v3 =	vmul.f32 v4, v54;
	v4 =	vld [tilespmem:s3+$0x5480]  }
0x23c: {  	v1 =	vadd.f32 v2, v1;
	v2 =	vmul.f32 v5, v39;
	v5 =	vld [tilespmem:s3+$0xB480]  }
0x23d: {  	v0 =	vadd.f32 v3, v0;
	v3 =	vmul.f32 v6, v55;
	v6 =	vld [tilespmem:s3+$0x5500]  }
0x23e: {  	v1 =	vadd.f32 v2, v1;
	v2 =	vmul.f32 v7, v40;
	v7 =	vld [tilespmem:s3+$0xB500]  }
0x23f: {  	v0 =	vadd.f32 v3, v0;
	v3 =	vmul.f32 v8, v56;
	v8 =	vld [tilespmem:s3+$0x5580]  }
0x240: {  	v1 =	vadd.f32 v2, v1;
	v2 =	vmul.f32 v4, v41;
	v4 =	vld [tilespmem:s3+$0xB580]  }
0x241: {  	v0 =	vadd.f32 v3, v0;
	v3 =	vmul.f32 v5, v57;
	v5 =	vld [tilespmem:s3+$0x5600]  }
0x242: {  	v1 =	vadd.f32 v2, v1;
	v2 =	vmul.f32 v6, v42;
	v6 =	vld [tilespmem:s3+$0xB600]  }
0x243: {  	v0 =	vadd.f32 v3, v0;
	v3 =	vmul.f32 v7, v58;
	v7 =	vld [tilespmem:s3+$0x5680]  }
0x244: {  	v1 =	vadd.f32 v2, v1;
	v2 =	vmul.f32 v8, v43;
	v8 =	vld [tilespmem:s3+$0xB680]  }
0x245: {  	v0 =	vadd.f32 v3, v0;
	v3 =	vmul.f32 v4, v59;
	v4 =	vld [tilespmem:s3+$0x5700]  }
0x246: {  	v1 =	vadd.f32 v2, v1;
	v2 =	vmul.f32 v5, v44;
	v5 =	vld [tilespmem:s3+$0xB700]  }
0x247: {  	v0 =	vadd.f32 v3, v0;
	v3 =	vmul.f32 v6, v60;
	v6 =	vld [tilespmem:s3+$0x5780]  }
0x248: {  	v1 =	vadd.f32 v2, v1;
	v2 =	vmul.f32 v7, v45;
	v7 =	vld [tilespmem:s3+$0xB780]  }
0x249: {  	v0 =	vadd.f32 v3, v0;
	v3 =	vmul.f32 v8, v61  }
0x24a: {  	v1 =	vadd.f32 v2, v1;
	v2 =	vmul.f32 v4, v46  }
0x24b: {  	v0 =	vadd.f32 v3, v0;
	v3 =	vmul.f32 v5, v62  }
0x24c: {  	v1 =	vadd.f32 v2, v1;
	v2 =	vmul.f32 v6, v47  }
0x24d: {  	v0 =	vadd.f32 v3, v0;
	v3 =	vmul.f32 v7, v63  }
0x24e: {  	p0 =	sne.s32 s10, $0x170;
	v1 =	vadd.f32 v2, v1  }
.Ltmp0:
0x24f: {  	s20 =	sadd.s32 $0x80, s20;
	s4 =	sadd.s32 $0x10, s4;
	v0 =	vadd.f32 v3, v0;
	(pc) =	sbr.rel @p0 .LBB2_3-.Ltmp0, $4  }
0x250: {  	s17 =	sand.u32 $0x70, s10;
	s18 =	sadd.s32 $0x10, s18;
	s31 =	sand.u32 $0xC00, s20;
	[tilespmem:s4+$0x0] =	vst v1  }
0x251: {  	s3 =	sor.u32 s17, s31;
	[tilespmem:s18+$0x0] =	vst v0  }
0x252: {  	v0 =	vld [tilespmem:s3+$0x6000]  }
0x253: {  	s6 =	smov.u32 s10;
	s10 =	sadd.s32 $0x10, s10;
	v1 =	vld [tilespmem:s3+$0x0]  }
0x254: {  	s10 =	sand.u32 $0xFFFFFC00, s20  }
0x255: {  	s10 =	sadd.s32 s10, s6  }
0x256: {  	s11 =	sor.u32 $0x180, s10  }
0x257: {  	v4 =	vld [tilespmem:s11+$0x0];
	_ =	sdelay $0x4  }
0x258: {  	[tilespmem:$0x1F7A0] =	vst v4;
	v4 =	vld [tilespmem:$0x1F9E0];
	_ =	sdelay $0x3  }
0x259: {  	v2 =	vld [tilespmem:s3+$0x80]  }
0x25a: {  	v1 =	vmul.f32 v1, v4;
	v4 =	vld [tilespmem:$0x1FA00];
	_ =	sdelay $0x4  }
0x25b: {  	v2 =	vmul.f32 v2, v4;
	v4 =	vld [tilespmem:$0x1F9F0];
	_ =	sdelay $0x3  }
0x25c: {  	v3 =	vld [tilespmem:s3+$0x6080]  }
0x25d: {  	v4 =	vmul.f32 v0, v4;
	v0 =	vld [tilespmem:$0x1FA10];
	_ =	sdelay $0x3  }
0x25e: {  	v5 =	vld [tilespmem:s3+$0x100]  }
0x25f: {  	v3 =	vmul.f32 v3, v0;
	v0 =	vld [tilespmem:$0x1FA20];
	_ =	sdelay $0x4  }
0x260: {  	v1 =	vadd.f32 v2, v1;
	v2 =	vmul.f32 v5, v0;
	v0 =	vld [tilespmem:s3+$0x6200];
	_ =	sdelay $0x3  }
0x261: {  	v6 =	vld [tilespmem:s3+$0x6100]  }
0x262: {  	[tilespmem:$0x1F7B0] =	vst v0;
	v0 =	vadd.f32 v3, v4;
	v3 =	vld [tilespmem:$0x1FA30]  }
0x263: {  	v4 =	vld [tilespmem:s3+$0x280];
	_ =	sdelay $0x2  }
0x264: {  	v7 =	vld [tilespmem:s11+$0x6000]  }
0x265: {  	v1 =	vadd.f32 v2, v1;
	v2 =	vld [tilespmem:$0x1FA40];
	v3 =	vmul.f32 v6, v3  }
0x266: {  	[tilespmem:$0x1F7C0] =	vst v4;
	v4 =	vld [tilespmem:$0x1F7A0]  }
0x267: {  	v0 =	vadd.f32 v3, v0;
	v3 =	vld [tilespmem:$0x1FA50];
	_ =	sdelay $0x3  }
0x268: {  	v2 =	vmul.f32 v4, v2  }
0x269: {  	v8 =	vld [tilespmem:s3+$0x200];
	v3 =	vmul.f32 v7, v3  }
0x26a: {  	v1 =	vadd.f32 v2, v1;
	v2 =	vld [tilespmem:$0x1FA60]  }
0x26b: {  	v5 =	vadd.f32 v3, v0;
	v0 =	vld [tilespmem:$0x1FA70]  }
0x26c: {  	v3 =	vld [tilespmem:$0x1F7B0];
	_ =	sdelay $0x3  }
0x26d: {  	v2 =	vmul.f32 v8, v2  }
0x26e: {  	v3 =	vmul.f32 v3, v0;
	v0 =	vld [tilespmem:$0x1FA80]  }
0x26f: {  	v1 =	vadd.f32 v2, v1;
	v2 =	vld [tilespmem:$0x1F7C0];
	_ =	sdelay $0x2  }
0x270: {  	s17 =	sor.u32 s6, s20  }
0x271: {  	s20 =	sor.u32 $0x380, s17  }
0x272: {  	v2 =	vmul.f32 v2, v0;
	v0 =	vld [tilespmem:s20+$0x6000]  }
0x273: {  	v7 =	vld [tilespmem:s3+$0x300]  }
0x274: {  	v1 =	vadd.f32 v2, v1;
	v2 =	vld [tilespmem:$0x1FAA0];
	_ =	sdelay $0x1  }
0x275: {  	v6 =	vld [tilespmem:s3+$0x6280]  }
0x276: {  	[tilespmem:$0x1F7D0] =	vst v0;
	v0 =	vadd.f32 v3, v5;
	v3 =	vld [tilespmem:$0x1FA90];
	_ =	sdelay $0x1  }
0x277: {  	v2 =	vmul.f32 v7, v2  }
0x278: {  	v4 =	vld [tilespmem:s20+$0x0]  }
0x279: {  	v1 =	vadd.f32 v2, v1;
	v2 =	vld [tilespmem:$0x1FAC0]  }
0x27a: {  	v3 =	vmul.f32 v6, v3  }
0x27b: {  	v8 =	vld [tilespmem:s3+$0x6300]  }
0x27c: {  	v0 =	vadd.f32 v3, v0;
	v3 =	vld [tilespmem:$0x1FAB0];
	_ =	sdelay $0x1  }
0x27d: {  	v2 =	vmul.f32 v4, v2;
	v4 =	vld [tilespmem:s3+$0x6C80];
	_ =	sdelay $0x2  }
0x27e: {  	v3 =	vmul.f32 v8, v3;
	_ =	sdelay $0x1  }
0x27f: {  	[tilespmem:$0x1F7E0] =	vst v4;
	v4 =	vadd.f32 v3, v0;
	v0 =	vld [tilespmem:$0x1FAD0]  }
0x280: {  	v3 =	vld [tilespmem:$0x1F7D0];
	_ =	sdelay $0x4  }
0x281: {  	v3 =	vmul.f32 v3, v0;
	v0 =	vld [tilespmem:s3+$0xD00];
	_ =	sdelay $0x3  }
0x282: {  	v6 =	vld [tilespmem:s3+$0xC00]  }
0x283: {  	[tilespmem:$0x1F7F0] =	vst v0;
	v0 =	vld [tilespmem:$0x1FAE0];
	_ =	sdelay $0x3  }
0x284: {  	v7 =	vld [tilespmem:s3+$0x6C00]  }
0x285: {  	v1 =	vadd.f32 v2, v1;
	v2 =	vmul.f32 v6, v0;
	v0 =	vadd.f32 v3, v4;
	v3 =	vld [tilespmem:$0x1FAF0];
	_ =	sdelay $0x3  }
0x286: {  	v8 =	vld [tilespmem:s3+$0xC80]  }
0x287: {  	v1 =	vadd.f32 v2, v1;
	v2 =	vld [tilespmem:$0x1FB00];
	v3 =	vmul.f32 v7, v3;
	_ =	sdelay $0x1  }
0x288: {  	v5 =	vadd.f32 v3, v0;
	v0 =	vld [tilespmem:$0x1FB10]  }
0x289: {  	v3 =	vld [tilespmem:$0x1F7E0];
	_ =	sdelay $0x1  }
0x28a: {  	v2 =	vmul.f32 v8, v2;
	_ =	sdelay $0x1  }
0x28b: {  	v1 =	vadd.f32 v2, v1;
	v2 =	vld [tilespmem:$0x1F7F0]  }
0x28c: {  	v3 =	vmul.f32 v3, v0;
	v0 =	vld [tilespmem:$0x1FB20];
	_ =	sdelay $0x4  }
0x28d: {  	v2 =	vmul.f32 v2, v0;
	v0 =	vld [tilespmem:s3+$0x6E00]  }
0x28e: {  	v7 =	vld [tilespmem:s3+$0xD80]  }
0x28f: {  	v1 =	vadd.f32 v2, v1;
	v2 =	vld [tilespmem:$0x1FB40];
	_ =	sdelay $0x1  }
0x290: {  	v6 =	vld [tilespmem:s3+$0x6D00]  }
0x291: {  	[tilespmem:$0x1F800] =	vst v0;
	v0 =	vadd.f32 v3, v5;
	v3 =	vld [tilespmem:$0x1FB30];
	_ =	sdelay $0x1  }
0x292: {  	v2 =	vmul.f32 v7, v2  }
0x293: {  	v4 =	vld [tilespmem:s3+$0xE00]  }
0x294: {  	v1 =	vadd.f32 v2, v1;
	v2 =	vld [tilespmem:$0x1FB60]  }
0x295: {  	v3 =	vmul.f32 v6, v3  }
0x296: {  	v8 =	vld [tilespmem:s3+$0x6D80]  }
0x297: {  	v0 =	vadd.f32 v3, v0;
	v3 =	vld [tilespmem:$0x1FB50];
	_ =	sdelay $0x1  }
0x298: {  	v2 =	vmul.f32 v4, v2;
	v4 =	vld [tilespmem:s3+$0x6F00];
	_ =	sdelay $0x2  }
0x299: {  	v3 =	vmul.f32 v8, v3;
	_ =	sdelay $0x1  }
0x29a: {  	[tilespmem:$0x1F810] =	vst v4;
	v4 =	vadd.f32 v3, v0;
	v0 =	vld [tilespmem:$0x1FB70]  }
0x29b: {  	v3 =	vld [tilespmem:$0x1F800];
	_ =	sdelay $0x4  }
0x29c: {  	v3 =	vmul.f32 v3, v0;
	v0 =	vld [tilespmem:s3+$0xF80];
	_ =	sdelay $0x3  }
0x29d: {  	v6 =	vld [tilespmem:s3+$0xE80]  }
0x29e: {  	[tilespmem:$0x1F820] =	vst v0;
	v0 =	vld [tilespmem:$0x1FB80];
	_ =	sdelay $0x3  }
0x29f: {  	v7 =	vld [tilespmem:s3+$0x6E80]  }
0x2a0: {  	v1 =	vadd.f32 v2, v1;
	v2 =	vmul.f32 v6, v0;
	v0 =	vadd.f32 v3, v4;
	v3 =	vld [tilespmem:$0x1FB90];
	_ =	sdelay $0x3  }
0x2a1: {  	v8 =	vld [tilespmem:s3+$0xF00]  }
0x2a2: {  	v1 =	vadd.f32 v2, v1;
	v2 =	vld [tilespmem:$0x1FBA0];
	v3 =	vmul.f32 v7, v3;
	_ =	sdelay $0x1  }
0x2a3: {  	v5 =	vadd.f32 v3, v0;
	v0 =	vld [tilespmem:$0x1FBB0]  }
0x2a4: {  	v3 =	vld [tilespmem:$0x1F810];
	_ =	sdelay $0x1  }
0x2a5: {  	v2 =	vmul.f32 v8, v2;
	_ =	sdelay $0x1  }
0x2a6: {  	v1 =	vadd.f32 v2, v1;
	v2 =	vld [tilespmem:$0x1F820]  }
0x2a7: {  	v3 =	vmul.f32 v3, v0;
	v0 =	vld [tilespmem:$0x1FBC0];
	_ =	sdelay $0x4  }
0x2a8: {  	v2 =	vmul.f32 v2, v0;
	v0 =	vld [tilespmem:s3+$0x7880]  }
0x2a9: {  	v7 =	vld [tilespmem:s3+$0x1800]  }
0x2aa: {  	v1 =	vadd.f32 v2, v1;
	v2 =	vld [tilespmem:$0x1FBE0];
	_ =	sdelay $0x1  }
0x2ab: {  	v6 =	vld [tilespmem:s3+$0x6F80]  }
0x2ac: {  	[tilespmem:$0x1F830] =	vst v0;
	v0 =	vadd.f32 v3, v5;
	v3 =	vld [tilespmem:$0x1FBD0];
	_ =	sdelay $0x1  }
0x2ad: {  	v2 =	vmul.f32 v7, v2  }
0x2ae: {  	v4 =	vld [tilespmem:s3+$0x1880]  }
0x2af: {  	v1 =	vadd.f32 v2, v1;
	v2 =	vld [tilespmem:$0x1FC00]  }
0x2b0: {  	v3 =	vmul.f32 v6, v3  }
0x2b1: {  	v8 =	vld [tilespmem:s3+$0x7800]  }
0x2b2: {  	v0 =	vadd.f32 v3, v0;
	v3 =	vld [tilespmem:$0x1FBF0];
	_ =	sdelay $0x1  }
0x2b3: {  	v2 =	vmul.f32 v4, v2;
	v4 =	vld [tilespmem:s3+$0x7980];
	_ =	sdelay $0x2  }
0x2b4: {  	v3 =	vmul.f32 v8, v3;
	_ =	sdelay $0x1  }
0x2b5: {  	[tilespmem:$0x1F840] =	vst v4;
	v4 =	vadd.f32 v3, v0;
	v0 =	vld [tilespmem:$0x1FC10]  }
0x2b6: {  	v3 =	vld [tilespmem:$0x1F830];
	_ =	sdelay $0x4  }
0x2b7: {  	v3 =	vmul.f32 v3, v0;
	v0 =	vld [tilespmem:s3+$0x1A00];
	_ =	sdelay $0x3  }
0x2b8: {  	v6 =	vld [tilespmem:s3+$0x1900]  }
0x2b9: {  	[tilespmem:$0x1F850] =	vst v0;
	v0 =	vld [tilespmem:$0x1FC20];
	_ =	sdelay $0x3  }
0x2ba: {  	v7 =	vld [tilespmem:s3+$0x7900]  }
0x2bb: {  	v1 =	vadd.f32 v2, v1;
	v2 =	vmul.f32 v6, v0;
	v0 =	vadd.f32 v3, v4;
	v3 =	vld [tilespmem:$0x1FC30];
	_ =	sdelay $0x3  }
0x2bc: {  	v8 =	vld [tilespmem:s3+$0x1980]  }
0x2bd: {  	v1 =	vadd.f32 v2, v1;
	v2 =	vld [tilespmem:$0x1FC40];
	v3 =	vmul.f32 v7, v3;
	_ =	sdelay $0x1  }
0x2be: {  	v5 =	vadd.f32 v3, v0;
	v0 =	vld [tilespmem:$0x1FC50]  }
0x2bf: {  	v3 =	vld [tilespmem:$0x1F840];
	_ =	sdelay $0x1  }
0x2c0: {  	v2 =	vmul.f32 v8, v2;
	_ =	sdelay $0x1  }
0x2c1: {  	v1 =	vadd.f32 v2, v1;
	v2 =	vld [tilespmem:$0x1F850]  }
0x2c2: {  	v3 =	vmul.f32 v3, v0;
	v0 =	vld [tilespmem:$0x1FC60];
	_ =	sdelay $0x4  }
0x2c3: {  	v2 =	vmul.f32 v2, v0;
	v0 =	vld [tilespmem:s3+$0x7B00]  }
0x2c4: {  	v7 =	vld [tilespmem:s3+$0x1A80]  }
0x2c5: {  	v1 =	vadd.f32 v2, v1;
	v2 =	vld [tilespmem:$0x1FC80];
	_ =	sdelay $0x1  }
0x2c6: {  	v6 =	vld [tilespmem:s3+$0x7A00]  }
0x2c7: {  	[tilespmem:$0x1F860] =	vst v0;
	v0 =	vadd.f32 v3, v5;
	v3 =	vld [tilespmem:$0x1FC70];
	_ =	sdelay $0x1  }
0x2c8: {  	v2 =	vmul.f32 v7, v2  }
0x2c9: {  	v4 =	vld [tilespmem:s3+$0x1B00]  }
0x2ca: {  	v1 =	vadd.f32 v2, v1;
	v2 =	vld [tilespmem:$0x1FCA0]  }
0x2cb: {  	v3 =	vmul.f32 v6, v3  }
0x2cc: {  	v8 =	vld [tilespmem:s3+$0x7A80]  }
0x2cd: {  	v0 =	vadd.f32 v3, v0;
	v3 =	vld [tilespmem:$0x1FC90];
	_ =	sdelay $0x1  }
0x2ce: {  	v2 =	vmul.f32 v4, v2;
	v4 =	vld [tilespmem:s3+$0x8400];
	_ =	sdelay $0x2  }
0x2cf: {  	v3 =	vmul.f32 v8, v3;
	_ =	sdelay $0x1  }
0x2d0: {  	[tilespmem:$0x1F870] =	vst v4;
	v4 =	vadd.f32 v3, v0;
	v0 =	vld [tilespmem:$0x1FCB0]  }
0x2d1: {  	v3 =	vld [tilespmem:$0x1F860];
	_ =	sdelay $0x4  }
0x2d2: {  	v3 =	vmul.f32 v3, v0;
	v0 =	vld [tilespmem:s3+$0x2480];
	_ =	sdelay $0x3  }
0x2d3: {  	v6 =	vld [tilespmem:s3+$0x1B80]  }
0x2d4: {  	[tilespmem:$0x1F880] =	vst v0;
	v0 =	vld [tilespmem:$0x1FCC0];
	_ =	sdelay $0x3  }
0x2d5: {  	v7 =	vld [tilespmem:s3+$0x7B80]  }
0x2d6: {  	v1 =	vadd.f32 v2, v1;
	v2 =	vmul.f32 v6, v0;
	v0 =	vadd.f32 v3, v4;
	v3 =	vld [tilespmem:$0x1FCD0];
	_ =	sdelay $0x3  }
0x2d7: {  	v8 =	vld [tilespmem:s3+$0x2400]  }
0x2d8: {  	v1 =	vadd.f32 v2, v1;
	v2 =	vld [tilespmem:$0x1FCE0];
	v3 =	vmul.f32 v7, v3;
	_ =	sdelay $0x1  }
0x2d9: {  	v5 =	vadd.f32 v3, v0;
	v0 =	vld [tilespmem:$0x1FCF0]  }
0x2da: {  	v3 =	vld [tilespmem:$0x1F870];
	_ =	sdelay $0x1  }
0x2db: {  	v2 =	vmul.f32 v8, v2;
	_ =	sdelay $0x1  }
0x2dc: {  	v1 =	vadd.f32 v2, v1;
	v2 =	vld [tilespmem:$0x1F880]  }
0x2dd: {  	v3 =	vmul.f32 v3, v0;
	v0 =	vld [tilespmem:$0x1FD00];
	_ =	sdelay $0x4  }
0x2de: {  	v2 =	vmul.f32 v2, v0;
	v0 =	vld [tilespmem:s3+$0x8580]  }
0x2df: {  	v7 =	vld [tilespmem:s3+$0x2500]  }
0x2e0: {  	v1 =	vadd.f32 v2, v1;
	v2 =	vld [tilespmem:$0x1FD20];
	_ =	sdelay $0x1  }
0x2e1: {  	v6 =	vld [tilespmem:s3+$0x8480]  }
0x2e2: {  	[tilespmem:$0x1F890] =	vst v0;
	v0 =	vadd.f32 v3, v5;
	v3 =	vld [tilespmem:$0x1FD10];
	_ =	sdelay $0x1  }
0x2e3: {  	v2 =	vmul.f32 v7, v2  }
0x2e4: {  	v4 =	vld [tilespmem:s3+$0x2580]  }
0x2e5: {  	v1 =	vadd.f32 v2, v1;
	v2 =	vld [tilespmem:$0x1FD40]  }
0x2e6: {  	v3 =	vmul.f32 v6, v3  }
0x2e7: {  	v8 =	vld [tilespmem:s3+$0x8500]  }
0x2e8: {  	v0 =	vadd.f32 v3, v0;
	v3 =	vld [tilespmem:$0x1FD30];
	_ =	sdelay $0x1  }
0x2e9: {  	v2 =	vmul.f32 v4, v2;
	v4 =	vld [tilespmem:s3+$0x8680];
	_ =	sdelay $0x2  }
0x2ea: {  	v3 =	vmul.f32 v8, v3;
	_ =	sdelay $0x1  }
0x2eb: {  	[tilespmem:$0x1F8A0] =	vst v4;
	v4 =	vadd.f32 v3, v0;
	v0 =	vld [tilespmem:$0x1FD50]  }
0x2ec: {  	v3 =	vld [tilespmem:$0x1F890];
	_ =	sdelay $0x4  }
0x2ed: {  	v3 =	vmul.f32 v3, v0;
	v0 =	vld [tilespmem:s3+$0x2700];
	_ =	sdelay $0x3  }
0x2ee: {  	v6 =	vld [tilespmem:s3+$0x2600]  }
0x2ef: {  	[tilespmem:$0x1F8B0] =	vst v0;
	v0 =	vld [tilespmem:$0x1FD60];
	_ =	sdelay $0x3  }
0x2f0: {  	v7 =	vld [tilespmem:s3+$0x8600]  }
0x2f1: {  	v1 =	vadd.f32 v2, v1;
	v2 =	vmul.f32 v6, v0;
	v0 =	vadd.f32 v3, v4;
	v3 =	vld [tilespmem:$0x1FD70];
	_ =	sdelay $0x3  }
0x2f2: {  	v8 =	vld [tilespmem:s3+$0x2680]  }
0x2f3: {  	v1 =	vadd.f32 v2, v1;
	v2 =	vld [tilespmem:$0x1FD80];
	v3 =	vmul.f32 v7, v3;
	_ =	sdelay $0x1  }
0x2f4: {  	v5 =	vadd.f32 v3, v0;
	v0 =	vld [tilespmem:$0x1FD90]  }
0x2f5: {  	v3 =	vld [tilespmem:$0x1F8A0];
	_ =	sdelay $0x1  }
0x2f6: {  	v2 =	vmul.f32 v8, v2;
	_ =	sdelay $0x1  }
0x2f7: {  	v1 =	vadd.f32 v2, v1;
	v2 =	vld [tilespmem:$0x1F8B0]  }
0x2f8: {  	v3 =	vmul.f32 v3, v0;
	v0 =	vld [tilespmem:$0x1FDA0];
	_ =	sdelay $0x4  }
0x2f9: {  	v2 =	vmul.f32 v2, v0;
	v0 =	vld [tilespmem:s3+$0x9000]  }
0x2fa: {  	v7 =	vld [tilespmem:s3+$0x2780]  }
0x2fb: {  	v1 =	vadd.f32 v2, v1;
	v2 =	vld [tilespmem:$0x1FDB0];
	_ =	sdelay $0x1  }
0x2fc: {  	v6 =	vld [tilespmem:s3+$0x8700]  }
0x2fd: {  	[tilespmem:$0x1F8C0] =	vst v0;
	v0 =	vadd.f32 v3, v5;
	v3 =	vld [tilespmem:$0x1FDC0];
	_ =	sdelay $0x1  }
0x2fe: {  	v2 =	vmul.f32 v7, v2  }
0x2ff: {  	v4 =	vld [tilespmem:s3+$0x3000]  }
0x300: {  	v1 =	vadd.f32 v2, v1;
	v2 =	vld [tilespmem:$0x1FDE0]  }
0x301: {  	v3 =	vmul.f32 v6, v3  }
0x302: {  	v8 =	vld [tilespmem:s3+$0x8780]  }
0x303: {  	v0 =	vadd.f32 v3, v0;
	v3 =	vld [tilespmem:$0x1FDD0];
	_ =	sdelay $0x1  }
0x304: {  	v2 =	vmul.f32 v4, v2;
	v4 =	vld [tilespmem:s3+$0x9100];
	_ =	sdelay $0x2  }
0x305: {  	v3 =	vmul.f32 v8, v3  }
0x306: {  	v7 =	vld [tilespmem:s3+$0x9080]  }
0x307: {  	[tilespmem:$0x1F8D0] =	vst v4;
	v4 =	vadd.f32 v3, v0;
	v3 =	vld [tilespmem:$0x1F8C0]  }
0x308: {  	v6 =	vld [tilespmem:s3+$0x3080]  }
0x309: {  	v0 =	vld [tilespmem:$0x1FDF0];
	_ =	sdelay $0x2  }
0x30a: {  	v3 =	vmul.f32 v3, v17  }
0x30b: {  	v1 =	vadd.f32 v2, v1  }
0x30c: {  	v2 =	vmul.f32 v6, v0;
	v0 =	vadd.f32 v3, v4;
	v3 =	vmul.f32 v7, v25;
	_ =	sdelay $0x1  }
0x30d: {  	v4 =	vadd.f32 v3, v0;
	v0 =	vld [tilespmem:s3+$0x3280];
	_ =	sdelay $0x1  }
0x30e: {  	v8 =	vld [tilespmem:s3+$0x3100]  }
0x30f: {  	s10 =	sor.u32 $0x3180, s10;
	v1 =	vadd.f32 v2, v1;
	v2 =	vld [tilespmem:$0x1FE00]  }
0x310: {  	v5 =	vld [tilespmem:s10+$0x0]  }
0x311: {  	[tilespmem:$0x1F8E0] =	vst v0;
	v0 =	vld [tilespmem:$0x1FE10];
	_ =	sdelay $0x2  }
0x312: {  	v2 =	vmul.f32 v8, v2;
	_ =	sdelay $0x1  }
0x313: {  	v7 =	vld [tilespmem:s3+$0x3200];
	v1 =	vadd.f32 v2, v1;
	v2 =	vmul.f32 v5, v0  }
0x314: {  	v3 =	vld [tilespmem:$0x1F8D0]  }
0x315: {  	v1 =	vadd.f32 v2, v1;
	v2 =	vld [tilespmem:$0x1FE20];
	_ =	sdelay $0x3  }
0x316: {  	v3 =	vmul.f32 v3, v9  }
0x317: {  	v2 =	vmul.f32 v7, v2  }
0x318: {  	v0 =	vadd.f32 v3, v4;
	v4 =	vld [tilespmem:$0x1F8E0]  }
0x319: {  	v1 =	vadd.f32 v2, v1;
	v2 =	vld [tilespmem:$0x1FE30]  }
0x31a: {  	v6 =	vld [tilespmem:s10+$0x6000];
	_ =	sdelay $0x1  }
0x31b: {  	v8 =	vld [tilespmem:s3+$0x9200]  }
0x31c: {  	s6 =	sor.u32 $0x3380, s17  }
0x31d: {  	v2 =	vmul.f32 v4, v2;
	v4 =	vld [tilespmem:s6+$0x6000]  }
0x31e: {  	v3 =	vmul.f32 v6, v26  }
0x31f: {  	v5 =	vld [tilespmem:s3+$0x9280]  }
0x320: {  	v6 =	vld [tilespmem:s3+$0x3300];
	v0 =	vadd.f32 v3, v0;
	v3 =	vmul.f32 v8, v18  }
0x321: {  	v7 =	vld [tilespmem:s3+$0x9300]  }
0x322: {  	[tilespmem:$0x1F8F0] =	vst v4;
	v4 =	vadd.f32 v3, v0;
	v0 =	vld [tilespmem:$0x1FE40];
	_ =	sdelay $0x2  }
0x323: {  	v3 =	vmul.f32 v5, v27  }
0x324: {  	v1 =	vadd.f32 v2, v1  }
0x325: {  	v2 =	vmul.f32 v6, v0;
	v0 =	vadd.f32 v3, v4;
	v3 =	vmul.f32 v7, v13;
	_ =	sdelay $0x1  }
0x326: {  	v4 =	vadd.f32 v3, v0;
	v0 =	vld [tilespmem:s3+$0x3D00]  }
0x327: {  	v8 =	vld [tilespmem:s6+$0x0]  }
0x328: {  	v1 =	vadd.f32 v2, v1;
	v2 =	vld [tilespmem:$0x1FE50]  }
0x329: {  	v3 =	vld [tilespmem:$0x1F8F0]  }
0x32a: {  	v5 =	vld [tilespmem:s3+$0x3C00]  }
0x32b: {  	[tilespmem:$0x1F900] =	vst v0;
	v0 =	vld [tilespmem:$0x1FE60];
	_ =	sdelay $0x2  }
0x32c: {  	v7 =	vld [tilespmem:s3+$0x3C80];
	v2 =	vmul.f32 v8, v2;
	v3 =	vmul.f32 v3, v28;
	_ =	sdelay $0x1  }
0x32d: {  	v1 =	vadd.f32 v2, v1;
	v2 =	vmul.f32 v5, v0;
	v0 =	vadd.f32 v3, v4;
	v4 =	vld [tilespmem:$0x1F900]  }
0x32e: {  	v6 =	vld [tilespmem:s3+$0x9C00];
	_ =	sdelay $0x1  }
0x32f: {  	v8 =	vld [tilespmem:s3+$0x9C80];
	v1 =	vadd.f32 v2, v1;
	v2 =	vmul.f32 v7, v15  }
0x330: {  	v5 =	vld [tilespmem:s3+$0x9D00]  }
0x331: {  	v1 =	vadd.f32 v2, v1;
	v2 =	vmul.f32 v4, v10;
	v4 =	vld [tilespmem:s3+$0x9E00]  }
0x332: {  	v3 =	vmul.f32 v6, v19  }
0x333: {  	v7 =	vld [tilespmem:s3+$0x9D80]  }
0x334: {  	v0 =	vadd.f32 v3, v0;
	v3 =	vmul.f32 v8, v29;
	_ =	sdelay $0x1  }
0x335: {  	[tilespmem:$0x1F910] =	vst v4;
	v4 =	vadd.f32 v3, v0;
	v3 =	vmul.f32 v5, v11;
	_ =	sdelay $0x1  }
0x336: {  	v6 =	vld [tilespmem:s3+$0x3D80];
	v0 =	vadd.f32 v3, v4;
	v3 =	vmul.f32 v7, v30  }
0x337: {  	v8 =	vld [tilespmem:s3+$0x3E00]  }
0x338: {  	v4 =	vadd.f32 v3, v0;
	v3 =	vld [tilespmem:$0x1F910]  }
0x339: {  	v0 =	vld [tilespmem:s3+$0x3F80];
	_ =	sdelay $0x1  }
0x33a: {  	v5 =	vld [tilespmem:s3+$0x3E80]  }
0x33b: {  	v1 =	vadd.f32 v2, v1;
	v2 =	vmul.f32 v6, v22  }
0x33c: {  	v7 =	vld [tilespmem:s3+$0x3F00];
	v3 =	vmul.f32 v3, v31  }
0x33d: {  	v1 =	vadd.f32 v2, v1;
	v2 =	vmul.f32 v8, v16;
	[tilespmem:$0x1F920] =	vst v0  }
0x33e: {  	v0 =	vadd.f32 v3, v4;
	v4 =	vld [tilespmem:$0x1F920]  }
0x33f: {  	v6 =	vld [tilespmem:s3+$0x9E80];
	v1 =	vadd.f32 v2, v1;
	v2 =	vmul.f32 v5, v23;
	_ =	sdelay $0x1  }
0x340: {  	v8 =	vld [tilespmem:s3+$0x9F00];
	v1 =	vadd.f32 v2, v1;
	v2 =	vmul.f32 v7, v12  }
0x341: {  	v5 =	vld [tilespmem:s3+$0x9F80]  }
0x342: {  	v1 =	vadd.f32 v2, v1;
	v2 =	vmul.f32 v4, v24;
	v4 =	vld [tilespmem:s3+$0xA880]  }
0x343: {  	v3 =	vmul.f32 v6, v20  }
0x344: {  	v7 =	vld [tilespmem:s3+$0xA800]  }
0x345: {  	v0 =	vadd.f32 v3, v0;
	v3 =	vmul.f32 v8, v32;
	_ =	sdelay $0x1  }
0x346: {  	[tilespmem:$0x1F930] =	vst v4;
	v4 =	vadd.f32 v3, v0;
	v3 =	vmul.f32 v5, v14  }
0x347: {  	v6 =	vld [tilespmem:s3+$0x4800]  }
0x348: {  	v0 =	vadd.f32 v3, v4;
	v3 =	vmul.f32 v7, v48  }
0x349: {  	v8 =	vld [tilespmem:s3+$0x4880]  }
0x34a: {  	v0 =	vadd.f32 v3, v0;
	v3 =	vld [tilespmem:$0x1F930]  }
0x34b: {  	v5 =	vld [tilespmem:s3+$0x4900]  }
0x34c: {  	v1 =	vadd.f32 v2, v1;
	v2 =	vmul.f32 v6, v33;
	v6 =	vld [tilespmem:s3+$0xA900]  }
0x34d: {  	v7 =	vld [tilespmem:s3+$0x4980]  }
0x34e: {  	v1 =	vadd.f32 v2, v1;
	v2 =	vmul.f32 v8, v21;
	v8 =	vld [tilespmem:s3+$0xA980]  }
0x34f: {  	v4 =	vld [tilespmem:s3+$0x4A00];
	v3 =	vmul.f32 v3, v49  }
0x350: {  	v1 =	vadd.f32 v2, v1;
	v2 =	vmul.f32 v5, v34;
	v5 =	vld [tilespmem:s3+$0xAA00]  }
0x351: {  	v0 =	vadd.f32 v3, v0;
	v3 =	vmul.f32 v6, v50;
	v6 =	vld [tilespmem:s3+$0x4A80]  }
0x352: {  	v1 =	vadd.f32 v2, v1;
	v2 =	vmul.f32 v7, v35;
	v7 =	vld [tilespmem:s3+$0xAA80]  }
0x353: {  	v0 =	vadd.f32 v3, v0;
	v3 =	vmul.f32 v8, v51;
	v8 =	vld [tilespmem:s3+$0x4B00]  }
0x354: {  	v1 =	vadd.f32 v2, v1;
	v2 =	vmul.f32 v4, v36;
	v4 =	vld [tilespmem:s3+$0xAB00]  }
0x355: {  	v0 =	vadd.f32 v3, v0;
	v3 =	vmul.f32 v5, v52;
	v5 =	vld [tilespmem:s3+$0x4B80]  }
0x356: {  	v1 =	vadd.f32 v2, v1;
	v2 =	vmul.f32 v6, v37;
	v6 =	vld [tilespmem:s3+$0xAB80]  }
0x357: {  	v0 =	vadd.f32 v3, v0;
	v3 =	vmul.f32 v7, v53;
	v7 =	vld [tilespmem:s3+$0x5400]  }
0x358: {  	v1 =	vadd.f32 v2, v1;
	v2 =	vmul.f32 v8, v38;
	v8 =	vld [tilespmem:s3+$0xB400]  }
0x359: {  	v0 =	vadd.f32 v3, v0;
	v3 =	vmul.f32 v4, v54;
	v4 =	vld [tilespmem:s3+$0x5480]  }
0x35a: {  	v1 =	vadd.f32 v2, v1;
	v2 =	vmul.f32 v5, v39;
	v5 =	vld [tilespmem:s3+$0xB480]  }
0x35b: {  	v0 =	vadd.f32 v3, v0;
	v3 =	vmul.f32 v6, v55;
	v6 =	vld [tilespmem:s3+$0x5500]  }
0x35c: {  	v1 =	vadd.f32 v2, v1;
	v2 =	vmul.f32 v7, v40;
	v7 =	vld [tilespmem:s3+$0xB500]  }
0x35d: {  	v0 =	vadd.f32 v3, v0;
	v3 =	vmul.f32 v8, v56;
	v8 =	vld [tilespmem:s3+$0x5580]  }
0x35e: {  	v1 =	vadd.f32 v2, v1;
	v2 =	vmul.f32 v4, v41;
	v4 =	vld [tilespmem:s3+$0xB580]  }
0x35f: {  	v0 =	vadd.f32 v3, v0;
	v3 =	vmul.f32 v5, v57;
	v5 =	vld [tilespmem:s3+$0x5600]  }
0x360: {  	v1 =	vadd.f32 v2, v1;
	v2 =	vmul.f32 v6, v42;
	v6 =	vld [tilespmem:s3+$0xB600]  }
0x361: {  	v0 =	vadd.f32 v3, v0;
	v3 =	vmul.f32 v7, v58;
	v7 =	vld [tilespmem:s3+$0x5680]  }
0x362: {  	v1 =	vadd.f32 v2, v1;
	v2 =	vmul.f32 v8, v43;
	v8 =	vld [tilespmem:s3+$0xB680]  }
0x363: {  	v0 =	vadd.f32 v3, v0;
	v3 =	vmul.f32 v4, v59;
	v4 =	vld [tilespmem:s3+$0x5700]  }
0x364: {  	v1 =	vadd.f32 v2, v1;
	v2 =	vmul.f32 v5, v44;
	v5 =	vld [tilespmem:s3+$0xB700]  }
0x365: {  	v0 =	vadd.f32 v3, v0;
	v3 =	vmul.f32 v6, v60;
	v6 =	vld [tilespmem:s3+$0x5780]  }
0x366: {  	v1 =	vadd.f32 v2, v1;
	v2 =	vmul.f32 v7, v45;
	v7 =	vld [tilespmem:s3+$0xB780]  }
0x367: {  	v0 =	vadd.f32 v3, v0;
	v3 =	vmul.f32 v8, v61  }
0x368: {  	v1 =	vadd.f32 v2, v1;
	v2 =	vmul.f32 v4, v46  }
0x369: {  	v0 =	vadd.f32 v3, v0;
	v3 =	vmul.f32 v5, v62  }
0x36a: {  	v1 =	vadd.f32 v2, v1;
	v2 =	vmul.f32 v6, v47  }
0x36b: {  	s3 =	smul.u32 $0x300, s0;
	v0 =	vadd.f32 v3, v0;
	v3 =	vmul.f32 v7, v63  }
0x36c: {  	v1 =	vadd.f32 v2, v1  }
0x36d: {  	s4 =	sadd.s32 $0x10, s4;
	s31 =	sadd.s32 s7, s3;
	v0 =	vadd.f32 v3, v0  }
0x36e: {  	s10 =	sadd.s32 $0x10, s18;
	s6 =	sshrl.u32 s31, $0x3;
	[tilespmem:s4+$0x0] =	vst v1  }
0x36f: {  	s18 =	simm.s32 $0x18000;
	s11 =	sadd.s32 s8, s6;
	[tilespmem:s10+$0x0] =	vst v0;
	s10 =	simm.s32 $0x0  }
0x370: {  	[hbm4b:s11+s10] =	stream.linear.scatter [tilespmem:s18], [sflag:$0x3], $0x180, $0x38;
	[tilespmem:$0x18400] =	vst v63  }
0x371: {  	_ =	swait.ge [sflag:s19], $0x180  }
0x372: {  	s20 =	simm.s32 $0x18180;
	s4 =	sshll.u32 s0, $0x1;
	[sflag:s19] =	ssyncset.done $0x0  }
0x373: {  	s6 =	sadd.s32 s9, s6;
	s13 =	smin.u32 s4, $0x19;
	[sflag:s19] =	ssyncadd.s32 $0xFFFFFE80  }
0x374: {  	[hbm4b:s6+s10] =	stream.linear.scatter [tilespmem:s20], [sflag:$0x3], $0x180, $0x38;
	[tilespmem:$0x18400] =	vst v63  }
0x375: {  	s6 =	smul.u32 $0x180, s13  }
0x376: {  	_ =	swait.ge [sflag:s19], $0x180  }
0x377: {  	[sflag:s19] =	ssyncset.done $0x0;
	s6 =	sadd.s32 s6, s15  }
0x378: {  	[sflag:s19] =	ssyncadd.s32 $0xFFFFFE80;
	s14 =	sadd.s32 s1, s6  }
0x379: {  	[tilespmem:s10], [sflag:$0x1] =	stream.strided.gather [hbm4b:s14+s21], $0x6000, s22, s21, $0x38;
	[tilespmem:$0x18400] =	vst v63  }
0x37a: {  	s6 =	sadd.s32 s2, s6  }
0x37b: {  	[tilespmem:s23], [sflag:$0x1] =	stream.strided.gather [hbm4b:s6+s21], $0x6000, s22, s21, $0x38;
	[tilespmem:$0x18400] =	vst v63  }
0x37c: {  	_ =	swait.ge [sflag:s28], $0x6000  }
0x37d: {  	[sflag:s28] =	ssyncset.done $0x0  }
0x37e: {  	[sflag:s28] =	ssyncadd.s32 $0xFFFFA000  }
0x37f: {  	_ =	swait.ge [sflag:s28], $0x6000  }
0x380: {  	s17 =	sand.u32 $0x70, s10;
	s31 =	sand.u32 $0xC00, s10;
	[sflag:s28] =	ssyncset.done $0x0  }
0x381: {  	s6 =	sor.u32 s17, s31;
	v7 =	vld [tilespmem:$0x1F9E0];
	[sflag:s28] =	ssyncadd.s32 $0xFFFFA000  }
0x382: {  	v1 =	vld [tilespmem:s6+$0xC000];
	_ =	sdelay $0x3  }
0x383: {  	v2 =	vld [tilespmem:s6+$0xC080]  }
0x384: {  	v1 =	vmul.f32 v1, v7;
	v7 =	vld [tilespmem:$0x1FA00];
	_ =	sdelay $0x3  }
0x385: {  	v8 =	vld [tilespmem:$0x1F9F0]  }
0x386: {  	v0 =	vld [tilespmem:s6+$0x12000];
	v2 =	vmul.f32 v2, v7  }
0x387: {  	v4 =	vld [tilespmem:s6+$0xC100]  }
0x388: {  	v1 =	vadd.f32 v2, v1;
	v2 =	vld [tilespmem:$0x1FA20];
	_ =	sdelay $0x2  }
0x389: {  	s13 =	sand.u32 $0xFFFFFC00, s10;
	v3 =	vld [tilespmem:s6+$0x12080]  }
0x38a: {  	s11 =	sadd.s32 $0x0, s13;
	v0 =	vmul.f32 v0, v8;
	v8 =	vld [tilespmem:$0x1FA10]  }
0x38b: {  	s13 =	sor.u32 $0x180, s11;
	v2 =	vmul.f32 v4, v2  }
0x38c: {  	v6 =	vld [tilespmem:s13+$0xC000]  }
0x38d: {  	v1 =	vadd.f32 v2, v1;
	v2 =	vld [tilespmem:$0x1FA40];
	_ =	sdelay $0x1  }
0x38e: {  	v3 =	vmul.f32 v3, v8  }
0x38f: {  	v5 =	vld [tilespmem:s6+$0x12100]  }
0x390: {  	v0 =	vadd.f32 v3, v0;
	v3 =	vld [tilespmem:$0x1FA30]  }
0x391: {  	v2 =	vmul.f32 v6, v2  }
0x392: {  	v8 =	vld [tilespmem:s6+$0xC200]  }
0x393: {  	v1 =	vadd.f32 v2, v1;
	v2 =	vld [tilespmem:$0x1FA60];
	_ =	sdelay $0x1  }
0x394: {  	v3 =	vmul.f32 v5, v3  }
0x395: {  	v7 =	vld [tilespmem:s13+$0x12000]  }
0x396: {  	v0 =	vadd.f32 v3, v0;
	v3 =	vld [tilespmem:$0x1FA50]  }
0x397: {  	v2 =	vmul.f32 v8, v2  }
0x398: {  	v5 =	vld [tilespmem:s6+$0xC280]  }
0x399: {  	v1 =	vadd.f32 v2, v1;
	v2 =	vld [tilespmem:$0x1FA80];
	_ =	sdelay $0x1  }
0x39a: {  	v3 =	vmul.f32 v7, v3  }
0x39b: {  	v4 =	vld [tilespmem:s6+$0x12200]  }
0x39c: {  	v0 =	vadd.f32 v3, v0;
	v3 =	vld [tilespmem:$0x1FA70]  }
0x39d: {  	v2 =	vmul.f32 v5, v2  }
0x39e: {  	v7 =	vld [tilespmem:s6+$0xC300]  }
0x39f: {  	v1 =	vadd.f32 v2, v1;
	v2 =	vld [tilespmem:$0x1FAA0];
	_ =	sdelay $0x1  }
0x3a0: {  	v3 =	vmul.f32 v4, v3  }
0x3a1: {  	v6 =	vld [tilespmem:s6+$0x12280]  }
0x3a2: {  	s10 =	sor.u32 s10, s10;
	v0 =	vadd.f32 v3, v0;
	v3 =	vld [tilespmem:$0x1FA90]  }
0x3a3: {  	s14 =	sor.u32 $0x380, s10;
	v2 =	vmul.f32 v7, v2  }
0x3a4: {  	v4 =	vld [tilespmem:s14+$0xC000]  }
0x3a5: {  	v1 =	vadd.f32 v2, v1;
	v2 =	vld [tilespmem:$0x1FAC0];
	_ =	sdelay $0x1  }
0x3a6: {  	v3 =	vmul.f32 v6, v3  }
0x3a7: {  	v8 =	vld [tilespmem:s6+$0x12300]  }
0x3a8: {  	v0 =	vadd.f32 v3, v0;
	v3 =	vld [tilespmem:$0x1FAB0]  }
0x3a9: {  	v2 =	vmul.f32 v4, v2  }
0x3aa: {  	v6 =	vld [tilespmem:s6+$0xCC00]  }
0x3ab: {  	v1 =	vadd.f32 v2, v1;
	v2 =	vld [tilespmem:$0x1FAE0];
	_ =	sdelay $0x1  }
0x3ac: {  	v3 =	vmul.f32 v8, v3  }
0x3ad: {  	v5 =	vld [tilespmem:s14+$0x12000]  }
0x3ae: {  	v0 =	vadd.f32 v3, v0;
	v3 =	vld [tilespmem:$0x1FAD0]  }
0x3af: {  	v2 =	vmul.f32 v6, v2  }
0x3b0: {  	v8 =	vld [tilespmem:s6+$0xCC80]  }
0x3b1: {  	v1 =	vadd.f32 v2, v1;
	v2 =	vld [tilespmem:$0x1FB00];
	_ =	sdelay $0x1  }
0x3b2: {  	v3 =	vmul.f32 v5, v3  }
0x3b3: {  	v7 =	vld [tilespmem:s6+$0x12C00]  }
0x3b4: {  	v0 =	vadd.f32 v3, v0;
	v3 =	vld [tilespmem:$0x1FAF0]  }
0x3b5: {  	v2 =	vmul.f32 v8, v2  }
0x3b6: {  	v5 =	vld [tilespmem:s6+$0xCD00]  }
0x3b7: {  	v1 =	vadd.f32 v2, v1;
	v2 =	vld [tilespmem:$0x1FB20];
	_ =	sdelay $0x1  }
0x3b8: {  	v3 =	vmul.f32 v7, v3  }
0x3b9: {  	v4 =	vld [tilespmem:s6+$0x12C80]  }
0x3ba: {  	v0 =	vadd.f32 v3, v0;
	v3 =	vld [tilespmem:$0x1FB10]  }
0x3bb: {  	v2 =	vmul.f32 v5, v2  }
0x3bc: {  	v7 =	vld [tilespmem:s6+$0xCD80]  }
0x3bd: {  	v1 =	vadd.f32 v2, v1;
	v2 =	vld [tilespmem:$0x1FB40];
	_ =	sdelay $0x1  }
0x3be: {  	v3 =	vmul.f32 v4, v3  }
0x3bf: {  	v6 =	vld [tilespmem:s6+$0x12D00]  }
0x3c0: {  	v0 =	vadd.f32 v3, v0;
	v3 =	vld [tilespmem:$0x1FB30]  }
0x3c1: {  	v2 =	vmul.f32 v7, v2  }
0x3c2: {  	v4 =	vld [tilespmem:s6+$0xCE00]  }
0x3c3: {  	v1 =	vadd.f32 v2, v1;
	v2 =	vld [tilespmem:$0x1FB60];
	_ =	sdelay $0x1  }
0x3c4: {  	v3 =	vmul.f32 v6, v3  }
0x3c5: {  	v8 =	vld [tilespmem:s6+$0x12D80]  }
0x3c6: {  	v0 =	vadd.f32 v3, v0;
	v3 =	vld [tilespmem:$0x1FB50]  }
0x3c7: {  	v2 =	vmul.f32 v4, v2  }
0x3c8: {  	v6 =	vld [tilespmem:s6+$0xCE80]  }
0x3c9: {  	v1 =	vadd.f32 v2, v1;
	v2 =	vld [tilespmem:$0x1FB80];
	_ =	sdelay $0x1  }
0x3ca: {  	v3 =	vmul.f32 v8, v3  }
0x3cb: {  	v5 =	vld [tilespmem:s6+$0x12E00]  }
0x3cc: {  	v0 =	vadd.f32 v3, v0;
	v3 =	vld [tilespmem:$0x1FB70]  }
0x3cd: {  	v2 =	vmul.f32 v6, v2  }
0x3ce: {  	v8 =	vld [tilespmem:s6+$0xCF00]  }
0x3cf: {  	v1 =	vadd.f32 v2, v1;
	v2 =	vld [tilespmem:$0x1FBA0];
	_ =	sdelay $0x1  }
0x3d0: {  	v3 =	vmul.f32 v5, v3  }
0x3d1: {  	v7 =	vld [tilespmem:s6+$0x12E80]  }
0x3d2: {  	v0 =	vadd.f32 v3, v0;
	v3 =	vld [tilespmem:$0x1FB90]  }
0x3d3: {  	v2 =	vmul.f32 v8, v2  }
0x3d4: {  	v5 =	vld [tilespmem:s6+$0xCF80]  }
0x3d5: {  	v1 =	vadd.f32 v2, v1;
	v2 =	vld [tilespmem:$0x1FBC0];
	_ =	sdelay $0x1  }
0x3d6: {  	v3 =	vmul.f32 v7, v3  }
0x3d7: {  	v4 =	vld [tilespmem:s6+$0x12F00]  }
0x3d8: {  	v0 =	vadd.f32 v3, v0;
	v3 =	vld [tilespmem:$0x1FBB0]  }
0x3d9: {  	v2 =	vmul.f32 v5, v2  }
0x3da: {  	v7 =	vld [tilespmem:s6+$0xD800]  }
0x3db: {  	v1 =	vadd.f32 v2, v1;
	v2 =	vld [tilespmem:$0x1FBE0];
	_ =	sdelay $0x1  }
0x3dc: {  	v3 =	vmul.f32 v4, v3  }
0x3dd: {  	v6 =	vld [tilespmem:s6+$0x12F80]  }
0x3de: {  	v0 =	vadd.f32 v3, v0;
	v3 =	vld [tilespmem:$0x1FBD0]  }
0x3df: {  	v2 =	vmul.f32 v7, v2  }
0x3e0: {  	v4 =	vld [tilespmem:s6+$0xD880]  }
0x3e1: {  	v1 =	vadd.f32 v2, v1;
	v2 =	vld [tilespmem:$0x1FC00];
	_ =	sdelay $0x1  }
0x3e2: {  	v3 =	vmul.f32 v6, v3  }
0x3e3: {  	v8 =	vld [tilespmem:s6+$0x13800]  }
0x3e4: {  	v0 =	vadd.f32 v3, v0;
	v3 =	vld [tilespmem:$0x1FBF0]  }
0x3e5: {  	v2 =	vmul.f32 v4, v2  }
0x3e6: {  	v6 =	vld [tilespmem:s6+$0xD900]  }
0x3e7: {  	v1 =	vadd.f32 v2, v1;
	v2 =	vld [tilespmem:$0x1FC20];
	_ =	sdelay $0x1  }
0x3e8: {  	v3 =	vmul.f32 v8, v3  }
0x3e9: {  	v5 =	vld [tilespmem:s6+$0x13880]  }
0x3ea: {  	v0 =	vadd.f32 v3, v0;
	v3 =	vld [tilespmem:$0x1FC10]  }
0x3eb: {  	v2 =	vmul.f32 v6, v2  }
0x3ec: {  	v8 =	vld [tilespmem:s6+$0xD980]  }
0x3ed: {  	v1 =	vadd.f32 v2, v1;
	v2 =	vld [tilespmem:$0x1FC40];
	_ =	sdelay $0x1  }
0x3ee: {  	v3 =	vmul.f32 v5, v3  }
0x3ef: {  	v7 =	vld [tilespmem:s6+$0x13900]  }
0x3f0: {  	v0 =	vadd.f32 v3, v0;
	v3 =	vld [tilespmem:$0x1FC30]  }
0x3f1: {  	v2 =	vmul.f32 v8, v2  }
0x3f2: {  	v5 =	vld [tilespmem:s6+$0xDA00]  }
0x3f3: {  	v1 =	vadd.f32 v2, v1;
	v2 =	vld [tilespmem:$0x1FC60];
	_ =	sdelay $0x1  }
0x3f4: {  	v3 =	vmul.f32 v7, v3  }
0x3f5: {  	v4 =	vld [tilespmem:s6+$0x13980]  }
0x3f6: {  	v0 =	vadd.f32 v3, v0;
	v3 =	vld [tilespmem:$0x1FC50]  }
0x3f7: {  	v2 =	vmul.f32 v5, v2  }
0x3f8: {  	v7 =	vld [tilespmem:s6+$0xDA80]  }
0x3f9: {  	v1 =	vadd.f32 v2, v1;
	v2 =	vld [tilespmem:$0x1FC80];
	_ =	sdelay $0x1  }
0x3fa: {  	v3 =	vmul.f32 v4, v3  }
0x3fb: {  	v6 =	vld [tilespmem:s6+$0x13A00]  }
0x3fc: {  	v0 =	vadd.f32 v3, v0;
	v3 =	vld [tilespmem:$0x1FC70]  }
0x3fd: {  	v2 =	vmul.f32 v7, v2  }
0x3fe: {  	v4 =	vld [tilespmem:s6+$0xDB00]  }
0x3ff: {  	v1 =	vadd.f32 v2, v1;
	v2 =	vld [tilespmem:$0x1FCA0];
	_ =	sdelay $0x1  }
0x400: {  	v3 =	vmul.f32 v6, v3  }
0x401: {  	v8 =	vld [tilespmem:s6+$0x13A80]  }
0x402: {  	v0 =	vadd.f32 v3, v0;
	v3 =	vld [tilespmem:$0x1FC90]  }
0x403: {  	v2 =	vmul.f32 v4, v2  }
0x404: {  	v6 =	vld [tilespmem:s6+$0xDB80]  }
0x405: {  	v1 =	vadd.f32 v2, v1;
	v2 =	vld [tilespmem:$0x1FCC0];
	_ =	sdelay $0x1  }
0x406: {  	v3 =	vmul.f32 v8, v3  }
0x407: {  	v5 =	vld [tilespmem:s6+$0x13B00]  }
0x408: {  	v0 =	vadd.f32 v3, v0;
	v3 =	vld [tilespmem:$0x1FCB0]  }
0x409: {  	v2 =	vmul.f32 v6, v2  }
0x40a: {  	v8 =	vld [tilespmem:s6+$0xE400]  }
0x40b: {  	v1 =	vadd.f32 v2, v1;
	v2 =	vld [tilespmem:$0x1FCE0];
	_ =	sdelay $0x1  }
0x40c: {  	v3 =	vmul.f32 v5, v3  }
0x40d: {  	v7 =	vld [tilespmem:s6+$0x13B80]  }
0x40e: {  	v0 =	vadd.f32 v3, v0;
	v3 =	vld [tilespmem:$0x1FCD0]  }
0x40f: {  	v2 =	vmul.f32 v8, v2  }
0x410: {  	v5 =	vld [tilespmem:s6+$0xE480]  }
0x411: {  	v1 =	vadd.f32 v2, v1;
	v2 =	vld [tilespmem:$0x1FD00];
	_ =	sdelay $0x1  }
0x412: {  	v3 =	vmul.f32 v7, v3  }
0x413: {  	v4 =	vld [tilespmem:s6+$0x14400]  }
0x414: {  	v0 =	vadd.f32 v3, v0;
	v3 =	vld [tilespmem:$0x1FCF0]  }
0x415: {  	v2 =	vmul.f32 v5, v2  }
0x416: {  	v7 =	vld [tilespmem:s6+$0xE500]  }
0x417: {  	v1 =	vadd.f32 v2, v1;
	v2 =	vld [tilespmem:$0x1FD20];
	_ =	sdelay $0x1  }
0x418: {  	v3 =	vmul.f32 v4, v3  }
0x419: {  	v6 =	vld [tilespmem:s6+$0x14480]  }
0x41a: {  	v0 =	vadd.f32 v3, v0;
	v3 =	vld [tilespmem:$0x1FD10]  }
0x41b: {  	v2 =	vmul.f32 v7, v2  }
0x41c: {  	v4 =	vld [tilespmem:s6+$0xE580]  }
0x41d: {  	v1 =	vadd.f32 v2, v1;
	v2 =	vld [tilespmem:$0x1FD40];
	_ =	sdelay $0x1  }
0x41e: {  	v3 =	vmul.f32 v6, v3  }
0x41f: {  	v8 =	vld [tilespmem:s6+$0x14500]  }
0x420: {  	v0 =	vadd.f32 v3, v0;
	v3 =	vld [tilespmem:$0x1FD30]  }
0x421: {  	v2 =	vmul.f32 v4, v2  }
0x422: {  	v6 =	vld [tilespmem:s6+$0xE600]  }
0x423: {  	v1 =	vadd.f32 v2, v1;
	v2 =	vld [tilespmem:$0x1FD60];
	_ =	sdelay $0x1  }
0x424: {  	v3 =	vmul.f32 v8, v3  }
0x425: {  	v5 =	vld [tilespmem:s6+$0x14580]  }
0x426: {  	v0 =	vadd.f32 v3, v0;
	v3 =	vld [tilespmem:$0x1FD50]  }
0x427: {  	v2 =	vmul.f32 v6, v2  }
0x428: {  	v8 =	vld [tilespmem:s6+$0xE680]  }
0x429: {  	v1 =	vadd.f32 v2, v1;
	v2 =	vld [tilespmem:$0x1FD80];
	_ =	sdelay $0x1  }
0x42a: {  	v3 =	vmul.f32 v5, v3  }
0x42b: {  	v7 =	vld [tilespmem:s6+$0x14600]  }
0x42c: {  	v0 =	vadd.f32 v3, v0;
	v3 =	vld [tilespmem:$0x1FD70]  }
0x42d: {  	v2 =	vmul.f32 v8, v2  }
0x42e: {  	v5 =	vld [tilespmem:s6+$0xE700]  }
0x42f: {  	v1 =	vadd.f32 v2, v1;
	v2 =	vld [tilespmem:$0x1FDA0];
	_ =	sdelay $0x1  }
0x430: {  	v3 =	vmul.f32 v7, v3  }
0x431: {  	v4 =	vld [tilespmem:s6+$0x14680]  }
0x432: {  	v0 =	vadd.f32 v3, v0;
	v3 =	vld [tilespmem:$0x1FD90]  }
0x433: {  	v2 =	vmul.f32 v5, v2  }
0x434: {  	v7 =	vld [tilespmem:s6+$0xE780]  }
0x435: {  	v1 =	vadd.f32 v2, v1;
	v2 =	vld [tilespmem:$0x1FDB0];
	_ =	sdelay $0x1  }
0x436: {  	v3 =	vmul.f32 v4, v3  }
0x437: {  	v6 =	vld [tilespmem:s6+$0x14700]  }
0x438: {  	v0 =	vadd.f32 v3, v0;
	v3 =	vld [tilespmem:$0x1FDC0]  }
0x439: {  	v2 =	vmul.f32 v7, v2  }
0x43a: {  	v4 =	vld [tilespmem:s6+$0xF000]  }
0x43b: {  	v1 =	vadd.f32 v2, v1;
	v2 =	vld [tilespmem:$0x1FDE0];
	_ =	sdelay $0x1  }
0x43c: {  	v3 =	vmul.f32 v6, v3  }
0x43d: {  	v8 =	vld [tilespmem:s6+$0x14780]  }
0x43e: {  	v0 =	vadd.f32 v3, v0;
	v3 =	vld [tilespmem:$0x1FDD0]  }
0x43f: {  	v2 =	vmul.f32 v4, v2  }
0x440: {  	v6 =	vld [tilespmem:s6+$0xF080]  }
0x441: {  	v1 =	vadd.f32 v2, v1;
	v2 =	vld [tilespmem:$0x1FDF0];
	_ =	sdelay $0x1  }
0x442: {  	v3 =	vmul.f32 v8, v3  }
0x443: {  	v5 =	vld [tilespmem:s6+$0x15000]  }
0x444: {  	v0 =	vadd.f32 v3, v0;
	v3 =	vld [tilespmem:$0x1FEE0]  }
0x445: {  	v2 =	vmul.f32 v6, v2  }
0x446: {  	v8 =	vld [tilespmem:s6+$0xF100]  }
0x447: {  	v1 =	vadd.f32 v2, v1;
	v2 =	vld [tilespmem:$0x1FE00];
	_ =	sdelay $0x1  }
0x448: {  	v3 =	vmul.f32 v5, v3  }
0x449: {  	v7 =	vld [tilespmem:s6+$0x15080]  }
0x44a: {  	v0 =	vadd.f32 v3, v0;
	v3 =	vld [tilespmem:$0x1FEF0]  }
0x44b: {  	s11 =	sor.u32 $0x3180, s11;
	v2 =	vmul.f32 v8, v2  }
0x44c: {  	v5 =	vld [tilespmem:s11+$0xC000]  }
0x44d: {  	v1 =	vadd.f32 v2, v1;
	v2 =	vld [tilespmem:$0x1FE10];
	_ =	sdelay $0x1  }
0x44e: {  	v3 =	vmul.f32 v7, v3  }
0x44f: {  	v4 =	vld [tilespmem:s6+$0x15100]  }
0x450: {  	v0 =	vadd.f32 v3, v0;
	v3 =	vld [tilespmem:$0x1FF00]  }
0x451: {  	v2 =	vmul.f32 v5, v2  }
0x452: {  	v7 =	vld [tilespmem:s6+$0xF200]  }
0x453: {  	v1 =	vadd.f32 v2, v1;
	v2 =	vld [tilespmem:$0x1FE20];
	_ =	sdelay $0x1  }
0x454: {  	v3 =	vmul.f32 v4, v3  }
0x455: {  	v6 =	vld [tilespmem:s11+$0x12000]  }
0x456: {  	v0 =	vadd.f32 v3, v0;
	v3 =	vld [tilespmem:$0x1FF10]  }
0x457: {  	v2 =	vmul.f32 v7, v2  }
0x458: {  	v4 =	vld [tilespmem:s6+$0xF280]  }
0x459: {  	v1 =	vadd.f32 v2, v1;
	v2 =	vld [tilespmem:$0x1FE30];
	_ =	sdelay $0x1  }
0x45a: {  	v3 =	vmul.f32 v6, v3  }
0x45b: {  	v8 =	vld [tilespmem:s6+$0x15200]  }
0x45c: {  	v0 =	vadd.f32 v3, v0;
	v3 =	vld [tilespmem:$0x1FF20]  }
0x45d: {  	v2 =	vmul.f32 v4, v2  }
0x45e: {  	v6 =	vld [tilespmem:s6+$0xF300]  }
0x45f: {  	v1 =	vadd.f32 v2, v1;
	v2 =	vld [tilespmem:$0x1FE40];
	_ =	sdelay $0x1  }
0x460: {  	v3 =	vmul.f32 v8, v3  }
0x461: {  	v5 =	vld [tilespmem:s6+$0x15280]  }
0x462: {  	v0 =	vadd.f32 v3, v0;
	v3 =	vld [tilespmem:$0x1FF30]  }
0x463: {  	s10 =	sor.u32 $0x3380, s10;
	v2 =	vmul.f32 v6, v2  }
0x464: {  	v8 =	vld [tilespmem:s10+$0xC000]  }
0x465: {  	v1 =	vadd.f32 v2, v1;
	v2 =	vld [tilespmem:$0x1FE50];
	_ =	sdelay $0x1  }
0x466: {  	v3 =	vmul.f32 v5, v3  }
0x467: {  	v7 =	vld [tilespmem:s6+$0x15300]  }
0x468: {  	v0 =	vadd.f32 v3, v0;
	v3 =	vld [tilespmem:$0x1FF40]  }
0x469: {  	v2 =	vmul.f32 v8, v2  }
0x46a: {  	v5 =	vld [tilespmem:s6+$0xFC00]  }
0x46b: {  	v1 =	vadd.f32 v2, v1;
	v2 =	vld [tilespmem:$0x1FE60];
	_ =	sdelay $0x1  }
0x46c: {  	v3 =	vmul.f32 v7, v3  }
0x46d: {  	v4 =	vld [tilespmem:s10+$0x12000]  }
0x46e: {  	v0 =	vadd.f32 v3, v0;
	v3 =	vld [tilespmem:$0x1FF50]  }
0x46f: {  	v2 =	vmul.f32 v5, v2  }
0x470: {  	v7 =	vld [tilespmem:s6+$0xFC80]  }
0x471: {  	v1 =	vadd.f32 v2, v1;
	v2 =	vld [tilespmem:$0x1FE70];
	_ =	sdelay $0x1  }
0x472: {  	v3 =	vmul.f32 v4, v3  }
0x473: {  	v6 =	vld [tilespmem:s6+$0x15C00]  }
0x474: {  	v0 =	vadd.f32 v3, v0;
	v3 =	vld [tilespmem:$0x1FF60]  }
0x475: {  	v2 =	vmul.f32 v7, v2  }
0x476: {  	v4 =	vld [tilespmem:s6+$0xFD00]  }
0x477: {  	v1 =	vadd.f32 v2, v1;
	v2 =	vld [tilespmem:$0x1FE80];
	_ =	sdelay $0x1  }
0x478: {  	v3 =	vmul.f32 v6, v3  }
0x479: {  	v8 =	vld [tilespmem:s6+$0x15C80]  }
0x47a: {  	v0 =	vadd.f32 v3, v0;
	v3 =	vld [tilespmem:$0x1FF70]  }
0x47b: {  	v2 =	vmul.f32 v4, v2  }
0x47c: {  	v6 =	vld [tilespmem:s6+$0xFD80]  }
0x47d: {  	v1 =	vadd.f32 v2, v1;
	v2 =	vld [tilespmem:$0x1FE90];
	_ =	sdelay $0x1  }
0x47e: {  	v3 =	vmul.f32 v8, v3  }
0x47f: {  	v5 =	vld [tilespmem:s6+$0x15D00]  }
0x480: {  	v0 =	vadd.f32 v3, v0;
	v3 =	vld [tilespmem:$0x1FF80]  }
0x481: {  	v2 =	vmul.f32 v6, v2  }
0x482: {  	v8 =	vld [tilespmem:s6+$0xFE00]  }
0x483: {  	v1 =	vadd.f32 v2, v1;
	v2 =	vld [tilespmem:$0x1FEA0];
	_ =	sdelay $0x1  }
0x484: {  	v3 =	vmul.f32 v5, v3  }
0x485: {  	v7 =	vld [tilespmem:s6+$0x15D80]  }
0x486: {  	v0 =	vadd.f32 v3, v0;
	v3 =	vld [tilespmem:$0x1FF90]  }
0x487: {  	v2 =	vmul.f32 v8, v2  }
0x488: {  	v5 =	vld [tilespmem:s6+$0xFE80]  }
0x489: {  	v1 =	vadd.f32 v2, v1;
	v2 =	vld [tilespmem:$0x1FEB0];
	_ =	sdelay $0x1  }
0x48a: {  	v3 =	vmul.f32 v7, v3  }
0x48b: {  	v4 =	vld [tilespmem:s6+$0x15E00]  }
0x48c: {  	v0 =	vadd.f32 v3, v0;
	v3 =	vld [tilespmem:$0x1FFA0]  }
0x48d: {  	v2 =	vmul.f32 v5, v2  }
0x48e: {  	v7 =	vld [tilespmem:s6+$0xFF00]  }
0x48f: {  	v1 =	vadd.f32 v2, v1;
	v2 =	vld [tilespmem:$0x1FEC0];
	_ =	sdelay $0x1  }
0x490: {  	v3 =	vmul.f32 v4, v3  }
0x491: {  	v6 =	vld [tilespmem:s6+$0x15E80]  }
0x492: {  	v0 =	vadd.f32 v3, v0;
	v3 =	vld [tilespmem:$0x1FFB0]  }
0x493: {  	v2 =	vmul.f32 v7, v2  }
0x494: {  	v4 =	vld [tilespmem:s6+$0xFF80]  }
0x495: {  	v1 =	vadd.f32 v2, v1;
	v2 =	vld [tilespmem:$0x1FED0];
	_ =	sdelay $0x1  }
0x496: {  	v3 =	vmul.f32 v6, v3  }
0x497: {  	v8 =	vld [tilespmem:s6+$0x15F00]  }
0x498: {  	v0 =	vadd.f32 v3, v0;
	v3 =	vld [tilespmem:$0x1FFC0]  }
0x499: {  	v2 =	vmul.f32 v4, v2  }
0x49a: {  	v6 =	vld [tilespmem:s6+$0x10800]  }
0x49b: {  	v1 =	vadd.f32 v2, v1;
	v2 =	vld [tilespmem:$0x1FFE0];
	_ =	sdelay $0x1  }
0x49c: {  	v3 =	vmul.f32 v8, v3  }
0x49d: {  	v5 =	vld [tilespmem:s6+$0x15F80]  }
0x49e: {  	v0 =	vadd.f32 v3, v0;
	v3 =	vld [tilespmem:$0x1FFD0]  }
0x49f: {  	v7 =	vld [tilespmem:s6+$0x16800];
	v2 =	vmul.f32 v6, v2  }
0x4a0: {  	v8 =	vld [tilespmem:s6+$0x10880]  }
0x4a1: {  	v1 =	vadd.f32 v2, v1;
	v2 =	vld [tilespmem:$0x1FFF0]  }
0x4a2: {  	v4 =	vld [tilespmem:s6+$0x16880]  }
0x4a3: {  	v3 =	vmul.f32 v5, v3;
	v5 =	vld [tilespmem:s6+$0x10900]  }
0x4a4: {  	v6 =	vld [tilespmem:s6+$0x16900]  }
0x4a5: {  	v0 =	vadd.f32 v3, v0;
	v3 =	vmul.f32 v7, v48;
	v7 =	vld [tilespmem:s6+$0x10980]  }
0x4a6: {  	v2 =	vmul.f32 v8, v2;
	v8 =	vld [tilespmem:s6+$0x16980]  }
0x4a7: {  	v0 =	vadd.f32 v3, v0;
	v3 =	vmul.f32 v4, v49;
	v4 =	vld [tilespmem:s6+$0x10A00]  }
0x4a8: {  	v1 =	vadd.f32 v2, v1;
	v2 =	vmul.f32 v5, v34;
	v5 =	vld [tilespmem:s6+$0x16A00]  }
0x4a9: {  	v0 =	vadd.f32 v3, v0;
	v3 =	vmul.f32 v6, v50;
	v6 =	vld [tilespmem:s6+$0x10A80]  }
0x4aa: {  	v1 =	vadd.f32 v2, v1;
	v2 =	vmul.f32 v7, v35;
	v7 =	vld [tilespmem:s6+$0x16A80]  }
0x4ab: {  	v0 =	vadd.f32 v3, v0;
	v3 =	vmul.f32 v8, v51;
	v8 =	vld [tilespmem:s6+$0x10B00]  }
0x4ac: {  	v1 =	vadd.f32 v2, v1;
	v2 =	vmul.f32 v4, v36;
	v4 =	vld [tilespmem:s6+$0x16B00]  }
0x4ad: {  	v0 =	vadd.f32 v3, v0;
	v3 =	vmul.f32 v5, v52;
	v5 =	vld [tilespmem:s6+$0x10B80]  }
0x4ae: {  	v1 =	vadd.f32 v2, v1;
	v2 =	vmul.f32 v6, v37;
	v6 =	vld [tilespmem:s6+$0x16B80]  }
0x4af: {  	v0 =	vadd.f32 v3, v0;
	v3 =	vmul.f32 v7, v53;
	v7 =	vld [tilespmem:s6+$0x11400]  }
0x4b0: {  	v1 =	vadd.f32 v2, v1;
	v2 =	vmul.f32 v8, v38;
	v8 =	vld [tilespmem:s6+$0x17400]  }
0x4b1: {  	v0 =	vadd.f32 v3, v0;
	v3 =	vmul.f32 v4, v54;
	v4 =	vld [tilespmem:s6+$0x11480]  }
0x4b2: {  	v1 =	vadd.f32 v2, v1;
	v2 =	vmul.f32 v5, v39;
	v5 =	vld [tilespmem:s6+$0x17480]  }
0x4b3: {  	v0 =	vadd.f32 v3, v0;
	v3 =	vmul.f32 v6, v55;
	v6 =	vld [tilespmem:s6+$0x11500]  }
0x4b4: {  	v1 =	vadd.f32 v2, v1;
	v2 =	vmul.f32 v7, v40;
	v7 =	vld [tilespmem:s6+$0x17500]  }
0x4b5: {  	v0 =	vadd.f32 v3, v0;
	v3 =	vmul.f32 v8, v56;
	v8 =	vld [tilespmem:s6+$0x11580]  }
0x4b6: {  	v1 =	vadd.f32 v2, v1;
	v2 =	vmul.f32 v4, v41;
	v4 =	vld [tilespmem:s6+$0x17580]  }
0x4b7: {  	v0 =	vadd.f32 v3, v0;
	v3 =	vmul.f32 v5, v57;
	v5 =	vld [tilespmem:s6+$0x11600]  }
0x4b8: {  	v1 =	vadd.f32 v2, v1;
	v2 =	vmul.f32 v6, v42;
	v6 =	vld [tilespmem:s6+$0x17600]  }
0x4b9: {  	v0 =	vadd.f32 v3, v0;
	v3 =	vmul.f32 v7, v58;
	v7 =	vld [tilespmem:s6+$0x11680]  }
0x4ba: {  	v1 =	vadd.f32 v2, v1;
	v2 =	vmul.f32 v8, v43;
	v8 =	vld [tilespmem:s6+$0x17680]  }
0x4bb: {  	v0 =	vadd.f32 v3, v0;
	v3 =	vmul.f32 v4, v59;
	v4 =	vld [tilespmem:s6+$0x11700]  }
0x4bc: {  	v1 =	vadd.f32 v2, v1;
	v2 =	vmul.f32 v5, v44;
	v5 =	vld [tilespmem:s6+$0x17700]  }
0x4bd: {  	v0 =	vadd.f32 v3, v0;
	v3 =	vmul.f32 v6, v60;
	v6 =	vld [tilespmem:s6+$0x11780]  }
0x4be: {  	v1 =	vadd.f32 v2, v1;
	v2 =	vmul.f32 v7, v45;
	v7 =	vld [tilespmem:s6+$0x17780]  }
0x4bf: {  	v0 =	vadd.f32 v3, v0;
	v3 =	vmul.f32 v8, v61  }
0x4c0: {  	v1 =	vadd.f32 v2, v1;
	v2 =	vmul.f32 v4, v46  }
0x4c1: {  	v0 =	vadd.f32 v3, v0;
	v3 =	vmul.f32 v5, v62  }
0x4c2: {  	v1 =	vadd.f32 v2, v1;
	v2 =	vmul.f32 v6, v47  }
0x4c3: {  	v0 =	vadd.f32 v3, v0;
	v3 =	vmul.f32 v7, v63  }
0x4c4: {  	v1 =	vadd.f32 v2, v1  }
0x4c5: {  	s11 =	simm.s32 $0x80;
	s10 =	simm.s32 $0x10;
	v0 =	vadd.f32 v3, v0  }
0x4c6: {  	s31 =	sand.u32 $0xC00, s11;
	s17 =	sand.u32 $0x70, s10;
	[tilespmem:s18+$0x0] =	vst v1  }
0x4c7: {  	s6 =	sor.u32 s17, s31;
	[tilespmem:s20+$0x0] =	vst v0  }
0x4c8: {  	v0 =	vld [tilespmem:s6+$0x12000]  }
0x4c9: {  	s13 =	simm.s32 $0x20;
	v1 =	vld [tilespmem:s6+$0xC000]  }
.LBB2_5:
0x4ca: {  	v7 =	vld [tilespmem:$0x1F9E0];
	_ =	sdelay $0x3  }
0x4cb: {  	v2 =	vld [tilespmem:s6+$0xC080]  }
0x4cc: {  	v1 =	vmul.f32 v1, v7;
	v7 =	vld [tilespmem:$0x1FA00];
	_ =	sdelay $0x4  }
0x4cd: {  	v2 =	vmul.f32 v2, v7  }
0x4ce: {  	v4 =	vld [tilespmem:s6+$0xC100]  }
0x4cf: {  	v1 =	vadd.f32 v2, v1;
	v2 =	vld [tilespmem:$0x1FA20];
	_ =	sdelay $0x2  }
0x4d0: {  	s14 =	sand.u32 $0xFFFFFC00, s11;
	v8 =	vld [tilespmem:$0x1F9F0]  }
0x4d1: {  	s17 =	sadd.s32 s14, s10  }
0x4d2: {  	v3 =	vld [tilespmem:s6+$0x12080];
	s14 =	sor.u32 $0x180, s17;
	v2 =	vmul.f32 v4, v2  }
0x4d3: {  	v6 =	vld [tilespmem:s14+$0xC000]  }
0x4d4: {  	v1 =	vadd.f32 v2, v1;
	v2 =	vld [tilespmem:$0x1FA40]  }
0x4d5: {  	v0 =	vmul.f32 v0, v8;
	v8 =	vld [tilespmem:$0x1FA10];
	_ =	sdelay $0x3  }
0x4d6: {  	v5 =	vld [tilespmem:s6+$0x12100];
	v2 =	vmul.f32 v6, v2  }
0x4d7: {  	v3 =	vmul.f32 v3, v8;
	v8 =	vld [tilespmem:s6+$0xC200]  }
0x4d8: {  	v1 =	vadd.f32 v2, v1;
	v2 =	vld [tilespmem:$0x1FA60]  }
0x4d9: {  	v0 =	vadd.f32 v3, v0;
	v3 =	vld [tilespmem:$0x1FA30];
	_ =	sdelay $0x3  }
0x4da: {  	v7 =	vld [tilespmem:s14+$0x12000];
	v2 =	vmul.f32 v8, v2  }
0x4db: {  	v3 =	vmul.f32 v5, v3;
	v5 =	vld [tilespmem:s6+$0xC280]  }
0x4dc: {  	v1 =	vadd.f32 v2, v1;
	v2 =	vld [tilespmem:$0x1FA80]  }
0x4dd: {  	v0 =	vadd.f32 v3, v0;
	v3 =	vld [tilespmem:$0x1FA50];
	_ =	sdelay $0x3  }
0x4de: {  	v4 =	vld [tilespmem:s6+$0x12200];
	v2 =	vmul.f32 v5, v2  }
0x4df: {  	v3 =	vmul.f32 v7, v3;
	v7 =	vld [tilespmem:s6+$0xC300]  }
0x4e0: {  	v1 =	vadd.f32 v2, v1;
	v2 =	vld [tilespmem:$0x1FAA0]  }
0x4e1: {  	v0 =	vadd.f32 v3, v0;
	v3 =	vld [tilespmem:$0x1FA70];
	_ =	sdelay $0x2  }
0x4e2: {  	s14 =	sor.u32 s10, s11  }
0x4e3: {  	s31 =	sor.u32 $0x380, s14;
	v6 =	vld [tilespmem:s6+$0x12280];
	v2 =	vmul.f32 v7, v2  }
0x4e4: {  	v3 =	vmul.f32 v4, v3;
	v4 =	vld [tilespmem:s31+$0xC000]  }
0x4e5: {  	v1 =	vadd.f32 v2, v1;
	v2 =	vld [tilespmem:$0x1FAC0]  }
0x4e6: {  	v0 =	vadd.f32 v3, v0;
	v3 =	vld [tilespmem:$0x1FA90];
	_ =	sdelay $0x3  }
0x4e7: {  	v8 =	vld [tilespmem:s6+$0x12300];
	v2 =	vmul.f32 v4, v2  }
0x4e8: {  	v3 =	vmul.f32 v6, v3;
	v6 =	vld [tilespmem:s6+$0xCC00]  }
0x4e9: {  	v1 =	vadd.f32 v2, v1;
	v2 =	vld [tilespmem:$0x1FAE0]  }
0x4ea: {  	v0 =	vadd.f32 v3, v0;
	v3 =	vld [tilespmem:$0x1FAB0];
	_ =	sdelay $0x3  }
0x4eb: {  	v5 =	vld [tilespmem:s31+$0x12000];
	v2 =	vmul.f32 v6, v2  }
0x4ec: {  	v3 =	vmul.f32 v8, v3;
	v8 =	vld [tilespmem:s6+$0xCC80]  }
0x4ed: {  	v1 =	vadd.f32 v2, v1;
	v2 =	vld [tilespmem:$0x1FB00]  }
0x4ee: {  	v0 =	vadd.f32 v3, v0;
	v3 =	vld [tilespmem:$0x1FAD0];
	_ =	sdelay $0x3  }
0x4ef: {  	v7 =	vld [tilespmem:s6+$0x12C00];
	v2 =	vmul.f32 v8, v2  }
0x4f0: {  	v3 =	vmul.f32 v5, v3;
	v5 =	vld [tilespmem:s6+$0xCD00]  }
0x4f1: {  	v1 =	vadd.f32 v2, v1;
	v2 =	vld [tilespmem:$0x1FB20]  }
0x4f2: {  	v0 =	vadd.f32 v3, v0;
	v3 =	vld [tilespmem:$0x1FAF0];
	_ =	sdelay $0x3  }
0x4f3: {  	v4 =	vld [tilespmem:s6+$0x12C80];
	v2 =	vmul.f32 v5, v2  }
0x4f4: {  	v3 =	vmul.f32 v7, v3;
	v7 =	vld [tilespmem:s6+$0xCD80]  }
0x4f5: {  	v1 =	vadd.f32 v2, v1;
	v2 =	vld [tilespmem:$0x1FB40]  }
0x4f6: {  	v0 =	vadd.f32 v3, v0;
	v3 =	vld [tilespmem:$0x1FB10];
	_ =	sdelay $0x3  }
0x4f7: {  	v6 =	vld [tilespmem:s6+$0x12D00];
	v2 =	vmul.f32 v7, v2  }
0x4f8: {  	v3 =	vmul.f32 v4, v3;
	v4 =	vld [tilespmem:s6+$0xCE00]  }
0x4f9: {  	v1 =	vadd.f32 v2, v1;
	v2 =	vld [tilespmem:$0x1FB60]  }
0x4fa: {  	v0 =	vadd.f32 v3, v0;
	v3 =	vld [tilespmem:$0x1FB30];
	_ =	sdelay $0x3  }
0x4fb: {  	v8 =	vld [tilespmem:s6+$0x12D80];
	v2 =	vmul.f32 v4, v2  }
0x4fc: {  	v3 =	vmul.f32 v6, v3;
	v6 =	vld [tilespmem:s6+$0xCE80]  }
0x4fd: {  	v1 =	vadd.f32 v2, v1;
	v2 =	vld [tilespmem:$0x1FB80]  }
0x4fe: {  	v0 =	vadd.f32 v3, v0;
	v3 =	vld [tilespmem:$0x1FB50];
	_ =	sdelay $0x3  }
0x4ff: {  	v5 =	vld [tilespmem:s6+$0x12E00];
	v2 =	vmul.f32 v6, v2  }
0x500: {  	v3 =	vmul.f32 v8, v3;
	v8 =	vld [tilespmem:s6+$0xCF00]  }
0x501: {  	v1 =	vadd.f32 v2, v1;
	v2 =	vld [tilespmem:$0x1FBA0]  }
0x502: {  	v0 =	vadd.f32 v3, v0;
	v3 =	vld [tilespmem:$0x1FB70];
	_ =	sdelay $0x3  }
0x503: {  	v7 =	vld [tilespmem:s6+$0x12E80];
	v2 =	vmul.f32 v8, v2  }
0x504: {  	v3 =	vmul.f32 v5, v3;
	v5 =	vld [tilespmem:s6+$0xCF80]  }
0x505: {  	v1 =	vadd.f32 v2, v1;
	v2 =	vld [tilespmem:$0x1FBC0]  }
0x506: {  	v0 =	vadd.f32 v3, v0;
	v3 =	vld [tilespmem:$0x1FB90];
	_ =	sdelay $0x3  }
0x507: {  	v4 =	vld [tilespmem:s6+$0x12F00];
	v2 =	vmul.f32 v5, v2  }
0x508: {  	v3 =	vmul.f32 v7, v3;
	v7 =	vld [tilespmem:s6+$0xD800]  }
0x509: {  	v1 =	vadd.f32 v2, v1;
	v2 =	vld [tilespmem:$0x1FBE0]  }
0x50a: {  	v0 =	vadd.f32 v3, v0;
	v3 =	vld [tilespmem:$0x1FBB0];
	_ =	sdelay $0x3  }
0x50b: {  	v6 =	vld [tilespmem:s6+$0x12F80];
	v2 =	vmul.f32 v7, v2  }
0x50c: {  	v3 =	vmul.f32 v4, v3;
	v4 =	vld [tilespmem:s6+$0xD880]  }
0x50d: {  	v1 =	vadd.f32 v2, v1;
	v2 =	vld [tilespmem:$0x1FC00]  }
0x50e: {  	v0 =	vadd.f32 v3, v0;
	v3 =	vld [tilespmem:$0x1FBD0];
	_ =	sdelay $0x3  }
0x50f: {  	v8 =	vld [tilespmem:s6+$0x13800];
	v2 =	vmul.f32 v4, v2  }
0x510: {  	v3 =	vmul.f32 v6, v3;
	v6 =	vld [tilespmem:s6+$0xD900]  }
0x511: {  	v1 =	vadd.f32 v2, v1;
	v2 =	vld [tilespmem:$0x1FC20]  }
0x512: {  	v0 =	vadd.f32 v3, v0;
	v3 =	vld [tilespmem:$0x1FBF0];
	_ =	sdelay $0x3  }
0x513: {  	v5 =	vld [tilespmem:s6+$0x13880];
	v2 =	vmul.f32 v6, v2  }
0x514: {  	v3 =	vmul.f32 v8, v3;
	v8 =	vld [tilespmem:s6+$0xD980]  }
0x515: {  	v1 =	vadd.f32 v2, v1;
	v2 =	vld [tilespmem:$0x1FC40]  }
0x516: {  	v0 =	vadd.f32 v3, v0;
	v3 =	vld [tilespmem:$0x1FC10];
	_ =	sdelay $0x3  }
0x517: {  	v7 =	vld [tilespmem:s6+$0x13900];
	v2 =	vmul.f32 v8, v2  }
0x518: {  	v3 =	vmul.f32 v5, v3;
	v5 =	vld [tilespmem:s6+$0xDA00]  }
0x519: {  	v1 =	vadd.f32 v2, v1;
	v2 =	vld [tilespmem:$0x1FC60]  }
0x51a: {  	v0 =	vadd.f32 v3, v0;
	v3 =	vld [tilespmem:$0x1FC30];
	_ =	sdelay $0x3  }
0x51b: {  	v4 =	vld [tilespmem:s6+$0x13980];
	v2 =	vmul.f32 v5, v2  }
0x51c: {  	v3 =	vmul.f32 v7, v3;
	v7 =	vld [tilespmem:s6+$0xDA80]  }
0x51d: {  	v1 =	vadd.f32 v2, v1;
	v2 =	vld [tilespmem:$0x1FC80]  }
0x51e: {  	v0 =	vadd.f32 v3, v0;
	v3 =	vld [tilespmem:$0x1FC50];
	_ =	sdelay $0x3  }
0x51f: {  	v6 =	vld [tilespmem:s6+$0x13A00];
	v2 =	vmul.f32 v7, v2  }
0x520: {  	v3 =	vmul.f32 v4, v3;
	v4 =	vld [tilespmem:s6+$0xDB00]  }
0x521: {  	v1 =	vadd.f32 v2, v1;
	v2 =	vld [tilespmem:$0x1FCA0]  }
0x522: {  	v0 =	vadd.f32 v3, v0;
	v3 =	vld [tilespmem:$0x1FC70];
	_ =	sdelay $0x3  }
0x523: {  	v8 =	vld [tilespmem:s6+$0x13A80];
	v2 =	vmul.f32 v4, v2  }
0x524: {  	v3 =	vmul.f32 v6, v3;
	v6 =	vld [tilespmem:s6+$0xDB80]  }
0x525: {  	v1 =	vadd.f32 v2, v1;
	v2 =	vld [tilespmem:$0x1FCC0]  }
0x526: {  	v0 =	vadd.f32 v3, v0;
	v3 =	vld [tilespmem:$0x1FC90];
	_ =	sdelay $0x3  }
0x527: {  	v5 =	vld [tilespmem:s6+$0x13B00];
	v2 =	vmul.f32 v6, v2  }
0x528: {  	v3 =	vmul.f32 v8, v3;
	v8 =	vld [tilespmem:s6+$0xE400]  }
0x529: {  	v1 =	vadd.f32 v2, v1;
	v2 =	vld [tilespmem:$0x1FCE0]  }
0x52a: {  	v0 =	vadd.f32 v3, v0;
	v3 =	vld [tilespmem:$0x1FCB0];
	_ =	sdelay $0x3  }
0x52b: {  	v7 =	vld [tilespmem:s6+$0x13B80];
	v2 =	vmul.f32 v8, v2  }
0x52c: {  	v3 =	vmul.f32 v5, v3;
	v5 =	vld [tilespmem:s6+$0xE480]  }
0x52d: {  	v1 =	vadd.f32 v2, v1;
	v2 =	vld [tilespmem:$0x1FD00]  }
0x52e: {  	v0 =	vadd.f32 v3, v0;
	v3 =	vld [tilespmem:$0x1FCD0];
	_ =	sdelay $0x3  }
0x52f: {  	v4 =	vld [tilespmem:s6+$0x14400];
	v2 =	vmul.f32 v5, v2  }
0x530: {  	v3 =	vmul.f32 v7, v3;
	v7 =	vld [tilespmem:s6+$0xE500]  }
0x531: {  	v1 =	vadd.f32 v2, v1;
	v2 =	vld [tilespmem:$0x1FD20]  }
0x532: {  	v0 =	vadd.f32 v3, v0;
	v3 =	vld [tilespmem:$0x1FCF0];
	_ =	sdelay $0x3  }
0x533: {  	v6 =	vld [tilespmem:s6+$0x14480];
	v2 =	vmul.f32 v7, v2  }
0x534: {  	v3 =	vmul.f32 v4, v3;
	v4 =	vld [tilespmem:s6+$0xE580]  }
0x535: {  	v1 =	vadd.f32 v2, v1;
	v2 =	vld [tilespmem:$0x1FD40]  }
0x536: {  	v0 =	vadd.f32 v3, v0;
	v3 =	vld [tilespmem:$0x1FD10];
	_ =	sdelay $0x3  }
0x537: {  	v8 =	vld [tilespmem:s6+$0x14500];
	v2 =	vmul.f32 v4, v2  }
0x538: {  	v3 =	vmul.f32 v6, v3;
	v6 =	vld [tilespmem:s6+$0xE600]  }
0x539: {  	v1 =	vadd.f32 v2, v1;
	v2 =	vld [tilespmem:$0x1FD60]  }
0x53a: {  	v0 =	vadd.f32 v3, v0;
	v3 =	vld [tilespmem:$0x1FD30];
	_ =	sdelay $0x3  }
0x53b: {  	v5 =	vld [tilespmem:s6+$0x14580];
	v2 =	vmul.f32 v6, v2  }
0x53c: {  	v3 =	vmul.f32 v8, v3;
	v8 =	vld [tilespmem:s6+$0xE680]  }
0x53d: {  	v1 =	vadd.f32 v2, v1;
	v2 =	vld [tilespmem:$0x1FD80]  }
0x53e: {  	v0 =	vadd.f32 v3, v0;
	v3 =	vld [tilespmem:$0x1FD50];
	_ =	sdelay $0x3  }
0x53f: {  	v7 =	vld [tilespmem:s6+$0x14600];
	v2 =	vmul.f32 v8, v2  }
0x540: {  	v3 =	vmul.f32 v5, v3;
	v5 =	vld [tilespmem:s6+$0xE700]  }
0x541: {  	v1 =	vadd.f32 v2, v1;
	v2 =	vld [tilespmem:$0x1FDA0]  }
0x542: {  	v0 =	vadd.f32 v3, v0;
	v3 =	vld [tilespmem:$0x1FD70];
	_ =	sdelay $0x3  }
0x543: {  	v4 =	vld [tilespmem:s6+$0x14680];
	v2 =	vmul.f32 v5, v2  }
0x544: {  	v3 =	vmul.f32 v7, v3;
	v7 =	vld [tilespmem:s6+$0xE780]  }
0x545: {  	v1 =	vadd.f32 v2, v1;
	v2 =	vld [tilespmem:$0x1FDB0]  }
0x546: {  	v0 =	vadd.f32 v3, v0;
	v3 =	vld [tilespmem:$0x1FD90];
	_ =	sdelay $0x3  }
0x547: {  	v6 =	vld [tilespmem:s6+$0x14700];
	v2 =	vmul.f32 v7, v2  }
0x548: {  	v3 =	vmul.f32 v4, v3;
	v4 =	vld [tilespmem:s6+$0xF000]  }
0x549: {  	v1 =	vadd.f32 v2, v1;
	v2 =	vld [tilespmem:$0x1FDE0]  }
0x54a: {  	v0 =	vadd.f32 v3, v0;
	v3 =	vld [tilespmem:$0x1FDC0];
	_ =	sdelay $0x3  }
0x54b: {  	v8 =	vld [tilespmem:s6+$0x14780];
	v2 =	vmul.f32 v4, v2  }
0x54c: {  	v3 =	vmul.f32 v6, v3;
	v6 =	vld [tilespmem:s6+$0xF080]  }
0x54d: {  	v1 =	vadd.f32 v2, v1;
	v2 =	vld [tilespmem:$0x1FDF0]  }
0x54e: {  	v0 =	vadd.f32 v3, v0;
	v3 =	vld [tilespmem:$0x1FDD0];
	_ =	sdelay $0x3  }
0x54f: {  	v2 =	vmul.f32 v6, v2  }
0x550: {  	v3 =	vmul.f32 v8, v3;
	v8 =	vld [tilespmem:s6+$0xF100]  }
0x551: {  	v1 =	vadd.f32 v2, v1;
	v2 =	vld [tilespmem:$0x1FE00]  }
0x552: {  	v5 =	vld [tilespmem:s6+$0x15000];
	_ =	sdelay $0x3  }
0x553: {  	s17 =	sor.u32 $0x3180, s17;
	v7 =	vld [tilespmem:s6+$0x15080];
	v2 =	vmul.f32 v8, v2  }
0x554: {  	v0 =	vadd.f32 v3, v0;
	v3 =	vmul.f32 v5, v17;
	v5 =	vld [tilespmem:s17+$0xC000]  }
0x555: {  	v1 =	vadd.f32 v2, v1;
	v2 =	vld [tilespmem:$0x1FE10];
	_ =	sdelay $0x4  }
0x556: {  	v0 =	vadd.f32 v3, v0;
	v3 =	vmul.f32 v7, v25;
	v7 =	vld [tilespmem:s6+$0xF200];
	v2 =	vmul.f32 v5, v2  }
0x557: {  	v4 =	vld [tilespmem:s6+$0x15100]  }
0x558: {  	v1 =	vadd.f32 v2, v1;
	v2 =	vld [tilespmem:$0x1FE20];
	_ =	sdelay $0x4  }
0x559: {  	v0 =	vadd.f32 v3, v0;
	v3 =	vmul.f32 v4, v9;
	v4 =	vld [tilespmem:s6+$0xF280];
	v2 =	vmul.f32 v7, v2  }
0x55a: {  	v6 =	vld [tilespmem:s17+$0x12000]  }
0x55b: {  	v1 =	vadd.f32 v2, v1;
	v2 =	vld [tilespmem:$0x1FE30];
	_ =	sdelay $0x4  }
0x55c: {  	v0 =	vadd.f32 v3, v0;
	v3 =	vmul.f32 v6, v26;
	v6 =	vld [tilespmem:s6+$0xF300];
	v2 =	vmul.f32 v4, v2  }
0x55d: {  	v8 =	vld [tilespmem:s6+$0x15200]  }
0x55e: {  	v1 =	vadd.f32 v2, v1;
	v2 =	vld [tilespmem:$0x1FE40];
	_ =	sdelay $0x3  }
0x55f: {  	s14 =	sor.u32 $0x3380, s14  }
0x560: {  	v0 =	vadd.f32 v3, v0;
	v3 =	vmul.f32 v8, v18;
	v8 =	vld [tilespmem:s14+$0xC000];
	v2 =	vmul.f32 v6, v2  }
0x561: {  	v5 =	vld [tilespmem:s6+$0x15280]  }
0x562: {  	v1 =	vadd.f32 v2, v1;
	v2 =	vld [tilespmem:$0x1FE50];
	_ =	sdelay $0x3  }
0x563: {  	v7 =	vld [tilespmem:s6+$0x15300]  }
0x564: {  	v0 =	vadd.f32 v3, v0;
	v3 =	vmul.f32 v5, v27;
	v5 =	vld [tilespmem:s6+$0xFC00];
	v2 =	vmul.f32 v8, v2  }
0x565: {  	v4 =	vld [tilespmem:s14+$0x12000]  }
0x566: {  	v1 =	vadd.f32 v2, v1;
	v2 =	vld [tilespmem:$0x1FE60]  }
0x567: {  	v6 =	vld [tilespmem:s6+$0x15C00]  }
0x568: {  	v0 =	vadd.f32 v3, v0;
	v3 =	vmul.f32 v7, v13;
	v7 =	vld [tilespmem:s6+$0xFC80]  }
0x569: {  	v8 =	vld [tilespmem:s6+$0x15C80]  }
0x56a: {  	v0 =	vadd.f32 v3, v0;
	v3 =	vmul.f32 v4, v28;
	v4 =	vld [tilespmem:s6+$0xFD00]  }
0x56b: {  	v2 =	vmul.f32 v5, v2;
	v5 =	vld [tilespmem:s6+$0x15D00]  }
0x56c: {  	v0 =	vadd.f32 v3, v0;
	v3 =	vmul.f32 v6, v19;
	v6 =	vld [tilespmem:s6+$0xFD80]  }
0x56d: {  	v1 =	vadd.f32 v2, v1;
	v2 =	vmul.f32 v7, v15;
	v7 =	vld [tilespmem:s6+$0x15D80]  }
0x56e: {  	v0 =	vadd.f32 v3, v0;
	v3 =	vmul.f32 v8, v29;
	v8 =	vld [tilespmem:s6+$0xFE00]  }
0x56f: {  	v1 =	vadd.f32 v2, v1;
	v2 =	vmul.f32 v4, v10;
	v4 =	vld [tilespmem:s6+$0x15E00]  }
0x570: {  	v0 =	vadd.f32 v3, v0;
	v3 =	vmul.f32 v5, v11;
	v5 =	vld [tilespmem:s6+$0xFE80]  }
0x571: {  	v1 =	vadd.f32 v2, v1;
	v2 =	vmul.f32 v6, v22;
	v6 =	vld [tilespmem:s6+$0x15E80]  }
0x572: {  	v0 =	vadd.f32 v3, v0;
	v3 =	vmul.f32 v7, v30;
	v7 =	vld [tilespmem:s6+$0xFF00]  }
0x573: {  	v1 =	vadd.f32 v2, v1;
	v2 =	vmul.f32 v8, v16;
	v8 =	vld [tilespmem:s6+$0x15F00]  }
0x574: {  	v0 =	vadd.f32 v3, v0;
	v3 =	vmul.f32 v4, v31;
	v4 =	vld [tilespmem:s6+$0xFF80]  }
0x575: {  	v1 =	vadd.f32 v2, v1;
	v2 =	vmul.f32 v5, v23;
	v5 =	vld [tilespmem:s6+$0x15F80]  }
0x576: {  	v0 =	vadd.f32 v3, v0;
	v3 =	vmul.f32 v6, v20;
	v6 =	vld [tilespmem:s6+$0x10800]  }
0x577: {  	v1 =	vadd.f32 v2, v1;
	v2 =	vmul.f32 v7, v12;
	v7 =	vld [tilespmem:s6+$0x16800]  }
0x578: {  	v0 =	vadd.f32 v3, v0;
	v3 =	vmul.f32 v8, v32;
	v8 =	vld [tilespmem:s6+$0x10880]  }
0x579: {  	v1 =	vadd.f32 v2, v1;
	v2 =	vmul.f32 v4, v24;
	v4 =	vld [tilespmem:s6+$0x16880]  }
0x57a: {  	v0 =	vadd.f32 v3, v0;
	v3 =	vmul.f32 v5, v14;
	v5 =	vld [tilespmem:s6+$0x10900]  }
0x57b: {  	v1 =	vadd.f32 v2, v1;
	v2 =	vmul.f32 v6, v33;
	v6 =	vld [tilespmem:s6+$0x16900]  }
0x57c: {  	v0 =	vadd.f32 v3, v0;
	v3 =	vmul.f32 v7, v48;
	v7 =	vld [tilespmem:s6+$0x10980]  }
0x57d: {  	v1 =	vadd.f32 v2, v1;
	v2 =	vmul.f32 v8, v21;
	v8 =	vld [tilespmem:s6+$0x16980]  }
0x57e: {  	v0 =	vadd.f32 v3, v0;
	v3 =	vmul.f32 v4, v49;
	v4 =	vld [tilespmem:s6+$0x10A00]  }
0x57f: {  	v1 =	vadd.f32 v2, v1;
	v2 =	vmul.f32 v5, v34;
	v5 =	vld [tilespmem:s6+$0x16A00]  }
0x580: {  	v0 =	vadd.f32 v3, v0;
	v3 =	vmul.f32 v6, v50;
	v6 =	vld [tilespmem:s6+$0x10A80]  }
0x581: {  	v1 =	vadd.f32 v2, v1;
	v2 =	vmul.f32 v7, v35;
	v7 =	vld [tilespmem:s6+$0x16A80]  }
0x582: {  	v0 =	vadd.f32 v3, v0;
	v3 =	vmul.f32 v8, v51;
	v8 =	vld [tilespmem:s6+$0x10B00]  }
0x583: {  	v1 =	vadd.f32 v2, v1;
	v2 =	vmul.f32 v4, v36;
	v4 =	vld [tilespmem:s6+$0x16B00]  }
0x584: {  	v0 =	vadd.f32 v3, v0;
	v3 =	vmul.f32 v5, v52;
	v5 =	vld [tilespmem:s6+$0x10B80]  }
0x585: {  	v1 =	vadd.f32 v2, v1;
	v2 =	vmul.f32 v6, v37;
	v6 =	vld [tilespmem:s6+$0x16B80]  }
0x586: {  	v0 =	vadd.f32 v3, v0;
	v3 =	vmul.f32 v7, v53;
	v7 =	vld [tilespmem:s6+$0x11400]  }
0x587: {  	v1 =	vadd.f32 v2, v1;
	v2 =	vmul.f32 v8, v38;
	v8 =	vld [tilespmem:s6+$0x17400]  }
0x588: {  	v0 =	vadd.f32 v3, v0;
	v3 =	vmul.f32 v4, v54;
	v4 =	vld [tilespmem:s6+$0x11480]  }
0x589: {  	v1 =	vadd.f32 v2, v1;
	v2 =	vmul.f32 v5, v39;
	v5 =	vld [tilespmem:s6+$0x17480]  }
0x58a: {  	v0 =	vadd.f32 v3, v0;
	v3 =	vmul.f32 v6, v55;
	v6 =	vld [tilespmem:s6+$0x11500]  }
0x58b: {  	v1 =	vadd.f32 v2, v1;
	v2 =	vmul.f32 v7, v40;
	v7 =	vld [tilespmem:s6+$0x17500]  }
0x58c: {  	v0 =	vadd.f32 v3, v0;
	v3 =	vmul.f32 v8, v56;
	v8 =	vld [tilespmem:s6+$0x11580]  }
0x58d: {  	v1 =	vadd.f32 v2, v1;
	v2 =	vmul.f32 v4, v41;
	v4 =	vld [tilespmem:s6+$0x17580]  }
0x58e: {  	v0 =	vadd.f32 v3, v0;
	v3 =	vmul.f32 v5, v57;
	v5 =	vld [tilespmem:s6+$0x11600]  }
0x58f: {  	v1 =	vadd.f32 v2, v1;
	v2 =	vmul.f32 v6, v42;
	v6 =	vld [tilespmem:s6+$0x17600]  }
0x590: {  	v0 =	vadd.f32 v3, v0;
	v3 =	vmul.f32 v7, v58;
	v7 =	vld [tilespmem:s6+$0x11680]  }
0x591: {  	v1 =	vadd.f32 v2, v1;
	v2 =	vmul.f32 v8, v43;
	v8 =	vld [tilespmem:s6+$0x17680]  }
0x592: {  	v0 =	vadd.f32 v3, v0;
	v3 =	vmul.f32 v4, v59;
	v4 =	vld [tilespmem:s6+$0x11700]  }
0x593: {  	v1 =	vadd.f32 v2, v1;
	v2 =	vmul.f32 v5, v44;
	v5 =	vld [tilespmem:s6+$0x17700]  }
0x594: {  	v0 =	vadd.f32 v3, v0;
	v3 =	vmul.f32 v6, v60;
	v6 =	vld [tilespmem:s6+$0x11780]  }
0x595: {  	v1 =	vadd.f32 v2, v1;
	v2 =	vmul.f32 v7, v45;
	v7 =	vld [tilespmem:s6+$0x17780]  }
0x596: {  	v0 =	vadd.f32 v3, v0;
	v3 =	vmul.f32 v8, v61  }
0x597: {  	v1 =	vadd.f32 v2, v1;
	v2 =	vmul.f32 v4, v46  }
0x598: {  	v0 =	vadd.f32 v3, v0;
	v3 =	vmul.f32 v5, v62  }
0x599: {  	v1 =	vadd.f32 v2, v1;
	v2 =	vmul.f32 v6, v47  }
0x59a: {  	v0 =	vadd.f32 v3, v0;
	v3 =	vmul.f32 v7, v63  }
0x59b: {  	p0 =	sne.s32 s13, $0x170;
	v1 =	vadd.f32 v2, v1  }
.Ltmp1:
0x59c: {  	s18 =	sadd.s32 $0x10, s18;
	s11 =	sadd.s32 $0x80, s11;
	v0 =	vadd.f32 v3, v0;
	(pc) =	sbr.rel @p0 .LBB2_5-.Ltmp1, $4  }
0x59d: {  	s20 =	sadd.s32 $0x10, s20;
	s31 =	sand.u32 $0xC00, s11;
	s17 =	sand.u32 $0x70, s13;
	[tilespmem:s18+$0x0] =	vst v1  }
0x59e: {  	s6 =	sor.u32 s17, s31;
	[tilespmem:s20+$0x0] =	vst v0  }
0x59f: {  	v0 =	vld [tilespmem:s6+$0x12000]  }
0x5a0: {  	s10 =	smov.u32 s13;
	s13 =	sadd.s32 $0x10, s13;
	v1 =	vld [tilespmem:s6+$0xC000]  }
0x5a1: {  	v7 =	vld [tilespmem:$0x1F9E0];
	_ =	sdelay $0x3  }
0x5a2: {  	v2 =	vld [tilespmem:s6+$0xC080]  }
0x5a3: {  	v1 =	vmul.f32 v1, v7;
	v7 =	vld [tilespmem:$0x1FA00];
	_ =	sdelay $0x4  }
0x5a4: {  	v2 =	vmul.f32 v2, v7  }
0x5a5: {  	v4 =	vld [tilespmem:s6+$0xC100]  }
0x5a6: {  	v1 =	vadd.f32 v2, v1;
	v2 =	vld [tilespmem:$0x1FA20];
	_ =	sdelay $0x2  }
0x5a7: {  	s13 =	sand.u32 $0xFFFFFC00, s11;
	v8 =	vld [tilespmem:$0x1F9F0]  }
0x5a8: {  	s13 =	sadd.s32 s13, s10  }
0x5a9: {  	v3 =	vld [tilespmem:s6+$0x12080];
	s14 =	sor.u32 $0x180, s13;
	v2 =	vmul.f32 v4, v2  }
0x5aa: {  	v6 =	vld [tilespmem:s14+$0xC000]  }
0x5ab: {  	v1 =	vadd.f32 v2, v1;
	v2 =	vld [tilespmem:$0x1FA40]  }
0x5ac: {  	v0 =	vmul.f32 v0, v8;
	v8 =	vld [tilespmem:$0x1FA10];
	_ =	sdelay $0x3  }
0x5ad: {  	v5 =	vld [tilespmem:s6+$0x12100];
	v2 =	vmul.f32 v6, v2  }
0x5ae: {  	v3 =	vmul.f32 v3, v8;
	v8 =	vld [tilespmem:s6+$0xC200]  }
0x5af: {  	v1 =	vadd.f32 v2, v1;
	v2 =	vld [tilespmem:$0x1FA60]  }
0x5b0: {  	v0 =	vadd.f32 v3, v0;
	v3 =	vld [tilespmem:$0x1FA30];
	_ =	sdelay $0x3  }
0x5b1: {  	v7 =	vld [tilespmem:s14+$0x12000];
	v2 =	vmul.f32 v8, v2  }
0x5b2: {  	v3 =	vmul.f32 v5, v3;
	v5 =	vld [tilespmem:s6+$0xC280]  }
0x5b3: {  	v1 =	vadd.f32 v2, v1;
	v2 =	vld [tilespmem:$0x1FA80]  }
0x5b4: {  	v0 =	vadd.f32 v3, v0;
	v3 =	vld [tilespmem:$0x1FA50];
	_ =	sdelay $0x3  }
0x5b5: {  	v4 =	vld [tilespmem:s6+$0x12200];
	v2 =	vmul.f32 v5, v2  }
0x5b6: {  	v3 =	vmul.f32 v7, v3;
	v7 =	vld [tilespmem:s6+$0xC300]  }
0x5b7: {  	v1 =	vadd.f32 v2, v1;
	v2 =	vld [tilespmem:$0x1FAA0]  }
0x5b8: {  	v0 =	vadd.f32 v3, v0;
	v3 =	vld [tilespmem:$0x1FA70];
	_ =	sdelay $0x2  }
0x5b9: {  	s31 =	sor.u32 s10, s11  }
0x5ba: {  	s11 =	sor.u32 $0x380, s31;
	v6 =	vld [tilespmem:s6+$0x12280];
	v2 =	vmul.f32 v7, v2  }
0x5bb: {  	v3 =	vmul.f32 v4, v3;
	v4 =	vld [tilespmem:s11+$0xC000]  }
0x5bc: {  	v1 =	vadd.f32 v2, v1;
	v2 =	vld [tilespmem:$0x1FAC0]  }
0x5bd: {  	v0 =	vadd.f32 v3, v0;
	v3 =	vld [tilespmem:$0x1FA90];
	_ =	sdelay $0x3  }
0x5be: {  	v8 =	vld [tilespmem:s6+$0x12300];
	v2 =	vmul.f32 v4, v2  }
0x5bf: {  	v3 =	vmul.f32 v6, v3;
	v6 =	vld [tilespmem:s6+$0xCC00]  }
0x5c0: {  	v1 =	vadd.f32 v2, v1;
	v2 =	vld [tilespmem:$0x1FAE0]  }
0x5c1: {  	v0 =	vadd.f32 v3, v0;
	v3 =	vld [tilespmem:$0x1FAB0];
	_ =	sdelay $0x3  }
0x5c2: {  	v5 =	vld [tilespmem:s11+$0x12000];
	v2 =	vmul.f32 v6, v2  }
0x5c3: {  	v3 =	vmul.f32 v8, v3;
	v8 =	vld [tilespmem:s6+$0xCC80]  }
0x5c4: {  	v1 =	vadd.f32 v2, v1;
	v2 =	vld [tilespmem:$0x1FB00]  }
0x5c5: {  	v0 =	vadd.f32 v3, v0;
	v3 =	vld [tilespmem:$0x1FAD0];
	_ =	sdelay $0x3  }
0x5c6: {  	v7 =	vld [tilespmem:s6+$0x12C00];
	v2 =	vmul.f32 v8, v2  }
0x5c7: {  	v3 =	vmul.f32 v5, v3;
	v5 =	vld [tilespmem:s6+$0xCD00]  }
0x5c8: {  	v1 =	vadd.f32 v2, v1;
	v2 =	vld [tilespmem:$0x1FB20]  }
0x5c9: {  	v0 =	vadd.f32 v3, v0;
	v3 =	vld [tilespmem:$0x1FAF0];
	_ =	sdelay $0x3  }
0x5ca: {  	v4 =	vld [tilespmem:s6+$0x12C80];
	v2 =	vmul.f32 v5, v2  }
0x5cb: {  	v3 =	vmul.f32 v7, v3;
	v7 =	vld [tilespmem:s6+$0xCD80]  }
0x5cc: {  	v1 =	vadd.f32 v2, v1;
	v2 =	vld [tilespmem:$0x1FB40]  }
0x5cd: {  	v0 =	vadd.f32 v3, v0;
	v3 =	vld [tilespmem:$0x1FB10];
	_ =	sdelay $0x3  }
0x5ce: {  	v6 =	vld [tilespmem:s6+$0x12D00];
	v2 =	vmul.f32 v7, v2  }
0x5cf: {  	v3 =	vmul.f32 v4, v3;
	v4 =	vld [tilespmem:s6+$0xCE00]  }
0x5d0: {  	v1 =	vadd.f32 v2, v1;
	v2 =	vld [tilespmem:$0x1FB60]  }
0x5d1: {  	v0 =	vadd.f32 v3, v0;
	v3 =	vld [tilespmem:$0x1FB30];
	_ =	sdelay $0x3  }
0x5d2: {  	v8 =	vld [tilespmem:s6+$0x12D80];
	v2 =	vmul.f32 v4, v2  }
0x5d3: {  	v3 =	vmul.f32 v6, v3;
	v6 =	vld [tilespmem:s6+$0xCE80]  }
0x5d4: {  	v1 =	vadd.f32 v2, v1;
	v2 =	vld [tilespmem:$0x1FB80]  }
0x5d5: {  	v0 =	vadd.f32 v3, v0;
	v3 =	vld [tilespmem:$0x1FB50];
	_ =	sdelay $0x3  }
0x5d6: {  	v5 =	vld [tilespmem:s6+$0x12E00];
	v2 =	vmul.f32 v6, v2  }
0x5d7: {  	v3 =	vmul.f32 v8, v3;
	v8 =	vld [tilespmem:s6+$0xCF00]  }
0x5d8: {  	v1 =	vadd.f32 v2, v1;
	v2 =	vld [tilespmem:$0x1FBA0]  }
0x5d9: {  	v0 =	vadd.f32 v3, v0;
	v3 =	vld [tilespmem:$0x1FB70];
	_ =	sdelay $0x3  }
0x5da: {  	v7 =	vld [tilespmem:s6+$0x12E80];
	v2 =	vmul.f32 v8, v2  }
0x5db: {  	v3 =	vmul.f32 v5, v3;
	v5 =	vld [tilespmem:s6+$0xCF80]  }
0x5dc: {  	v1 =	vadd.f32 v2, v1;
	v2 =	vld [tilespmem:$0x1FBC0]  }
0x5dd: {  	v0 =	vadd.f32 v3, v0;
	v3 =	vld [tilespmem:$0x1FB90];
	_ =	sdelay $0x3  }
0x5de: {  	v4 =	vld [tilespmem:s6+$0x12F00];
	v2 =	vmul.f32 v5, v2  }
0x5df: {  	v3 =	vmul.f32 v7, v3;
	v7 =	vld [tilespmem:s6+$0xD800]  }
0x5e0: {  	v1 =	vadd.f32 v2, v1;
	v2 =	vld [tilespmem:$0x1FBE0]  }
0x5e1: {  	v0 =	vadd.f32 v3, v0;
	v3 =	vld [tilespmem:$0x1FBB0];
	_ =	sdelay $0x3  }
0x5e2: {  	v6 =	vld [tilespmem:s6+$0x12F80];
	v2 =	vmul.f32 v7, v2  }
0x5e3: {  	v3 =	vmul.f32 v4, v3;
	v4 =	vld [tilespmem:s6+$0xD880]  }
0x5e4: {  	v1 =	vadd.f32 v2, v1;
	v2 =	vld [tilespmem:$0x1FC00]  }
0x5e5: {  	v0 =	vadd.f32 v3, v0;
	v3 =	vld [tilespmem:$0x1FBD0];
	_ =	sdelay $0x3  }
0x5e6: {  	v8 =	vld [tilespmem:s6+$0x13800];
	v2 =	vmul.f32 v4, v2  }
0x5e7: {  	v3 =	vmul.f32 v6, v3;
	v6 =	vld [tilespmem:s6+$0xD900]  }
0x5e8: {  	v1 =	vadd.f32 v2, v1;
	v2 =	vld [tilespmem:$0x1FC20]  }
0x5e9: {  	v0 =	vadd.f32 v3, v0;
	v3 =	vld [tilespmem:$0x1FBF0];
	_ =	sdelay $0x3  }
0x5ea: {  	v5 =	vld [tilespmem:s6+$0x13880];
	v2 =	vmul.f32 v6, v2  }
0x5eb: {  	v3 =	vmul.f32 v8, v3;
	v8 =	vld [tilespmem:s6+$0xD980]  }
0x5ec: {  	v1 =	vadd.f32 v2, v1;
	v2 =	vld [tilespmem:$0x1FC40]  }
0x5ed: {  	v0 =	vadd.f32 v3, v0;
	v3 =	vld [tilespmem:$0x1FC10];
	_ =	sdelay $0x3  }
0x5ee: {  	v7 =	vld [tilespmem:s6+$0x13900];
	v2 =	vmul.f32 v8, v2  }
0x5ef: {  	v3 =	vmul.f32 v5, v3;
	v5 =	vld [tilespmem:s6+$0xDA00]  }
0x5f0: {  	v1 =	vadd.f32 v2, v1;
	v2 =	vld [tilespmem:$0x1FC60]  }
0x5f1: {  	v0 =	vadd.f32 v3, v0;
	v3 =	vld [tilespmem:$0x1FC30];
	_ =	sdelay $0x3  }
0x5f2: {  	v4 =	vld [tilespmem:s6+$0x13980];
	v2 =	vmul.f32 v5, v2  }
0x5f3: {  	v3 =	vmul.f32 v7, v3;
	v7 =	vld [tilespmem:s6+$0xDA80]  }
0x5f4: {  	v1 =	vadd.f32 v2, v1;
	v2 =	vld [tilespmem:$0x1FC80]  }
0x5f5: {  	v0 =	vadd.f32 v3, v0;
	v3 =	vld [tilespmem:$0x1FC50];
	_ =	sdelay $0x3  }
0x5f6: {  	v6 =	vld [tilespmem:s6+$0x13A00];
	v2 =	vmul.f32 v7, v2  }
0x5f7: {  	v3 =	vmul.f32 v4, v3;
	v4 =	vld [tilespmem:s6+$0xDB00]  }
0x5f8: {  	v1 =	vadd.f32 v2, v1;
	v2 =	vld [tilespmem:$0x1FCA0]  }
0x5f9: {  	v0 =	vadd.f32 v3, v0;
	v3 =	vld [tilespmem:$0x1FC70];
	_ =	sdelay $0x3  }
0x5fa: {  	v8 =	vld [tilespmem:s6+$0x13A80];
	v2 =	vmul.f32 v4, v2  }
0x5fb: {  	v3 =	vmul.f32 v6, v3;
	v6 =	vld [tilespmem:s6+$0xDB80]  }
0x5fc: {  	v1 =	vadd.f32 v2, v1;
	v2 =	vld [tilespmem:$0x1FCC0]  }
0x5fd: {  	v0 =	vadd.f32 v3, v0;
	v3 =	vld [tilespmem:$0x1FC90];
	_ =	sdelay $0x3  }
0x5fe: {  	v5 =	vld [tilespmem:s6+$0x13B00];
	v2 =	vmul.f32 v6, v2  }
0x5ff: {  	v3 =	vmul.f32 v8, v3;
	v8 =	vld [tilespmem:s6+$0xE400]  }
0x600: {  	v1 =	vadd.f32 v2, v1;
	v2 =	vld [tilespmem:$0x1FCE0]  }
0x601: {  	v0 =	vadd.f32 v3, v0;
	v3 =	vld [tilespmem:$0x1FCB0];
	_ =	sdelay $0x3  }
0x602: {  	v7 =	vld [tilespmem:s6+$0x13B80];
	v2 =	vmul.f32 v8, v2  }
0x603: {  	v3 =	vmul.f32 v5, v3;
	v5 =	vld [tilespmem:s6+$0xE480]  }
0x604: {  	v1 =	vadd.f32 v2, v1;
	v2 =	vld [tilespmem:$0x1FD00]  }
0x605: {  	v0 =	vadd.f32 v3, v0;
	v3 =	vld [tilespmem:$0x1FCD0];
	_ =	sdelay $0x3  }
0x606: {  	v4 =	vld [tilespmem:s6+$0x14400];
	v2 =	vmul.f32 v5, v2  }
0x607: {  	v3 =	vmul.f32 v7, v3;
	v7 =	vld [tilespmem:s6+$0xE500]  }
0x608: {  	v1 =	vadd.f32 v2, v1;
	v2 =	vld [tilespmem:$0x1FD20]  }
0x609: {  	v0 =	vadd.f32 v3, v0;
	v3 =	vld [tilespmem:$0x1FCF0];
	_ =	sdelay $0x3  }
0x60a: {  	v6 =	vld [tilespmem:s6+$0x14480];
	v2 =	vmul.f32 v7, v2  }
0x60b: {  	v3 =	vmul.f32 v4, v3;
	v4 =	vld [tilespmem:s6+$0xE580]  }
0x60c: {  	v1 =	vadd.f32 v2, v1;
	v2 =	vld [tilespmem:$0x1FD40]  }
0x60d: {  	v0 =	vadd.f32 v3, v0;
	v3 =	vld [tilespmem:$0x1FD10];
	_ =	sdelay $0x3  }
0x60e: {  	v8 =	vld [tilespmem:s6+$0x14500];
	v2 =	vmul.f32 v4, v2  }
0x60f: {  	v3 =	vmul.f32 v6, v3;
	v6 =	vld [tilespmem:s6+$0xE600]  }
0x610: {  	v1 =	vadd.f32 v2, v1;
	v2 =	vld [tilespmem:$0x1FD60]  }
0x611: {  	v0 =	vadd.f32 v3, v0;
	v3 =	vld [tilespmem:$0x1FD30];
	_ =	sdelay $0x3  }
0x612: {  	v5 =	vld [tilespmem:s6+$0x14580];
	v2 =	vmul.f32 v6, v2  }
0x613: {  	v3 =	vmul.f32 v8, v3;
	v8 =	vld [tilespmem:s6+$0xE680]  }
0x614: {  	v1 =	vadd.f32 v2, v1;
	v2 =	vld [tilespmem:$0x1FD80]  }
0x615: {  	v0 =	vadd.f32 v3, v0;
	v3 =	vld [tilespmem:$0x1FD50];
	_ =	sdelay $0x3  }
0x616: {  	v7 =	vld [tilespmem:s6+$0x14600];
	v2 =	vmul.f32 v8, v2  }
0x617: {  	v3 =	vmul.f32 v5, v3;
	v5 =	vld [tilespmem:s6+$0xE700]  }
0x618: {  	v1 =	vadd.f32 v2, v1;
	v2 =	vld [tilespmem:$0x1FDA0]  }
0x619: {  	v0 =	vadd.f32 v3, v0;
	v3 =	vld [tilespmem:$0x1FD70];
	_ =	sdelay $0x3  }
0x61a: {  	v4 =	vld [tilespmem:s6+$0x14680];
	v2 =	vmul.f32 v5, v2  }
0x61b: {  	v3 =	vmul.f32 v7, v3;
	v7 =	vld [tilespmem:s6+$0xE780]  }
0x61c: {  	v1 =	vadd.f32 v2, v1;
	v2 =	vld [tilespmem:$0x1FDB0]  }
0x61d: {  	v0 =	vadd.f32 v3, v0;
	v3 =	vld [tilespmem:$0x1FD90];
	_ =	sdelay $0x3  }
0x61e: {  	v6 =	vld [tilespmem:s6+$0x14700];
	v2 =	vmul.f32 v7, v2  }
0x61f: {  	v3 =	vmul.f32 v4, v3;
	v4 =	vld [tilespmem:s6+$0xF000]  }
0x620: {  	v1 =	vadd.f32 v2, v1;
	v2 =	vld [tilespmem:$0x1FDE0]  }
0x621: {  	v0 =	vadd.f32 v3, v0;
	v3 =	vld [tilespmem:$0x1FDC0];
	_ =	sdelay $0x3  }
0x622: {  	v8 =	vld [tilespmem:s6+$0x14780];
	v2 =	vmul.f32 v4, v2  }
0x623: {  	v3 =	vmul.f32 v6, v3;
	v6 =	vld [tilespmem:s6+$0xF080]  }
0x624: {  	v1 =	vadd.f32 v2, v1;
	v2 =	vld [tilespmem:$0x1FDF0]  }
0x625: {  	v0 =	vadd.f32 v3, v0;
	v3 =	vld [tilespmem:$0x1FDD0];
	_ =	sdelay $0x3  }
0x626: {  	v2 =	vmul.f32 v6, v2  }
0x627: {  	v3 =	vmul.f32 v8, v3;
	v8 =	vld [tilespmem:s6+$0xF100]  }
0x628: {  	v1 =	vadd.f32 v2, v1;
	v2 =	vld [tilespmem:$0x1FE00]  }
0x629: {  	v5 =	vld [tilespmem:s6+$0x15000];
	_ =	sdelay $0x3  }
0x62a: {  	s13 =	sor.u32 $0x3180, s13;
	v7 =	vld [tilespmem:s6+$0x15080];
	v2 =	vmul.f32 v8, v2  }
0x62b: {  	v0 =	vadd.f32 v3, v0;
	v3 =	vmul.f32 v5, v17;
	v5 =	vld [tilespmem:s13+$0xC000]  }
0x62c: {  	v1 =	vadd.f32 v2, v1;
	v2 =	vld [tilespmem:$0x1FE10];
	_ =	sdelay $0x4  }
0x62d: {  	v0 =	vadd.f32 v3, v0;
	v3 =	vmul.f32 v7, v25;
	v7 =	vld [tilespmem:s6+$0xF200];
	v2 =	vmul.f32 v5, v2  }
0x62e: {  	v4 =	vld [tilespmem:s6+$0x15100]  }
0x62f: {  	v1 =	vadd.f32 v2, v1;
	v2 =	vld [tilespmem:$0x1FE20];
	_ =	sdelay $0x4  }
0x630: {  	v0 =	vadd.f32 v3, v0;
	v3 =	vmul.f32 v4, v9;
	v4 =	vld [tilespmem:s6+$0xF280];
	v2 =	vmul.f32 v7, v2  }
0x631: {  	v6 =	vld [tilespmem:s13+$0x12000]  }
0x632: {  	v1 =	vadd.f32 v2, v1;
	v2 =	vld [tilespmem:$0x1FE30];
	_ =	sdelay $0x4  }
0x633: {  	v0 =	vadd.f32 v3, v0;
	v3 =	vmul.f32 v6, v26;
	v6 =	vld [tilespmem:s6+$0xF300];
	v2 =	vmul.f32 v4, v2  }
0x634: {  	v8 =	vld [tilespmem:s6+$0x15200]  }
0x635: {  	v1 =	vadd.f32 v2, v1;
	v2 =	vld [tilespmem:$0x1FE40];
	_ =	sdelay $0x3  }
0x636: {  	s10 =	sor.u32 $0x3380, s31  }
0x637: {  	v0 =	vadd.f32 v3, v0;
	v3 =	vmul.f32 v8, v18;
	v8 =	vld [tilespmem:s10+$0xC000];
	v2 =	vmul.f32 v6, v2  }
0x638: {  	v5 =	vld [tilespmem:s6+$0x15280]  }
0x639: {  	v1 =	vadd.f32 v2, v1;
	v2 =	vld [tilespmem:$0x1FE50];
	_ =	sdelay $0x3  }
0x63a: {  	v7 =	vld [tilespmem:s6+$0x15300]  }
0x63b: {  	v0 =	vadd.f32 v3, v0;
	v3 =	vmul.f32 v5, v27;
	v5 =	vld [tilespmem:s6+$0xFC00];
	v2 =	vmul.f32 v8, v2  }
0x63c: {  	v4 =	vld [tilespmem:s10+$0x12000]  }
0x63d: {  	v1 =	vadd.f32 v2, v1;
	v2 =	vld [tilespmem:$0x1FE60]  }
0x63e: {  	v6 =	vld [tilespmem:s6+$0x15C00]  }
0x63f: {  	v0 =	vadd.f32 v3, v0;
	v3 =	vmul.f32 v7, v13;
	v7 =	vld [tilespmem:s6+$0xFC80]  }
0x640: {  	v8 =	vld [tilespmem:s6+$0x15C80]  }
0x641: {  	v0 =	vadd.f32 v3, v0;
	v3 =	vmul.f32 v4, v28;
	v4 =	vld [tilespmem:s6+$0xFD00]  }
0x642: {  	v2 =	vmul.f32 v5, v2;
	v5 =	vld [tilespmem:s6+$0x15D00]  }
0x643: {  	v0 =	vadd.f32 v3, v0;
	v3 =	vmul.f32 v6, v19;
	v6 =	vld [tilespmem:s6+$0xFD80]  }
0x644: {  	v1 =	vadd.f32 v2, v1;
	v2 =	vmul.f32 v7, v15;
	v7 =	vld [tilespmem:s6+$0x15D80]  }
0x645: {  	v0 =	vadd.f32 v3, v0;
	v3 =	vmul.f32 v8, v29;
	v8 =	vld [tilespmem:s6+$0xFE00]  }
0x646: {  	v1 =	vadd.f32 v2, v1;
	v2 =	vmul.f32 v4, v10;
	v4 =	vld [tilespmem:s6+$0x15E00]  }
0x647: {  	v0 =	vadd.f32 v3, v0;
	v3 =	vmul.f32 v5, v11;
	v5 =	vld [tilespmem:s6+$0xFE80]  }
0x648: {  	v1 =	vadd.f32 v2, v1;
	v2 =	vmul.f32 v6, v22;
	v6 =	vld [tilespmem:s6+$0x15E80]  }
0x649: {  	v0 =	vadd.f32 v3, v0;
	v3 =	vmul.f32 v7, v30;
	v7 =	vld [tilespmem:s6+$0xFF00]  }
0x64a: {  	v1 =	vadd.f32 v2, v1;
	v2 =	vmul.f32 v8, v16;
	v8 =	vld [tilespmem:s6+$0x15F00]  }
0x64b: {  	v0 =	vadd.f32 v3, v0;
	v3 =	vmul.f32 v4, v31;
	v4 =	vld [tilespmem:s6+$0xFF80]  }
0x64c: {  	v1 =	vadd.f32 v2, v1;
	v2 =	vmul.f32 v5, v23;
	v5 =	vld [tilespmem:s6+$0x15F80]  }
0x64d: {  	v0 =	vadd.f32 v3, v0;
	v3 =	vmul.f32 v6, v20;
	v6 =	vld [tilespmem:s6+$0x10800]  }
0x64e: {  	v1 =	vadd.f32 v2, v1;
	v2 =	vmul.f32 v7, v12;
	v7 =	vld [tilespmem:s6+$0x16800]  }
0x64f: {  	v0 =	vadd.f32 v3, v0;
	v3 =	vmul.f32 v8, v32;
	v8 =	vld [tilespmem:s6+$0x10880]  }
0x650: {  	v1 =	vadd.f32 v2, v1;
	v2 =	vmul.f32 v4, v24;
	v4 =	vld [tilespmem:s6+$0x16880]  }
0x651: {  	v0 =	vadd.f32 v3, v0;
	v3 =	vmul.f32 v5, v14;
	v5 =	vld [tilespmem:s6+$0x10900]  }
0x652: {  	v1 =	vadd.f32 v2, v1;
	v2 =	vmul.f32 v6, v33;
	v6 =	vld [tilespmem:s6+$0x16900]  }
0x653: {  	v0 =	vadd.f32 v3, v0;
	v3 =	vmul.f32 v7, v48;
	v7 =	vld [tilespmem:s6+$0x10980]  }
0x654: {  	v1 =	vadd.f32 v2, v1;
	v2 =	vmul.f32 v8, v21;
	v8 =	vld [tilespmem:s6+$0x16980]  }
0x655: {  	v0 =	vadd.f32 v3, v0;
	v3 =	vmul.f32 v4, v49;
	v4 =	vld [tilespmem:s6+$0x10A00]  }
0x656: {  	v1 =	vadd.f32 v2, v1;
	v2 =	vmul.f32 v5, v34;
	v5 =	vld [tilespmem:s6+$0x16A00]  }
0x657: {  	v0 =	vadd.f32 v3, v0;
	v3 =	vmul.f32 v6, v50;
	v6 =	vld [tilespmem:s6+$0x10A80]  }
0x658: {  	v1 =	vadd.f32 v2, v1;
	v2 =	vmul.f32 v7, v35;
	v7 =	vld [tilespmem:s6+$0x16A80]  }
0x659: {  	v0 =	vadd.f32 v3, v0;
	v3 =	vmul.f32 v8, v51;
	v8 =	vld [tilespmem:s6+$0x10B00]  }
0x65a: {  	v1 =	vadd.f32 v2, v1;
	v2 =	vmul.f32 v4, v36;
	v4 =	vld [tilespmem:s6+$0x16B00]  }
0x65b: {  	v0 =	vadd.f32 v3, v0;
	v3 =	vmul.f32 v5, v52;
	v5 =	vld [tilespmem:s6+$0x10B80]  }
0x65c: {  	v1 =	vadd.f32 v2, v1;
	v2 =	vmul.f32 v6, v37;
	v6 =	vld [tilespmem:s6+$0x16B80]  }
0x65d: {  	v0 =	vadd.f32 v3, v0;
	v3 =	vmul.f32 v7, v53;
	v7 =	vld [tilespmem:s6+$0x11400]  }
0x65e: {  	v1 =	vadd.f32 v2, v1;
	v2 =	vmul.f32 v8, v38;
	v8 =	vld [tilespmem:s6+$0x17400]  }
0x65f: {  	v0 =	vadd.f32 v3, v0;
	v3 =	vmul.f32 v4, v54;
	v4 =	vld [tilespmem:s6+$0x11480]  }
0x660: {  	v1 =	vadd.f32 v2, v1;
	v2 =	vmul.f32 v5, v39;
	v5 =	vld [tilespmem:s6+$0x17480]  }
0x661: {  	v0 =	vadd.f32 v3, v0;
	v3 =	vmul.f32 v6, v55;
	v6 =	vld [tilespmem:s6+$0x11500]  }
0x662: {  	v1 =	vadd.f32 v2, v1;
	v2 =	vmul.f32 v7, v40;
	v7 =	vld [tilespmem:s6+$0x17500]  }
0x663: {  	v0 =	vadd.f32 v3, v0;
	v3 =	vmul.f32 v8, v56;
	v8 =	vld [tilespmem:s6+$0x11580]  }
0x664: {  	v1 =	vadd.f32 v2, v1;
	v2 =	vmul.f32 v4, v41;
	v4 =	vld [tilespmem:s6+$0x17580]  }
0x665: {  	v0 =	vadd.f32 v3, v0;
	v3 =	vmul.f32 v5, v57;
	v5 =	vld [tilespmem:s6+$0x11600]  }
0x666: {  	v1 =	vadd.f32 v2, v1;
	v2 =	vmul.f32 v6, v42;
	v6 =	vld [tilespmem:s6+$0x17600]  }
0x667: {  	v0 =	vadd.f32 v3, v0;
	v3 =	vmul.f32 v7, v58;
	v7 =	vld [tilespmem:s6+$0x11680]  }
0x668: {  	v1 =	vadd.f32 v2, v1;
	v2 =	vmul.f32 v8, v43;
	v8 =	vld [tilespmem:s6+$0x17680]  }
0x669: {  	v0 =	vadd.f32 v3, v0;
	v3 =	vmul.f32 v4, v59;
	v4 =	vld [tilespmem:s6+$0x11700]  }
0x66a: {  	v1 =	vadd.f32 v2, v1;
	v2 =	vmul.f32 v5, v44;
	v5 =	vld [tilespmem:s6+$0x17700]  }
0x66b: {  	v0 =	vadd.f32 v3, v0;
	v3 =	vmul.f32 v6, v60;
	v6 =	vld [tilespmem:s6+$0x11780]  }
0x66c: {  	v1 =	vadd.f32 v2, v1;
	v2 =	vmul.f32 v7, v45;
	v7 =	vld [tilespmem:s6+$0x17780]  }
0x66d: {  	v0 =	vadd.f32 v3, v0;
	v3 =	vmul.f32 v8, v61  }
0x66e: {  	v1 =	vadd.f32 v2, v1;
	v2 =	vmul.f32 v4, v46  }
0x66f: {  	v0 =	vadd.f32 v3, v0;
	v3 =	vmul.f32 v5, v62  }
0x670: {  	v1 =	vadd.f32 v2, v1;
	v6 =	vmul.f32 v6, v47  }
0x671: {  	v0 =	vadd.f32 v3, v0;
	v7 =	vmul.f32 v7, v63  }
0x672: {  	v1 =	vadd.f32 v6, v1  }
0x673: {  	s3 =	sadd.s32 s3, s12;
	s14 =	sadd.s32 $0x10, s18;
	v0 =	vadd.f32 v7, v0  }
0x674: {  	s17 =	sadd.s32 $0x10, s20;
	s3 =	sshrl.u32 s3, $0x3;
	[tilespmem:s14+$0x0] =	vst v1  }
0x675: {  	s18 =	sadd.s32 s8, s3;
	[tilespmem:s17+$0x0] =	vst v0  }
0x676: {  	[hbm4b:s18+s5] =	stream.linear.scatter [tilespmem:s29], [sflag:$0x3], $0x180, $0x38;
	[tilespmem:$0x18400] =	vst v63  }
0x677: {  	_ =	swait.ge [sflag:s19], $0x180  }
0x678: {  	[sflag:s19] =	ssyncset.done $0x0  }
0x679: {  	s20 =	smin.u32 s4, $0x18;
	s3 =	sadd.s32 s9, s3;
	[sflag:s19] =	ssyncadd.s32 $0xFFFFFE80  }
0x67a: {  	[hbm4b:s3+s5] =	stream.linear.scatter [tilespmem:s30], [sflag:$0x3], $0x180, $0x38;
	[tilespmem:$0x18400] =	vst v63  }
0x67b: {  	s0 =	sadd.s32 $0x1, s0;
	s3 =	smul.u32 $0x180, s20  }
0x67c: {  	p0 =	sne.s32 s0, $0xE;
	_ =	swait.ge [sflag:s19], $0x180  }
.Ltmp2:
0x67d: {  	[sflag:s19] =	ssyncset.done $0x0;
	s3 =	sadd.s32 s3, s16;
	(pc) =	sbr.rel @p0 .LBB2_2-.Ltmp2, $4  }
0x67e: {  	[sflag:s19] =	ssyncadd.s32 $0xFFFFFE80;
	s31 =	sadd.s32 s1, s3  }
0x67f: {  	[tilespmem:s24], [sflag:$0x2] =	stream.strided.gather [hbm4b:s31+s21], $0x6000, s22, s21, $0x38;
	[tilespmem:$0x18400] =	vst v63  }
0x680: {  	s3 =	sadd.s32 s2, s3  }
0x681: {  	[tilespmem:s25], [sflag:$0x2] =	stream.strided.gather [hbm4b:s3+s21], $0x6000, s22, s21, $0x38;
	[tilespmem:$0x18400] =	vst v63  }
0x682: {  	_ =	swait.ge [sflag:s26], $0x6000  }
0x683: {  	[sflag:s26] =	ssyncset.done $0x0  }
0x684: {  	[sflag:s26] =	ssyncadd.s32 $0xFFFFA000  }
0x685: {  	_ =	swait.ge [sflag:s26], $0x6000  }
0x686: {  	[sflag:s26] =	ssyncset.done $0x0  }
0x687: {  	[sflag:s26] =	ssyncadd.s32 $0xFFFFA000  }
0x688: {  	_ =	swait.ge [sflag:s28], $0x6000  }
0x689: {  	[sflag:s28] =	ssyncset.done $0x0  }
0x68a: {  	[sflag:s28] =	ssyncadd.s32 $0xFFFFA000  }
0x68b: {  	_ =	swait.ge [sflag:s28], $0x6000  }
0x68c: {  	s3 =	rddreg [dreg:$0xb]  }
0x68d: {  	s0 =	rddreg [dreg:$0xa];
	s3 =	sadd.s32 $0x1, s3  }
0x68e: {  	p0 =	sne.s32 s3, s0  }
.Ltmp3:
0x68f: {  	_ = 	snop;
	(pc) =	sbr.rel @p0 .LBB2_1-.Ltmp3, $3  }
0x690: {  	_ =	sdelay $0x1  }
0x691: {  	[sflag:s28] =	ssyncset.done $0x0  }
0x692: {  	[sflag:s28] =	ssyncadd.s32 $0xFFFFA000  }
0x693: {  	_ =	sfence.sel $0x180000  }
0x694: {  	[bflag:$0x0] =	sbarrier.arrive $0xFFFF  }
0x695: {  	_ =	strace $0x90000047  }
0x696: {  	s0 =	stileid.u32;
	[bflag:$0x2] =	sbarrier.arrive $0xFFFF  }
0x697: {  	p0 =	sne.s32 s0, $0x0;
	s0 =	rddreg [dreg:$0x4]  }
0x698: {  	s0 =	sadd.s32 @!p0 $0x100000, s0  }
0x699: {  	[sflag:s0] =	ssyncadd.tile.s32 @!p0 $0x1;
	_ =	shalt  }
.Lfunc_end2:
_tile_overlayer_lowered:
.L_overlay_start_2:
0x69a: {  	(tag) =	ssettag $0x2  }
0x69b: {  	s0 =	rddreg [dreg:$0x0];
	s2 =	stileid.u32  }
0x69c: {  	s1 =	rddreg [dreg:$0x1];
	p0 =	sne.s32 s2, $0x0  }
0x69d: {  	s3 =	rddreg [dreg:$0x2];
	[bflag:$0x3] =	sbarrier.arrive $0xFFFF;
	s2 =	simm.s32 @!p0 $0x1C03  }
0x69e: {  	[timem:s3], [sflag:s2] =	dma.local @!p0 [hbm:s0], s1  }
0x69f: {  	s0 =	simm.s32 @!p0 $0x3  }
0x6a0: {  	_ =	swait.ge @!p0 [sflag:s0], s1  }
0x6a1: {  	s1 =	ssub.s32 @!p0 $0x0, s1;
	[sflag:s0] =	ssyncset.done @!p0 $0x0  }
0x6a2: {  	[sflag:s0] =	ssyncadd.s32 @!p0 s1  }
0x6a3: {  	[bflag:$0x3] =	sbarrier.arrive $0xFFFF  }
0x6a4: {  	_ =	shalt  }

// kernel: kernel.8.cloned.1.call-start
scs
__scs_entry_jumppad:
0x0: {  	(pc) =	sbr.rel $0x88, $3  }
0x1: {  	(tag) =	ssettag $0x0;
	lr =	simm.s32 $0x1  }
0x2: {  	[smem:$0x3F9B] =	sst lr;
	_ =	strace $0xD0000000  }
0x3: {  	_ = 	snop  }
0x4: {  	_ = 	snop  }
0x5: {  	_ = 	snop  }
0x6: {  	_ = 	snop  }
0x7: {  	_ = 	snop  }
__scs_overlays_trampoline_lowered:
0x8: {  	[smem:$0x3FAA] =	sst s0  }
0x9: {  	[smem:$0x3FAB] =	sst s1  }
0xa: {  	[smem:$0x3FAC] =	sst s2  }
0xb: {  	[smem:$0x3FAD] =	sst s3  }
0xc: {  	[smem:$0x3FAE] =	sst s4  }
0xd: {  	[smem:$0x3FAF] =	sst s5  }
0xe: {  	[smem:$0x3FB0] =	sst s6  }
0xf: {  	[smem:$0x3FB1] =	sst s7  }
0x10: {  	[smem:$0x3FB2] =	sst s8  }
0x11: {  	[smem:$0x3FB3] =	sst s9;
	s0 =	simm.s32 @!p0 $0x0  }
0x12: {  	s1 =	sld [smem:$0x3F99];
	s0 =	simm.s32 @p0 $0x1  }
0x13: {  	[smem:$0x3FB4] =	sst s0;
	s0 =	simm.s32 @!p1 $0x0  }
0x14: {  	s2 =	sld [smem:$0x3F98];
	s0 =	simm.s32 @p1 $0x1  }
0x15: {  	[smem:$0x3FB5] =	sst s0;
	s0 =	simm.s32 @!p2 $0x0  }
0x16: {  	s3 =	sld [smem:$0x3FDB];
	s0 =	simm.s32 @p2 $0x1  }
0x17: {  	s4 =	simm.s32 $0x1BF5;
	[smem:$0x3FB7] =	sst s0  }
0x18: {  	s0 =	sld [smem:$0x3F9A];
	_ =	swait.ge [sflag:s4], $0x0  }
0x19: {  	s7 =	sld [smem:$0x3F9B]  }
0x1a: {  	s8 =	sadd.s32 $0xFFFFE003, lr  }
0x1b: {  	s9 =	sadd.s32 $0xFFFFFEF7, lr;
	s5 =	simm.s32 $0xFFFFFFFF;
	p2 =	slt.u32 s8, $0xFFFFF086  }
0x1c: {  	p1 =	slt.u32 s9, $0xF7A;
	s5 =	simm.s32 @!p2 $0x0  }
0x1d: {  	s5 =	simm.s32 @p1 $0x1;
	p0 =	seq.s32 s7, s2  }
0x1e: {  	s7 =	smul.u32 @!p0 $0xF7A, s2;
	p2 =	seq.s32 @!p0 s5, $0x0  }
0x1f: {  	s9 =	smul.u32 $0xF7A, s1;
	s8 =	simm.s32 @!p0 $0x1BF5;
	p2 =	por !p2, p0  }
0x20: {  	[sflag:s8] =	ssyncset.s32 @!p0 $0xFFFFF086;
	s6 =	sadd.s32 @!p0 s3, s7;
	s7 =	simm.s32 @!p0 $0x108  }
0x21: {  	s3 =	sadd.s32 s3, s9;
	s6 =	sadd.s32 @!p0 $0x88, s6;
	s7 =	simm.s32 @p2 $0x1082  }
0x22: {  	[simem:s7], [sflag:s8] =	dma.local @!p0 [hbm:s6], $0xF7A  }
0x23: {  	s9 =	sor.u32 $0xD0000000, s2;
	s6 =	simm.s32 $0x108;
	_ =	swait.ge @!p0 [sflag:s8], $0x0  }
0x24: {  	s3 =	sadd.s32 $0x88, s3;
	s6 =	simm.s32 @!p1 $0x1082;
	[sflag:s4] =	ssyncset.s32 $0xFFFFF086  }
0x25: {  	[simem:s6], [sflag:s4] =	dma.local [hbm:s3], $0xF7A  }
0x26: {  	[smem:$0x3F9B] =	sst s1;
	(tag) =	ssettag s2;
	_ =	strace s9  }
0x27: {  	s1 =	sld [smem:$0x3FAB]  }
0x28: {  	s2 =	sld [smem:$0x3FAC]  }
0x29: {  	s4 =	sld [smem:$0x3FAE]  }
0x2a: {  	p0 =	seq.s32 s5, $0x0;
	s5 =	sld [smem:$0x3FAF]  }
0x2b: {  	s6 =	sld [smem:$0x3FB0]  }
0x2c: {  	s7 =	sld [smem:$0x3FB1]  }
0x2d: {  	s3 =	simm.s32 $0x108;
	s8 =	sld [smem:$0x3FB2]  }
0x2e: {  	s3 =	simm.s32 @!p0 $0x1082;
	s9 =	sld [smem:$0x3FB3]  }
0x2f: {  	lr =	sadd.s32 s0, s3;
	s0 =	sld [smem:$0x3FAA]  }
0x30: {  	s3 =	sld [smem:$0x3FAD]  }
0x31: {  	[smem:$0x3FB6] =	sst s10  }
0x32: {  	s10 =	sld [smem:$0x3FB4];
	_ =	sdelay $0x3  }
0x33: {  	p0 =	seq.s32 s10, $0x1;
	s10 =	sld [smem:$0x3FB6];
	_ =	sdelay $0x3  }
0x34: {  	[smem:$0x3FB6] =	sst s10  }
0x35: {  	s10 =	sld [smem:$0x3FB5];
	_ =	sdelay $0x3  }
0x36: {  	p1 =	seq.s32 s10, $0x1;
	s10 =	sld [smem:$0x3FB6];
	_ =	sdelay $0x3  }
0x37: {  	[smem:$0x3FB6] =	sst s10  }
0x38: {  	s10 =	sld [smem:$0x3FB7]  }
0x39: {  	_ = 	snop;
	(pc) =	sbr.ind lr, $3  }
0x3a: {  	_ = 	snop  }
0x3b: {  	_ = 	snop  }
0x3c: {  	p2 =	seq.s32 s10, $0x1;
	s10 =	sld [smem:$0x3FB6]  }
0x3d: {  	_ =	shalt  }
0x3e: {  	_ =	shalt  }
0x3f: {  	_ =	shalt  }
0x40: {  	_ =	shalt  }
0x41: {  	_ =	shalt  }
0x42: {  	_ =	shalt  }
0x43: {  	_ =	shalt  }
0x44: {  	_ =	shalt  }
0x45: {  	_ =	shalt  }
0x46: {  	_ =	shalt  }
0x47: {  	_ =	shalt  }
0x48: {  	_ =	shalt  }
0x49: {  	_ =	shalt  }
0x4a: {  	_ =	shalt  }
0x4b: {  	_ =	shalt  }
0x4c: {  	_ =	shalt  }
0x4d: {  	_ =	shalt  }
0x4e: {  	_ =	shalt  }
0x4f: {  	_ =	shalt  }
0x50: {  	_ =	shalt  }
0x51: {  	_ =	shalt  }
0x52: {  	_ =	shalt  }
0x53: {  	_ =	shalt  }
0x54: {  	_ =	shalt  }
0x55: {  	_ =	shalt  }
0x56: {  	_ =	shalt  }
0x57: {  	_ =	shalt  }
0x58: {  	_ =	shalt  }
0x59: {  	_ =	shalt  }
0x5a: {  	_ =	shalt  }
0x5b: {  	_ =	shalt  }
0x5c: {  	_ =	shalt  }
0x5d: {  	_ =	shalt  }
0x5e: {  	_ =	shalt  }
0x5f: {  	_ =	shalt  }
0x60: {  	_ =	shalt  }
0x61: {  	_ =	shalt  }
0x62: {  	_ =	shalt  }
0x63: {  	_ =	shalt  }
0x64: {  	_ =	shalt  }
0x65: {  	_ =	shalt  }
0x66: {  	_ =	shalt  }
0x67: {  	_ =	shalt  }
0x68: {  	_ =	shalt  }
0x69: {  	_ =	shalt  }
0x6a: {  	_ =	shalt  }
0x6b: {  	_ =	shalt  }
0x6c: {  	_ =	shalt  }
0x6d: {  	_ =	shalt  }
0x6e: {  	_ =	shalt  }
0x6f: {  	_ =	shalt  }
0x70: {  	_ =	shalt  }
0x71: {  	_ =	shalt  }
0x72: {  	_ =	shalt  }
0x73: {  	_ =	shalt  }
0x74: {  	_ =	shalt  }
0x75: {  	_ =	shalt  }
0x76: {  	_ =	shalt  }
0x77: {  	_ =	shalt  }
0x78: {  	_ =	shalt  }
0x79: {  	_ =	shalt  }
0x7a: {  	_ =	shalt  }
0x7b: {  	_ =	shalt  }
0x7c: {  	_ =	shalt  }
0x7d: {  	_ =	shalt  }
0x7e: {  	_ =	shalt  }
0x7f: {  	_ =	shalt  }
0x80: {  	_ =	shalt  }
0x81: {  	_ =	shalt  }
0x82: {  	_ =	shalt  }
0x83: {  	_ =	shalt  }
0x84: {  	_ =	shalt  }
0x85: {  	_ =	shalt  }
0x86: {  	_ =	shalt  }
0x87: {  	_ =	shalt  }
.Lfunc_end0:
.L_simem_size_0:
called_computation.1_lowered:
.L_overlay_start_0:
0x88: {  	s2 =	sld [smem:$0x3FD9]  }
0x89: {  	s3 =	sld [smem:$0x3FFE];
	_ =	sdelay $0x1  }
0x8a: {  	s1 =	srdreg.scid  }
0x8b: {  	s0 =	sand.u32 $0x1, s1  }
0x8c: {  	s17 =	sshll.u32 s0, $0xA;
	s2 =	sadd.s32 s3, s2  }
0x8d: {  	s2 =	sadd.s32 s2, s17  }
0x8e: {  	[smem:$0x3FC2] =	sst s2  }
0x8f: {  	_ = 	snop  }
0x90: {  	s2 =	sld [smem:$0x3FC9]  }
0x91: {  	s18 =	sld [smem:$0x3FC8]  }
0x92: {  	s4 =	sld [smem:$0x3FD0];
	(tm) =	ssettm $0x1  }
0x93: {  	s5 =	sld [smem:$0x3FFB];
	_ =	sdelay $0x3  }
0x94: {  	_ =	strace s5  }
0x95: {  	s5 =	sld [smem:$0x3FFC];
	_ =	sdelay $0x3  }
0x96: {  	_ =	strace s5  }
0x97: {  	s5 =	sld [smem:$0x3FFD];
	_ =	sdelay $0x3  }
0x98: {  	_ =	strace s5  }
0x99: {  	_ =	strace $0x8FFFFFFF  }
0x9a: {  	s19 =	sld [smem:$0x3FDB];
	_ =	sdelay $0x1  }
0x9b: {  	s6 =	simm.s32 $_scs_section_size  }
0x9c: {  	s7 =	simm.s32 $_size__tile_overlayer_lowered;
	s8 =	simm.s32 $_tile_overlayer_lowered  }
0x9d: {  	s22 =	simm.s32 $0x1BFF;
	s21 =	sshll.u32 s8, $0x1;
	s5 =	sadd.s32 s6, s19  }
0x9e: {  	s9 =	simm.s32 $0x0;
	s20 =	sshll.u32 s7, $0x1;
	s7 =	sadd.s32 s21, s5  }
0x9f: {  	[timem:s9], [sflag:s22] =	dma.local [hbm:s7], s20  }
0xa0: {  	_ =	swait.ge [sflag:s22], s20  }
0xa1: {  	s6 =	ssub.s32 $0x0, s20;
	[sflag:s22] =	ssyncset.done $0x0  }
0xa2: {  	[sflag:s22] =	ssyncadd.s32 s6;
	_ =	sdelay $0x1  }
0xa3: {  	s23 =	simm.s32 $0x1B8B  }
0xa4: {  	_ =	swait.ge [sflag:s23], $0x1  }
0xa5: {  	[sflag:s23] =	ssyncset.done $0x0  }
0xa6: {  	s25 =	simm.s32 $0x1B8E;
	s24 =	sld [smem:$0x3FFE];
	[sflag:s23] =	ssyncadd.s32 $0xFFFFFFFF  }
0xa7: {  	s26 =	simm.s32 $execute0_lowered;
	[smem:$0x3FD2] =	sst s25  }
0xa8: {  	s7 =	sshll.u32 s26, $0x1;
	_ =	strace $0x80000049;
	[dreg:$0x1] =	wrdreg $0xFFFFFFFF  }
0xa9: {  	s28 =	simm.s32 $_size_execute0_lowered;
	s5 =	sadd.s32 s5, s7;
	[dreg:$0x0] =	wrdreg $0x0  }
0xaa: {  	s7 =	sshll.u32 s28, $0x1;
	[dreg:$0x2] =	wrdreg s5  }
0xab: {  	[dreg:$0x3] =	wrdreg s7  }
0xac: {  	[dreg:$0x4] =	wrdreg $0xC0  }
0xad: {  	_ =	task [dreg:s9], $0x5FFFF  }
0xae: {  	[dreg:$0x1] =	wrdreg $0xFFFFFFFF  }
0xaf: {  	[dreg:$0x0] =	wrdreg $0x60  }
0xb0: {  	[dreg:$0x2] =	wrdreg s2  }
0xb1: {  	[dreg:$0x3] =	wrdreg s18  }
0xb2: {  	[dreg:$0x4] =	wrdreg s24  }
0xb3: {  	[dreg:$0x5] =	wrdreg s4  }
0xb4: {  	[dreg:$0x6] =	wrdreg $0x9  }
0xb5: {  	_ =	task.clear_ibuf [dreg:s9], $0x7FFFF;
	_ =	strace $0x90000049  }
0xb6: {  	s29 =	simm.s32 $0x9;
	_ =	strace $0x8000004B  }
0xb7: {  	_ =	swait.ge [sflag:s29], $0x1  }
0xb8: {  	[sflag:s29] =	ssyncadd.s32 $0xFFFFFFFF  }
0xb9: {  	_ =	strace $0x9000004B  }
0xba: {  	_ =	sfence  }
0xbb: {  	s30 =	sld [smem:$0x0];
	_ =	sdelay $0x2  }
0xbc: {  	s31 =	sshll.u32 s1, $0xD;
	s1 =	sshrl.u32 s1, $0x2  }
0xbd: {  	s3 =	sand.u32 $0x4000, s31;
	s1 =	sadd.s32 s1, s30  }
0xbe: {  	s0 =	sor.u32 s3, s0;
	s1 =	sshll.u32 s1, $0x11  }
0xbf: {  	s0 =	sor.u32 s1, s0  }
0xc0: {  	s0 =	sadd.s32 $0x8F2B, s0  }
0xc1: {  	[sflag:s0] =	ssyncadd.remote.s32 $0x1  }
0xc2: {  	_ =	sfence.sel $0xFFFF  }
0xc3: {  	[dreg:$0x0] =	wrdreg $0xFFFFFFFF;
	(pc) =	sbr.abs _section_cstart, $3  }
0xc4: {  	[dreg:$0x1] =	wrdreg $0xFFFFFFFF  }
0xc5: {  	_ =	task.clear_ibuf [dreg:s9], $0x2FFFF;
	_ =	strace $0x9FFFFFFF  }
0xc6: {  	(tm) =	ssettm $0x7FFFFFFF  }
0xc7: {  	_ =	shalt  }
tec
execute0_lowered:
.L_overlay_start_1:
0x0: {  	(tag) =	ssettag $0x1  }
0x1: {  	s0 =	rddreg [dreg:$0x0]  }
0x2: {  	s2 =	rddreg [dreg:$0x1]  }
0x3: {  	s5 =	rddreg [dreg:$0x2]  }
0x4: {  	s8 =	rddreg [dreg:$0x3];
	s1 =	simm.s32 $0x0  }
0x5: {  	s4 =	srdreg.scid;
	s10 =	stileid.u32;
	s11 =	simm.s32 $0x200  }
0x6: {  	s13 =	simm.s32 $0x80;
	s18 =	simm.s32 $0x680;
	s19 =	simm.s32 $0x100  }
0x7: {  	s20 =	simm.s32 $0x500;
	s21 =	simm.s32 $0x300;
	s22 =	simm.s32 $0x700  }
0x8: {  	s23 =	simm.s32 $0x180;
	s24 =	simm.s32 $0x580;
	s25 =	simm.s32 $0x380  }
0x9: {  	s26 =	simm.s32 $0x780;
	s28 =	simm.s32 $0x1;
	s29 =	simm.s32 $0x800  }
0xa: {  	s30 =	simm.s32 $0x0;
	[smem:$0x7FF] =	sst s1;
	s3 =	sadd.s32 $0x1C00, s5  }
0xb: {  	s6 =	sand.u32 $0x1, s4;
	s4 =	sadd.s32 $0x20600, s5;
	s10 =	sshll.u32 s10, $0x7  }
0xc: {  	s5 =	sadd.s32 $0x3F000, s5;
	s7 =	ssub.s32 $0x2, s6;
	s6 =	sshll.u32 s6, $0x6  }
0xd: {  	_ =	strace $0x8000004A;
	s9 =	sshrl.u32 s7, $0x1;
	s10 =	sor.u32 s6, s10  }
0xe: {  	s9 =	ssub.s32 s7, s9;
	s6 =	sadd.s32 s0, s10;
	s7 =	sadd.s32 s2, s10  }
0xf: {  	s8 =	sadd.s32 s8, s10;
	s10 =	simm.s32 $0x2;
	s9 =	smax.u32 s9, $0x1  }
.LBB2_1:
0x10: {  	[tilespmem:s1], [sflag:$0x2] =	stream.linear.gather [hbm4b:s6+s1], $0x200, $0x38;
	[tilespmem:$0xA10] =	vst v63  }
0x11: {  	_ =	swait.ge [sflag:s10], $0x200  }
0x12: {  	[sflag:s10] =	ssyncset.done $0x0  }
0x13: {  	[sflag:s10] =	ssyncadd.s32 $0xFFFFFE00  }
0x14: {  	[tilespmem:s11], [sflag:$0x2] =	stream.linear.gather [hbm4b:s7+s1], $0x200, $0x38;
	[tilespmem:$0xA10] =	vst v63  }
0x15: {  	_ =	swait.ge [sflag:s10], $0x200  }
0x16: {  	[sflag:s10] =	ssyncset.done $0x0  }
0x17: {  	s0 =	simm.s32 $0xA00;
	[sflag:s10] =	ssyncadd.s32 $0xFFFFFE00  }
0x18: {  	[tilespmem:s0], [sflag:$0x2] =	stream.linear.gather [hbm4b:s5+s1], $0x10, $0x38;
	[tilespmem:$0xA10] =	vst v63  }
0x19: {  	_ =	swait.ge [sflag:s10], $0x10  }
0x1a: {  	[sflag:s10] =	ssyncset.done $0x0  }
0x1b: {  	s14 =	simm.s32 $0x400;
	[sflag:s10] =	ssyncadd.s32 $0xFFFFFFF0  }
0x1c: {  	[tilespmem:s14], [sflag:$0x1] =	stream.indirect.gather [hbm4b:s3+s13], $0x1, s1, s13, $0xb8;
	[tilespmem:$0xA10] =	vst v63  }
0x1d: {  	s15 =	simm.s32 $0x600  }
0x1e: {  	[tilespmem:s15], [sflag:$0x1] =	stream.indirect.gather [hbm4b:s4+s13], $0x1, s11, s13, $0xb8;
	[tilespmem:$0xA10] =	vst v63  }
0x1f: {  	s16 =	simm.s32 $0x480  }
0x20: {  	[tilespmem:s16], [sflag:$0x1] =	stream.indirect.gather [hbm4b:s3+s13], $0x1, s13, s13, $0xb8;
	[tilespmem:$0xA10] =	vst v63  }
0x21: {  	s17 =	simm.s32 $0x280  }
0x22: {  	[tilespmem:s18], [sflag:$0x1] =	stream.indirect.gather [hbm4b:s4+s13], $0x1, s17, s13, $0xb8;
	[tilespmem:$0xA10] =	vst v63  }
0x23: {  	_ = 	snop  }
0x24: {  	[tilespmem:s20], [sflag:$0x1] =	stream.indirect.gather [hbm4b:s3+s13], $0x1, s19, s13, $0xb8;
	[tilespmem:$0xA10] =	vst v63  }
0x25: {  	_ = 	snop  }
0x26: {  	[tilespmem:s22], [sflag:$0x1] =	stream.indirect.gather [hbm4b:s4+s13], $0x1, s21, s13, $0xb8;
	[tilespmem:$0xA10] =	vst v63  }
0x27: {  	_ = 	snop  }
0x28: {  	[tilespmem:s24], [sflag:$0x1] =	stream.indirect.gather [hbm4b:s3+s13], $0x1, s23, s13, $0xb8;
	[tilespmem:$0xA10] =	vst v63  }
0x29: {  	_ = 	snop  }
0x2a: {  	[tilespmem:s26], [sflag:$0x1] =	stream.indirect.gather [hbm4b:s4+s13], $0x1, s25, s13, $0xb8;
	[tilespmem:$0xA10] =	vst v63  }
0x2b: {  	_ =	swait.ge [sflag:s28], $0x80  }
0x2c: {  	[sflag:s28] =	ssyncset.done $0x0  }
0x2d: {  	[sflag:s28] =	ssyncadd.s32 $0xFFFFFF80  }
0x2e: {  	_ =	swait.ge [sflag:s28], $0x80  }
0x2f: {  	[sflag:s28] =	ssyncset.done $0x0  }
0x30: {  	[sflag:s28] =	ssyncadd.s32 $0xFFFFFF80  }
0x31: {  	_ =	swait.ge [sflag:s28], $0x80  }
0x32: {  	[sflag:s28] =	ssyncset.done $0x0  }
0x33: {  	[sflag:s28] =	ssyncadd.s32 $0xFFFFFF80  }
0x34: {  	_ =	swait.ge [sflag:s28], $0x80  }
0x35: {  	[sflag:s28] =	ssyncset.done $0x0  }
0x36: {  	[sflag:s28] =	ssyncadd.s32 $0xFFFFFF80  }
0x37: {  	_ =	swait.ge [sflag:s28], $0x80  }
0x38: {  	[sflag:s28] =	ssyncset.done $0x0  }
0x39: {  	[sflag:s28] =	ssyncadd.s32 $0xFFFFFF80  }
0x3a: {  	_ =	swait.ge [sflag:s28], $0x80  }
0x3b: {  	[sflag:s28] =	ssyncset.done $0x0  }
0x3c: {  	[sflag:s28] =	ssyncadd.s32 $0xFFFFFF80  }
0x3d: {  	_ =	swait.ge [sflag:s28], $0x80  }
0x3e: {  	[sflag:s28] =	ssyncset.done $0x0  }
0x3f: {  	[sflag:s28] =	ssyncadd.s32 $0xFFFFFF80  }
0x40: {  	_ =	swait.ge [sflag:s28], $0x80  }
0x41: {  	[sflag:s28] =	ssyncset.done $0x0  }
0x42: {  	s31 =	simm.s32 $0x0;
	[sflag:s28] =	ssyncadd.s32 $0xFFFFFF80  }
0x43: {  	v1 =	vld [tilespmem:s31+$0x400]  }
0x44: {  	v2 =	vld [tilespmem:s31+$0x600]  }
0x45: {  	s0 =	simm.s32 $0x10;
	v0 =	vld [tilespmem:$0xA00]  }
0x46: {  	v3 =	vld [tilespmem:s0+$0x400]  }
0x47: {  	v4 =	vld [tilespmem:s0+$0x600];
	_ =	sdelay $0x1  }
0x48: {  	v1 =	vadd.f32 v2, v1;
	_ =	sdelay $0x1  }
0x49: {  	v1 =	vadd.f32 v1, v0  }
0x4a: {  	v2 =	vadd.f32 v4, v3  }
0x4b: {  	s2 =	simm.s32 $0x20;
	v1 =	vsub.f32 $0.0e+00, v1  }
0x4c: {  	v3 =	vld [tilespmem:s2+$0x400];
	v2 =	vadd.f32 v2, v0  }
0x4d: {  	v4 =	vld [tilespmem:s2+$0x600];
	v1 =	vmul.f32 $1.442695020e+00, v1  }
0x4e: {  	v2 =	vsub.f32 $0.0e+00, v2  }
0x4f: {  	s12 =	simm.s32 $0x30;
	(erf) = vpow2.f32 v1  }
0x50: {  	v5 =	vld [tilespmem:s12+$0x400];
	v1 =	vmul.f32 $1.442695020e+00, v2  }
0x51: {  	v2 =	vld [tilespmem:s12+$0x600]  }
0x52: {  	(erf) = vpow2.f32 v1;
	v1 =	vadd.f32 v4, v3;
	_ =	sdelay $0x1  }
0x53: {  	v1 =	vadd.f32 v1, v0;
	_ =	sdelay $0x1  }
0x54: {  	s14 =	simm.s32 $0x40;
	v2 =	vadd.f32 v2, v5;
	v1 =	vsub.f32 $0.0e+00, v1  }
0x55: {  	v3 =	vld [tilespmem:s14+$0x400]  }
0x56: {  	v4 =	vld [tilespmem:s14+$0x600];
	v2 =	vadd.f32 v2, v0;
	v1 =	vmul.f32 $1.442695020e+00, v1;
	v5 =	vpop (erf)  }
0x57: {  	v5 =	vadd.f32 $1.000000000e+00, v5  }
0x58: {  	v2 =	vsub.f32 $0.0e+00, v2;
	(erf) = vpow2.f32 v1  }
0x59: {  	(erf) = vrcp.f32 v5  }
0x5a: {  	v2 =	vmul.f32 $1.442695020e+00, v2;
	v1 =	vpop (erf)  }
0x5b: {  	s15 =	simm.s32 $0x50;
	v3 =	vadd.f32 v4, v3;
	v4 =	vadd.f32 $1.000000000e+00, v1  }
0x5c: {  	v1 =	vld [tilespmem:s15+$0x400];
	(erf) = vpow2.f32 v2  }
0x5d: {  	v2 =	vld [tilespmem:s15+$0x600];
	(erf) = vrcp.f32 v4  }
0x5e: {  	v3 =	vadd.f32 v3, v0;
	_ =	sdelay $0x1  }
0x5f: {  	s16 =	simm.s32 $0x180;
	v3 =	vsub.f32 $0.0e+00, v3  }
.LBB2_2:
0x60: {  	s17 =	sshra.s32 s16, $0x2;
	v4 =	vpop (erf);
	p0 =	sne.s32 s16, $0x7C0  }
.Ltmp0:
0x61: {  	v5 =	vadd.f32 v2, v1;
	v1 =	vld [tilespmem:s17+$0x400];
	v3 =	vmul.f32 $1.442695020e+00, v3;
	v6 =	vpop (erf);
	(pc) =	sbr.rel @p0 .LBB2_2-.Ltmp0, $4  }
0x62: {  	s16 =	sadd.s32 $0x40, s16;
	v4 =	vadd.f32 $1.000000000e+00, v4;
	v2 =	vld [tilespmem:s17+$0x600];
	[tilespmem:s31+$0x800] =	vst v6;
	s31 =	smov.u32 s0  }
0x63: {  	s0 =	smov.u32 s2;
	s2 =	smov.u32 s12;
	s12 =	smov.u32 s14;
	v5 =	vadd.f32 v5, v0;
	(erf) = vpow2.f32 v3  }
0x64: {  	s14 =	smov.u32 s15;
	s15 =	smov.u32 s17;
	(erf) = vrcp.f32 v4  }
0x65: {  	v3 =	vsub.f32 $0.0e+00, v5  }
0x66: {  	_ = 	snop  }
0x67: {  	v1 =	vadd.f32 v2, v1;
	_ =	sdelay $0x1  }
0x68: {  	v0 =	vadd.f32 v1, v0;
	_ =	sdelay $0x1  }
0x69: {  	v54 =	vpop (erf);
	v55 =	vmul.f32 $1.442695020e+00, v3;
	v0 =	vsub.f32 $0.0e+00, v0  }
0x6a: {  	v1 =	vadd.f32 $1.000000000e+00, v54  }
0x6b: {  	(erf) = vpow2.f32 v55;
	v0 =	vmul.f32 $1.442695020e+00, v0  }
0x6c: {  	(erf) = vrcp.f32 v1  }
0x6d: {  	(erf) = vpow2.f32 v0;
	_ =	sdelay $0x3  }
0x6e: {  	v56 =	vpop (erf)  }
0x6f: {  	v57 =	vpop (erf)  }
0x70: {  	v58 =	vpop (erf)  }
0x71: {  	v59 =	vpop (erf)  }
0x72: {  	v1 =	vadd.f32 $1.000000000e+00, v57;
	v4 =	vpop (erf)  }
0x73: {  	v3 =	vadd.f32 $1.000000000e+00, v59;
	v5 =	vpop (erf)  }
0x74: {  	(erf) = vrcp.f32 v1;
	v60 =	vadd.f32 $1.000000000e+00, v5  }
0x75: {  	(erf) = vrcp.f32 v3  }
0x76: {  	(erf) = vrcp.f32 v60;
	_ =	sdelay $0x4  }
0x77: {  	[tilespmem:s31+$0x800] =	vst v56  }
0x78: {  	[tilespmem:s0+$0x800] =	vst v58  }
0x79: {  	[tilespmem:s2+$0x800] =	vst v4;
	v61 =	vpop (erf)  }
0x7a: {  	s30 =	sadd.s32 $0x1, s30;
	[tilespmem:s12+$0x800] =	vst v61;
	v62 =	vpop (erf)  }
0x7b: {  	p0 =	sne.s32 s30, s9;
	[tilespmem:s14+$0x800] =	vst v62;
	v63 =	vpop (erf)  }
.Ltmp1:
0x7c: {  	[tilespmem:s15+$0x800] =	vst v63;
	(pc) =	sbr.rel @p0 .LBB2_1-.Ltmp1, $4  }
0x7d: {  	[hbm4b:s8+s1] =	stream.linear.scatter [tilespmem:s29], [sflag:$0x2], $0x200, $0x38;
	[tilespmem:$0xA10] =	vst v63  }
0x7e: {  	_ =	swait.ge [sflag:s10], $0x200  }
0x7f: {  	[sflag:s10] =	ssyncset.done $0x0  }
0x80: {  	[sflag:s10] =	ssyncadd.s32 $0xFFFFFE00  }
0x81: {  	_ =	sfence.sel $0x180000  }
0x82: {  	[bflag:$0x0] =	sbarrier.arrive $0xFFFF  }
0x83: {  	_ =	strace $0x9000004A  }
0x84: {  	s0 =	stileid.u32;
	[bflag:$0x2] =	sbarrier.arrive $0xFFFF  }
0x85: {  	p0 =	sne.s32 s0, $0x0;
	s0 =	rddreg [dreg:$0x4]  }
0x86: {  	s0 =	sadd.s32 @!p0 $0x100000, s0  }
0x87: {  	[sflag:s0] =	ssyncadd.tile.s32 @!p0 $0x1;
	_ =	shalt  }
.Lfunc_end2:
_tile_overlayer_lowered:
.L_overlay_start_2:
0x88: {  	(tag) =	ssettag $0x2  }
0x89: {  	s0 =	rddreg [dreg:$0x0];
	s2 =	stileid.u32  }
0x8a: {  	s1 =	rddreg [dreg:$0x1];
	p0 =	sne.s32 s2, $0x0  }
0x8b: {  	s3 =	rddreg [dreg:$0x2];
	[bflag:$0x3] =	sbarrier.arrive $0xFFFF;
	s2 =	simm.s32 @!p0 $0x1C02  }
0x8c: {  	[timem:s3], [sflag:s2] =	dma.local @!p0 [hbm:s0], s1  }
0x8d: {  	s0 =	simm.s32 @!p0 $0x2  }
0x8e: {  	_ =	swait.ge @!p0 [sflag:s0], s1  }
0x8f: {  	s1 =	ssub.s32 @!p0 $0x0, s1;
	[sflag:s0] =	ssyncset.done @!p0 $0x0  }
0x90: {  	[sflag:s0] =	ssyncadd.s32 @!p0 s1  }
0x91: {  	[bflag:$0x3] =	sbarrier.arrive $0xFFFF  }
0x92: {  	_ =	shalt  }

</sc_bundles>
